<compile_context>
chip_gen: v7x
topology: tpu7x:2x2x1
jax: 0.10.2.dev20260603
libtpu: 0.0.44.dev20260713+nightly
codegen_flags: <defaults>
</compile_context>

<pallas_src>
import functools

import jax
import jax.numpy as jnp
from jax import lax
from jax.experimental import pallas as pl
from jax.experimental.pallas import tpu as pltpu
from jax.experimental.pallas import tpu_sc as plsc

N = 10000
E = 320000
H = 128
B = 16
NPAD = 10240
EBLK = 2560
NBLK = 512
K = 1280
W_COLS = 4


def _edge_proj_body(w_ref, b_ref, e_ref, o_ref):
    o_ref[...] = (lax.dot_general(
        w_ref[...], e_ref[...], (((1,), (1,)), ((), ())),
        preferred_element_type=jnp.float32) + b_ref[...])[None]


def _edge_proj(wt, b2d, e):
    return pl.pallas_call(
        _edge_proj_body,
        grid=(E // EBLK,),
        in_specs=[
            pl.BlockSpec((H, H), lambda i: (0, 0)),
            pl.BlockSpec((H, 1), lambda i: (0, 0)),
            pl.BlockSpec((EBLK, H), lambda i: (i, 0)),
        ],
        out_specs=pl.BlockSpec((1, H, EBLK), lambda i: (i, 0, 0)),
        out_shape=jax.ShapeDtypeStruct((E // EBLK, H, EBLK), jnp.float32),
    )(wt, b2d, e)


def _x_proj_body(w_ref, x_ref, o_ref):
    o_ref[...] = lax.dot_general(
        w_ref[...], x_ref[...], (((1,), (1,)), ((), ())),
        preferred_element_type=jnp.float32)


def _x_proj(wt, x):
    return pl.pallas_call(
        _x_proj_body,
        out_shape=jax.ShapeDtypeStruct((H, N), jnp.float32),
    )(wt, x)


def _scatter_max_sc(pe_t, px_t, row, col):
    mesh = plsc.VectorSubcoreMesh(core_axis_name="c", subcore_axis_name="s",
                                  num_cores=2, num_subcores=16)
    n_chunks = E // K

    @functools.partial(
        pl.kernel,
        out_type=jax.ShapeDtypeStruct((H * NPAD,), jnp.float32),
        mesh=mesh,
        compiler_params=pltpu.CompilerParams(needs_layout_passes=False),
        scratch_types=(
            [pltpu.VMEM((N,), jnp.float32) for _ in range(W_COLS)]
            + [pltpu.VMEM((NPAD,), jnp.float32) for _ in range(W_COLS)]
            + [pltpu.VMEM((8, K), jnp.float32) for _ in range(2)]
            + [pltpu.VMEM((K,), jnp.int32) for _ in range(4)]
            + [pltpu.SemaphoreType.DMA for _ in range(2)]
        ),
    )
    def scatter_kernel(pe_ref, px_ref, row_ref, col_ref, out_ref,
                       px0, px1, px2, px3, acc0, acc1, acc2, acc3,
                       peb0, peb1, rowb0, rowb1, colb0, colb1, sem0, sem1):
        cid = lax.axis_index("c")
        sid = lax.axis_index("s")
        g = sid * 2 + cid
        band = g // 2
        o0 = (g % 2) * W_COLS
        pxs = [px0, px1, px2, px3]
        accs = [acc0, acc1, acc2, acc3]

        for c in range(W_COLS):
            pltpu.async_copy(px_ref.at[pl.ds((g * W_COLS + c) * N, N)],
                             pxs[c], sem0).wait()
        zeros16 = jnp.zeros((16,), jnp.float32)

        def _zero(i, _):
            for c in range(W_COLS):
                accs[c][pl.ds(i * 16, 16)] = zeros16
            return 0

        lax.fori_loop(0, NPAD // 16, _zero, 0)

        def _pe_src(ci):
            return pe_ref.at[ci // 2, pl.ds(band * 8, 8),
                             pl.ds((ci % 2) * K, K)]

        def _fire(ci, peb, rowb, colb, sem):
            pltpu.async_copy(_pe_src(ci), peb, sem)
            pltpu.async_copy(row_ref.at[pl.ds(ci * K, K)], rowb, sem)
            pltpu.async_copy(col_ref.at[pl.ds(ci * K, K)], colb, sem)

        def _drain(ci, peb, rowb, colb, sem):
            pltpu.make_async_copy(_pe_src(ci), peb, sem).wait()
            pltpu.make_async_copy(row_ref.at[pl.ds(ci * K, K)], rowb,
                                  sem).wait()
            pltpu.make_async_copy(col_ref.at[pl.ds(ci * K, K)], colb,
                                  sem).wait()

        def _quad(kb, peb, rowb, colb):
            colvs, rowvs, lastms = [], [], []
            for s in range(4):
                colvs.append(colb[pl.ds(kb + 16 * s, 16)])
                rowvs.append(rowb[pl.ds(kb + 16 * s, 16)])
                lastms.append(plsc.scan_count(colvs[s])[1])
            allok = jnp.all(lastms[0] & lastms[1] & lastms[2] & lastms[3])
            vals = []
            for s in range(4):
                vs = []
                for c in range(W_COLS):
                    pxv = plsc.load_gather(pxs[c], [rowvs[s]])
                    pev = peb[o0 + c, pl.ds(kb + 16 * s, 16)]
                    val = pxv + pev
                    cur = plsc.load_gather(accs[c], [colvs[s]])
                    plsc.store_scatter(accs[c], [colvs[s]],
                                       jnp.maximum(cur, val))
                    vs.append(val)
                vals.append(vs)

            @pl.when(jnp.logical_not(allok))
            def _slow():
                for s in range(4):
                    colv = colvs[s]
                    pend = jnp.zeros((16,), jnp.bool_)
                    for c in range(W_COLS):
                        chk = plsc.load_gather(accs[c], [colv])
                        pend = pend | (chk < vals[s][c])

                    def _retry(p, s=s, colv=colv):
                        for c in range(W_COLS):
                            cur = plsc.load_gather(accs[c], [colv])
                            plsc.store_scatter(accs[c], [colv],
                                               jnp.maximum(cur, vals[s][c]),
                                               mask=p)
                        np_ = jnp.zeros((16,), jnp.bool_)
                        for c in range(W_COLS):
                            chk = plsc.load_gather(accs[c], [colv])
                            np_ = np_ | (chk < vals[s][c])
                        return np_

                    lax.while_loop(jnp.any, _retry, pend)

        def _process(peb, rowb, colb):
            def _inner(k, _):
                _quad(k * 128, peb, rowb, colb)
                _quad(k * 128 + 64, peb, rowb, colb)
                return 0

            lax.fori_loop(0, K // 128, _inner, 0)

        _fire(0, peb0, rowb0, colb0, sem0)

        def _chunk2(i, _):
            c0 = 2 * i
            _drain(c0, peb0, rowb0, colb0, sem0)
            _fire(c0 + 1, peb1, rowb1, colb1, sem1)
            _process(peb0, rowb0, colb0)
            _drain(c0 + 1, peb1, rowb1, colb1, sem1)

            @pl.when(c0 + 2 < n_chunks)
            def _():
                _fire(c0 + 2, peb0, rowb0, colb0, sem0)

            _process(peb1, rowb1, colb1)
            return 0

        lax.fori_loop(0, n_chunks // 2, _chunk2, 0)

        for c in range(W_COLS):
            pltpu.async_copy(accs[c],
                             out_ref.at[pl.ds((g * W_COLS + c) * NPAD, NPAD)],
                             sem0).wait()

    out = scatter_kernel(pe_t, px_t.reshape(-1), row, col)
    return out.reshape(H, NPAD)


def _node_body(aggt_ref, x_ref, bat_ref, u_ref, w1a_ref, w1b_ref, w1c_ref,
               b1_ref, w2_ref, b2_ref, wga_ref, wgb_ref, bg_ref,
               xn_ref, un_ref, xu_acc, cnt_acc):
    i = pl.program_id(0)

    @pl.when(i == 0)
    def _init():
        xu_acc[...] = jnp.full((B, H), -1e30, jnp.float32)
        cnt_acc[...] = jnp.zeros((B, H), jnp.float32)

    h1 = lax.dot_general(aggt_ref[...], w1a_ref[...], (((0,), (0,)), ((), ())),
                         preferred_element_type=jnp.float32)
    h1 = h1 + lax.dot_general(x_ref[...], w1b_ref[...],
                              (((1,), (0,)), ((), ())),
                              preferred_element_type=jnp.float32)
    uw = lax.dot_general(u_ref[...], w1c_ref[...], (((1,), (0,)), ((), ())),
                         preferred_element_type=jnp.float32)
    bat = bat_ref[...]
    onehot = (bat == lax.broadcasted_iota(jnp.int32, (1, B), 1)
              ).astype(jnp.float32)
    h1 = h1 + lax.dot_general(onehot, uw, (((1,), (0,)), ((), ())),
                              preferred_element_type=jnp.float32)
    h1 = jnp.maximum(h1 + b1_ref[...], 0.0)
    h = lax.dot_general(h1, w2_ref[...], (((1,), (0,)), ((), ())),
                        preferred_element_type=jnp.float32) + b2_ref[...]
    xn = x_ref[...] + h
    xn_ref[...] = xn

    for b in range(B):
        m = bat == b
        masked = jnp.where(m, xn, -1e30)
        xu_acc[b : b + 1, :] = jnp.maximum(
            xu_acc[b : b + 1, :], jnp.max(masked, axis=0, keepdims=True))
        cnt_acc[b : b + 1, :] = (cnt_acc[b : b + 1, :]
                                 + jnp.sum(m.astype(jnp.float32)))

    @pl.when(i == pl.num_programs(0) - 1)
    def _final():
        xu = jnp.where(cnt_acc[...] > 0.0, xu_acc[...], 0.0)
        g = lax.dot_general(xu, wga_ref[...], (((1,), (0,)), ((), ())),
                            preferred_element_type=jnp.float32)
        g = g + lax.dot_general(u_ref[...], wgb_ref[...],
                                (((1,), (0,)), ((), ())),
                                preferred_element_type=jnp.float32)
        g = jnp.maximum(g + bg_ref[...], 0.0)
        un_ref[...] = u_ref[...] + g


def _node_update(agg_t, x_in, bat2d, u, w1a, w1b, w1c, b1, w2, b2,
                 wga, wgb, bg):
    nb = NPAD // NBLK
    full = lambda i: (0, 0)
    return pl.pallas_call(
        _node_body,
        grid=(nb,),
        in_specs=[
            pl.BlockSpec((H, NBLK), lambda i: (0, i)),
            pl.BlockSpec((NBLK, H), lambda i: (i, 0)),
            pl.BlockSpec((NBLK, 1), lambda i: (i, 0)),
            pl.BlockSpec((B, H), full),
            pl.BlockSpec((H, 4 * H), full),
            pl.BlockSpec((H, 4 * H), full),
            pl.BlockSpec((H, 4 * H), full),
            pl.BlockSpec((1, 4 * H), full),
            pl.BlockSpec((4 * H, H), full),
            pl.BlockSpec((1, H), full),
            pl.BlockSpec((H, H), full),
            pl.BlockSpec((H, H), full),
            pl.BlockSpec((1, H), full),
        ],
        out_specs=[
            pl.BlockSpec((NBLK, H), lambda i: (i, 0)),
            pl.BlockSpec((B, H), full),
        ],
        out_shape=[
            jax.ShapeDtypeStruct((NPAD, H), jnp.float32),
            jax.ShapeDtypeStruct((B, H), jnp.float32),
        ],
        scratch_shapes=[
            pltpu.VMEM((B, H), jnp.float32),
            pltpu.VMEM((B, H), jnp.float32),
        ],
    )(agg_t, x_in, bat2d, u, w1a, w1b, w1c, b1, w2, b2, wga, wgb, bg)


def kernel(x, edge_index, e, u, batch, W_e, b_e, W_n1, b_n1, W_n2, b_n2,
           W_g, b_g):
    row = edge_index[0]
    col = edge_index[1]

    pe_t = _edge_proj(W_e[H:].T, b_e.reshape(H, 1), e)
    px_t = _x_proj(W_e[:H].T, x)
    agg_t = _scatter_max_sc(pe_t, px_t, row, col)

    x_pad = jnp.pad(x, ((0, NPAD - N), (0, 0)))
    bat2d = jnp.pad(batch, (0, NPAD - N), constant_values=B).reshape(NPAD, 1)
    x_new_pad, u_new = _node_update(
        agg_t, x_pad, bat2d, u,
        W_n1[:H], W_n1[H : 2 * H], W_n1[2 * H :], b_n1.reshape(1, 4 * H),
        W_n2, b_n2.reshape(1, H),
        W_g[:H], W_g[H:], b_g.reshape(1, H))
    return (x_new_pad[:N], u_new)

# --- scband reference (transcript-rebuilt; emitter-appended) ---
"""Pipeline reference for scband-graph-block-89756226552318 (READ-ONLY COPY).

The authoritative reference and input builder live on the scoring server;
editing this copy changes nothing except your own understanding.
"""

import jax, jax.numpy as jnp
import numpy as np

N = 10000
E = 320000
H = 128
B = 16

def setup_inputs(seed: int = 0) -> dict:
    key = jax.random.key(seed)
    ks = jax.random.split(key, 16)
    x = jax.random.normal(ks[0], (N, H), dtype=jnp.float32)
    edge_index = jax.random.randint(ks[1], (2, E), 0, N, dtype=jnp.int32)
    e = jax.random.normal(ks[2], (E, H), dtype=jnp.float32)
    u = jax.random.normal(ks[3], (B, H), dtype=jnp.float32)
    batch = jnp.sort(jax.random.randint(ks[4], (N,), 0, B, dtype=jnp.int32))
    # parameters (Kaiming-ish scale)
    W_e = jax.random.normal(ks[5], (2 * H, H), dtype=jnp.float32) * (1.0 / np.sqrt(2 * H))
    b_e = jnp.zeros((H,), dtype=jnp.float32)
    W_n1 = jax.random.normal(ks[6], (3 * H, 4 * H), dtype=jnp.float32) * (1.0 / np.sqrt(3 * H))
    b_n1 = jnp.zeros((4 * H,), dtype=jnp.float32)
    W_n2 = jax.random.normal(ks[7], (4 * H, H), dtype=jnp.float32) * (1.0 / np.sqrt(4 * H))
    b_n2 = jnp.zeros((H,), dtype=jnp.float32)
    W_g = jax.random.normal(ks[8], (2 * H, H), dtype=jnp.float32) * (1.0 / np.sqrt(2 * H))
    b_g = jnp.zeros((H,), dtype=jnp.float32)
    return {"x": x, "edge_index": edge_index, "e": e, "u": u, "batch": batch,
            "W_e": W_e, "b_e": b_e, "W_n1": W_n1, "b_n1": b_n1,
            "W_n2": W_n2, "b_n2": b_n2, "W_g": W_g, "b_g": b_g}

def _scatter_max(vals, idx, num_segments):
    seg = jax.ops.segment_max(vals, idx, num_segments=num_segments)
    cnt = jax.ops.segment_sum(jnp.ones((vals.shape[0],), dtype=jnp.float32), idx, num_segments=num_segments)
    # torch_scatter scatter_max leaves empty segments at 0
    return jnp.where(cnt[:, None] > 0, seg, 0.0)

def reference(x, edge_index, e, u, batch, W_e, b_e, W_n1, b_n1, W_n2, b_n2, W_g, b_g):
    row = edge_index[0]
    col = edge_index[1]
    # edge_lin: Linear(2h->h) + ReLU  (dropout is identity in eval)
    msg = jax.nn.relu(jnp.concatenate([x[row], e], axis=-1) @ W_e + b_e)
    agg = _scatter_max(msg, col, x.shape[0])
    # node_lin: Linear(3h->4h) + ReLU + Linear(4h->h)
    node_in = jnp.concatenate([agg, x, u[batch]], axis=-1)
    h = jax.nn.relu(node_in @ W_n1 + b_n1) @ W_n2 + b_n2
    x_new = x + h
    # global update
    x_u = _scatter_max(x_new, batch, u.shape[0])
    g = jax.nn.relu(jnp.concatenate([x_u, u], axis=1) @ W_g + b_g)
    u_new = u + g
    return (x_new, u_new)

if __name__ == "__main__":
    import jax
    _d = setup_inputs()
    print(jax.jit(kernel)(*tuple(_d.values())))

</pallas_src>

<mosaic_0001>
#map = affine_map<(d0, d1) -> (0, 0, 0)>
#map1 = affine_map<(d0, d1) -> (0)>
module attributes {stable_mosaic.version = 14 : i64} {
  func.func @scatter_kernel(%arg0: i32, %arg1: i32, %arg2: memref<125x128x2560xf32, #tpu.memory_space<hbm>>, %arg3: memref<1280000xf32, #tpu.memory_space<hbm>>, %arg4: memref<320000xi32, #tpu.memory_space<hbm>>, %arg5: memref<320000xi32, #tpu.memory_space<hbm>>, %arg6: memref<1310720xf32, #tpu.memory_space<hbm>>, %arg7: memref<10000xf32, #tpu.memory_space<vmem>>, %arg8: memref<10000xf32, #tpu.memory_space<vmem>>, %arg9: memref<10000xf32, #tpu.memory_space<vmem>>, %arg10: memref<10000xf32, #tpu.memory_space<vmem>>, %arg11: memref<10240xf32, #tpu.memory_space<vmem>>, %arg12: memref<10240xf32, #tpu.memory_space<vmem>>, %arg13: memref<10240xf32, #tpu.memory_space<vmem>>, %arg14: memref<10240xf32, #tpu.memory_space<vmem>>, %arg15: memref<8x1280xf32, #tpu.memory_space<vmem>>, %arg16: memref<8x1280xf32, #tpu.memory_space<vmem>>, %arg17: memref<1280xi32, #tpu.memory_space<vmem>>, %arg18: memref<1280xi32, #tpu.memory_space<vmem>>, %arg19: memref<1280xi32, #tpu.memory_space<vmem>>, %arg20: memref<1280xi32, #tpu.memory_space<vmem>>, %arg21: memref<!tpu.dma_semaphore, #tpu.memory_space<semaphore_mem>>, %arg22: memref<!tpu.dma_semaphore, #tpu.memory_space<semaphore_mem>>) attributes {dimension_semantics = [#tpu.dimension_semantics<core_parallel>, #tpu.dimension_semantics<subcore_parallel>], iteration_bounds = array<i64: 2, 16>, scalar_prefetch = 0 : i64, scratch_operands = 16 : i64, tpu.core_type = #tpu.core_type<sc_vector_subcore>, window_params = [{transform_indices = #map}, {transform_indices = #map1}, {transform_indices = #map1}, {transform_indices = #map1}, {transform_indices = #map1}]} {
    %mul3A = arith.constant 2 : i32
    %mul3A_0 = arith.muli %arg1, %mul3A : i32
    %add3A = arith.addi %mul3A_0, %arg0 : i32
    %jit3A = arith.constant 2 : i32
    %div3A = arith.divsi %add3A, %jit3A : i32
    %sign3A = arith.constant 0 : i32
    %sign3A_1 = arith.cmpi sgt, %add3A, %sign3A : i32
    %sign3A_2 = arith.extui %sign3A_1 : i1 to i32
    %sign3A_3 = arith.constant 0 : i32
    %sign3A_4 = arith.cmpi slt, %add3A, %sign3A_3 : i32
    %sign3A_5 = arith.extui %sign3A_4 : i1 to i32
    %sign3A_6 = arith.subi %sign3A_2, %sign3A_5 : i32
    %sign3A_7 = arith.constant 0 : i32
    %sign3A_8 = arith.cmpi sgt, %jit3A, %sign3A_7 : i32
    %sign3A_9 = arith.extui %sign3A_8 : i1 to i32
    %sign3A_10 = arith.constant 0 : i32
    %sign3A_11 = arith.cmpi slt, %jit3A, %sign3A_10 : i32
    %sign3A_12 = arith.extui %sign3A_11 : i1 to i32
    %sign3A_13 = arith.subi %sign3A_9, %sign3A_12 : i32
    %ne3A = arith.cmpi ne, %sign3A_6, %sign3A_13 : i32
    %rem3A = arith.remsi %add3A, %jit3A : i32
    %ne3A_14 = arith.constant 0 : i32
    %ne3A_15 = arith.cmpi ne, %rem3A, %ne3A_14 : i32
    %and3A = arith.andi %ne3A, %ne3A_15 : i1
    %sub3A = arith.constant 1 : i32
    %sub3A_16 = arith.subi %div3A, %sub3A : i32
    %select_n3A = arith.select %and3A, %sub3A_16, %div3A : i32
    %jit3A_17 = arith.constant 2 : i32
    %eq3A = arith.constant 0 : i32
    %eq3A_18 = arith.cmpi eq, %jit3A_17, %eq3A : i32
    %jit3A_19 = arith.constant 1 : i32
    %select_n3A_20 = arith.select %eq3A_18, %jit3A_19, %jit3A_17 : i32
    %rem3A_21 = arith.remsi %add3A, %select_n3A_20 : i32
    %ne3A_22 = arith.constant 0 : i32
    %ne3A_23 = arith.cmpi ne, %rem3A_21, %ne3A_22 : i32
    %lt3A = arith.constant 0 : i32
    %lt3A_24 = arith.cmpi slt, %rem3A_21, %lt3A : i32
    %lt3A_25 = arith.constant 0 : i32
    %lt3A_26 = arith.cmpi slt, %select_n3A_20, %lt3A_25 : i32
    %ne3A_27 = arith.xori %lt3A_24, %lt3A_26 : i1
    %and3A_28 = arith.andi %ne3A_27, %ne3A_23 : i1
    %add3A_29 = arith.addi %rem3A_21, %select_n3A_20 : i32
    %select_n3A_30 = arith.select %and3A_28, %add3A_29, %rem3A_21 : i32
    %mul3A_31 = arith.constant 4 : i32
    %mul3A_32 = arith.muli %select_n3A_30, %mul3A_31 : i32
    %mul3A_33 = arith.constant 4 : i32
    %mul3A_34 = arith.muli %add3A, %mul3A_33 : i32
    %add3A_35 = arith.constant 0 : i32
    %add3A_36 = arith.addi %mul3A_34, %add3A_35 : i32
    %mul3A_37 = arith.constant 10000 : i32
    %mul3A_38 = arith.muli %add3A_36, %mul3A_37 : i32
    %dma_start3A = tpu.memref_slice %arg3[%mul3A_38] : memref<1280000xf32, #tpu.memory_space<hbm>> -> memref<10000xf32, #tpu.memory_space<hbm>>
    %dma_start3A_39 = tpu.memref_slice %arg3[%mul3A_38] : memref<1280000xf32, #tpu.memory_space<hbm>> -> memref<10000xf32, #tpu.memory_space<hbm>>
    tpu.enqueue_dma source(%dma_start3A_39 : memref<10000xf32, #tpu.memory_space<hbm>>) target(%arg7 : memref<10000xf32, #tpu.memory_space<vmem>>) target_semaphore(%arg21 : memref<!tpu.dma_semaphore, #tpu.memory_space<semaphore_mem>>)
    %dma_wait3A = tpu.memref_slice %arg3[%mul3A_38] : memref<1280000xf32, #tpu.memory_space<hbm>> -> memref<10000xf32, #tpu.memory_space<hbm>>
    %dma_wait3A_40 = tpu.memref_slice %arg3[%mul3A_38] : memref<1280000xf32, #tpu.memory_space<hbm>> -> memref<10000xf32, #tpu.memory_space<hbm>>
    tpu.wait_dma2 semaphore(%arg21 : memref<!tpu.dma_semaphore, #tpu.memory_space<semaphore_mem>>) src(%dma_wait3A_40 : memref<10000xf32, #tpu.memory_space<hbm>>) dst(%arg7 : memref<10000xf32, #tpu.memory_space<vmem>>)
    %mul3A_41 = arith.constant 4 : i32
    %mul3A_42 = arith.muli %add3A, %mul3A_41 : i32
    %add3A_43 = arith.constant 1 : i32
    %add3A_44 = arith.addi %mul3A_42, %add3A_43 : i32
    %mul3A_45 = arith.constant 10000 : i32
    %mul3A_46 = arith.muli %add3A_44, %mul3A_45 : i32
    %dma_start3A_47 = tpu.memref_slice %arg3[%mul3A_46] : memref<1280000xf32, #tpu.memory_space<hbm>> -> memref<10000xf32, #tpu.memory_space<hbm>>
    %dma_start3A_48 = tpu.memref_slice %arg3[%mul3A_46] : memref<1280000xf32, #tpu.memory_space<hbm>> -> memref<10000xf32, #tpu.memory_space<hbm>>
    tpu.enqueue_dma source(%dma_start3A_48 : memref<10000xf32, #tpu.memory_space<hbm>>) target(%arg8 : memref<10000xf32, #tpu.memory_space<vmem>>) target_semaphore(%arg21 : memref<!tpu.dma_semaphore, #tpu.memory_space<semaphore_mem>>)
    %dma_wait3A_49 = tpu.memref_slice %arg3[%mul3A_46] : memref<1280000xf32, #tpu.memory_space<hbm>> -> memref<10000xf32, #tpu.memory_space<hbm>>
    %dma_wait3A_50 = tpu.memref_slice %arg3[%mul3A_46] : memref<1280000xf32, #tpu.memory_space<hbm>> -> memref<10000xf32, #tpu.memory_space<hbm>>
    tpu.wait_dma2 semaphore(%arg21 : memref<!tpu.dma_semaphore, #tpu.memory_space<semaphore_mem>>) src(%dma_wait3A_50 : memref<10000xf32, #tpu.memory_space<hbm>>) dst(%arg8 : memref<10000xf32, #tpu.memory_space<vmem>>)
    %mul3A_51 = arith.constant 4 : i32
    %mul3A_52 = arith.muli %add3A, %mul3A_51 : i32
    %add3A_53 = arith.constant 2 : i32
    %add3A_54 = arith.addi %mul3A_52, %add3A_53 : i32
    %mul3A_55 = arith.constant 10000 : i32
    %mul3A_56 = arith.muli %add3A_54, %mul3A_55 : i32
    %dma_start3A_57 = tpu.memref_slice %arg3[%mul3A_56] : memref<1280000xf32, #tpu.memory_space<hbm>> -> memref<10000xf32, #tpu.memory_space<hbm>>
    %dma_start3A_58 = tpu.memref_slice %arg3[%mul3A_56] : memref<1280000xf32, #tpu.memory_space<hbm>> -> memref<10000xf32, #tpu.memory_space<hbm>>
    tpu.enqueue_dma source(%dma_start3A_58 : memref<10000xf32, #tpu.memory_space<hbm>>) target(%arg9 : memref<10000xf32, #tpu.memory_space<vmem>>) target_semaphore(%arg21 : memref<!tpu.dma_semaphore, #tpu.memory_space<semaphore_mem>>)
    %dma_wait3A_59 = tpu.memref_slice %arg3[%mul3A_56] : memref<1280000xf32, #tpu.memory_space<hbm>> -> memref<10000xf32, #tpu.memory_space<hbm>>
    %dma_wait3A_60 = tpu.memref_slice %arg3[%mul3A_56] : memref<1280000xf32, #tpu.memory_space<hbm>> -> memref<10000xf32, #tpu.memory_space<hbm>>
    tpu.wait_dma2 semaphore(%arg21 : memref<!tpu.dma_semaphore, #tpu.memory_space<semaphore_mem>>) src(%dma_wait3A_60 : memref<10000xf32, #tpu.memory_space<hbm>>) dst(%arg9 : memref<10000xf32, #tpu.memory_space<vmem>>)
    %mul3A_61 = arith.constant 4 : i32
    %mul3A_62 = arith.muli %add3A, %mul3A_61 : i32
    %add3A_63 = arith.constant 3 : i32
    %add3A_64 = arith.addi %mul3A_62, %add3A_63 : i32
    %mul3A_65 = arith.constant 10000 : i32
    %mul3A_66 = arith.muli %add3A_64, %mul3A_65 : i32
    %dma_start3A_67 = tpu.memref_slice %arg3[%mul3A_66] : memref<1280000xf32, #tpu.memory_space<hbm>> -> memref<10000xf32, #tpu.memory_space<hbm>>
    %dma_start3A_68 = tpu.memref_slice %arg3[%mul3A_66] : memref<1280000xf32, #tpu.memory_space<hbm>> -> memref<10000xf32, #tpu.memory_space<hbm>>
    tpu.enqueue_dma source(%dma_start3A_68 : memref<10000xf32, #tpu.memory_space<hbm>>) target(%arg10 : memref<10000xf32, #tpu.memory_space<vmem>>) target_semaphore(%arg21 : memref<!tpu.dma_semaphore, #tpu.memory_space<semaphore_mem>>)
    %dma_wait3A_69 = tpu.memref_slice %arg3[%mul3A_66] : memref<1280000xf32, #tpu.memory_space<hbm>> -> memref<10000xf32, #tpu.memory_space<hbm>>
    %dma_wait3A_70 = tpu.memref_slice %arg3[%mul3A_66] : memref<1280000xf32, #tpu.memory_space<hbm>> -> memref<10000xf32, #tpu.memory_space<hbm>>
    tpu.wait_dma2 semaphore(%arg21 : memref<!tpu.dma_semaphore, #tpu.memory_space<semaphore_mem>>) src(%dma_wait3A_70 : memref<10000xf32, #tpu.memory_space<hbm>>) dst(%arg10 : memref<10000xf32, #tpu.memory_space<vmem>>)
    %broadcast_in_dim3A = arith.constant 0.000000e+00 : f32
    %broadcast_in_dim3A_71 = vector.broadcast %broadcast_in_dim3A : f32 to vector<16xf32>
    %scan3A = arith.constant 0 : i32
    %scan3A_72 = arith.constant 0 : i32
    %scan3A_73 = arith.constant 640 : i32
    %scan3A_74 = arith.addi %scan3A_72, %scan3A_73 : i32
    %scan3A_75 = arith.constant 1 : i32
    %scan3A_76 = scf.for %scan3A_142 = %scan3A_72 to %scan3A_74 step %scan3A_75 iter_args(%scan3A_143 = %scan3A) -> (i32)  : i32 {
      %mul3A_144 = arith.constant 16 : i32
      %mul3A_145 = arith.muli %scan3A_142, %mul3A_144 : i32
      %swap3A = arith.index_cast %mul3A_145 : i32 to index
      %swap3A_146 = tpu.vector_load %arg11[%swap3A] {strides = array<i32>} : memref<10240xf32, #tpu.memory_space<vmem>>, vector<16xf32>,
      tpu.vector_store %arg11[%swap3A], %broadcast_in_dim3A_71 {strides = array<i32>} : memref<10240xf32, #tpu.memory_space<vmem>>, vector<16xf32>,
      %mul3A_147 = arith.constant 16 : i32
      %mul3A_148 = arith.muli %scan3A_142, %mul3A_147 : i32
      %swap3A_149 = arith.index_cast %mul3A_148 : i32 to index
      %swap3A_150 = tpu.vector_load %arg12[%swap3A_149] {strides = array<i32>} : memref<10240xf32, #tpu.memory_space<vmem>>, vector<16xf32>,
      tpu.vector_store %arg12[%swap3A_149], %broadcast_in_dim3A_71 {strides = array<i32>} : memref<10240xf32, #tpu.memory_space<vmem>>, vector<16xf32>,
      %mul3A_151 = arith.constant 16 : i32
      %mul3A_152 = arith.muli %scan3A_142, %mul3A_151 : i32
      %swap3A_153 = arith.index_cast %mul3A_152 : i32 to index
      %swap3A_154 = tpu.vector_load %arg13[%swap3A_153] {strides = array<i32>} : memref<10240xf32, #tpu.memory_space<vmem>>, vector<16xf32>,
      tpu.vector_store %arg13[%swap3A_153], %broadcast_in_dim3A_71 {strides = array<i32>} : memref<10240xf32, #tpu.memory_space<vmem>>, vector<16xf32>,
      %mul3A_155 = arith.constant 16 : i32
      %mul3A_156 = arith.muli %scan3A_142, %mul3A_155 : i32
      %swap3A_157 = arith.index_cast %mul3A_156 : i32 to index
      %swap3A_158 = tpu.vector_load %arg14[%swap3A_157] {strides = array<i32>} : memref<10240xf32, #tpu.memory_space<vmem>>, vector<16xf32>,
      tpu.vector_store %arg14[%swap3A_157], %broadcast_in_dim3A_71 {strides = array<i32>} : memref<10240xf32, #tpu.memory_space<vmem>>, vector<16xf32>,
      %scan3A_159 = arith.constant 0 : i32
      scf.yield %scan3A_159 : i32
    }
    %scan3A_77 = arith.constant 640 : i32
    %mul3A_78 = arith.constant 8 : i32
    %mul3A_79 = arith.muli %select_n3A, %mul3A_78 : i32
    %dma_start3A_80 = arith.constant 0 : i32
    %dma_start3A_81 = arith.constant 0 : i32
    %dma_start3A_82 = tpu.memref_slice %arg2[%dma_start3A_80, %mul3A_79, %dma_start3A_81] : memref<125x128x2560xf32, #tpu.memory_space<hbm>> -> memref<1x8x1280xf32, #tpu.memory_space<hbm>>
    %dma_start3A_83 = tpu.memref_squeeze %dma_start3A_82 : memref<1x8x1280xf32, #tpu.memory_space<hbm>> -> memref<8x1280xf32, #tpu.memory_space<hbm>>
    %dma_start3A_84 = arith.constant 0 : i32
    %dma_start3A_85 = tpu.memref_slice %arg2[%dma_start3A_80, %mul3A_79, %dma_start3A_84] : memref<125x128x2560xf32, #tpu.memory_space<hbm>> -> memref<1x8x1280xf32, #tpu.memory_space<hbm>>
    %dma_start3A_86 = tpu.memref_squeeze %dma_start3A_85 : memref<1x8x1280xf32, #tpu.memory_space<hbm>> -> memref<8x1280xf32, #tpu.memory_space<hbm>>
    tpu.enqueue_dma source(%dma_start3A_86 : memref<8x1280xf32, #tpu.memory_space<hbm>>) target(%arg15 : memref<8x1280xf32, #tpu.memory_space<vmem>>) target_semaphore(%arg21 : memref<!tpu.dma_semaphore, #tpu.memory_space<semaphore_mem>>)
    %dma_start3A_87 = arith.constant 0 : i32
    %dma_start3A_88 = tpu.memref_slice %arg4[%dma_start3A_87] : memref<320000xi32, #tpu.memory_space<hbm>> -> memref<1280xi32, #tpu.memory_space<hbm>>
    %dma_start3A_89 = arith.constant 0 : i32
    %dma_start3A_90 = tpu.memref_slice %arg4[%dma_start3A_89] : memref<320000xi32, #tpu.memory_space<hbm>> -> memref<1280xi32, #tpu.memory_space<hbm>>
    tpu.enqueue_dma source(%dma_start3A_90 : memref<1280xi32, #tpu.memory_space<hbm>>) target(%arg17 : memref<1280xi32, #tpu.memory_space<vmem>>) target_semaphore(%arg21 : memref<!tpu.dma_semaphore, #tpu.memory_space<semaphore_mem>>)
    %dma_start3A_91 = arith.constant 0 : i32
    %dma_start3A_92 = tpu.memref_slice %arg5[%dma_start3A_91] : memref<320000xi32, #tpu.memory_space<hbm>> -> memref<1280xi32, #tpu.memory_space<hbm>>
    %dma_start3A_93 = arith.constant 0 : i32
    %dma_start3A_94 = tpu.memref_slice %arg5[%dma_start3A_93] : memref<320000xi32, #tpu.memory_space<hbm>> -> memref<1280xi32, #tpu.memory_space<hbm>>
    tpu.enqueue_dma source(%dma_start3A_94 : memref<1280xi32, #tpu.memory_space<hbm>>) target(%arg19 : memref<1280xi32, #tpu.memory_space<vmem>>) target_semaphore(%arg21 : memref<!tpu.dma_semaphore, #tpu.memory_space<semaphore_mem>>)
    %scan3A_95 = arith.constant 0 : i32
    %scan3A_96 = arith.constant 0 : i32
    %scan3A_97 = arith.constant 125 : i32
    %scan3A_98 = arith.addi %scan3A_96, %scan3A_97 : i32
    %scan3A_99 = arith.constant 1 : i32
    %scan3A_100 = scf.for %scan3A_142 = %scan3A_96 to %scan3A_98 step %scan3A_99 iter_args(%scan3A_143 = %scan3A_95) -> (i32)  : i32 {
      %mul3A_144 = arith.constant 2 : i32
      %mul3A_145 = arith.muli %mul3A_144, %scan3A_142 : i32
      %jit3A_146 = arith.constant 2 : i32
      %div3A_147 = arith.divsi %mul3A_145, %jit3A_146 : i32
      %sign3A_148 = arith.constant 0 : i32
      %sign3A_149 = arith.cmpi sgt, %mul3A_145, %sign3A_148 : i32
      %sign3A_150 = arith.extui %sign3A_149 : i1 to i32
      %sign3A_151 = arith.constant 0 : i32
      %sign3A_152 = arith.cmpi slt, %mul3A_145, %sign3A_151 : i32
      %sign3A_153 = arith.extui %sign3A_152 : i1 to i32
      %sign3A_154 = arith.subi %sign3A_150, %sign3A_153 : i32
      %sign3A_155 = arith.constant 0 : i32
      %sign3A_156 = arith.cmpi sgt, %jit3A_146, %sign3A_155 : i32
      %sign3A_157 = arith.extui %sign3A_156 : i1 to i32
      %sign3A_158 = arith.constant 0 : i32
      %sign3A_159 = arith.cmpi slt, %jit3A_146, %sign3A_158 : i32
      %sign3A_160 = arith.extui %sign3A_159 : i1 to i32
      %sign3A_161 = arith.subi %sign3A_157, %sign3A_160 : i32
      %ne3A_162 = arith.cmpi ne, %sign3A_154, %sign3A_161 : i32
      %rem3A_163 = arith.remsi %mul3A_145, %jit3A_146 : i32
      %ne3A_164 = arith.constant 0 : i32
      %ne3A_165 = arith.cmpi ne, %rem3A_163, %ne3A_164 : i32
      %and3A_166 = arith.andi %ne3A_162, %ne3A_165 : i1
      %sub3A_167 = arith.constant 1 : i32
      %sub3A_168 = arith.subi %div3A_147, %sub3A_167 : i32
      %select_n3A_169 = arith.select %and3A_166, %sub3A_168, %div3A_147 : i32
      %mul3A_170 = arith.constant 8 : i32
      %mul3A_171 = arith.muli %select_n3A, %mul3A_170 : i32
      %jit3A_172 = arith.constant 2 : i32
      %eq3A_173 = arith.constant 0 : i32
      %eq3A_174 = arith.cmpi eq, %jit3A_172, %eq3A_173 : i32
      %jit3A_175 = arith.constant 1 : i32
      %select_n3A_176 = arith.select %eq3A_174, %jit3A_175, %jit3A_172 : i32
      %rem3A_177 = arith.remsi %mul3A_145, %select_n3A_176 : i32
      %ne3A_178 = arith.constant 0 : i32
      %ne3A_179 = arith.cmpi ne, %rem3A_177, %ne3A_178 : i32
      %lt3A_180 = arith.constant 0 : i32
      %lt3A_181 = arith.cmpi slt, %rem3A_177, %lt3A_180 : i32
      %lt3A_182 = arith.constant 0 : i32
      %lt3A_183 = arith.cmpi slt, %select_n3A_176, %lt3A_182 : i32
      %ne3A_184 = arith.xori %lt3A_181, %lt3A_183 : i1
      %and3A_185 = arith.andi %ne3A_184, %ne3A_179 : i1
      %add3A_186 = arith.addi %rem3A_177, %select_n3A_176 : i32
      %select_n3A_187 = arith.select %and3A_185, %add3A_186, %rem3A_177 : i32
      %mul3A_188 = arith.constant 1280 : i32
      %mul3A_189 = arith.muli %select_n3A_187, %mul3A_188 : i32
      %dma_wait3A_190 = tpu.memref_slice %arg2[%select_n3A_169, %mul3A_171, %mul3A_189] : memref<125x128x2560xf32, #tpu.memory_space<hbm>> -> memref<1x8x1280xf32, #tpu.memory_space<hbm>>
      %dma_wait3A_191 = tpu.memref_squeeze %dma_wait3A_190 : memref<1x8x1280xf32, #tpu.memory_space<hbm>> -> memref<8x1280xf32, #tpu.memory_space<hbm>>
      %dma_wait3A_192 = tpu.memref_slice %arg2[%select_n3A_169, %mul3A_171, %mul3A_189] : memref<125x128x2560xf32, #tpu.memory_space<hbm>> -> memref<1x8x1280xf32, #tpu.memory_space<hbm>>
      %dma_wait3A_193 = tpu.memref_squeeze %dma_wait3A_192 : memref<1x8x1280xf32, #tpu.memory_space<hbm>> -> memref<8x1280xf32, #tpu.memory_space<hbm>>
      tpu.wait_dma2 semaphore(%arg21 : memref<!tpu.dma_semaphore, #tpu.memory_space<semaphore_mem>>) src(%dma_wait3A_193 : memref<8x1280xf32, #tpu.memory_space<hbm>>) dst(%arg15 : memref<8x1280xf32, #tpu.memory_space<vmem>>)
      %mul3A_194 = arith.constant 1280 : i32
      %mul3A_195 = arith.muli %mul3A_145, %mul3A_194 : i32
      %dma_wait3A_196 = tpu.memref_slice %arg4[%mul3A_195] : memref<320000xi32, #tpu.memory_space<hbm>> -> memref<1280xi32, #tpu.memory_space<hbm>>
      %dma_wait3A_197 = tpu.memref_slice %arg4[%mul3A_195] : memref<320000xi32, #tpu.memory_space<hbm>> -> memref<1280xi32, #tpu.memory_space<hbm>>
      tpu.wait_dma2 semaphore(%arg21 : memref<!tpu.dma_semaphore, #tpu.memory_space<semaphore_mem>>) src(%dma_wait3A_197 : memref<1280xi32, #tpu.memory_space<hbm>>) dst(%arg17 : memref<1280xi32, #tpu.memory_space<vmem>>)
      %mul3A_198 = arith.constant 1280 : i32
      %mul3A_199 = arith.muli %mul3A_145, %mul3A_198 : i32
      %dma_wait3A_200 = tpu.memref_slice %arg5[%mul3A_199] : memref<320000xi32, #tpu.memory_space<hbm>> -> memref<1280xi32, #tpu.memory_space<hbm>>
      %dma_wait3A_201 = tpu.memref_slice %arg5[%mul3A_199] : memref<320000xi32, #tpu.memory_space<hbm>> -> memref<1280xi32, #tpu.memory_space<hbm>>
      tpu.wait_dma2 semaphore(%arg21 : memref<!tpu.dma_semaphore, #tpu.memory_space<semaphore_mem>>) src(%dma_wait3A_201 : memref<1280xi32, #tpu.memory_space<hbm>>) dst(%arg19 : memref<1280xi32, #tpu.memory_space<vmem>>)
      %add3A_202 = arith.constant 1 : i32
      %add3A_203 = arith.addi %mul3A_145, %add3A_202 : i32
      %jit3A_204 = arith.constant 2 : i32
      %div3A_205 = arith.divsi %add3A_203, %jit3A_204 : i32
      %sign3A_206 = arith.constant 0 : i32
      %sign3A_207 = arith.cmpi sgt, %add3A_203, %sign3A_206 : i32
      %sign3A_208 = arith.extui %sign3A_207 : i1 to i32
      %sign3A_209 = arith.constant 0 : i32
      %sign3A_210 = arith.cmpi slt, %add3A_203, %sign3A_209 : i32
      %sign3A_211 = arith.extui %sign3A_210 : i1 to i32
      %sign3A_212 = arith.subi %sign3A_208, %sign3A_211 : i32
      %sign3A_213 = arith.constant 0 : i32
      %sign3A_214 = arith.cmpi sgt, %jit3A_204, %sign3A_213 : i32
      %sign3A_215 = arith.extui %sign3A_214 : i1 to i32
      %sign3A_216 = arith.constant 0 : i32
      %sign3A_217 = arith.cmpi slt, %jit3A_204, %sign3A_216 : i32
      %sign3A_218 = arith.extui %sign3A_217 : i1 to i32
      %sign3A_219 = arith.subi %sign3A_215, %sign3A_218 : i32
      %ne3A_220 = arith.cmpi ne, %sign3A_212, %sign3A_219 : i32
      %rem3A_221 = arith.remsi %add3A_203, %jit3A_204 : i32
      %ne3A_222 = arith.constant 0 : i32
      %ne3A_223 = arith.cmpi ne, %rem3A_221, %ne3A_222 : i32
      %and3A_224 = arith.andi %ne3A_220, %ne3A_223 : i1
      %sub3A_225 = arith.constant 1 : i32
      %sub3A_226 = arith.subi %div3A_205, %sub3A_225 : i32
      %select_n3A_227 = arith.select %and3A_224, %sub3A_226, %div3A_205 : i32
      %mul3A_228 = arith.constant 8 : i32
      %mul3A_229 = arith.muli %select_n3A, %mul3A_228 : i32
      %jit3A_230 = arith.constant 2 : i32
      %eq3A_231 = arith.constant 0 : i32
      %eq3A_232 = arith.cmpi eq, %jit3A_230, %eq3A_231 : i32
      %jit3A_233 = arith.constant 1 : i32
      %select_n3A_234 = arith.select %eq3A_232, %jit3A_233, %jit3A_230 : i32
      %rem3A_235 = arith.remsi %add3A_203, %select_n3A_234 : i32
      %ne3A_236 = arith.constant 0 : i32
      %ne3A_237 = arith.cmpi ne, %rem3A_235, %ne3A_236 : i32
      %lt3A_238 = arith.constant 0 : i32
      %lt3A_239 = arith.cmpi slt, %rem3A_235, %lt3A_238 : i32
      %lt3A_240 = arith.constant 0 : i32
      %lt3A_241 = arith.cmpi slt, %select_n3A_234, %lt3A_240 : i32
      %ne3A_242 = arith.xori %lt3A_239, %lt3A_241 : i1
      %and3A_243 = arith.andi %ne3A_242, %ne3A_237 : i1
      %add3A_244 = arith.addi %rem3A_235, %select_n3A_234 : i32
      %select_n3A_245 = arith.select %and3A_243, %add3A_244, %rem3A_235 : i32
      %mul3A_246 = arith.constant 1280 : i32
      %mul3A_247 = arith.muli %select_n3A_245, %mul3A_246 : i32
      %dma_start3A_248 = tpu.memref_slice %arg2[%select_n3A_227, %mul3A_229, %mul3A_247] : memref<125x128x2560xf32, #tpu.memory_space<hbm>> -> memref<1x8x1280xf32, #tpu.memory_space<hbm>>
      %dma_start3A_249 = tpu.memref_squeeze %dma_start3A_248 : memref<1x8x1280xf32, #tpu.memory_space<hbm>> -> memref<8x1280xf32, #tpu.memory_space<hbm>>
      %dma_start3A_250 = tpu.memref_slice %arg2[%select_n3A_227, %mul3A_229, %mul3A_247] : memref<125x128x2560xf32, #tpu.memory_space<hbm>> -> memref<1x8x1280xf32, #tpu.memory_space<hbm>>
      %dma_start3A_251 = tpu.memref_squeeze %dma_start3A_250 : memref<1x8x1280xf32, #tpu.memory_space<hbm>> -> memref<8x1280xf32, #tpu.memory_space<hbm>>
      tpu.enqueue_dma source(%dma_start3A_251 : memref<8x1280xf32, #tpu.memory_space<hbm>>) target(%arg16 : memref<8x1280xf32, #tpu.memory_space<vmem>>) target_semaphore(%arg22 : memref<!tpu.dma_semaphore, #tpu.memory_space<semaphore_mem>>)
      %mul3A_252 = arith.constant 1280 : i32
      %mul3A_253 = arith.muli %add3A_203, %mul3A_252 : i32
      %dma_start3A_254 = tpu.memref_slice %arg4[%mul3A_253] : memref<320000xi32, #tpu.memory_space<hbm>> -> memref<1280xi32, #tpu.memory_space<hbm>>
      %dma_start3A_255 = tpu.memref_slice %arg4[%mul3A_253] : memref<320000xi32, #tpu.memory_space<hbm>> -> memref<1280xi32, #tpu.memory_space<hbm>>
      tpu.enqueue_dma source(%dma_start3A_255 : memref<1280xi32, #tpu.memory_space<hbm>>) target(%arg18 : memref<1280xi32, #tpu.memory_space<vmem>>) target_semaphore(%arg22 : memref<!tpu.dma_semaphore, #tpu.memory_space<semaphore_mem>>)
      %mul3A_256 = arith.constant 1280 : i32
      %mul3A_257 = arith.muli %add3A_203, %mul3A_256 : i32
      %dma_start3A_258 = tpu.memref_slice %arg5[%mul3A_257] : memref<320000xi32, #tpu.memory_space<hbm>> -> memref<1280xi32, #tpu.memory_space<hbm>>
      %dma_start3A_259 = tpu.memref_slice %arg5[%mul3A_257] : memref<320000xi32, #tpu.memory_space<hbm>> -> memref<1280xi32, #tpu.memory_space<hbm>>
      tpu.enqueue_dma source(%dma_start3A_259 : memref<1280xi32, #tpu.memory_space<hbm>>) target(%arg20 : memref<1280xi32, #tpu.memory_space<vmem>>) target_semaphore(%arg22 : memref<!tpu.dma_semaphore, #tpu.memory_space<semaphore_mem>>)
      %scan3A_260 = arith.constant 0 : i32
      %scan3A_261 = arith.constant 0 : i32
      %scan3A_262 = arith.constant 10 : i32
      %scan3A_263 = arith.addi %scan3A_261, %scan3A_262 : i32
      %scan3A_264 = arith.constant 1 : i32
      %scan3A_265 = scf.for %scan3A_338 = %scan3A_261 to %scan3A_263 step %scan3A_264 iter_args(%scan3A_339 = %scan3A_260) -> (i32)  : i32 {
        %mul3A_340 = arith.constant 128 : i32
        %mul3A_341 = arith.muli %scan3A_338, %mul3A_340 : i32
        %add3A_342 = arith.constant 0 : i32
        %add3A_343 = arith.addi %mul3A_341, %add3A_342 : i32
        %get3A = arith.index_cast %add3A_343 : i32 to index
        %get3A_344 = tpu.vector_load %arg19[%get3A] {strides = array<i32>} : memref<1280xi32, #tpu.memory_space<vmem>>, vector<16xi32>,
        %add3A_345 = arith.constant 0 : i32
        %add3A_346 = arith.addi %mul3A_341, %add3A_345 : i32
        %get3A_347 = arith.index_cast %add3A_346 : i32 to index
        %get3A_348 = tpu.vector_load %arg17[%get3A_347] {strides = array<i32>} : memref<1280xi32, #tpu.memory_space<vmem>>, vector<16xi32>,
        %broadcast_in_dim3A_349 = arith.constant true
        %broadcast_in_dim3A_350 = vector.broadcast %broadcast_in_dim3A_349 : i1 to vector<16xi1>
        %unique3A, %unique3A_351 = tpu.scan_count mask(%broadcast_in_dim3A_350 : vector<16xi1>) value(%get3A_344 : vector<16xi32>) : vector<16xi1>, vector<16xi32>
        %add3A_352 = arith.constant 16 : i32
        %add3A_353 = arith.addi %mul3A_341, %add3A_352 : i32
        %get3A_354 = arith.index_cast %add3A_353 : i32 to index
        %get3A_355 = tpu.vector_load %arg19[%get3A_354] {strides = array<i32>} : memref<1280xi32, #tpu.memory_space<vmem>>, vector<16xi32>,
        %add3A_356 = arith.constant 16 : i32
        %add3A_357 = arith.addi %mul3A_341, %add3A_356 : i32
        %get3A_358 = arith.index_cast %add3A_357 : i32 to index
        %get3A_359 = tpu.vector_load %arg17[%get3A_358] {strides = array<i32>} : memref<1280xi32, #tpu.memory_space<vmem>>, vector<16xi32>,
        %broadcast_in_dim3A_360 = arith.constant true
        %broadcast_in_dim3A_361 = vector.broadcast %broadcast_in_dim3A_360 : i1 to vector<16xi1>
        %unique3A_362, %unique3A_363 = tpu.scan_count mask(%broadcast_in_dim3A_361 : vector<16xi1>) value(%get3A_355 : vector<16xi32>) : vector<16xi1>, vector<16xi32>
        %add3A_364 = arith.constant 32 : i32
        %add3A_365 = arith.addi %mul3A_341, %add3A_364 : i32
        %get3A_366 = arith.index_cast %add3A_365 : i32 to index
        %get3A_367 = tpu.vector_load %arg19[%get3A_366] {strides = array<i32>} : memref<1280xi32, #tpu.memory_space<vmem>>, vector<16xi32>,
        %add3A_368 = arith.constant 32 : i32
        %add3A_369 = arith.addi %mul3A_341, %add3A_368 : i32
        %get3A_370 = arith.index_cast %add3A_369 : i32 to index
        %get3A_371 = tpu.vector_load %arg17[%get3A_370] {strides = array<i32>} : memref<1280xi32, #tpu.memory_space<vmem>>, vector<16xi32>,
        %broadcast_in_dim3A_372 = arith.constant true
        %broadcast_in_dim3A_373 = vector.broadcast %broadcast_in_dim3A_372 : i1 to vector<16xi1>
        %unique3A_374, %unique3A_375 = tpu.scan_count mask(%broadcast_in_dim3A_373 : vector<16xi1>) value(%get3A_367 : vector<16xi32>) : vector<16xi1>, vector<16xi32>
        %add3A_376 = arith.constant 48 : i32
        %add3A_377 = arith.addi %mul3A_341, %add3A_376 : i32
        %get3A_378 = arith.index_cast %add3A_377 : i32 to index
        %get3A_379 = tpu.vector_load %arg19[%get3A_378] {strides = array<i32>} : memref<1280xi32, #tpu.memory_space<vmem>>, vector<16xi32>,
        %add3A_380 = arith.constant 48 : i32
        %add3A_381 = arith.addi %mul3A_341, %add3A_380 : i32
        %get3A_382 = arith.index_cast %add3A_381 : i32 to index
        %get3A_383 = tpu.vector_load %arg17[%get3A_382] {strides = array<i32>} : memref<1280xi32, #tpu.memory_space<vmem>>, vector<16xi32>,
        %broadcast_in_dim3A_384 = arith.constant true
        %broadcast_in_dim3A_385 = vector.broadcast %broadcast_in_dim3A_384 : i1 to vector<16xi1>
        %unique3A_386, %unique3A_387 = tpu.scan_count mask(%broadcast_in_dim3A_385 : vector<16xi1>) value(%get3A_379 : vector<16xi32>) : vector<16xi1>, vector<16xi32>
        %and3A_388 = arith.andi %unique3A, %unique3A_362 : vector<16xi1>
        %and3A_389 = arith.andi %and3A_388, %unique3A_374 : vector<16xi1>
        %and3A_390 = arith.andi %and3A_389, %unique3A_386 : vector<16xi1>
        %reduce_and3A = arith.constant 1.000000e+00 : f32
        %reduce_and3A_391 = arith.constant 0.000000e+00 : f32
        %reduce_and3A_392 = vector.broadcast %reduce_and3A : f32 to vector<16xf32>
        %reduce_and3A_393 = vector.broadcast %reduce_and3A_391 : f32 to vector<16xf32>
        %reduce_and3A_394 = arith.select %and3A_390, %reduce_and3A_392, %reduce_and3A_393 : vector<16xi1>, vector<16xf32>
        %reduce_and3A_395 = arith.constant true
        %reduce_and3A_396 = vector.broadcast %reduce_and3A_395 : i1 to vector<16xi1>
        %reduce_and3A_397 = tpu.scan <min>, %reduce_and3A_394 masked %reduce_and3A_396 : vector<16xf32>, vector<16xi1> -> vector<16xf32>
        %reduce_and3A_398 = vector.extract %reduce_and3A_397[15] : f32 from vector<16xf32>
        %reduce_and3A_399 = arith.constant 0.000000e+00 : f32
        %reduce_and3A_400 = arith.cmpf ogt, %reduce_and3A_398, %reduce_and3A_399 : f32
        %gather3A = tpu.vector_load_idx %arg7[%get3A_348] : memref<10000xf32, #tpu.memory_space<vmem>>[vector<16xi32>], vector<16xf32>,
        %add3A_401 = arith.constant 0 : i32
        %add3A_402 = arith.addi %mul3A_32, %add3A_401 : i32
        %add3A_403 = arith.constant 0 : i32
        %add3A_404 = arith.addi %mul3A_341, %add3A_403 : i32
        %get3A_405 = arith.index_cast %add3A_402 : i32 to index
        %get3A_406 = arith.index_cast %add3A_404 : i32 to index
        %get3A_407 = tpu.vector_load %arg15[%get3A_405, %get3A_406] {strides = array<i32>} : memref<8x1280xf32, #tpu.memory_space<vmem>>, vector<16xf32>,
        %add3A_408 = arith.addf %gather3A, %get3A_407 : vector<16xf32>
        %gather3A_409 = tpu.vector_load_idx %arg11[%get3A_344] : memref<10240xf32, #tpu.memory_space<vmem>>[vector<16xi32>], vector<16xf32>,
        %max3A = arith.maximumf %gather3A_409, %add3A_408 : vector<16xf32>
        tpu.vector_store_idx %arg11[%get3A_344], %max3A : memref<10240xf32, #tpu.memory_space<vmem>>[vector<16xi32>], vector<16xf32>,
        %gather3A_410 = tpu.vector_load_idx %arg8[%get3A_348] : memref<10000xf32, #tpu.memory_space<vmem>>[vector<16xi32>], vector<16xf32>,
        %add3A_411 = arith.constant 1 : i32
        %add3A_412 = arith.addi %mul3A_32, %add3A_411 : i32
        %add3A_413 = arith.constant 0 : i32
        %add3A_414 = arith.addi %mul3A_341, %add3A_413 : i32
        %get3A_415 = arith.index_cast %add3A_412 : i32 to index
        %get3A_416 = arith.index_cast %add3A_414 : i32 to index
        %get3A_417 = tpu.vector_load %arg15[%get3A_415, %get3A_416] {strides = array<i32>} : memref<8x1280xf32, #tpu.memory_space<vmem>>, vector<16xf32>,
        %add3A_418 = arith.addf %gather3A_410, %get3A_417 : vector<16xf32>
        %gather3A_419 = tpu.vector_load_idx %arg12[%get3A_344] : memref<10240xf32, #tpu.memory_space<vmem>>[vector<16xi32>], vector<16xf32>,
        %max3A_420 = arith.maximumf %gather3A_419, %add3A_418 : vector<16xf32>
        tpu.vector_store_idx %arg12[%get3A_344], %max3A_420 : memref<10240xf32, #tpu.memory_space<vmem>>[vector<16xi32>], vector<16xf32>,
        %gather3A_421 = tpu.vector_load_idx %arg9[%get3A_348] : memref<10000xf32, #tpu.memory_space<vmem>>[vector<16xi32>], vector<16xf32>,
        %add3A_422 = arith.constant 2 : i32
        %add3A_423 = arith.addi %mul3A_32, %add3A_422 : i32
        %add3A_424 = arith.constant 0 : i32
        %add3A_425 = arith.addi %mul3A_341, %add3A_424 : i32
        %get3A_426 = arith.index_cast %add3A_423 : i32 to index
        %get3A_427 = arith.index_cast %add3A_425 : i32 to index
        %get3A_428 = tpu.vector_load %arg15[%get3A_426, %get3A_427] {strides = array<i32>} : memref<8x1280xf32, #tpu.memory_space<vmem>>, vector<16xf32>,
        %add3A_429 = arith.addf %gather3A_421, %get3A_428 : vector<16xf32>
        %gather3A_430 = tpu.vector_load_idx %arg13[%get3A_344] : memref<10240xf32, #tpu.memory_space<vmem>>[vector<16xi32>], vector<16xf32>,
        %max3A_431 = arith.maximumf %gather3A_430, %add3A_429 : vector<16xf32>
        tpu.vector_store_idx %arg13[%get3A_344], %max3A_431 : memref<10240xf32, #tpu.memory_space<vmem>>[vector<16xi32>], vector<16xf32>,
        %gather3A_432 = tpu.vector_load_idx %arg10[%get3A_348] : memref<10000xf32, #tpu.memory_space<vmem>>[vector<16xi32>], vector<16xf32>,
        %add3A_433 = arith.constant 3 : i32
        %add3A_434 = arith.addi %mul3A_32, %add3A_433 : i32
        %add3A_435 = arith.constant 0 : i32
        %add3A_436 = arith.addi %mul3A_341, %add3A_435 : i32
        %get3A_437 = arith.index_cast %add3A_434 : i32 to index
        %get3A_438 = arith.index_cast %add3A_436 : i32 to index
        %get3A_439 = tpu.vector_load %arg15[%get3A_437, %get3A_438] {strides = array<i32>} : memref<8x1280xf32, #tpu.memory_space<vmem>>, vector<16xf32>,
        %add3A_440 = arith.addf %gather3A_432, %get3A_439 : vector<16xf32>
        %gather3A_441 = tpu.vector_load_idx %arg14[%get3A_344] : memref<10240xf32, #tpu.memory_space<vmem>>[vector<16xi32>], vector<16xf32>,
        %max3A_442 = arith.maximumf %gather3A_441, %add3A_440 : vector<16xf32>
        tpu.vector_store_idx %arg14[%get3A_344], %max3A_442 : memref<10240xf32, #tpu.memory_space<vmem>>[vector<16xi32>], vector<16xf32>,
        %gather3A_443 = tpu.vector_load_idx %arg7[%get3A_359] : memref<10000xf32, #tpu.memory_space<vmem>>[vector<16xi32>], vector<16xf32>,
        %add3A_444 = arith.constant 0 : i32
        %add3A_445 = arith.addi %mul3A_32, %add3A_444 : i32
        %add3A_446 = arith.constant 16 : i32
        %add3A_447 = arith.addi %mul3A_341, %add3A_446 : i32
        %get3A_448 = arith.index_cast %add3A_445 : i32 to index
        %get3A_449 = arith.index_cast %add3A_447 : i32 to index
        %get3A_450 = tpu.vector_load %arg15[%get3A_448, %get3A_449] {strides = array<i32>} : memref<8x1280xf32, #tpu.memory_space<vmem>>, vector<16xf32>,
        %add3A_451 = arith.addf %gather3A_443, %get3A_450 : vector<16xf32>
        %gather3A_452 = tpu.vector_load_idx %arg11[%get3A_355] : memref<10240xf32, #tpu.memory_space<vmem>>[vector<16xi32>], vector<16xf32>,
        %max3A_453 = arith.maximumf %gather3A_452, %add3A_451 : vector<16xf32>
        tpu.vector_store_idx %arg11[%get3A_355], %max3A_453 : memref<10240xf32, #tpu.memory_space<vmem>>[vector<16xi32>], vector<16xf32>,
        %gather3A_454 = tpu.vector_load_idx %arg8[%get3A_359] : memref<10000xf32, #tpu.memory_space<vmem>>[vector<16xi32>], vector<16xf32>,
        %add3A_455 = arith.constant 1 : i32
        %add3A_456 = arith.addi %mul3A_32, %add3A_455 : i32
        %add3A_457 = arith.constant 16 : i32
        %add3A_458 = arith.addi %mul3A_341, %add3A_457 : i32
        %get3A_459 = arith.index_cast %add3A_456 : i32 to index
        %get3A_460 = arith.index_cast %add3A_458 : i32 to index
        %get3A_461 = tpu.vector_load %arg15[%get3A_459, %get3A_460] {strides = array<i32>} : memref<8x1280xf32, #tpu.memory_space<vmem>>, vector<16xf32>,
        %add3A_462 = arith.addf %gather3A_454, %get3A_461 : vector<16xf32>
        %gather3A_463 = tpu.vector_load_idx %arg12[%get3A_355] : memref<10240xf32, #tpu.memory_space<vmem>>[vector<16xi32>], vector<16xf32>,
        %max3A_464 = arith.maximumf %gather3A_463, %add3A_462 : vector<16xf32>
        tpu.vector_store_idx %arg12[%get3A_355], %max3A_464 : memref<10240xf32, #tpu.memory_space<vmem>>[vector<16xi32>], vector<16xf32>,
        %gather3A_465 = tpu.vector_load_idx %arg9[%get3A_359] : memref<10000xf32, #tpu.memory_space<vmem>>[vector<16xi32>], vector<16xf32>,
        %add3A_466 = arith.constant 2 : i32
        %add3A_467 = arith.addi %mul3A_32, %add3A_466 : i32
        %add3A_468 = arith.constant 16 : i32
        %add3A_469 = arith.addi %mul3A_341, %add3A_468 : i32
        %get3A_470 = arith.index_cast %add3A_467 : i32 to index
        %get3A_471 = arith.index_cast %add3A_469 : i32 to index
        %get3A_472 = tpu.vector_load %arg15[%get3A_470, %get3A_471] {strides = array<i32>} : memref<8x1280xf32, #tpu.memory_space<vmem>>, vector<16xf32>,
        %add3A_473 = arith.addf %gather3A_465, %get3A_472 : vector<16xf32>
        %gather3A_474 = tpu.vector_load_idx %arg13[%get3A_355] : memref<10240xf32, #tpu.memory_space<vmem>>[vector<16xi32>], vector<16xf32>,
        %max3A_475 = arith.maximumf %gather3A_474, %add3A_473 : vector<16xf32>
        tpu.vector_store_idx %arg13[%get3A_355], %max3A_475 : memref<10240xf32, #tpu.memory_space<vmem>>[vector<16xi32>], vector<16xf32>,
        %gather3A_476 = tpu.vector_load_idx %arg10[%get3A_359] : memref<10000xf32, #tpu.memory_space<vmem>>[vector<16xi32>], vector<16xf32>,
        %add3A_477 = arith.constant 3 : i32
        %add3A_478 = arith.addi %mul3A_32, %add3A_477 : i32
        %add3A_479 = arith.constant 16 : i32
        %add3A_480 = arith.addi %mul3A_341, %add3A_479 : i32
        %get3A_481 = arith.index_cast %add3A_478 : i32 to index
        %get3A_482 = arith.index_cast %add3A_480 : i32 to index
        %get3A_483 = tpu.vector_load %arg15[%get3A_481, %get3A_482] {strides = array<i32>} : memref<8x1280xf32, #tpu.memory_space<vmem>>, vector<16xf32>,
        %add3A_484 = arith.addf %gather3A_476, %get3A_483 : vector<16xf32>
        %gather3A_485 = tpu.vector_load_idx %arg14[%get3A_355] : memref<10240xf32, #tpu.memory_space<vmem>>[vector<16xi32>], vector<16xf32>,
        %max3A_486 = arith.maximumf %gather3A_485, %add3A_484 : vector<16xf32>
        tpu.vector_store_idx %arg14[%get3A_355], %max3A_486 : memref<10240xf32, #tpu.memory_space<vmem>>[vector<16xi32>], vector<16xf32>,
        %gather3A_487 = tpu.vector_load_idx %arg7[%get3A_371] : memref<10000xf32, #tpu.memory_space<vmem>>[vector<16xi32>], vector<16xf32>,
        %add3A_488 = arith.constant 0 : i32
        %add3A_489 = arith.addi %mul3A_32, %add3A_488 : i32
        %add3A_490 = arith.constant 32 : i32
        %add3A_491 = arith.addi %mul3A_341, %add3A_490 : i32
        %get3A_492 = arith.index_cast %add3A_489 : i32 to index
        %get3A_493 = arith.index_cast %add3A_491 : i32 to index
        %get3A_494 = tpu.vector_load %arg15[%get3A_492, %get3A_493] {strides = array<i32>} : memref<8x1280xf32, #tpu.memory_space<vmem>>, vector<16xf32>,
        %add3A_495 = arith.addf %gather3A_487, %get3A_494 : vector<16xf32>
        %gather3A_496 = tpu.vector_load_idx %arg11[%get3A_367] : memref<10240xf32, #tpu.memory_space<vmem>>[vector<16xi32>], vector<16xf32>,
        %max3A_497 = arith.maximumf %gather3A_496, %add3A_495 : vector<16xf32>
        tpu.vector_store_idx %arg11[%get3A_367], %max3A_497 : memref<10240xf32, #tpu.memory_space<vmem>>[vector<16xi32>], vector<16xf32>,
        %gather3A_498 = tpu.vector_load_idx %arg8[%get3A_371] : memref<10000xf32, #tpu.memory_space<vmem>>[vector<16xi32>], vector<16xf32>,
        %add3A_499 = arith.constant 1 : i32
        %add3A_500 = arith.addi %mul3A_32, %add3A_499 : i32
        %add3A_501 = arith.constant 32 : i32
        %add3A_502 = arith.addi %mul3A_341, %add3A_501 : i32
        %get3A_503 = arith.index_cast %add3A_500 : i32 to index
        %get3A_504 = arith.index_cast %add3A_502 : i32 to index
        %get3A_505 = tpu.vector_load %arg15[%get3A_503, %get3A_504] {strides = array<i32>} : memref<8x1280xf32, #tpu.memory_space<vmem>>, vector<16xf32>,
        %add3A_506 = arith.addf %gather3A_498, %get3A_505 : vector<16xf32>
        %gather3A_507 = tpu.vector_load_idx %arg12[%get3A_367] : memref<10240xf32, #tpu.memory_space<vmem>>[vector<16xi32>], vector<16xf32>,
        %max3A_508 = arith.maximumf %gather3A_507, %add3A_506 : vector<16xf32>
        tpu.vector_store_idx %arg12[%get3A_367], %max3A_508 : memref<10240xf32, #tpu.memory_space<vmem>>[vector<16xi32>], vector<16xf32>,
        %gather3A_509 = tpu.vector_load_idx %arg9[%get3A_371] : memref<10000xf32, #tpu.memory_space<vmem>>[vector<16xi32>], vector<16xf32>,
        %add3A_510 = arith.constant 2 : i32
        %add3A_511 = arith.addi %mul3A_32, %add3A_510 : i32
        %add3A_512 = arith.constant 32 : i32
        %add3A_513 = arith.addi %mul3A_341, %add3A_512 : i32
        %get3A_514 = arith.index_cast %add3A_511 : i32 to index
        %get3A_515 = arith.index_cast %add3A_513 : i32 to index
        %get3A_516 = tpu.vector_load %arg15[%get3A_514, %get3A_515] {strides = array<i32>} : memref<8x1280xf32, #tpu.memory_space<vmem>>, vector<16xf32>,
        %add3A_517 = arith.addf %gather3A_509, %get3A_516 : vector<16xf32>
        %gather3A_518 = tpu.vector_load_idx %arg13[%get3A_367] : memref<10240xf32, #tpu.memory_space<vmem>>[vector<16xi32>], vector<16xf32>,
        %max3A_519 = arith.maximumf %gather3A_518, %add3A_517 : vector<16xf32>
        tpu.vector_store_idx %arg13[%get3A_367], %max3A_519 : memref<10240xf32, #tpu.memory_space<vmem>>[vector<16xi32>], vector<16xf32>,
        %gather3A_520 = tpu.vector_load_idx %arg10[%get3A_371] : memref<10000xf32, #tpu.memory_space<vmem>>[vector<16xi32>], vector<16xf32>,
        %add3A_521 = arith.constant 3 : i32
        %add3A_522 = arith.addi %mul3A_32, %add3A_521 : i32
        %add3A_523 = arith.constant 32 : i32
        %add3A_524 = arith.addi %mul3A_341, %add3A_523 : i32
        %get3A_525 = arith.index_cast %add3A_522 : i32 to index
        %get3A_526 = arith.index_cast %add3A_524 : i32 to index
        %get3A_527 = tpu.vector_load %arg15[%get3A_525, %get3A_526] {strides = array<i32>} : memref<8x1280xf32, #tpu.memory_space<vmem>>, vector<16xf32>,
        %add3A_528 = arith.addf %gather3A_520, %get3A_527 : vector<16xf32>
        %gather3A_529 = tpu.vector_load_idx %arg14[%get3A_367] : memref<10240xf32, #tpu.memory_space<vmem>>[vector<16xi32>], vector<16xf32>,
        %max3A_530 = arith.maximumf %gather3A_529, %add3A_528 : vector<16xf32>
        tpu.vector_store_idx %arg14[%get3A_367], %max3A_530 : memref<10240xf32, #tpu.memory_space<vmem>>[vector<16xi32>], vector<16xf32>,
        %gather3A_531 = tpu.vector_load_idx %arg7[%get3A_383] : memref<10000xf32, #tpu.memory_space<vmem>>[vector<16xi32>], vector<16xf32>,
        %add3A_532 = arith.constant 0 : i32
        %add3A_533 = arith.addi %mul3A_32, %add3A_532 : i32
        %add3A_534 = arith.constant 48 : i32
        %add3A_535 = arith.addi %mul3A_341, %add3A_534 : i32
        %get3A_536 = arith.index_cast %add3A_533 : i32 to index
        %get3A_537 = arith.index_cast %add3A_535 : i32 to index
        %get3A_538 = tpu.vector_load %arg15[%get3A_536, %get3A_537] {strides = array<i32>} : memref<8x1280xf32, #tpu.memory_space<vmem>>, vector<16xf32>,
        %add3A_539 = arith.addf %gather3A_531, %get3A_538 : vector<16xf32>
        %gather3A_540 = tpu.vector_load_idx %arg11[%get3A_379] : memref<10240xf32, #tpu.memory_space<vmem>>[vector<16xi32>], vector<16xf32>,
        %max3A_541 = arith.maximumf %gather3A_540, %add3A_539 : vector<16xf32>
        tpu.vector_store_idx %arg11[%get3A_379], %max3A_541 : memref<10240xf32, #tpu.memory_space<vmem>>[vector<16xi32>], vector<16xf32>,
        %gather3A_542 = tpu.vector_load_idx %arg8[%get3A_383] : memref<10000xf32, #tpu.memory_space<vmem>>[vector<16xi32>], vector<16xf32>,
        %add3A_543 = arith.constant 1 : i32
        %add3A_544 = arith.addi %mul3A_32, %add3A_543 : i32
        %add3A_545 = arith.constant 48 : i32
        %add3A_546 = arith.addi %mul3A_341, %add3A_545 : i32
        %get3A_547 = arith.index_cast %add3A_544 : i32 to index
        %get3A_548 = arith.index_cast %add3A_546 : i32 to index
        %get3A_549 = tpu.vector_load %arg15[%get3A_547, %get3A_548] {strides = array<i32>} : memref<8x1280xf32, #tpu.memory_space<vmem>>, vector<16xf32>,
        %add3A_550 = arith.addf %gather3A_542, %get3A_549 : vector<16xf32>
        %gather3A_551 = tpu.vector_load_idx %arg12[%get3A_379] : memref<10240xf32, #tpu.memory_space<vmem>>[vector<16xi32>], vector<16xf32>,
        %max3A_552 = arith.maximumf %gather3A_551, %add3A_550 : vector<16xf32>
        tpu.vector_store_idx %arg12[%get3A_379], %max3A_552 : memref<10240xf32, #tpu.memory_space<vmem>>[vector<16xi32>], vector<16xf32>,
        %gather3A_553 = tpu.vector_load_idx %arg9[%get3A_383] : memref<10000xf32, #tpu.memory_space<vmem>>[vector<16xi32>], vector<16xf32>,
        %add3A_554 = arith.constant 2 : i32
        %add3A_555 = arith.addi %mul3A_32, %add3A_554 : i32
        %add3A_556 = arith.constant 48 : i32
        %add3A_557 = arith.addi %mul3A_341, %add3A_556 : i32
        %get3A_558 = arith.index_cast %add3A_555 : i32 to index
        %get3A_559 = arith.index_cast %add3A_557 : i32 to index
        %get3A_560 = tpu.vector_load %arg15[%get3A_558, %get3A_559] {strides = array<i32>} : memref<8x1280xf32, #tpu.memory_space<vmem>>, vector<16xf32>,
        %add3A_561 = arith.addf %gather3A_553, %get3A_560 : vector<16xf32>
        %gather3A_562 = tpu.vector_load_idx %arg13[%get3A_379] : memref<10240xf32, #tpu.memory_space<vmem>>[vector<16xi32>], vector<16xf32>,
        %max3A_563 = arith.maximumf %gather3A_562, %add3A_561 : vector<16xf32>
        tpu.vector_store_idx %arg13[%get3A_379], %max3A_563 : memref<10240xf32, #tpu.memory_space<vmem>>[vector<16xi32>], vector<16xf32>,
        %gather3A_564 = tpu.vector_load_idx %arg10[%get3A_383] : memref<10000xf32, #tpu.memory_space<vmem>>[vector<16xi32>], vector<16xf32>,
        %add3A_565 = arith.constant 3 : i32
        %add3A_566 = arith.addi %mul3A_32, %add3A_565 : i32
        %add3A_567 = arith.constant 48 : i32
        %add3A_568 = arith.addi %mul3A_341, %add3A_567 : i32
        %get3A_569 = arith.index_cast %add3A_566 : i32 to index
        %get3A_570 = arith.index_cast %add3A_568 : i32 to index
        %get3A_571 = tpu.vector_load %arg15[%get3A_569, %get3A_570] {strides = array<i32>} : memref<8x1280xf32, #tpu.memory_space<vmem>>, vector<16xf32>,
        %add3A_572 = arith.addf %gather3A_564, %get3A_571 : vector<16xf32>
        %gather3A_573 = tpu.vector_load_idx %arg14[%get3A_379] : memref<10240xf32, #tpu.memory_space<vmem>>[vector<16xi32>], vector<16xf32>,
        %max3A_574 = arith.maximumf %gather3A_573, %add3A_572 : vector<16xf32>
        tpu.vector_store_idx %arg14[%get3A_379], %max3A_574 : memref<10240xf32, #tpu.memory_space<vmem>>[vector<16xi32>], vector<16xf32>,
        %not3A = arith.constant true
        %not3A_575 = arith.xori %reduce_and3A_400, %not3A : i1
        %convert_element_type3A_576 = arith.extui %not3A_575 : i1 to i32
        %cond3A_577 = arith.constant 0 : i32
        %cond3A_578 = arith.cmpi ne, %convert_element_type3A_576, %cond3A_577 : i32
        scf.if %cond3A_578 {
          %broadcast_in_dim3A_827 = arith.constant false
          %broadcast_in_dim3A_828 = vector.broadcast %broadcast_in_dim3A_827 : i1 to vector<16xi1>
          %gather3A_829 = tpu.vector_load_idx %arg11[%get3A_344] : memref<10240xf32, #tpu.memory_space<vmem>>[vector<16xi32>], vector<16xf32>,
          %lt3A_830 = arith.cmpf olt, %gather3A_829, %add3A_408 : vector<16xf32>
          %or3A = arith.ori %broadcast_in_dim3A_828, %lt3A_830 : vector<16xi1>
          %gather3A_831 = tpu.vector_load_idx %arg12[%get3A_344] : memref<10240xf32, #tpu.memory_space<vmem>>[vector<16xi32>], vector<16xf32>,
          %lt3A_832 = arith.cmpf olt, %gather3A_831, %add3A_418 : vector<16xf32>
          %or3A_833 = arith.ori %or3A, %lt3A_832 : vector<16xi1>
          %gather3A_834 = tpu.vector_load_idx %arg13[%get3A_344] : memref<10240xf32, #tpu.memory_space<vmem>>[vector<16xi32>], vector<16xf32>,
          %lt3A_835 = arith.cmpf olt, %gather3A_834, %add3A_429 : vector<16xf32>
          %or3A_836 = arith.ori %or3A_833, %lt3A_835 : vector<16xi1>
          %gather3A_837 = tpu.vector_load_idx %arg14[%get3A_344] : memref<10240xf32, #tpu.memory_space<vmem>>[vector<16xi32>], vector<16xf32>,
          %lt3A_838 = arith.cmpf olt, %gather3A_837, %add3A_440 : vector<16xf32>
          %or3A_839 = arith.ori %or3A_836, %lt3A_838 : vector<16xi1>
          %while3A = scf.while (%while3A_885 = %or3A_839) : (vector<16xi1>) -> vector<16xi1> {
            %reduce_or3A = arith.constant 1.000000e+00 : f32
            %reduce_or3A_886 = arith.constant 0.000000e+00 : f32
            %reduce_or3A_887 = vector.broadcast %reduce_or3A : f32 to vector<16xf32>
            %reduce_or3A_888 = vector.broadcast %reduce_or3A_886 : f32 to vector<16xf32>
            %reduce_or3A_889 = arith.select %while3A_885, %reduce_or3A_887, %reduce_or3A_888 : vector<16xi1>, vector<16xf32>
            %reduce_or3A_890 = arith.constant true
            %reduce_or3A_891 = vector.broadcast %reduce_or3A_890 : i1 to vector<16xi1>
            %reduce_or3A_892 = tpu.scan <max>, %reduce_or3A_889 masked %reduce_or3A_891 : vector<16xf32>, vector<16xi1> -> vector<16xf32>
            %reduce_or3A_893 = vector.extract %reduce_or3A_892[15] : f32 from vector<16xf32>
            %reduce_or3A_894 = arith.constant 0.000000e+00 : f32
            %reduce_or3A_895 = arith.cmpf ogt, %reduce_or3A_893, %reduce_or3A_894 : f32
            scf.condition(%reduce_or3A_895) %while3A_885 : vector<16xi1>
          } do {
          ^bb0(%while3A_885: vector<16xi1>):
            %gather3A_886 = tpu.vector_load_idx %arg11[%get3A_344] : memref<10240xf32, #tpu.memory_space<vmem>>[vector<16xi32>], vector<16xf32>,
            %max3A_887 = arith.maximumf %gather3A_886, %add3A_408 : vector<16xf32>
            tpu.vector_store_idx %arg11[%get3A_344], %max3A_887 masked %while3A_885 : memref<10240xf32, #tpu.memory_space<vmem>>[vector<16xi32>], vector<16xf32>, vector<16xi1>
            %gather3A_888 = tpu.vector_load_idx %arg12[%get3A_344] : memref<10240xf32, #tpu.memory_space<vmem>>[vector<16xi32>], vector<16xf32>,
            %max3A_889 = arith.maximumf %gather3A_888, %add3A_418 : vector<16xf32>
            tpu.vector_store_idx %arg12[%get3A_344], %max3A_889 masked %while3A_885 : memref<10240xf32, #tpu.memory_space<vmem>>[vector<16xi32>], vector<16xf32>, vector<16xi1>
            %gather3A_890 = tpu.vector_load_idx %arg13[%get3A_344] : memref<10240xf32, #tpu.memory_space<vmem>>[vector<16xi32>], vector<16xf32>,
            %max3A_891 = arith.maximumf %gather3A_890, %add3A_429 : vector<16xf32>
            tpu.vector_store_idx %arg13[%get3A_344], %max3A_891 masked %while3A_885 : memref<10240xf32, #tpu.memory_space<vmem>>[vector<16xi32>], vector<16xf32>, vector<16xi1>
            %gather3A_892 = tpu.vector_load_idx %arg14[%get3A_344] : memref<10240xf32, #tpu.memory_space<vmem>>[vector<16xi32>], vector<16xf32>,
            %max3A_893 = arith.maximumf %gather3A_892, %add3A_440 : vector<16xf32>
            tpu.vector_store_idx %arg14[%get3A_344], %max3A_893 masked %while3A_885 : memref<10240xf32, #tpu.memory_space<vmem>>[vector<16xi32>], vector<16xf32>, vector<16xi1>
            %broadcast_in_dim3A_894 = arith.constant false
            %broadcast_in_dim3A_895 = vector.broadcast %broadcast_in_dim3A_894 : i1 to vector<16xi1>
            %gather3A_896 = tpu.vector_load_idx %arg11[%get3A_344] : memref<10240xf32, #tpu.memory_space<vmem>>[vector<16xi32>], vector<16xf32>,
            %lt3A_897 = arith.cmpf olt, %gather3A_896, %add3A_408 : vector<16xf32>
            %or3A_898 = arith.ori %broadcast_in_dim3A_895, %lt3A_897 : vector<16xi1>
            %gather3A_899 = tpu.vector_load_idx %arg12[%get3A_344] : memref<10240xf32, #tpu.memory_space<vmem>>[vector<16xi32>], vector<16xf32>,
            %lt3A_900 = arith.cmpf olt, %gather3A_899, %add3A_418 : vector<16xf32>
            %or3A_901 = arith.ori %or3A_898, %lt3A_900 : vector<16xi1>
            %gather3A_902 = tpu.vector_load_idx %arg13[%get3A_344] : memref<10240xf32, #tpu.memory_space<vmem>>[vector<16xi32>], vector<16xf32>,
            %lt3A_903 = arith.cmpf olt, %gather3A_902, %add3A_429 : vector<16xf32>
            %or3A_904 = arith.ori %or3A_901, %lt3A_903 : vector<16xi1>
            %gather3A_905 = tpu.vector_load_idx %arg14[%get3A_344] : memref<10240xf32, #tpu.memory_space<vmem>>[vector<16xi32>], vector<16xf32>,
            %lt3A_906 = arith.cmpf olt, %gather3A_905, %add3A_440 : vector<16xf32>
            %or3A_907 = arith.ori %or3A_904, %lt3A_906 : vector<16xi1>
            scf.yield %or3A_907 : vector<16xi1>
          }
          %broadcast_in_dim3A_840 = arith.constant false
          %broadcast_in_dim3A_841 = vector.broadcast %broadcast_in_dim3A_840 : i1 to vector<16xi1>
          %gather3A_842 = tpu.vector_load_idx %arg11[%get3A_355] : memref<10240xf32, #tpu.memory_space<vmem>>[vector<16xi32>], vector<16xf32>,
          %lt3A_843 = arith.cmpf olt, %gather3A_842, %add3A_451 : vector<16xf32>
          %or3A_844 = arith.ori %broadcast_in_dim3A_841, %lt3A_843 : vector<16xi1>
          %gather3A_845 = tpu.vector_load_idx %arg12[%get3A_355] : memref<10240xf32, #tpu.memory_space<vmem>>[vector<16xi32>], vector<16xf32>,
          %lt3A_846 = arith.cmpf olt, %gather3A_845, %add3A_462 : vector<16xf32>
          %or3A_847 = arith.ori %or3A_844, %lt3A_846 : vector<16xi1>
          %gather3A_848 = tpu.vector_load_idx %arg13[%get3A_355] : memref<10240xf32, #tpu.memory_space<vmem>>[vector<16xi32>], vector<16xf32>,
          %lt3A_849 = arith.cmpf olt, %gather3A_848, %add3A_473 : vector<16xf32>
          %or3A_850 = arith.ori %or3A_847, %lt3A_849 : vector<16xi1>
          %gather3A_851 = tpu.vector_load_idx %arg14[%get3A_355] : memref<10240xf32, #tpu.memory_space<vmem>>[vector<16xi32>], vector<16xf32>,
          %lt3A_852 = arith.cmpf olt, %gather3A_851, %add3A_484 : vector<16xf32>
          %or3A_853 = arith.ori %or3A_850, %lt3A_852 : vector<16xi1>
          %while3A_854 = scf.while (%while3A_885 = %or3A_853) : (vector<16xi1>) -> vector<16xi1> {
            %reduce_or3A = arith.constant 1.000000e+00 : f32
            %reduce_or3A_886 = arith.constant 0.000000e+00 : f32
            %reduce_or3A_887 = vector.broadcast %reduce_or3A : f32 to vector<16xf32>
            %reduce_or3A_888 = vector.broadcast %reduce_or3A_886 : f32 to vector<16xf32>
            %reduce_or3A_889 = arith.select %while3A_885, %reduce_or3A_887, %reduce_or3A_888 : vector<16xi1>, vector<16xf32>
            %reduce_or3A_890 = arith.constant true
            %reduce_or3A_891 = vector.broadcast %reduce_or3A_890 : i1 to vector<16xi1>
            %reduce_or3A_892 = tpu.scan <max>, %reduce_or3A_889 masked %reduce_or3A_891 : vector<16xf32>, vector<16xi1> -> vector<16xf32>
            %reduce_or3A_893 = vector.extract %reduce_or3A_892[15] : f32 from vector<16xf32>
            %reduce_or3A_894 = arith.constant 0.000000e+00 : f32
            %reduce_or3A_895 = arith.cmpf ogt, %reduce_or3A_893, %reduce_or3A_894 : f32
            scf.condition(%reduce_or3A_895) %while3A_885 : vector<16xi1>
          } do {
          ^bb0(%while3A_885: vector<16xi1>):
            %gather3A_886 = tpu.vector_load_idx %arg11[%get3A_355] : memref<10240xf32, #tpu.memory_space<vmem>>[vector<16xi32>], vector<16xf32>,
            %max3A_887 = arith.maximumf %gather3A_886, %add3A_451 : vector<16xf32>
            tpu.vector_store_idx %arg11[%get3A_355], %max3A_887 masked %while3A_885 : memref<10240xf32, #tpu.memory_space<vmem>>[vector<16xi32>], vector<16xf32>, vector<16xi1>
            %gather3A_888 = tpu.vector_load_idx %arg12[%get3A_355] : memref<10240xf32, #tpu.memory_space<vmem>>[vector<16xi32>], vector<16xf32>,
            %max3A_889 = arith.maximumf %gather3A_888, %add3A_462 : vector<16xf32>
            tpu.vector_store_idx %arg12[%get3A_355], %max3A_889 masked %while3A_885 : memref<10240xf32, #tpu.memory_space<vmem>>[vector<16xi32>], vector<16xf32>, vector<16xi1>
            %gather3A_890 = tpu.vector_load_idx %arg13[%get3A_355] : memref<10240xf32, #tpu.memory_space<vmem>>[vector<16xi32>], vector<16xf32>,
            %max3A_891 = arith.maximumf %gather3A_890, %add3A_473 : vector<16xf32>
            tpu.vector_store_idx %arg13[%get3A_355], %max3A_891 masked %while3A_885 : memref<10240xf32, #tpu.memory_space<vmem>>[vector<16xi32>], vector<16xf32>, vector<16xi1>
            %gather3A_892 = tpu.vector_load_idx %arg14[%get3A_355] : memref<10240xf32, #tpu.memory_space<vmem>>[vector<16xi32>], vector<16xf32>,
            %max3A_893 = arith.maximumf %gather3A_892, %add3A_484 : vector<16xf32>
            tpu.vector_store_idx %arg14[%get3A_355], %max3A_893 masked %while3A_885 : memref<10240xf32, #tpu.memory_space<vmem>>[vector<16xi32>], vector<16xf32>, vector<16xi1>
            %broadcast_in_dim3A_894 = arith.constant false
            %broadcast_in_dim3A_895 = vector.broadcast %broadcast_in_dim3A_894 : i1 to vector<16xi1>
            %gather3A_896 = tpu.vector_load_idx %arg11[%get3A_355] : memref<10240xf32, #tpu.memory_space<vmem>>[vector<16xi32>], vector<16xf32>,
            %lt3A_897 = arith.cmpf olt, %gather3A_896, %add3A_451 : vector<16xf32>
            %or3A_898 = arith.ori %broadcast_in_dim3A_895, %lt3A_897 : vector<16xi1>
            %gather3A_899 = tpu.vector_load_idx %arg12[%get3A_355] : memref<10240xf32, #tpu.memory_space<vmem>>[vector<16xi32>], vector<16xf32>,
            %lt3A_900 = arith.cmpf olt, %gather3A_899, %add3A_462 : vector<16xf32>
            %or3A_901 = arith.ori %or3A_898, %lt3A_900 : vector<16xi1>
            %gather3A_902 = tpu.vector_load_idx %arg13[%get3A_355] : memref<10240xf32, #tpu.memory_space<vmem>>[vector<16xi32>], vector<16xf32>,
            %lt3A_903 = arith.cmpf olt, %gather3A_902, %add3A_473 : vector<16xf32>
            %or3A_904 = arith.ori %or3A_901, %lt3A_903 : vector<16xi1>
            %gather3A_905 = tpu.vector_load_idx %arg14[%get3A_355] : memref<10240xf32, #tpu.memory_space<vmem>>[vector<16xi32>], vector<16xf32>,
            %lt3A_906 = arith.cmpf olt, %gather3A_905, %add3A_484 : vector<16xf32>
            %or3A_907 = arith.ori %or3A_904, %lt3A_906 : vector<16xi1>
            scf.yield %or3A_907 : vector<16xi1>
          }
          %broadcast_in_dim3A_855 = arith.constant false
          %broadcast_in_dim3A_856 = vector.broadcast %broadcast_in_dim3A_855 : i1 to vector<16xi1>
          %gather3A_857 = tpu.vector_load_idx %arg11[%get3A_367] : memref<10240xf32, #tpu.memory_space<vmem>>[vector<16xi32>], vector<16xf32>,
          %lt3A_858 = arith.cmpf olt, %gather3A_857, %add3A_495 : vector<16xf32>
          %or3A_859 = arith.ori %broadcast_in_dim3A_856, %lt3A_858 : vector<16xi1>
          %gather3A_860 = tpu.vector_load_idx %arg12[%get3A_367] : memref<10240xf32, #tpu.memory_space<vmem>>[vector<16xi32>], vector<16xf32>,
          %lt3A_861 = arith.cmpf olt, %gather3A_860, %add3A_506 : vector<16xf32>
          %or3A_862 = arith.ori %or3A_859, %lt3A_861 : vector<16xi1>
          %gather3A_863 = tpu.vector_load_idx %arg13[%get3A_367] : memref<10240xf32, #tpu.memory_space<vmem>>[vector<16xi32>], vector<16xf32>,
          %lt3A_864 = arith.cmpf olt, %gather3A_863, %add3A_517 : vector<16xf32>
          %or3A_865 = arith.ori %or3A_862, %lt3A_864 : vector<16xi1>
          %gather3A_866 = tpu.vector_load_idx %arg14[%get3A_367] : memref<10240xf32, #tpu.memory_space<vmem>>[vector<16xi32>], vector<16xf32>,
          %lt3A_867 = arith.cmpf olt, %gather3A_866, %add3A_528 : vector<16xf32>
          %or3A_868 = arith.ori %or3A_865, %lt3A_867 : vector<16xi1>
          %while3A_869 = scf.while (%while3A_885 = %or3A_868) : (vector<16xi1>) -> vector<16xi1> {
            %reduce_or3A = arith.constant 1.000000e+00 : f32
            %reduce_or3A_886 = arith.constant 0.000000e+00 : f32
            %reduce_or3A_887 = vector.broadcast %reduce_or3A : f32 to vector<16xf32>
            %reduce_or3A_888 = vector.broadcast %reduce_or3A_886 : f32 to vector<16xf32>
            %reduce_or3A_889 = arith.select %while3A_885, %reduce_or3A_887, %reduce_or3A_888 : vector<16xi1>, vector<16xf32>
            %reduce_or3A_890 = arith.constant true
            %reduce_or3A_891 = vector.broadcast %reduce_or3A_890 : i1 to vector<16xi1>
            %reduce_or3A_892 = tpu.scan <max>, %reduce_or3A_889 masked %reduce_or3A_891 : vector<16xf32>, vector<16xi1> -> vector<16xf32>
            %reduce_or3A_893 = vector.extract %reduce_or3A_892[15] : f32 from vector<16xf32>
            %reduce_or3A_894 = arith.constant 0.000000e+00 : f32
            %reduce_or3A_895 = arith.cmpf ogt, %reduce_or3A_893, %reduce_or3A_894 : f32
            scf.condition(%reduce_or3A_895) %while3A_885 : vector<16xi1>
          } do {
          ^bb0(%while3A_885: vector<16xi1>):
            %gather3A_886 = tpu.vector_load_idx %arg11[%get3A_367] : memref<10240xf32, #tpu.memory_space<vmem>>[vector<16xi32>], vector<16xf32>,
            %max3A_887 = arith.maximumf %gather3A_886, %add3A_495 : vector<16xf32>
            tpu.vector_store_idx %arg11[%get3A_367], %max3A_887 masked %while3A_885 : memref<10240xf32, #tpu.memory_space<vmem>>[vector<16xi32>], vector<16xf32>, vector<16xi1>
            %gather3A_888 = tpu.vector_load_idx %arg12[%get3A_367] : memref<10240xf32, #tpu.memory_space<vmem>>[vector<16xi32>], vector<16xf32>,
            %max3A_889 = arith.maximumf %gather3A_888, %add3A_506 : vector<16xf32>
            tpu.vector_store_idx %arg12[%get3A_367], %max3A_889 masked %while3A_885 : memref<10240xf32, #tpu.memory_space<vmem>>[vector<16xi32>], vector<16xf32>, vector<16xi1>
            %gather3A_890 = tpu.vector_load_idx %arg13[%get3A_367] : memref<10240xf32, #tpu.memory_space<vmem>>[vector<16xi32>], vector<16xf32>,
            %max3A_891 = arith.maximumf %gather3A_890, %add3A_517 : vector<16xf32>
            tpu.vector_store_idx %arg13[%get3A_367], %max3A_891 masked %while3A_885 : memref<10240xf32, #tpu.memory_space<vmem>>[vector<16xi32>], vector<16xf32>, vector<16xi1>
            %gather3A_892 = tpu.vector_load_idx %arg14[%get3A_367] : memref<10240xf32, #tpu.memory_space<vmem>>[vector<16xi32>], vector<16xf32>,
            %max3A_893 = arith.maximumf %gather3A_892, %add3A_528 : vector<16xf32>
            tpu.vector_store_idx %arg14[%get3A_367], %max3A_893 masked %while3A_885 : memref<10240xf32, #tpu.memory_space<vmem>>[vector<16xi32>], vector<16xf32>, vector<16xi1>
            %broadcast_in_dim3A_894 = arith.constant false
            %broadcast_in_dim3A_895 = vector.broadcast %broadcast_in_dim3A_894 : i1 to vector<16xi1>
            %gather3A_896 = tpu.vector_load_idx %arg11[%get3A_367] : memref<10240xf32, #tpu.memory_space<vmem>>[vector<16xi32>], vector<16xf32>,
            %lt3A_897 = arith.cmpf olt, %gather3A_896, %add3A_495 : vector<16xf32>
            %or3A_898 = arith.ori %broadcast_in_dim3A_895, %lt3A_897 : vector<16xi1>
            %gather3A_899 = tpu.vector_load_idx %arg12[%get3A_367] : memref<10240xf32, #tpu.memory_space<vmem>>[vector<16xi32>], vector<16xf32>,
            %lt3A_900 = arith.cmpf olt, %gather3A_899, %add3A_506 : vector<16xf32>
            %or3A_901 = arith.ori %or3A_898, %lt3A_900 : vector<16xi1>
            %gather3A_902 = tpu.vector_load_idx %arg13[%get3A_367] : memref<10240xf32, #tpu.memory_space<vmem>>[vector<16xi32>], vector<16xf32>,
            %lt3A_903 = arith.cmpf olt, %gather3A_902, %add3A_517 : vector<16xf32>
            %or3A_904 = arith.ori %or3A_901, %lt3A_903 : vector<16xi1>
            %gather3A_905 = tpu.vector_load_idx %arg14[%get3A_367] : memref<10240xf32, #tpu.memory_space<vmem>>[vector<16xi32>], vector<16xf32>,
            %lt3A_906 = arith.cmpf olt, %gather3A_905, %add3A_528 : vector<16xf32>
            %or3A_907 = arith.ori %or3A_904, %lt3A_906 : vector<16xi1>
            scf.yield %or3A_907 : vector<16xi1>
          }
          %broadcast_in_dim3A_870 = arith.constant false
          %broadcast_in_dim3A_871 = vector.broadcast %broadcast_in_dim3A_870 : i1 to vector<16xi1>
          %gather3A_872 = tpu.vector_load_idx %arg11[%get3A_379] : memref<10240xf32, #tpu.memory_space<vmem>>[vector<16xi32>], vector<16xf32>,
          %lt3A_873 = arith.cmpf olt, %gather3A_872, %add3A_539 : vector<16xf32>
          %or3A_874 = arith.ori %broadcast_in_dim3A_871, %lt3A_873 : vector<16xi1>
          %gather3A_875 = tpu.vector_load_idx %arg12[%get3A_379] : memref<10240xf32, #tpu.memory_space<vmem>>[vector<16xi32>], vector<16xf32>,
          %lt3A_876 = arith.cmpf olt, %gather3A_875, %add3A_550 : vector<16xf32>
          %or3A_877 = arith.ori %or3A_874, %lt3A_876 : vector<16xi1>
          %gather3A_878 = tpu.vector_load_idx %arg13[%get3A_379] : memref<10240xf32, #tpu.memory_space<vmem>>[vector<16xi32>], vector<16xf32>,
          %lt3A_879 = arith.cmpf olt, %gather3A_878, %add3A_561 : vector<16xf32>
          %or3A_880 = arith.ori %or3A_877, %lt3A_879 : vector<16xi1>
          %gather3A_881 = tpu.vector_load_idx %arg14[%get3A_379] : memref<10240xf32, #tpu.memory_space<vmem>>[vector<16xi32>], vector<16xf32>,
          %lt3A_882 = arith.cmpf olt, %gather3A_881, %add3A_572 : vector<16xf32>
          %or3A_883 = arith.ori %or3A_880, %lt3A_882 : vector<16xi1>
          %while3A_884 = scf.while (%while3A_885 = %or3A_883) : (vector<16xi1>) -> vector<16xi1> {
            %reduce_or3A = arith.constant 1.000000e+00 : f32
            %reduce_or3A_886 = arith.constant 0.000000e+00 : f32
            %reduce_or3A_887 = vector.broadcast %reduce_or3A : f32 to vector<16xf32>
            %reduce_or3A_888 = vector.broadcast %reduce_or3A_886 : f32 to vector<16xf32>
            %reduce_or3A_889 = arith.select %while3A_885, %reduce_or3A_887, %reduce_or3A_888 : vector<16xi1>, vector<16xf32>
            %reduce_or3A_890 = arith.constant true
            %reduce_or3A_891 = vector.broadcast %reduce_or3A_890 : i1 to vector<16xi1>
            %reduce_or3A_892 = tpu.scan <max>, %reduce_or3A_889 masked %reduce_or3A_891 : vector<16xf32>, vector<16xi1> -> vector<16xf32>
            %reduce_or3A_893 = vector.extract %reduce_or3A_892[15] : f32 from vector<16xf32>
            %reduce_or3A_894 = arith.constant 0.000000e+00 : f32
            %reduce_or3A_895 = arith.cmpf ogt, %reduce_or3A_893, %reduce_or3A_894 : f32
            scf.condition(%reduce_or3A_895) %while3A_885 : vector<16xi1>
          } do {
          ^bb0(%while3A_885: vector<16xi1>):
            %gather3A_886 = tpu.vector_load_idx %arg11[%get3A_379] : memref<10240xf32, #tpu.memory_space<vmem>>[vector<16xi32>], vector<16xf32>,
            %max3A_887 = arith.maximumf %gather3A_886, %add3A_539 : vector<16xf32>
            tpu.vector_store_idx %arg11[%get3A_379], %max3A_887 masked %while3A_885 : memref<10240xf32, #tpu.memory_space<vmem>>[vector<16xi32>], vector<16xf32>, vector<16xi1>
            %gather3A_888 = tpu.vector_load_idx %arg12[%get3A_379] : memref<10240xf32, #tpu.memory_space<vmem>>[vector<16xi32>], vector<16xf32>,
            %max3A_889 = arith.maximumf %gather3A_888, %add3A_550 : vector<16xf32>
            tpu.vector_store_idx %arg12[%get3A_379], %max3A_889 masked %while3A_885 : memref<10240xf32, #tpu.memory_space<vmem>>[vector<16xi32>], vector<16xf32>, vector<16xi1>
            %gather3A_890 = tpu.vector_load_idx %arg13[%get3A_379] : memref<10240xf32, #tpu.memory_space<vmem>>[vector<16xi32>], vector<16xf32>,
            %max3A_891 = arith.maximumf %gather3A_890, %add3A_561 : vector<16xf32>
            tpu.vector_store_idx %arg13[%get3A_379], %max3A_891 masked %while3A_885 : memref<10240xf32, #tpu.memory_space<vmem>>[vector<16xi32>], vector<16xf32>, vector<16xi1>
            %gather3A_892 = tpu.vector_load_idx %arg14[%get3A_379] : memref<10240xf32, #tpu.memory_space<vmem>>[vector<16xi32>], vector<16xf32>,
            %max3A_893 = arith.maximumf %gather3A_892, %add3A_572 : vector<16xf32>
            tpu.vector_store_idx %arg14[%get3A_379], %max3A_893 masked %while3A_885 : memref<10240xf32, #tpu.memory_space<vmem>>[vector<16xi32>], vector<16xf32>, vector<16xi1>
            %broadcast_in_dim3A_894 = arith.constant false
            %broadcast_in_dim3A_895 = vector.broadcast %broadcast_in_dim3A_894 : i1 to vector<16xi1>
            %gather3A_896 = tpu.vector_load_idx %arg11[%get3A_379] : memref<10240xf32, #tpu.memory_space<vmem>>[vector<16xi32>], vector<16xf32>,
            %lt3A_897 = arith.cmpf olt, %gather3A_896, %add3A_539 : vector<16xf32>
            %or3A_898 = arith.ori %broadcast_in_dim3A_895, %lt3A_897 : vector<16xi1>
            %gather3A_899 = tpu.vector_load_idx %arg12[%get3A_379] : memref<10240xf32, #tpu.memory_space<vmem>>[vector<16xi32>], vector<16xf32>,
            %lt3A_900 = arith.cmpf olt, %gather3A_899, %add3A_550 : vector<16xf32>
            %or3A_901 = arith.ori %or3A_898, %lt3A_900 : vector<16xi1>
            %gather3A_902 = tpu.vector_load_idx %arg13[%get3A_379] : memref<10240xf32, #tpu.memory_space<vmem>>[vector<16xi32>], vector<16xf32>,
            %lt3A_903 = arith.cmpf olt, %gather3A_902, %add3A_561 : vector<16xf32>
            %or3A_904 = arith.ori %or3A_901, %lt3A_903 : vector<16xi1>
            %gather3A_905 = tpu.vector_load_idx %arg14[%get3A_379] : memref<10240xf32, #tpu.memory_space<vmem>>[vector<16xi32>], vector<16xf32>,
            %lt3A_906 = arith.cmpf olt, %gather3A_905, %add3A_572 : vector<16xf32>
            %or3A_907 = arith.ori %or3A_904, %lt3A_906 : vector<16xi1>
            scf.yield %or3A_907 : vector<16xi1>
          }
        } else {
        }
        %mul3A_579 = arith.constant 128 : i32
        %mul3A_580 = arith.muli %scan3A_338, %mul3A_579 : i32
        %add3A_581 = arith.constant 64 : i32
        %add3A_582 = arith.addi %mul3A_580, %add3A_581 : i32
        %add3A_583 = arith.constant 0 : i32
        %add3A_584 = arith.addi %add3A_582, %add3A_583 : i32
        %get3A_585 = arith.index_cast %add3A_584 : i32 to index
        %get3A_586 = tpu.vector_load %arg19[%get3A_585] {strides = array<i32>} : memref<1280xi32, #tpu.memory_space<vmem>>, vector<16xi32>,
        %add3A_587 = arith.constant 0 : i32
        %add3A_588 = arith.addi %add3A_582, %add3A_587 : i32
        %get3A_589 = arith.index_cast %add3A_588 : i32 to index
        %get3A_590 = tpu.vector_load %arg17[%get3A_589] {strides = array<i32>} : memref<1280xi32, #tpu.memory_space<vmem>>, vector<16xi32>,
        %broadcast_in_dim3A_591 = arith.constant true
        %broadcast_in_dim3A_592 = vector.broadcast %broadcast_in_dim3A_591 : i1 to vector<16xi1>
        %unique3A_593, %unique3A_594 = tpu.scan_count mask(%broadcast_in_dim3A_592 : vector<16xi1>) value(%get3A_586 : vector<16xi32>) : vector<16xi1>, vector<16xi32>
        %add3A_595 = arith.constant 16 : i32
        %add3A_596 = arith.addi %add3A_582, %add3A_595 : i32
        %get3A_597 = arith.index_cast %add3A_596 : i32 to index
        %get3A_598 = tpu.vector_load %arg19[%get3A_597] {strides = array<i32>} : memref<1280xi32, #tpu.memory_space<vmem>>, vector<16xi32>,
        %add3A_599 = arith.constant 16 : i32
        %add3A_600 = arith.addi %add3A_582, %add3A_599 : i32
        %get3A_601 = arith.index_cast %add3A_600 : i32 to index
        %get3A_602 = tpu.vector_load %arg17[%get3A_601] {strides = array<i32>} : memref<1280xi32, #tpu.memory_space<vmem>>, vector<16xi32>,
        %broadcast_in_dim3A_603 = arith.constant true
        %broadcast_in_dim3A_604 = vector.broadcast %broadcast_in_dim3A_603 : i1 to vector<16xi1>
        %unique3A_605, %unique3A_606 = tpu.scan_count mask(%broadcast_in_dim3A_604 : vector<16xi1>) value(%get3A_598 : vector<16xi32>) : vector<16xi1>, vector<16xi32>
        %add3A_607 = arith.constant 32 : i32
        %add3A_608 = arith.addi %add3A_582, %add3A_607 : i32
        %get3A_609 = arith.index_cast %add3A_608 : i32 to index
        %get3A_610 = tpu.vector_load %arg19[%get3A_609] {strides = array<i32>} : memref<1280xi32, #tpu.memory_space<vmem>>, vector<16xi32>,
        %add3A_611 = arith.constant 32 : i32
        %add3A_612 = arith.addi %add3A_582, %add3A_611 : i32
        %get3A_613 = arith.index_cast %add3A_612 : i32 to index
        %get3A_614 = tpu.vector_load %arg17[%get3A_613] {strides = array<i32>} : memref<1280xi32, #tpu.memory_space<vmem>>, vector<16xi32>,
        %broadcast_in_dim3A_615 = arith.constant true
        %broadcast_in_dim3A_616 = vector.broadcast %broadcast_in_dim3A_615 : i1 to vector<16xi1>
        %unique3A_617, %unique3A_618 = tpu.scan_count mask(%broadcast_in_dim3A_616 : vector<16xi1>) value(%get3A_610 : vector<16xi32>) : vector<16xi1>, vector<16xi32>
        %add3A_619 = arith.constant 48 : i32
        %add3A_620 = arith.addi %add3A_582, %add3A_619 : i32
        %get3A_621 = arith.index_cast %add3A_620 : i32 to index
        %get3A_622 = tpu.vector_load %arg19[%get3A_621] {strides = array<i32>} : memref<1280xi32, #tpu.memory_space<vmem>>, vector<16xi32>,
        %add3A_623 = arith.constant 48 : i32
        %add3A_624 = arith.addi %add3A_582, %add3A_623 : i32
        %get3A_625 = arith.index_cast %add3A_624 : i32 to index
        %get3A_626 = tpu.vector_load %arg17[%get3A_625] {strides = array<i32>} : memref<1280xi32, #tpu.memory_space<vmem>>, vector<16xi32>,
        %broadcast_in_dim3A_627 = arith.constant true
        %broadcast_in_dim3A_628 = vector.broadcast %broadcast_in_dim3A_627 : i1 to vector<16xi1>
        %unique3A_629, %unique3A_630 = tpu.scan_count mask(%broadcast_in_dim3A_628 : vector<16xi1>) value(%get3A_622 : vector<16xi32>) : vector<16xi1>, vector<16xi32>
        %and3A_631 = arith.andi %unique3A_593, %unique3A_605 : vector<16xi1>
        %and3A_632 = arith.andi %and3A_631, %unique3A_617 : vector<16xi1>
        %and3A_633 = arith.andi %and3A_632, %unique3A_629 : vector<16xi1>
        %reduce_and3A_634 = arith.constant 1.000000e+00 : f32
        %reduce_and3A_635 = arith.constant 0.000000e+00 : f32
        %reduce_and3A_636 = vector.broadcast %reduce_and3A_634 : f32 to vector<16xf32>
        %reduce_and3A_637 = vector.broadcast %reduce_and3A_635 : f32 to vector<16xf32>
        %reduce_and3A_638 = arith.select %and3A_633, %reduce_and3A_636, %reduce_and3A_637 : vector<16xi1>, vector<16xf32>
        %reduce_and3A_639 = arith.constant true
        %reduce_and3A_640 = vector.broadcast %reduce_and3A_639 : i1 to vector<16xi1>
        %reduce_and3A_641 = tpu.scan <min>, %reduce_and3A_638 masked %reduce_and3A_640 : vector<16xf32>, vector<16xi1> -> vector<16xf32>
        %reduce_and3A_642 = vector.extract %reduce_and3A_641[15] : f32 from vector<16xf32>
        %reduce_and3A_643 = arith.constant 0.000000e+00 : f32
        %reduce_and3A_644 = arith.cmpf ogt, %reduce_and3A_642, %reduce_and3A_643 : f32
        %gather3A_645 = tpu.vector_load_idx %arg7[%get3A_590] : memref<10000xf32, #tpu.memory_space<vmem>>[vector<16xi32>], vector<16xf32>,
        %add3A_646 = arith.constant 0 : i32
        %add3A_647 = arith.addi %mul3A_32, %add3A_646 : i32
        %add3A_648 = arith.constant 0 : i32
        %add3A_649 = arith.addi %add3A_582, %add3A_648 : i32
        %get3A_650 = arith.index_cast %add3A_647 : i32 to index
        %get3A_651 = arith.index_cast %add3A_649 : i32 to index
        %get3A_652 = tpu.vector_load %arg15[%get3A_650, %get3A_651] {strides = array<i32>} : memref<8x1280xf32, #tpu.memory_space<vmem>>, vector<16xf32>,
        %add3A_653 = arith.addf %gather3A_645, %get3A_652 : vector<16xf32>
        %gather3A_654 = tpu.vector_load_idx %arg11[%get3A_586] : memref<10240xf32, #tpu.memory_space<vmem>>[vector<16xi32>], vector<16xf32>,
        %max3A_655 = arith.maximumf %gather3A_654, %add3A_653 : vector<16xf32>
        tpu.vector_store_idx %arg11[%get3A_586], %max3A_655 : memref<10240xf32, #tpu.memory_space<vmem>>[vector<16xi32>], vector<16xf32>,
        %gather3A_656 = tpu.vector_load_idx %arg8[%get3A_590] : memref<10000xf32, #tpu.memory_space<vmem>>[vector<16xi32>], vector<16xf32>,
        %add3A_657 = arith.constant 1 : i32
        %add3A_658 = arith.addi %mul3A_32, %add3A_657 : i32
        %add3A_659 = arith.constant 0 : i32
        %add3A_660 = arith.addi %add3A_582, %add3A_659 : i32
        %get3A_661 = arith.index_cast %add3A_658 : i32 to index
        %get3A_662 = arith.index_cast %add3A_660 : i32 to index
        %get3A_663 = tpu.vector_load %arg15[%get3A_661, %get3A_662] {strides = array<i32>} : memref<8x1280xf32, #tpu.memory_space<vmem>>, vector<16xf32>,
        %add3A_664 = arith.addf %gather3A_656, %get3A_663 : vector<16xf32>
        %gather3A_665 = tpu.vector_load_idx %arg12[%get3A_586] : memref<10240xf32, #tpu.memory_space<vmem>>[vector<16xi32>], vector<16xf32>,
        %max3A_666 = arith.maximumf %gather3A_665, %add3A_664 : vector<16xf32>
        tpu.vector_store_idx %arg12[%get3A_586], %max3A_666 : memref<10240xf32, #tpu.memory_space<vmem>>[vector<16xi32>], vector<16xf32>,
        %gather3A_667 = tpu.vector_load_idx %arg9[%get3A_590] : memref<10000xf32, #tpu.memory_space<vmem>>[vector<16xi32>], vector<16xf32>,
        %add3A_668 = arith.constant 2 : i32
        %add3A_669 = arith.addi %mul3A_32, %add3A_668 : i32
        %add3A_670 = arith.constant 0 : i32
        %add3A_671 = arith.addi %add3A_582, %add3A_670 : i32
        %get3A_672 = arith.index_cast %add3A_669 : i32 to index
        %get3A_673 = arith.index_cast %add3A_671 : i32 to index
        %get3A_674 = tpu.vector_load %arg15[%get3A_672, %get3A_673] {strides = array<i32>} : memref<8x1280xf32, #tpu.memory_space<vmem>>, vector<16xf32>,
        %add3A_675 = arith.addf %gather3A_667, %get3A_674 : vector<16xf32>
        %gather3A_676 = tpu.vector_load_idx %arg13[%get3A_586] : memref<10240xf32, #tpu.memory_space<vmem>>[vector<16xi32>], vector<16xf32>,
        %max3A_677 = arith.maximumf %gather3A_676, %add3A_675 : vector<16xf32>
        tpu.vector_store_idx %arg13[%get3A_586], %max3A_677 : memref<10240xf32, #tpu.memory_space<vmem>>[vector<16xi32>], vector<16xf32>,
        %gather3A_678 = tpu.vector_load_idx %arg10[%get3A_590] : memref<10000xf32, #tpu.memory_space<vmem>>[vector<16xi32>], vector<16xf32>,
        %add3A_679 = arith.constant 3 : i32
        %add3A_680 = arith.addi %mul3A_32, %add3A_679 : i32
        %add3A_681 = arith.constant 0 : i32
        %add3A_682 = arith.addi %add3A_582, %add3A_681 : i32
        %get3A_683 = arith.index_cast %add3A_680 : i32 to index
        %get3A_684 = arith.index_cast %add3A_682 : i32 to index
        %get3A_685 = tpu.vector_load %arg15[%get3A_683, %get3A_684] {strides = array<i32>} : memref<8x1280xf32, #tpu.memory_space<vmem>>, vector<16xf32>,
        %add3A_686 = arith.addf %gather3A_678, %get3A_685 : vector<16xf32>
        %gather3A_687 = tpu.vector_load_idx %arg14[%get3A_586] : memref<10240xf32, #tpu.memory_space<vmem>>[vector<16xi32>], vector<16xf32>,
        %max3A_688 = arith.maximumf %gather3A_687, %add3A_686 : vector<16xf32>
        tpu.vector_store_idx %arg14[%get3A_586], %max3A_688 : memref<10240xf32, #tpu.memory_space<vmem>>[vector<16xi32>], vector<16xf32>,
        %gather3A_689 = tpu.vector_load_idx %arg7[%get3A_602] : memref<10000xf32, #tpu.memory_space<vmem>>[vector<16xi32>], vector<16xf32>,
        %add3A_690 = arith.constant 0 : i32
        %add3A_691 = arith.addi %mul3A_32, %add3A_690 : i32
        %add3A_692 = arith.constant 16 : i32
        %add3A_693 = arith.addi %add3A_582, %add3A_692 : i32
        %get3A_694 = arith.index_cast %add3A_691 : i32 to index
        %get3A_695 = arith.index_cast %add3A_693 : i32 to index
        %get3A_696 = tpu.vector_load %arg15[%get3A_694, %get3A_695] {strides = array<i32>} : memref<8x1280xf32, #tpu.memory_space<vmem>>, vector<16xf32>,
        %add3A_697 = arith.addf %gather3A_689, %get3A_696 : vector<16xf32>
        %gather3A_698 = tpu.vector_load_idx %arg11[%get3A_598] : memref<10240xf32, #tpu.memory_space<vmem>>[vector<16xi32>], vector<16xf32>,
        %max3A_699 = arith.maximumf %gather3A_698, %add3A_697 : vector<16xf32>
        tpu.vector_store_idx %arg11[%get3A_598], %max3A_699 : memref<10240xf32, #tpu.memory_space<vmem>>[vector<16xi32>], vector<16xf32>,
        %gather3A_700 = tpu.vector_load_idx %arg8[%get3A_602] : memref<10000xf32, #tpu.memory_space<vmem>>[vector<16xi32>], vector<16xf32>,
        %add3A_701 = arith.constant 1 : i32
        %add3A_702 = arith.addi %mul3A_32, %add3A_701 : i32
        %add3A_703 = arith.constant 16 : i32
        %add3A_704 = arith.addi %add3A_582, %add3A_703 : i32
        %get3A_705 = arith.index_cast %add3A_702 : i32 to index
        %get3A_706 = arith.index_cast %add3A_704 : i32 to index
        %get3A_707 = tpu.vector_load %arg15[%get3A_705, %get3A_706] {strides = array<i32>} : memref<8x1280xf32, #tpu.memory_space<vmem>>, vector<16xf32>,
        %add3A_708 = arith.addf %gather3A_700, %get3A_707 : vector<16xf32>
        %gather3A_709 = tpu.vector_load_idx %arg12[%get3A_598] : memref<10240xf32, #tpu.memory_space<vmem>>[vector<16xi32>], vector<16xf32>,
        %max3A_710 = arith.maximumf %gather3A_709, %add3A_708 : vector<16xf32>
        tpu.vector_store_idx %arg12[%get3A_598], %max3A_710 : memref<10240xf32, #tpu.memory_space<vmem>>[vector<16xi32>], vector<16xf32>,
        %gather3A_711 = tpu.vector_load_idx %arg9[%get3A_602] : memref<10000xf32, #tpu.memory_space<vmem>>[vector<16xi32>], vector<16xf32>,
        %add3A_712 = arith.constant 2 : i32
        %add3A_713 = arith.addi %mul3A_32, %add3A_712 : i32
        %add3A_714 = arith.constant 16 : i32
        %add3A_715 = arith.addi %add3A_582, %add3A_714 : i32
        %get3A_716 = arith.index_cast %add3A_713 : i32 to index
        %get3A_717 = arith.index_cast %add3A_715 : i32 to index
        %get3A_718 = tpu.vector_load %arg15[%get3A_716, %get3A_717] {strides = array<i32>} : memref<8x1280xf32, #tpu.memory_space<vmem>>, vector<16xf32>,
        %add3A_719 = arith.addf %gather3A_711, %get3A_718 : vector<16xf32>
        %gather3A_720 = tpu.vector_load_idx %arg13[%get3A_598] : memref<10240xf32, #tpu.memory_space<vmem>>[vector<16xi32>], vector<16xf32>,
        %max3A_721 = arith.maximumf %gather3A_720, %add3A_719 : vector<16xf32>
        tpu.vector_store_idx %arg13[%get3A_598], %max3A_721 : memref<10240xf32, #tpu.memory_space<vmem>>[vector<16xi32>], vector<16xf32>,
        %gather3A_722 = tpu.vector_load_idx %arg10[%get3A_602] : memref<10000xf32, #tpu.memory_space<vmem>>[vector<16xi32>], vector<16xf32>,
        %add3A_723 = arith.constant 3 : i32
        %add3A_724 = arith.addi %mul3A_32, %add3A_723 : i32
        %add3A_725 = arith.constant 16 : i32
        %add3A_726 = arith.addi %add3A_582, %add3A_725 : i32
        %get3A_727 = arith.index_cast %add3A_724 : i32 to index
        %get3A_728 = arith.index_cast %add3A_726 : i32 to index
        %get3A_729 = tpu.vector_load %arg15[%get3A_727, %get3A_728] {strides = array<i32>} : memref<8x1280xf32, #tpu.memory_space<vmem>>, vector<16xf32>,
        %add3A_730 = arith.addf %gather3A_722, %get3A_729 : vector<16xf32>
        %gather3A_731 = tpu.vector_load_idx %arg14[%get3A_598] : memref<10240xf32, #tpu.memory_space<vmem>>[vector<16xi32>], vector<16xf32>,
        %max3A_732 = arith.maximumf %gather3A_731, %add3A_730 : vector<16xf32>
        tpu.vector_store_idx %arg14[%get3A_598], %max3A_732 : memref<10240xf32, #tpu.memory_space<vmem>>[vector<16xi32>], vector<16xf32>,
        %gather3A_733 = tpu.vector_load_idx %arg7[%get3A_614] : memref<10000xf32, #tpu.memory_space<vmem>>[vector<16xi32>], vector<16xf32>,
        %add3A_734 = arith.constant 0 : i32
        %add3A_735 = arith.addi %mul3A_32, %add3A_734 : i32
        %add3A_736 = arith.constant 32 : i32
        %add3A_737 = arith.addi %add3A_582, %add3A_736 : i32
        %get3A_738 = arith.index_cast %add3A_735 : i32 to index
        %get3A_739 = arith.index_cast %add3A_737 : i32 to index
        %get3A_740 = tpu.vector_load %arg15[%get3A_738, %get3A_739] {strides = array<i32>} : memref<8x1280xf32, #tpu.memory_space<vmem>>, vector<16xf32>,
        %add3A_741 = arith.addf %gather3A_733, %get3A_740 : vector<16xf32>
        %gather3A_742 = tpu.vector_load_idx %arg11[%get3A_610] : memref<10240xf32, #tpu.memory_space<vmem>>[vector<16xi32>], vector<16xf32>,
        %max3A_743 = arith.maximumf %gather3A_742, %add3A_741 : vector<16xf32>
        tpu.vector_store_idx %arg11[%get3A_610], %max3A_743 : memref<10240xf32, #tpu.memory_space<vmem>>[vector<16xi32>], vector<16xf32>,
        %gather3A_744 = tpu.vector_load_idx %arg8[%get3A_614] : memref<10000xf32, #tpu.memory_space<vmem>>[vector<16xi32>], vector<16xf32>,
        %add3A_745 = arith.constant 1 : i32
        %add3A_746 = arith.addi %mul3A_32, %add3A_745 : i32
        %add3A_747 = arith.constant 32 : i32
        %add3A_748 = arith.addi %add3A_582, %add3A_747 : i32
        %get3A_749 = arith.index_cast %add3A_746 : i32 to index
        %get3A_750 = arith.index_cast %add3A_748 : i32 to index
        %get3A_751 = tpu.vector_load %arg15[%get3A_749, %get3A_750] {strides = array<i32>} : memref<8x1280xf32, #tpu.memory_space<vmem>>, vector<16xf32>,
        %add3A_752 = arith.addf %gather3A_744, %get3A_751 : vector<16xf32>
        %gather3A_753 = tpu.vector_load_idx %arg12[%get3A_610] : memref<10240xf32, #tpu.memory_space<vmem>>[vector<16xi32>], vector<16xf32>,
        %max3A_754 = arith.maximumf %gather3A_753, %add3A_752 : vector<16xf32>
        tpu.vector_store_idx %arg12[%get3A_610], %max3A_754 : memref<10240xf32, #tpu.memory_space<vmem>>[vector<16xi32>], vector<16xf32>,
        %gather3A_755 = tpu.vector_load_idx %arg9[%get3A_614] : memref<10000xf32, #tpu.memory_space<vmem>>[vector<16xi32>], vector<16xf32>,
        %add3A_756 = arith.constant 2 : i32
        %add3A_757 = arith.addi %mul3A_32, %add3A_756 : i32
        %add3A_758 = arith.constant 32 : i32
        %add3A_759 = arith.addi %add3A_582, %add3A_758 : i32
        %get3A_760 = arith.index_cast %add3A_757 : i32 to index
        %get3A_761 = arith.index_cast %add3A_759 : i32 to index
        %get3A_762 = tpu.vector_load %arg15[%get3A_760, %get3A_761] {strides = array<i32>} : memref<8x1280xf32, #tpu.memory_space<vmem>>, vector<16xf32>,
        %add3A_763 = arith.addf %gather3A_755, %get3A_762 : vector<16xf32>
        %gather3A_764 = tpu.vector_load_idx %arg13[%get3A_610] : memref<10240xf32, #tpu.memory_space<vmem>>[vector<16xi32>], vector<16xf32>,
        %max3A_765 = arith.maximumf %gather3A_764, %add3A_763 : vector<16xf32>
        tpu.vector_store_idx %arg13[%get3A_610], %max3A_765 : memref<10240xf32, #tpu.memory_space<vmem>>[vector<16xi32>], vector<16xf32>,
        %gather3A_766 = tpu.vector_load_idx %arg10[%get3A_614] : memref<10000xf32, #tpu.memory_space<vmem>>[vector<16xi32>], vector<16xf32>,
        %add3A_767 = arith.constant 3 : i32
        %add3A_768 = arith.addi %mul3A_32, %add3A_767 : i32
        %add3A_769 = arith.constant 32 : i32
        %add3A_770 = arith.addi %add3A_582, %add3A_769 : i32
        %get3A_771 = arith.index_cast %add3A_768 : i32 to index
        %get3A_772 = arith.index_cast %add3A_770 : i32 to index
        %get3A_773 = tpu.vector_load %arg15[%get3A_771, %get3A_772] {strides = array<i32>} : memref<8x1280xf32, #tpu.memory_space<vmem>>, vector<16xf32>,
        %add3A_774 = arith.addf %gather3A_766, %get3A_773 : vector<16xf32>
        %gather3A_775 = tpu.vector_load_idx %arg14[%get3A_610] : memref<10240xf32, #tpu.memory_space<vmem>>[vector<16xi32>], vector<16xf32>,
        %max3A_776 = arith.maximumf %gather3A_775, %add3A_774 : vector<16xf32>
        tpu.vector_store_idx %arg14[%get3A_610], %max3A_776 : memref<10240xf32, #tpu.memory_space<vmem>>[vector<16xi32>], vector<16xf32>,
        %gather3A_777 = tpu.vector_load_idx %arg7[%get3A_626] : memref<10000xf32, #tpu.memory_space<vmem>>[vector<16xi32>], vector<16xf32>,
        %add3A_778 = arith.constant 0 : i32
        %add3A_779 = arith.addi %mul3A_32, %add3A_778 : i32
        %add3A_780 = arith.constant 48 : i32
        %add3A_781 = arith.addi %add3A_582, %add3A_780 : i32
        %get3A_782 = arith.index_cast %add3A_779 : i32 to index
        %get3A_783 = arith.index_cast %add3A_781 : i32 to index
        %get3A_784 = tpu.vector_load %arg15[%get3A_782, %get3A_783] {strides = array<i32>} : memref<8x1280xf32, #tpu.memory_space<vmem>>, vector<16xf32>,
        %add3A_785 = arith.addf %gather3A_777, %get3A_784 : vector<16xf32>
        %gather3A_786 = tpu.vector_load_idx %arg11[%get3A_622] : memref<10240xf32, #tpu.memory_space<vmem>>[vector<16xi32>], vector<16xf32>,
        %max3A_787 = arith.maximumf %gather3A_786, %add3A_785 : vector<16xf32>
        tpu.vector_store_idx %arg11[%get3A_622], %max3A_787 : memref<10240xf32, #tpu.memory_space<vmem>>[vector<16xi32>], vector<16xf32>,
        %gather3A_788 = tpu.vector_load_idx %arg8[%get3A_626] : memref<10000xf32, #tpu.memory_space<vmem>>[vector<16xi32>], vector<16xf32>,
        %add3A_789 = arith.constant 1 : i32
        %add3A_790 = arith.addi %mul3A_32, %add3A_789 : i32
        %add3A_791 = arith.constant 48 : i32
        %add3A_792 = arith.addi %add3A_582, %add3A_791 : i32
        %get3A_793 = arith.index_cast %add3A_790 : i32 to index
        %get3A_794 = arith.index_cast %add3A_792 : i32 to index
        %get3A_795 = tpu.vector_load %arg15[%get3A_793, %get3A_794] {strides = array<i32>} : memref<8x1280xf32, #tpu.memory_space<vmem>>, vector<16xf32>,
        %add3A_796 = arith.addf %gather3A_788, %get3A_795 : vector<16xf32>
        %gather3A_797 = tpu.vector_load_idx %arg12[%get3A_622] : memref<10240xf32, #tpu.memory_space<vmem>>[vector<16xi32>], vector<16xf32>,
        %max3A_798 = arith.maximumf %gather3A_797, %add3A_796 : vector<16xf32>
        tpu.vector_store_idx %arg12[%get3A_622], %max3A_798 : memref<10240xf32, #tpu.memory_space<vmem>>[vector<16xi32>], vector<16xf32>,
        %gather3A_799 = tpu.vector_load_idx %arg9[%get3A_626] : memref<10000xf32, #tpu.memory_space<vmem>>[vector<16xi32>], vector<16xf32>,
        %add3A_800 = arith.constant 2 : i32
        %add3A_801 = arith.addi %mul3A_32, %add3A_800 : i32
        %add3A_802 = arith.constant 48 : i32
        %add3A_803 = arith.addi %add3A_582, %add3A_802 : i32
        %get3A_804 = arith.index_cast %add3A_801 : i32 to index
        %get3A_805 = arith.index_cast %add3A_803 : i32 to index
        %get3A_806 = tpu.vector_load %arg15[%get3A_804, %get3A_805] {strides = array<i32>} : memref<8x1280xf32, #tpu.memory_space<vmem>>, vector<16xf32>,
        %add3A_807 = arith.addf %gather3A_799, %get3A_806 : vector<16xf32>
        %gather3A_808 = tpu.vector_load_idx %arg13[%get3A_622] : memref<10240xf32, #tpu.memory_space<vmem>>[vector<16xi32>], vector<16xf32>,
        %max3A_809 = arith.maximumf %gather3A_808, %add3A_807 : vector<16xf32>
        tpu.vector_store_idx %arg13[%get3A_622], %max3A_809 : memref<10240xf32, #tpu.memory_space<vmem>>[vector<16xi32>], vector<16xf32>,
        %gather3A_810 = tpu.vector_load_idx %arg10[%get3A_626] : memref<10000xf32, #tpu.memory_space<vmem>>[vector<16xi32>], vector<16xf32>,
        %add3A_811 = arith.constant 3 : i32
        %add3A_812 = arith.addi %mul3A_32, %add3A_811 : i32
        %add3A_813 = arith.constant 48 : i32
        %add3A_814 = arith.addi %add3A_582, %add3A_813 : i32
        %get3A_815 = arith.index_cast %add3A_812 : i32 to index
        %get3A_816 = arith.index_cast %add3A_814 : i32 to index
        %get3A_817 = tpu.vector_load %arg15[%get3A_815, %get3A_816] {strides = array<i32>} : memref<8x1280xf32, #tpu.memory_space<vmem>>, vector<16xf32>,
        %add3A_818 = arith.addf %gather3A_810, %get3A_817 : vector<16xf32>
        %gather3A_819 = tpu.vector_load_idx %arg14[%get3A_622] : memref<10240xf32, #tpu.memory_space<vmem>>[vector<16xi32>], vector<16xf32>,
        %max3A_820 = arith.maximumf %gather3A_819, %add3A_818 : vector<16xf32>
        tpu.vector_store_idx %arg14[%get3A_622], %max3A_820 : memref<10240xf32, #tpu.memory_space<vmem>>[vector<16xi32>], vector<16xf32>,
        %not3A_821 = arith.constant true
        %not3A_822 = arith.xori %reduce_and3A_644, %not3A_821 : i1
        %convert_element_type3A_823 = arith.extui %not3A_822 : i1 to i32
        %cond3A_824 = arith.constant 0 : i32
        %cond3A_825 = arith.cmpi ne, %convert_element_type3A_823, %cond3A_824 : i32
        scf.if %cond3A_825 {
          %broadcast_in_dim3A_827 = arith.constant false
          %broadcast_in_dim3A_828 = vector.broadcast %broadcast_in_dim3A_827 : i1 to vector<16xi1>
          %gather3A_829 = tpu.vector_load_idx %arg11[%get3A_586] : memref<10240xf32, #tpu.memory_space<vmem>>[vector<16xi32>], vector<16xf32>,
          %lt3A_830 = arith.cmpf olt, %gather3A_829, %add3A_653 : vector<16xf32>
          %or3A = arith.ori %broadcast_in_dim3A_828, %lt3A_830 : vector<16xi1>
          %gather3A_831 = tpu.vector_load_idx %arg12[%get3A_586] : memref<10240xf32, #tpu.memory_space<vmem>>[vector<16xi32>], vector<16xf32>,
          %lt3A_832 = arith.cmpf olt, %gather3A_831, %add3A_664 : vector<16xf32>
          %or3A_833 = arith.ori %or3A, %lt3A_832 : vector<16xi1>
          %gather3A_834 = tpu.vector_load_idx %arg13[%get3A_586] : memref<10240xf32, #tpu.memory_space<vmem>>[vector<16xi32>], vector<16xf32>,
          %lt3A_835 = arith.cmpf olt, %gather3A_834, %add3A_675 : vector<16xf32>
          %or3A_836 = arith.ori %or3A_833, %lt3A_835 : vector<16xi1>
          %gather3A_837 = tpu.vector_load_idx %arg14[%get3A_586] : memref<10240xf32, #tpu.memory_space<vmem>>[vector<16xi32>], vector<16xf32>,
          %lt3A_838 = arith.cmpf olt, %gather3A_837, %add3A_686 : vector<16xf32>
          %or3A_839 = arith.ori %or3A_836, %lt3A_838 : vector<16xi1>
          %while3A = scf.while (%while3A_885 = %or3A_839) : (vector<16xi1>) -> vector<16xi1> {
            %reduce_or3A = arith.constant 1.000000e+00 : f32
            %reduce_or3A_886 = arith.constant 0.000000e+00 : f32
            %reduce_or3A_887 = vector.broadcast %reduce_or3A : f32 to vector<16xf32>
            %reduce_or3A_888 = vector.broadcast %reduce_or3A_886 : f32 to vector<16xf32>
            %reduce_or3A_889 = arith.select %while3A_885, %reduce_or3A_887, %reduce_or3A_888 : vector<16xi1>, vector<16xf32>
            %reduce_or3A_890 = arith.constant true
            %reduce_or3A_891 = vector.broadcast %reduce_or3A_890 : i1 to vector<16xi1>
            %reduce_or3A_892 = tpu.scan <max>, %reduce_or3A_889 masked %reduce_or3A_891 : vector<16xf32>, vector<16xi1> -> vector<16xf32>
            %reduce_or3A_893 = vector.extract %reduce_or3A_892[15] : f32 from vector<16xf32>
            %reduce_or3A_894 = arith.constant 0.000000e+00 : f32
            %reduce_or3A_895 = arith.cmpf ogt, %reduce_or3A_893, %reduce_or3A_894 : f32
            scf.condition(%reduce_or3A_895) %while3A_885 : vector<16xi1>
          } do {
          ^bb0(%while3A_885: vector<16xi1>):
            %gather3A_886 = tpu.vector_load_idx %arg11[%get3A_586] : memref<10240xf32, #tpu.memory_space<vmem>>[vector<16xi32>], vector<16xf32>,
            %max3A_887 = arith.maximumf %gather3A_886, %add3A_653 : vector<16xf32>
            tpu.vector_store_idx %arg11[%get3A_586], %max3A_887 masked %while3A_885 : memref<10240xf32, #tpu.memory_space<vmem>>[vector<16xi32>], vector<16xf32>, vector<16xi1>
            %gather3A_888 = tpu.vector_load_idx %arg12[%get3A_586] : memref<10240xf32, #tpu.memory_space<vmem>>[vector<16xi32>], vector<16xf32>,
            %max3A_889 = arith.maximumf %gather3A_888, %add3A_664 : vector<16xf32>
            tpu.vector_store_idx %arg12[%get3A_586], %max3A_889 masked %while3A_885 : memref<10240xf32, #tpu.memory_space<vmem>>[vector<16xi32>], vector<16xf32>, vector<16xi1>
            %gather3A_890 = tpu.vector_load_idx %arg13[%get3A_586] : memref<10240xf32, #tpu.memory_space<vmem>>[vector<16xi32>], vector<16xf32>,
            %max3A_891 = arith.maximumf %gather3A_890, %add3A_675 : vector<16xf32>
            tpu.vector_store_idx %arg13[%get3A_586], %max3A_891 masked %while3A_885 : memref<10240xf32, #tpu.memory_space<vmem>>[vector<16xi32>], vector<16xf32>, vector<16xi1>
            %gather3A_892 = tpu.vector_load_idx %arg14[%get3A_586] : memref<10240xf32, #tpu.memory_space<vmem>>[vector<16xi32>], vector<16xf32>,
            %max3A_893 = arith.maximumf %gather3A_892, %add3A_686 : vector<16xf32>
            tpu.vector_store_idx %arg14[%get3A_586], %max3A_893 masked %while3A_885 : memref<10240xf32, #tpu.memory_space<vmem>>[vector<16xi32>], vector<16xf32>, vector<16xi1>
            %broadcast_in_dim3A_894 = arith.constant false
            %broadcast_in_dim3A_895 = vector.broadcast %broadcast_in_dim3A_894 : i1 to vector<16xi1>
            %gather3A_896 = tpu.vector_load_idx %arg11[%get3A_586] : memref<10240xf32, #tpu.memory_space<vmem>>[vector<16xi32>], vector<16xf32>,
            %lt3A_897 = arith.cmpf olt, %gather3A_896, %add3A_653 : vector<16xf32>
            %or3A_898 = arith.ori %broadcast_in_dim3A_895, %lt3A_897 : vector<16xi1>
            %gather3A_899 = tpu.vector_load_idx %arg12[%get3A_586] : memref<10240xf32, #tpu.memory_space<vmem>>[vector<16xi32>], vector<16xf32>,
            %lt3A_900 = arith.cmpf olt, %gather3A_899, %add3A_664 : vector<16xf32>
            %or3A_901 = arith.ori %or3A_898, %lt3A_900 : vector<16xi1>
            %gather3A_902 = tpu.vector_load_idx %arg13[%get3A_586] : memref<10240xf32, #tpu.memory_space<vmem>>[vector<16xi32>], vector<16xf32>,
            %lt3A_903 = arith.cmpf olt, %gather3A_902, %add3A_675 : vector<16xf32>
            %or3A_904 = arith.ori %or3A_901, %lt3A_903 : vector<16xi1>
            %gather3A_905 = tpu.vector_load_idx %arg14[%get3A_586] : memref<10240xf32, #tpu.memory_space<vmem>>[vector<16xi32>], vector<16xf32>,
            %lt3A_906 = arith.cmpf olt, %gather3A_905, %add3A_686 : vector<16xf32>
            %or3A_907 = arith.ori %or3A_904, %lt3A_906 : vector<16xi1>
            scf.yield %or3A_907 : vector<16xi1>
          }
          %broadcast_in_dim3A_840 = arith.constant false
          %broadcast_in_dim3A_841 = vector.broadcast %broadcast_in_dim3A_840 : i1 to vector<16xi1>
          %gather3A_842 = tpu.vector_load_idx %arg11[%get3A_598] : memref<10240xf32, #tpu.memory_space<vmem>>[vector<16xi32>], vector<16xf32>,
          %lt3A_843 = arith.cmpf olt, %gather3A_842, %add3A_697 : vector<16xf32>
          %or3A_844 = arith.ori %broadcast_in_dim3A_841, %lt3A_843 : vector<16xi1>
          %gather3A_845 = tpu.vector_load_idx %arg12[%get3A_598] : memref<10240xf32, #tpu.memory_space<vmem>>[vector<16xi32>], vector<16xf32>,
          %lt3A_846 = arith.cmpf olt, %gather3A_845, %add3A_708 : vector<16xf32>
          %or3A_847 = arith.ori %or3A_844, %lt3A_846 : vector<16xi1>
          %gather3A_848 = tpu.vector_load_idx %arg13[%get3A_598] : memref<10240xf32, #tpu.memory_space<vmem>>[vector<16xi32>], vector<16xf32>,
          %lt3A_849 = arith.cmpf olt, %gather3A_848, %add3A_719 : vector<16xf32>
          %or3A_850 = arith.ori %or3A_847, %lt3A_849 : vector<16xi1>
          %gather3A_851 = tpu.vector_load_idx %arg14[%get3A_598] : memref<10240xf32, #tpu.memory_space<vmem>>[vector<16xi32>], vector<16xf32>,
          %lt3A_852 = arith.cmpf olt, %gather3A_851, %add3A_730 : vector<16xf32>
          %or3A_853 = arith.ori %or3A_850, %lt3A_852 : vector<16xi1>
          %while3A_854 = scf.while (%while3A_885 = %or3A_853) : (vector<16xi1>) -> vector<16xi1> {
            %reduce_or3A = arith.constant 1.000000e+00 : f32
            %reduce_or3A_886 = arith.constant 0.000000e+00 : f32
            %reduce_or3A_887 = vector.broadcast %reduce_or3A : f32 to vector<16xf32>
            %reduce_or3A_888 = vector.broadcast %reduce_or3A_886 : f32 to vector<16xf32>
            %reduce_or3A_889 = arith.select %while3A_885, %reduce_or3A_887, %reduce_or3A_888 : vector<16xi1>, vector<16xf32>
            %reduce_or3A_890 = arith.constant true
            %reduce_or3A_891 = vector.broadcast %reduce_or3A_890 : i1 to vector<16xi1>
            %reduce_or3A_892 = tpu.scan <max>, %reduce_or3A_889 masked %reduce_or3A_891 : vector<16xf32>, vector<16xi1> -> vector<16xf32>
            %reduce_or3A_893 = vector.extract %reduce_or3A_892[15] : f32 from vector<16xf32>
            %reduce_or3A_894 = arith.constant 0.000000e+00 : f32
            %reduce_or3A_895 = arith.cmpf ogt, %reduce_or3A_893, %reduce_or3A_894 : f32
            scf.condition(%reduce_or3A_895) %while3A_885 : vector<16xi1>
          } do {
          ^bb0(%while3A_885: vector<16xi1>):
            %gather3A_886 = tpu.vector_load_idx %arg11[%get3A_598] : memref<10240xf32, #tpu.memory_space<vmem>>[vector<16xi32>], vector<16xf32>,
            %max3A_887 = arith.maximumf %gather3A_886, %add3A_697 : vector<16xf32>
            tpu.vector_store_idx %arg11[%get3A_598], %max3A_887 masked %while3A_885 : memref<10240xf32, #tpu.memory_space<vmem>>[vector<16xi32>], vector<16xf32>, vector<16xi1>
            %gather3A_888 = tpu.vector_load_idx %arg12[%get3A_598] : memref<10240xf32, #tpu.memory_space<vmem>>[vector<16xi32>], vector<16xf32>,
            %max3A_889 = arith.maximumf %gather3A_888, %add3A_708 : vector<16xf32>
            tpu.vector_store_idx %arg12[%get3A_598], %max3A_889 masked %while3A_885 : memref<10240xf32, #tpu.memory_space<vmem>>[vector<16xi32>], vector<16xf32>, vector<16xi1>
            %gather3A_890 = tpu.vector_load_idx %arg13[%get3A_598] : memref<10240xf32, #tpu.memory_space<vmem>>[vector<16xi32>], vector<16xf32>,
            %max3A_891 = arith.maximumf %gather3A_890, %add3A_719 : vector<16xf32>
            tpu.vector_store_idx %arg13[%get3A_598], %max3A_891 masked %while3A_885 : memref<10240xf32, #tpu.memory_space<vmem>>[vector<16xi32>], vector<16xf32>, vector<16xi1>
            %gather3A_892 = tpu.vector_load_idx %arg14[%get3A_598] : memref<10240xf32, #tpu.memory_space<vmem>>[vector<16xi32>], vector<16xf32>,
            %max3A_893 = arith.maximumf %gather3A_892, %add3A_730 : vector<16xf32>
            tpu.vector_store_idx %arg14[%get3A_598], %max3A_893 masked %while3A_885 : memref<10240xf32, #tpu.memory_space<vmem>>[vector<16xi32>], vector<16xf32>, vector<16xi1>
            %broadcast_in_dim3A_894 = arith.constant false
            %broadcast_in_dim3A_895 = vector.broadcast %broadcast_in_dim3A_894 : i1 to vector<16xi1>
            %gather3A_896 = tpu.vector_load_idx %arg11[%get3A_598] : memref<10240xf32, #tpu.memory_space<vmem>>[vector<16xi32>], vector<16xf32>,
            %lt3A_897 = arith.cmpf olt, %gather3A_896, %add3A_697 : vector<16xf32>
            %or3A_898 = arith.ori %broadcast_in_dim3A_895, %lt3A_897 : vector<16xi1>
            %gather3A_899 = tpu.vector_load_idx %arg12[%get3A_598] : memref<10240xf32, #tpu.memory_space<vmem>>[vector<16xi32>], vector<16xf32>,
            %lt3A_900 = arith.cmpf olt, %gather3A_899, %add3A_708 : vector<16xf32>
            %or3A_901 = arith.ori %or3A_898, %lt3A_900 : vector<16xi1>
            %gather3A_902 = tpu.vector_load_idx %arg13[%get3A_598] : memref<10240xf32, #tpu.memory_space<vmem>>[vector<16xi32>], vector<16xf32>,
            %lt3A_903 = arith.cmpf olt, %gather3A_902, %add3A_719 : vector<16xf32>
            %or3A_904 = arith.ori %or3A_901, %lt3A_903 : vector<16xi1>
            %gather3A_905 = tpu.vector_load_idx %arg14[%get3A_598] : memref<10240xf32, #tpu.memory_space<vmem>>[vector<16xi32>], vector<16xf32>,
            %lt3A_906 = arith.cmpf olt, %gather3A_905, %add3A_730 : vector<16xf32>
            %or3A_907 = arith.ori %or3A_904, %lt3A_906 : vector<16xi1>
            scf.yield %or3A_907 : vector<16xi1>
          }
          %broadcast_in_dim3A_855 = arith.constant false
          %broadcast_in_dim3A_856 = vector.broadcast %broadcast_in_dim3A_855 : i1 to vector<16xi1>
          %gather3A_857 = tpu.vector_load_idx %arg11[%get3A_610] : memref<10240xf32, #tpu.memory_space<vmem>>[vector<16xi32>], vector<16xf32>,
          %lt3A_858 = arith.cmpf olt, %gather3A_857, %add3A_741 : vector<16xf32>
          %or3A_859 = arith.ori %broadcast_in_dim3A_856, %lt3A_858 : vector<16xi1>
          %gather3A_860 = tpu.vector_load_idx %arg12[%get3A_610] : memref<10240xf32, #tpu.memory_space<vmem>>[vector<16xi32>], vector<16xf32>,
          %lt3A_861 = arith.cmpf olt, %gather3A_860, %add3A_752 : vector<16xf32>
          %or3A_862 = arith.ori %or3A_859, %lt3A_861 : vector<16xi1>
          %gather3A_863 = tpu.vector_load_idx %arg13[%get3A_610] : memref<10240xf32, #tpu.memory_space<vmem>>[vector<16xi32>], vector<16xf32>,
          %lt3A_864 = arith.cmpf olt, %gather3A_863, %add3A_763 : vector<16xf32>
          %or3A_865 = arith.ori %or3A_862, %lt3A_864 : vector<16xi1>
          %gather3A_866 = tpu.vector_load_idx %arg14[%get3A_610] : memref<10240xf32, #tpu.memory_space<vmem>>[vector<16xi32>], vector<16xf32>,
          %lt3A_867 = arith.cmpf olt, %gather3A_866, %add3A_774 : vector<16xf32>
          %or3A_868 = arith.ori %or3A_865, %lt3A_867 : vector<16xi1>
          %while3A_869 = scf.while (%while3A_885 = %or3A_868) : (vector<16xi1>) -> vector<16xi1> {
            %reduce_or3A = arith.constant 1.000000e+00 : f32
            %reduce_or3A_886 = arith.constant 0.000000e+00 : f32
            %reduce_or3A_887 = vector.broadcast %reduce_or3A : f32 to vector<16xf32>
            %reduce_or3A_888 = vector.broadcast %reduce_or3A_886 : f32 to vector<16xf32>
            %reduce_or3A_889 = arith.select %while3A_885, %reduce_or3A_887, %reduce_or3A_888 : vector<16xi1>, vector<16xf32>
            %reduce_or3A_890 = arith.constant true
            %reduce_or3A_891 = vector.broadcast %reduce_or3A_890 : i1 to vector<16xi1>
            %reduce_or3A_892 = tpu.scan <max>, %reduce_or3A_889 masked %reduce_or3A_891 : vector<16xf32>, vector<16xi1> -> vector<16xf32>
            %reduce_or3A_893 = vector.extract %reduce_or3A_892[15] : f32 from vector<16xf32>
            %reduce_or3A_894 = arith.constant 0.000000e+00 : f32
            %reduce_or3A_895 = arith.cmpf ogt, %reduce_or3A_893, %reduce_or3A_894 : f32
            scf.condition(%reduce_or3A_895) %while3A_885 : vector<16xi1>
          } do {
          ^bb0(%while3A_885: vector<16xi1>):
            %gather3A_886 = tpu.vector_load_idx %arg11[%get3A_610] : memref<10240xf32, #tpu.memory_space<vmem>>[vector<16xi32>], vector<16xf32>,
            %max3A_887 = arith.maximumf %gather3A_886, %add3A_741 : vector<16xf32>
            tpu.vector_store_idx %arg11[%get3A_610], %max3A_887 masked %while3A_885 : memref<10240xf32, #tpu.memory_space<vmem>>[vector<16xi32>], vector<16xf32>, vector<16xi1>
            %gather3A_888 = tpu.vector_load_idx %arg12[%get3A_610] : memref<10240xf32, #tpu.memory_space<vmem>>[vector<16xi32>], vector<16xf32>,
            %max3A_889 = arith.maximumf %gather3A_888, %add3A_752 : vector<16xf32>
            tpu.vector_store_idx %arg12[%get3A_610], %max3A_889 masked %while3A_885 : memref<10240xf32, #tpu.memory_space<vmem>>[vector<16xi32>], vector<16xf32>, vector<16xi1>
            %gather3A_890 = tpu.vector_load_idx %arg13[%get3A_610] : memref<10240xf32, #tpu.memory_space<vmem>>[vector<16xi32>], vector<16xf32>,
            %max3A_891 = arith.maximumf %gather3A_890, %add3A_763 : vector<16xf32>
            tpu.vector_store_idx %arg13[%get3A_610], %max3A_891 masked %while3A_885 : memref<10240xf32, #tpu.memory_space<vmem>>[vector<16xi32>], vector<16xf32>, vector<16xi1>
            %gather3A_892 = tpu.vector_load_idx %arg14[%get3A_610] : memref<10240xf32, #tpu.memory_space<vmem>>[vector<16xi32>], vector<16xf32>,
            %max3A_893 = arith.maximumf %gather3A_892, %add3A_774 : vector<16xf32>
            tpu.vector_store_idx %arg14[%get3A_610], %max3A_893 masked %while3A_885 : memref<10240xf32, #tpu.memory_space<vmem>>[vector<16xi32>], vector<16xf32>, vector<16xi1>
            %broadcast_in_dim3A_894 = arith.constant false
            %broadcast_in_dim3A_895 = vector.broadcast %broadcast_in_dim3A_894 : i1 to vector<16xi1>
            %gather3A_896 = tpu.vector_load_idx %arg11[%get3A_610] : memref<10240xf32, #tpu.memory_space<vmem>>[vector<16xi32>], vector<16xf32>,
            %lt3A_897 = arith.cmpf olt, %gather3A_896, %add3A_741 : vector<16xf32>
            %or3A_898 = arith.ori %broadcast_in_dim3A_895, %lt3A_897 : vector<16xi1>
            %gather3A_899 = tpu.vector_load_idx %arg12[%get3A_610] : memref<10240xf32, #tpu.memory_space<vmem>>[vector<16xi32>], vector<16xf32>,
            %lt3A_900 = arith.cmpf olt, %gather3A_899, %add3A_752 : vector<16xf32>
            %or3A_901 = arith.ori %or3A_898, %lt3A_900 : vector<16xi1>
            %gather3A_902 = tpu.vector_load_idx %arg13[%get3A_610] : memref<10240xf32, #tpu.memory_space<vmem>>[vector<16xi32>], vector<16xf32>,
            %lt3A_903 = arith.cmpf olt, %gather3A_902, %add3A_763 : vector<16xf32>
            %or3A_904 = arith.ori %or3A_901, %lt3A_903 : vector<16xi1>
            %gather3A_905 = tpu.vector_load_idx %arg14[%get3A_610] : memref<10240xf32, #tpu.memory_space<vmem>>[vector<16xi32>], vector<16xf32>,
            %lt3A_906 = arith.cmpf olt, %gather3A_905, %add3A_774 : vector<16xf32>
            %or3A_907 = arith.ori %or3A_904, %lt3A_906 : vector<16xi1>
            scf.yield %or3A_907 : vector<16xi1>
          }
          %broadcast_in_dim3A_870 = arith.constant false
          %broadcast_in_dim3A_871 = vector.broadcast %broadcast_in_dim3A_870 : i1 to vector<16xi1>
          %gather3A_872 = tpu.vector_load_idx %arg11[%get3A_622] : memref<10240xf32, #tpu.memory_space<vmem>>[vector<16xi32>], vector<16xf32>,
          %lt3A_873 = arith.cmpf olt, %gather3A_872, %add3A_785 : vector<16xf32>
          %or3A_874 = arith.ori %broadcast_in_dim3A_871, %lt3A_873 : vector<16xi1>
          %gather3A_875 = tpu.vector_load_idx %arg12[%get3A_622] : memref<10240xf32, #tpu.memory_space<vmem>>[vector<16xi32>], vector<16xf32>,
          %lt3A_876 = arith.cmpf olt, %gather3A_875, %add3A_796 : vector<16xf32>
          %or3A_877 = arith.ori %or3A_874, %lt3A_876 : vector<16xi1>
          %gather3A_878 = tpu.vector_load_idx %arg13[%get3A_622] : memref<10240xf32, #tpu.memory_space<vmem>>[vector<16xi32>], vector<16xf32>,
          %lt3A_879 = arith.cmpf olt, %gather3A_878, %add3A_807 : vector<16xf32>
          %or3A_880 = arith.ori %or3A_877, %lt3A_879 : vector<16xi1>
          %gather3A_881 = tpu.vector_load_idx %arg14[%get3A_622] : memref<10240xf32, #tpu.memory_space<vmem>>[vector<16xi32>], vector<16xf32>,
          %lt3A_882 = arith.cmpf olt, %gather3A_881, %add3A_818 : vector<16xf32>
          %or3A_883 = arith.ori %or3A_880, %lt3A_882 : vector<16xi1>
          %while3A_884 = scf.while (%while3A_885 = %or3A_883) : (vector<16xi1>) -> vector<16xi1> {
            %reduce_or3A = arith.constant 1.000000e+00 : f32
            %reduce_or3A_886 = arith.constant 0.000000e+00 : f32
            %reduce_or3A_887 = vector.broadcast %reduce_or3A : f32 to vector<16xf32>
            %reduce_or3A_888 = vector.broadcast %reduce_or3A_886 : f32 to vector<16xf32>
            %reduce_or3A_889 = arith.select %while3A_885, %reduce_or3A_887, %reduce_or3A_888 : vector<16xi1>, vector<16xf32>
            %reduce_or3A_890 = arith.constant true
            %reduce_or3A_891 = vector.broadcast %reduce_or3A_890 : i1 to vector<16xi1>
            %reduce_or3A_892 = tpu.scan <max>, %reduce_or3A_889 masked %reduce_or3A_891 : vector<16xf32>, vector<16xi1> -> vector<16xf32>
            %reduce_or3A_893 = vector.extract %reduce_or3A_892[15] : f32 from vector<16xf32>
            %reduce_or3A_894 = arith.constant 0.000000e+00 : f32
            %reduce_or3A_895 = arith.cmpf ogt, %reduce_or3A_893, %reduce_or3A_894 : f32
            scf.condition(%reduce_or3A_895) %while3A_885 : vector<16xi1>
          } do {
          ^bb0(%while3A_885: vector<16xi1>):
            %gather3A_886 = tpu.vector_load_idx %arg11[%get3A_622] : memref<10240xf32, #tpu.memory_space<vmem>>[vector<16xi32>], vector<16xf32>,
            %max3A_887 = arith.maximumf %gather3A_886, %add3A_785 : vector<16xf32>
            tpu.vector_store_idx %arg11[%get3A_622], %max3A_887 masked %while3A_885 : memref<10240xf32, #tpu.memory_space<vmem>>[vector<16xi32>], vector<16xf32>, vector<16xi1>
            %gather3A_888 = tpu.vector_load_idx %arg12[%get3A_622] : memref<10240xf32, #tpu.memory_space<vmem>>[vector<16xi32>], vector<16xf32>,
            %max3A_889 = arith.maximumf %gather3A_888, %add3A_796 : vector<16xf32>
            tpu.vector_store_idx %arg12[%get3A_622], %max3A_889 masked %while3A_885 : memref<10240xf32, #tpu.memory_space<vmem>>[vector<16xi32>], vector<16xf32>, vector<16xi1>
            %gather3A_890 = tpu.vector_load_idx %arg13[%get3A_622] : memref<10240xf32, #tpu.memory_space<vmem>>[vector<16xi32>], vector<16xf32>,
            %max3A_891 = arith.maximumf %gather3A_890, %add3A_807 : vector<16xf32>
            tpu.vector_store_idx %arg13[%get3A_622], %max3A_891 masked %while3A_885 : memref<10240xf32, #tpu.memory_space<vmem>>[vector<16xi32>], vector<16xf32>, vector<16xi1>
            %gather3A_892 = tpu.vector_load_idx %arg14[%get3A_622] : memref<10240xf32, #tpu.memory_space<vmem>>[vector<16xi32>], vector<16xf32>,
            %max3A_893 = arith.maximumf %gather3A_892, %add3A_818 : vector<16xf32>
            tpu.vector_store_idx %arg14[%get3A_622], %max3A_893 masked %while3A_885 : memref<10240xf32, #tpu.memory_space<vmem>>[vector<16xi32>], vector<16xf32>, vector<16xi1>
            %broadcast_in_dim3A_894 = arith.constant false
            %broadcast_in_dim3A_895 = vector.broadcast %broadcast_in_dim3A_894 : i1 to vector<16xi1>
            %gather3A_896 = tpu.vector_load_idx %arg11[%get3A_622] : memref<10240xf32, #tpu.memory_space<vmem>>[vector<16xi32>], vector<16xf32>,
            %lt3A_897 = arith.cmpf olt, %gather3A_896, %add3A_785 : vector<16xf32>
            %or3A_898 = arith.ori %broadcast_in_dim3A_895, %lt3A_897 : vector<16xi1>
            %gather3A_899 = tpu.vector_load_idx %arg12[%get3A_622] : memref<10240xf32, #tpu.memory_space<vmem>>[vector<16xi32>], vector<16xf32>,
            %lt3A_900 = arith.cmpf olt, %gather3A_899, %add3A_796 : vector<16xf32>
            %or3A_901 = arith.ori %or3A_898, %lt3A_900 : vector<16xi1>
            %gather3A_902 = tpu.vector_load_idx %arg13[%get3A_622] : memref<10240xf32, #tpu.memory_space<vmem>>[vector<16xi32>], vector<16xf32>,
            %lt3A_903 = arith.cmpf olt, %gather3A_902, %add3A_807 : vector<16xf32>
            %or3A_904 = arith.ori %or3A_901, %lt3A_903 : vector<16xi1>
            %gather3A_905 = tpu.vector_load_idx %arg14[%get3A_622] : memref<10240xf32, #tpu.memory_space<vmem>>[vector<16xi32>], vector<16xf32>,
            %lt3A_906 = arith.cmpf olt, %gather3A_905, %add3A_818 : vector<16xf32>
            %or3A_907 = arith.ori %or3A_904, %lt3A_906 : vector<16xi1>
            scf.yield %or3A_907 : vector<16xi1>
          }
        } else {
        }
        %scan3A_826 = arith.constant 0 : i32
        scf.yield %scan3A_826 : i32
      }
      %scan3A_266 = arith.constant 10 : i32
      %add3A_267 = arith.constant 1 : i32
      %add3A_268 = arith.addi %mul3A_145, %add3A_267 : i32
      %jit3A_269 = arith.constant 2 : i32
      %div3A_270 = arith.divsi %add3A_268, %jit3A_269 : i32
      %sign3A_271 = arith.constant 0 : i32
      %sign3A_272 = arith.cmpi sgt, %add3A_268, %sign3A_271 : i32
      %sign3A_273 = arith.extui %sign3A_272 : i1 to i32
      %sign3A_274 = arith.constant 0 : i32
      %sign3A_275 = arith.cmpi slt, %add3A_268, %sign3A_274 : i32
      %sign3A_276 = arith.extui %sign3A_275 : i1 to i32
      %sign3A_277 = arith.subi %sign3A_273, %sign3A_276 : i32
      %sign3A_278 = arith.constant 0 : i32
      %sign3A_279 = arith.cmpi sgt, %jit3A_269, %sign3A_278 : i32
      %sign3A_280 = arith.extui %sign3A_279 : i1 to i32
      %sign3A_281 = arith.constant 0 : i32
      %sign3A_282 = arith.cmpi slt, %jit3A_269, %sign3A_281 : i32
      %sign3A_283 = arith.extui %sign3A_282 : i1 to i32
      %sign3A_284 = arith.subi %sign3A_280, %sign3A_283 : i32
      %ne3A_285 = arith.cmpi ne, %sign3A_277, %sign3A_284 : i32
      %rem3A_286 = arith.remsi %add3A_268, %jit3A_269 : i32
      %ne3A_287 = arith.constant 0 : i32
      %ne3A_288 = arith.cmpi ne, %rem3A_286, %ne3A_287 : i32
      %and3A_289 = arith.andi %ne3A_285, %ne3A_288 : i1
      %sub3A_290 = arith.constant 1 : i32
      %sub3A_291 = arith.subi %div3A_270, %sub3A_290 : i32
      %select_n3A_292 = arith.select %and3A_289, %sub3A_291, %div3A_270 : i32
      %mul3A_293 = arith.constant 8 : i32
      %mul3A_294 = arith.muli %select_n3A, %mul3A_293 : i32
      %jit3A_295 = arith.constant 2 : i32
      %eq3A_296 = arith.constant 0 : i32
      %eq3A_297 = arith.cmpi eq, %jit3A_295, %eq3A_296 : i32
      %jit3A_298 = arith.constant 1 : i32
      %select_n3A_299 = arith.select %eq3A_297, %jit3A_298, %jit3A_295 : i32
      %rem3A_300 = arith.remsi %add3A_268, %select_n3A_299 : i32
      %ne3A_301 = arith.constant 0 : i32
      %ne3A_302 = arith.cmpi ne, %rem3A_300, %ne3A_301 : i32
      %lt3A_303 = arith.constant 0 : i32
      %lt3A_304 = arith.cmpi slt, %rem3A_300, %lt3A_303 : i32
      %lt3A_305 = arith.constant 0 : i32
      %lt3A_306 = arith.cmpi slt, %select_n3A_299, %lt3A_305 : i32
      %ne3A_307 = arith.xori %lt3A_304, %lt3A_306 : i1
      %and3A_308 = arith.andi %ne3A_307, %ne3A_302 : i1
      %add3A_309 = arith.addi %rem3A_300, %select_n3A_299 : i32
      %select_n3A_310 = arith.select %and3A_308, %add3A_309, %rem3A_300 : i32
      %mul3A_311 = arith.constant 1280 : i32
      %mul3A_312 = arith.muli %select_n3A_310, %mul3A_311 : i32
      %dma_wait3A_313 = tpu.memref_slice %arg2[%select_n3A_292, %mul3A_294, %mul3A_312] : memref<125x128x2560xf32, #tpu.memory_space<hbm>> -> memref<1x8x1280xf32, #tpu.memory_space<hbm>>
      %dma_wait3A_314 = tpu.memref_squeeze %dma_wait3A_313 : memref<1x8x1280xf32, #tpu.memory_space<hbm>> -> memref<8x1280xf32, #tpu.memory_space<hbm>>
      %dma_wait3A_315 = tpu.memref_slice %arg2[%select_n3A_292, %mul3A_294, %mul3A_312] : memref<125x128x2560xf32, #tpu.memory_space<hbm>> -> memref<1x8x1280xf32, #tpu.memory_space<hbm>>
      %dma_wait3A_316 = tpu.memref_squeeze %dma_wait3A_315 : memref<1x8x1280xf32, #tpu.memory_space<hbm>> -> memref<8x1280xf32, #tpu.memory_space<hbm>>
      tpu.wait_dma2 semaphore(%arg22 : memref<!tpu.dma_semaphore, #tpu.memory_space<semaphore_mem>>) src(%dma_wait3A_316 : memref<8x1280xf32, #tpu.memory_space<hbm>>) dst(%arg16 : memref<8x1280xf32, #tpu.memory_space<vmem>>)
      %mul3A_317 = arith.constant 1280 : i32
      %mul3A_318 = arith.muli %add3A_268, %mul3A_317 : i32
      %dma_wait3A_319 = tpu.memref_slice %arg4[%mul3A_318] : memref<320000xi32, #tpu.memory_space<hbm>> -> memref<1280xi32, #tpu.memory_space<hbm>>
      %dma_wait3A_320 = tpu.memref_slice %arg4[%mul3A_318] : memref<320000xi32, #tpu.memory_space<hbm>> -> memref<1280xi32, #tpu.memory_space<hbm>>
      tpu.wait_dma2 semaphore(%arg22 : memref<!tpu.dma_semaphore, #tpu.memory_space<semaphore_mem>>) src(%dma_wait3A_320 : memref<1280xi32, #tpu.memory_space<hbm>>) dst(%arg18 : memref<1280xi32, #tpu.memory_space<vmem>>)
      %mul3A_321 = arith.constant 1280 : i32
      %mul3A_322 = arith.muli %add3A_268, %mul3A_321 : i32
      %dma_wait3A_323 = tpu.memref_slice %arg5[%mul3A_322] : memref<320000xi32, #tpu.memory_space<hbm>> -> memref<1280xi32, #tpu.memory_space<hbm>>
      %dma_wait3A_324 = tpu.memref_slice %arg5[%mul3A_322] : memref<320000xi32, #tpu.memory_space<hbm>> -> memref<1280xi32, #tpu.memory_space<hbm>>
      tpu.wait_dma2 semaphore(%arg22 : memref<!tpu.dma_semaphore, #tpu.memory_space<semaphore_mem>>) src(%dma_wait3A_324 : memref<1280xi32, #tpu.memory_space<hbm>>) dst(%arg20 : memref<1280xi32, #tpu.memory_space<vmem>>)
      %add3A_325 = arith.constant 2 : i32
      %add3A_326 = arith.addi %mul3A_145, %add3A_325 : i32
      %lt3A_327 = arith.constant 250 : i32
      %lt3A_328 = arith.cmpi slt, %add3A_326, %lt3A_327 : i32
      %convert_element_type3A = arith.extui %lt3A_328 : i1 to i32
      %cond3A = arith.constant 0 : i32
      %cond3A_329 = arith.cmpi ne, %convert_element_type3A, %cond3A : i32
      scf.if %cond3A_329 {
        %add3A_338 = arith.constant 2 : i32
        %add3A_339 = arith.addi %mul3A_145, %add3A_338 : i32
        %jit3A_340 = arith.constant 2 : i32
        %div3A_341 = arith.divsi %add3A_339, %jit3A_340 : i32
        %sign3A_342 = arith.constant 0 : i32
        %sign3A_343 = arith.cmpi sgt, %add3A_339, %sign3A_342 : i32
        %sign3A_344 = arith.extui %sign3A_343 : i1 to i32
        %sign3A_345 = arith.constant 0 : i32
        %sign3A_346 = arith.cmpi slt, %add3A_339, %sign3A_345 : i32
        %sign3A_347 = arith.extui %sign3A_346 : i1 to i32
        %sign3A_348 = arith.subi %sign3A_344, %sign3A_347 : i32
        %sign3A_349 = arith.constant 0 : i32
        %sign3A_350 = arith.cmpi sgt, %jit3A_340, %sign3A_349 : i32
        %sign3A_351 = arith.extui %sign3A_350 : i1 to i32
        %sign3A_352 = arith.constant 0 : i32
        %sign3A_353 = arith.cmpi slt, %jit3A_340, %sign3A_352 : i32
        %sign3A_354 = arith.extui %sign3A_353 : i1 to i32
        %sign3A_355 = arith.subi %sign3A_351, %sign3A_354 : i32
        %ne3A_356 = arith.cmpi ne, %sign3A_348, %sign3A_355 : i32
        %rem3A_357 = arith.remsi %add3A_339, %jit3A_340 : i32
        %ne3A_358 = arith.constant 0 : i32
        %ne3A_359 = arith.cmpi ne, %rem3A_357, %ne3A_358 : i32
        %and3A_360 = arith.andi %ne3A_356, %ne3A_359 : i1
        %sub3A_361 = arith.constant 1 : i32
        %sub3A_362 = arith.subi %div3A_341, %sub3A_361 : i32
        %select_n3A_363 = arith.select %and3A_360, %sub3A_362, %div3A_341 : i32
        %mul3A_364 = arith.constant 8 : i32
        %mul3A_365 = arith.muli %select_n3A, %mul3A_364 : i32
        %jit3A_366 = arith.constant 2 : i32
        %eq3A_367 = arith.constant 0 : i32
        %eq3A_368 = arith.cmpi eq, %jit3A_366, %eq3A_367 : i32
        %jit3A_369 = arith.constant 1 : i32
        %select_n3A_370 = arith.select %eq3A_368, %jit3A_369, %jit3A_366 : i32
        %rem3A_371 = arith.remsi %add3A_339, %select_n3A_370 : i32
        %ne3A_372 = arith.constant 0 : i32
        %ne3A_373 = arith.cmpi ne, %rem3A_371, %ne3A_372 : i32
        %lt3A_374 = arith.constant 0 : i32
        %lt3A_375 = arith.cmpi slt, %rem3A_371, %lt3A_374 : i32
        %lt3A_376 = arith.constant 0 : i32
        %lt3A_377 = arith.cmpi slt, %select_n3A_370, %lt3A_376 : i32
        %ne3A_378 = arith.xori %lt3A_375, %lt3A_377 : i1
        %and3A_379 = arith.andi %ne3A_378, %ne3A_373 : i1
        %add3A_380 = arith.addi %rem3A_371, %select_n3A_370 : i32
        %select_n3A_381 = arith.select %and3A_379, %add3A_380, %rem3A_371 : i32
        %mul3A_382 = arith.constant 1280 : i32
        %mul3A_383 = arith.muli %select_n3A_381, %mul3A_382 : i32
        %dma_start3A_384 = tpu.memref_slice %arg2[%select_n3A_363, %mul3A_365, %mul3A_383] : memref<125x128x2560xf32, #tpu.memory_space<hbm>> -> memref<1x8x1280xf32, #tpu.memory_space<hbm>>
        %dma_start3A_385 = tpu.memref_squeeze %dma_start3A_384 : memref<1x8x1280xf32, #tpu.memory_space<hbm>> -> memref<8x1280xf32, #tpu.memory_space<hbm>>
        %dma_start3A_386 = tpu.memref_slice %arg2[%select_n3A_363, %mul3A_365, %mul3A_383] : memref<125x128x2560xf32, #tpu.memory_space<hbm>> -> memref<1x8x1280xf32, #tpu.memory_space<hbm>>
        %dma_start3A_387 = tpu.memref_squeeze %dma_start3A_386 : memref<1x8x1280xf32, #tpu.memory_space<hbm>> -> memref<8x1280xf32, #tpu.memory_space<hbm>>
        tpu.enqueue_dma source(%dma_start3A_387 : memref<8x1280xf32, #tpu.memory_space<hbm>>) target(%arg15 : memref<8x1280xf32, #tpu.memory_space<vmem>>) target_semaphore(%arg21 : memref<!tpu.dma_semaphore, #tpu.memory_space<semaphore_mem>>)
        %mul3A_388 = arith.constant 1280 : i32
        %mul3A_389 = arith.muli %add3A_339, %mul3A_388 : i32
        %dma_start3A_390 = tpu.memref_slice %arg4[%mul3A_389] : memref<320000xi32, #tpu.memory_space<hbm>> -> memref<1280xi32, #tpu.memory_space<hbm>>
        %dma_start3A_391 = tpu.memref_slice %arg4[%mul3A_389] : memref<320000xi32, #tpu.memory_space<hbm>> -> memref<1280xi32, #tpu.memory_space<hbm>>
        tpu.enqueue_dma source(%dma_start3A_391 : memref<1280xi32, #tpu.memory_space<hbm>>) target(%arg17 : memref<1280xi32, #tpu.memory_space<vmem>>) target_semaphore(%arg21 : memref<!tpu.dma_semaphore, #tpu.memory_space<semaphore_mem>>)
        %mul3A_392 = arith.constant 1280 : i32
        %mul3A_393 = arith.muli %add3A_339, %mul3A_392 : i32
        %dma_start3A_394 = tpu.memref_slice %arg5[%mul3A_393] : memref<320000xi32, #tpu.memory_space<hbm>> -> memref<1280xi32, #tpu.memory_space<hbm>>
        %dma_start3A_395 = tpu.memref_slice %arg5[%mul3A_393] : memref<320000xi32, #tpu.memory_space<hbm>> -> memref<1280xi32, #tpu.memory_space<hbm>>
        tpu.enqueue_dma source(%dma_start3A_395 : memref<1280xi32, #tpu.memory_space<hbm>>) target(%arg19 : memref<1280xi32, #tpu.memory_space<vmem>>) target_semaphore(%arg21 : memref<!tpu.dma_semaphore, #tpu.memory_space<semaphore_mem>>)
      } else {
      }
      %scan3A_330 = arith.constant 0 : i32
      %scan3A_331 = arith.constant 0 : i32
      %scan3A_332 = arith.constant 10 : i32
      %scan3A_333 = arith.addi %scan3A_331, %scan3A_332 : i32
      %scan3A_334 = arith.constant 1 : i32
      %scan3A_335 = scf.for %scan3A_338 = %scan3A_331 to %scan3A_333 step %scan3A_334 iter_args(%scan3A_339 = %scan3A_330) -> (i32)  : i32 {
        %mul3A_340 = arith.constant 128 : i32
        %mul3A_341 = arith.muli %scan3A_338, %mul3A_340 : i32
        %add3A_342 = arith.constant 0 : i32
        %add3A_343 = arith.addi %mul3A_341, %add3A_342 : i32
        %get3A = arith.index_cast %add3A_343 : i32 to index
        %get3A_344 = tpu.vector_load %arg20[%get3A] {strides = array<i32>} : memref<1280xi32, #tpu.memory_space<vmem>>, vector<16xi32>,
        %add3A_345 = arith.constant 0 : i32
        %add3A_346 = arith.addi %mul3A_341, %add3A_345 : i32
        %get3A_347 = arith.index_cast %add3A_346 : i32 to index
        %get3A_348 = tpu.vector_load %arg18[%get3A_347] {strides = array<i32>} : memref<1280xi32, #tpu.memory_space<vmem>>, vector<16xi32>,
        %broadcast_in_dim3A_349 = arith.constant true
        %broadcast_in_dim3A_350 = vector.broadcast %broadcast_in_dim3A_349 : i1 to vector<16xi1>
        %unique3A, %unique3A_351 = tpu.scan_count mask(%broadcast_in_dim3A_350 : vector<16xi1>) value(%get3A_344 : vector<16xi32>) : vector<16xi1>, vector<16xi32>
        %add3A_352 = arith.constant 16 : i32
        %add3A_353 = arith.addi %mul3A_341, %add3A_352 : i32
        %get3A_354 = arith.index_cast %add3A_353 : i32 to index
        %get3A_355 = tpu.vector_load %arg20[%get3A_354] {strides = array<i32>} : memref<1280xi32, #tpu.memory_space<vmem>>, vector<16xi32>,
        %add3A_356 = arith.constant 16 : i32
        %add3A_357 = arith.addi %mul3A_341, %add3A_356 : i32
        %get3A_358 = arith.index_cast %add3A_357 : i32 to index
        %get3A_359 = tpu.vector_load %arg18[%get3A_358] {strides = array<i32>} : memref<1280xi32, #tpu.memory_space<vmem>>, vector<16xi32>,
        %broadcast_in_dim3A_360 = arith.constant true
        %broadcast_in_dim3A_361 = vector.broadcast %broadcast_in_dim3A_360 : i1 to vector<16xi1>
        %unique3A_362, %unique3A_363 = tpu.scan_count mask(%broadcast_in_dim3A_361 : vector<16xi1>) value(%get3A_355 : vector<16xi32>) : vector<16xi1>, vector<16xi32>
        %add3A_364 = arith.constant 32 : i32
        %add3A_365 = arith.addi %mul3A_341, %add3A_364 : i32
        %get3A_366 = arith.index_cast %add3A_365 : i32 to index
        %get3A_367 = tpu.vector_load %arg20[%get3A_366] {strides = array<i32>} : memref<1280xi32, #tpu.memory_space<vmem>>, vector<16xi32>,
        %add3A_368 = arith.constant 32 : i32
        %add3A_369 = arith.addi %mul3A_341, %add3A_368 : i32
        %get3A_370 = arith.index_cast %add3A_369 : i32 to index
        %get3A_371 = tpu.vector_load %arg18[%get3A_370] {strides = array<i32>} : memref<1280xi32, #tpu.memory_space<vmem>>, vector<16xi32>,
        %broadcast_in_dim3A_372 = arith.constant true
        %broadcast_in_dim3A_373 = vector.broadcast %broadcast_in_dim3A_372 : i1 to vector<16xi1>
        %unique3A_374, %unique3A_375 = tpu.scan_count mask(%broadcast_in_dim3A_373 : vector<16xi1>) value(%get3A_367 : vector<16xi32>) : vector<16xi1>, vector<16xi32>
        %add3A_376 = arith.constant 48 : i32
        %add3A_377 = arith.addi %mul3A_341, %add3A_376 : i32
        %get3A_378 = arith.index_cast %add3A_377 : i32 to index
        %get3A_379 = tpu.vector_load %arg20[%get3A_378] {strides = array<i32>} : memref<1280xi32, #tpu.memory_space<vmem>>, vector<16xi32>,
        %add3A_380 = arith.constant 48 : i32
        %add3A_381 = arith.addi %mul3A_341, %add3A_380 : i32
        %get3A_382 = arith.index_cast %add3A_381 : i32 to index
        %get3A_383 = tpu.vector_load %arg18[%get3A_382] {strides = array<i32>} : memref<1280xi32, #tpu.memory_space<vmem>>, vector<16xi32>,
        %broadcast_in_dim3A_384 = arith.constant true
        %broadcast_in_dim3A_385 = vector.broadcast %broadcast_in_dim3A_384 : i1 to vector<16xi1>
        %unique3A_386, %unique3A_387 = tpu.scan_count mask(%broadcast_in_dim3A_385 : vector<16xi1>) value(%get3A_379 : vector<16xi32>) : vector<16xi1>, vector<16xi32>
        %and3A_388 = arith.andi %unique3A, %unique3A_362 : vector<16xi1>
        %and3A_389 = arith.andi %and3A_388, %unique3A_374 : vector<16xi1>
        %and3A_390 = arith.andi %and3A_389, %unique3A_386 : vector<16xi1>
        %reduce_and3A = arith.constant 1.000000e+00 : f32
        %reduce_and3A_391 = arith.constant 0.000000e+00 : f32
        %reduce_and3A_392 = vector.broadcast %reduce_and3A : f32 to vector<16xf32>
        %reduce_and3A_393 = vector.broadcast %reduce_and3A_391 : f32 to vector<16xf32>
        %reduce_and3A_394 = arith.select %and3A_390, %reduce_and3A_392, %reduce_and3A_393 : vector<16xi1>, vector<16xf32>
        %reduce_and3A_395 = arith.constant true
        %reduce_and3A_396 = vector.broadcast %reduce_and3A_395 : i1 to vector<16xi1>
        %reduce_and3A_397 = tpu.scan <min>, %reduce_and3A_394 masked %reduce_and3A_396 : vector<16xf32>, vector<16xi1> -> vector<16xf32>
        %reduce_and3A_398 = vector.extract %reduce_and3A_397[15] : f32 from vector<16xf32>
        %reduce_and3A_399 = arith.constant 0.000000e+00 : f32
        %reduce_and3A_400 = arith.cmpf ogt, %reduce_and3A_398, %reduce_and3A_399 : f32
        %gather3A = tpu.vector_load_idx %arg7[%get3A_348] : memref<10000xf32, #tpu.memory_space<vmem>>[vector<16xi32>], vector<16xf32>,
        %add3A_401 = arith.constant 0 : i32
        %add3A_402 = arith.addi %mul3A_32, %add3A_401 : i32
        %add3A_403 = arith.constant 0 : i32
        %add3A_404 = arith.addi %mul3A_341, %add3A_403 : i32
        %get3A_405 = arith.index_cast %add3A_402 : i32 to index
        %get3A_406 = arith.index_cast %add3A_404 : i32 to index
        %get3A_407 = tpu.vector_load %arg16[%get3A_405, %get3A_406] {strides = array<i32>} : memref<8x1280xf32, #tpu.memory_space<vmem>>, vector<16xf32>,
        %add3A_408 = arith.addf %gather3A, %get3A_407 : vector<16xf32>
        %gather3A_409 = tpu.vector_load_idx %arg11[%get3A_344] : memref<10240xf32, #tpu.memory_space<vmem>>[vector<16xi32>], vector<16xf32>,
        %max3A = arith.maximumf %gather3A_409, %add3A_408 : vector<16xf32>
        tpu.vector_store_idx %arg11[%get3A_344], %max3A : memref<10240xf32, #tpu.memory_space<vmem>>[vector<16xi32>], vector<16xf32>,
        %gather3A_410 = tpu.vector_load_idx %arg8[%get3A_348] : memref<10000xf32, #tpu.memory_space<vmem>>[vector<16xi32>], vector<16xf32>,
        %add3A_411 = arith.constant 1 : i32
        %add3A_412 = arith.addi %mul3A_32, %add3A_411 : i32
        %add3A_413 = arith.constant 0 : i32
        %add3A_414 = arith.addi %mul3A_341, %add3A_413 : i32
        %get3A_415 = arith.index_cast %add3A_412 : i32 to index
        %get3A_416 = arith.index_cast %add3A_414 : i32 to index
        %get3A_417 = tpu.vector_load %arg16[%get3A_415, %get3A_416] {strides = array<i32>} : memref<8x1280xf32, #tpu.memory_space<vmem>>, vector<16xf32>,
        %add3A_418 = arith.addf %gather3A_410, %get3A_417 : vector<16xf32>
        %gather3A_419 = tpu.vector_load_idx %arg12[%get3A_344] : memref<10240xf32, #tpu.memory_space<vmem>>[vector<16xi32>], vector<16xf32>,
        %max3A_420 = arith.maximumf %gather3A_419, %add3A_418 : vector<16xf32>
        tpu.vector_store_idx %arg12[%get3A_344], %max3A_420 : memref<10240xf32, #tpu.memory_space<vmem>>[vector<16xi32>], vector<16xf32>,
        %gather3A_421 = tpu.vector_load_idx %arg9[%get3A_348] : memref<10000xf32, #tpu.memory_space<vmem>>[vector<16xi32>], vector<16xf32>,
        %add3A_422 = arith.constant 2 : i32
        %add3A_423 = arith.addi %mul3A_32, %add3A_422 : i32
        %add3A_424 = arith.constant 0 : i32
        %add3A_425 = arith.addi %mul3A_341, %add3A_424 : i32
        %get3A_426 = arith.index_cast %add3A_423 : i32 to index
        %get3A_427 = arith.index_cast %add3A_425 : i32 to index
        %get3A_428 = tpu.vector_load %arg16[%get3A_426, %get3A_427] {strides = array<i32>} : memref<8x1280xf32, #tpu.memory_space<vmem>>, vector<16xf32>,
        %add3A_429 = arith.addf %gather3A_421, %get3A_428 : vector<16xf32>
        %gather3A_430 = tpu.vector_load_idx %arg13[%get3A_344] : memref<10240xf32, #tpu.memory_space<vmem>>[vector<16xi32>], vector<16xf32>,
        %max3A_431 = arith.maximumf %gather3A_430, %add3A_429 : vector<16xf32>
        tpu.vector_store_idx %arg13[%get3A_344], %max3A_431 : memref<10240xf32, #tpu.memory_space<vmem>>[vector<16xi32>], vector<16xf32>,
        %gather3A_432 = tpu.vector_load_idx %arg10[%get3A_348] : memref<10000xf32, #tpu.memory_space<vmem>>[vector<16xi32>], vector<16xf32>,
        %add3A_433 = arith.constant 3 : i32
        %add3A_434 = arith.addi %mul3A_32, %add3A_433 : i32
        %add3A_435 = arith.constant 0 : i32
        %add3A_436 = arith.addi %mul3A_341, %add3A_435 : i32
        %get3A_437 = arith.index_cast %add3A_434 : i32 to index
        %get3A_438 = arith.index_cast %add3A_436 : i32 to index
        %get3A_439 = tpu.vector_load %arg16[%get3A_437, %get3A_438] {strides = array<i32>} : memref<8x1280xf32, #tpu.memory_space<vmem>>, vector<16xf32>,
        %add3A_440 = arith.addf %gather3A_432, %get3A_439 : vector<16xf32>
        %gather3A_441 = tpu.vector_load_idx %arg14[%get3A_344] : memref<10240xf32, #tpu.memory_space<vmem>>[vector<16xi32>], vector<16xf32>,
        %max3A_442 = arith.maximumf %gather3A_441, %add3A_440 : vector<16xf32>
        tpu.vector_store_idx %arg14[%get3A_344], %max3A_442 : memref<10240xf32, #tpu.memory_space<vmem>>[vector<16xi32>], vector<16xf32>,
        %gather3A_443 = tpu.vector_load_idx %arg7[%get3A_359] : memref<10000xf32, #tpu.memory_space<vmem>>[vector<16xi32>], vector<16xf32>,
        %add3A_444 = arith.constant 0 : i32
        %add3A_445 = arith.addi %mul3A_32, %add3A_444 : i32
        %add3A_446 = arith.constant 16 : i32
        %add3A_447 = arith.addi %mul3A_341, %add3A_446 : i32
        %get3A_448 = arith.index_cast %add3A_445 : i32 to index
        %get3A_449 = arith.index_cast %add3A_447 : i32 to index
        %get3A_450 = tpu.vector_load %arg16[%get3A_448, %get3A_449] {strides = array<i32>} : memref<8x1280xf32, #tpu.memory_space<vmem>>, vector<16xf32>,
        %add3A_451 = arith.addf %gather3A_443, %get3A_450 : vector<16xf32>
        %gather3A_452 = tpu.vector_load_idx %arg11[%get3A_355] : memref<10240xf32, #tpu.memory_space<vmem>>[vector<16xi32>], vector<16xf32>,
        %max3A_453 = arith.maximumf %gather3A_452, %add3A_451 : vector<16xf32>
        tpu.vector_store_idx %arg11[%get3A_355], %max3A_453 : memref<10240xf32, #tpu.memory_space<vmem>>[vector<16xi32>], vector<16xf32>,
        %gather3A_454 = tpu.vector_load_idx %arg8[%get3A_359] : memref<10000xf32, #tpu.memory_space<vmem>>[vector<16xi32>], vector<16xf32>,
        %add3A_455 = arith.constant 1 : i32
        %add3A_456 = arith.addi %mul3A_32, %add3A_455 : i32
        %add3A_457 = arith.constant 16 : i32
        %add3A_458 = arith.addi %mul3A_341, %add3A_457 : i32
        %get3A_459 = arith.index_cast %add3A_456 : i32 to index
        %get3A_460 = arith.index_cast %add3A_458 : i32 to index
        %get3A_461 = tpu.vector_load %arg16[%get3A_459, %get3A_460] {strides = array<i32>} : memref<8x1280xf32, #tpu.memory_space<vmem>>, vector<16xf32>,
        %add3A_462 = arith.addf %gather3A_454, %get3A_461 : vector<16xf32>
        %gather3A_463 = tpu.vector_load_idx %arg12[%get3A_355] : memref<10240xf32, #tpu.memory_space<vmem>>[vector<16xi32>], vector<16xf32>,
        %max3A_464 = arith.maximumf %gather3A_463, %add3A_462 : vector<16xf32>
        tpu.vector_store_idx %arg12[%get3A_355], %max3A_464 : memref<10240xf32, #tpu.memory_space<vmem>>[vector<16xi32>], vector<16xf32>,
        %gather3A_465 = tpu.vector_load_idx %arg9[%get3A_359] : memref<10000xf32, #tpu.memory_space<vmem>>[vector<16xi32>], vector<16xf32>,
        %add3A_466 = arith.constant 2 : i32
        %add3A_467 = arith.addi %mul3A_32, %add3A_466 : i32
        %add3A_468 = arith.constant 16 : i32
        %add3A_469 = arith.addi %mul3A_341, %add3A_468 : i32
        %get3A_470 = arith.index_cast %add3A_467 : i32 to index
        %get3A_471 = arith.index_cast %add3A_469 : i32 to index
        %get3A_472 = tpu.vector_load %arg16[%get3A_470, %get3A_471] {strides = array<i32>} : memref<8x1280xf32, #tpu.memory_space<vmem>>, vector<16xf32>,
        %add3A_473 = arith.addf %gather3A_465, %get3A_472 : vector<16xf32>
        %gather3A_474 = tpu.vector_load_idx %arg13[%get3A_355] : memref<10240xf32, #tpu.memory_space<vmem>>[vector<16xi32>], vector<16xf32>,
        %max3A_475 = arith.maximumf %gather3A_474, %add3A_473 : vector<16xf32>
        tpu.vector_store_idx %arg13[%get3A_355], %max3A_475 : memref<10240xf32, #tpu.memory_space<vmem>>[vector<16xi32>], vector<16xf32>,
        %gather3A_476 = tpu.vector_load_idx %arg10[%get3A_359] : memref<10000xf32, #tpu.memory_space<vmem>>[vector<16xi32>], vector<16xf32>,
        %add3A_477 = arith.constant 3 : i32
        %add3A_478 = arith.addi %mul3A_32, %add3A_477 : i32
        %add3A_479 = arith.constant 16 : i32
        %add3A_480 = arith.addi %mul3A_341, %add3A_479 : i32
        %get3A_481 = arith.index_cast %add3A_478 : i32 to index
        %get3A_482 = arith.index_cast %add3A_480 : i32 to index
        %get3A_483 = tpu.vector_load %arg16[%get3A_481, %get3A_482] {strides = array<i32>} : memref<8x1280xf32, #tpu.memory_space<vmem>>, vector<16xf32>,
        %add3A_484 = arith.addf %gather3A_476, %get3A_483 : vector<16xf32>
        %gather3A_485 = tpu.vector_load_idx %arg14[%get3A_355] : memref<10240xf32, #tpu.memory_space<vmem>>[vector<16xi32>], vector<16xf32>,
        %max3A_486 = arith.maximumf %gather3A_485, %add3A_484 : vector<16xf32>
        tpu.vector_store_idx %arg14[%get3A_355], %max3A_486 : memref<10240xf32, #tpu.memory_space<vmem>>[vector<16xi32>], vector<16xf32>,
        %gather3A_487 = tpu.vector_load_idx %arg7[%get3A_371] : memref<10000xf32, #tpu.memory_space<vmem>>[vector<16xi32>], vector<16xf32>,
        %add3A_488 = arith.constant 0 : i32
        %add3A_489 = arith.addi %mul3A_32, %add3A_488 : i32
        %add3A_490 = arith.constant 32 : i32
        %add3A_491 = arith.addi %mul3A_341, %add3A_490 : i32
        %get3A_492 = arith.index_cast %add3A_489 : i32 to index
        %get3A_493 = arith.index_cast %add3A_491 : i32 to index
        %get3A_494 = tpu.vector_load %arg16[%get3A_492, %get3A_493] {strides = array<i32>} : memref<8x1280xf32, #tpu.memory_space<vmem>>, vector<16xf32>,
        %add3A_495 = arith.addf %gather3A_487, %get3A_494 : vector<16xf32>
        %gather3A_496 = tpu.vector_load_idx %arg11[%get3A_367] : memref<10240xf32, #tpu.memory_space<vmem>>[vector<16xi32>], vector<16xf32>,
        %max3A_497 = arith.maximumf %gather3A_496, %add3A_495 : vector<16xf32>
        tpu.vector_store_idx %arg11[%get3A_367], %max3A_497 : memref<10240xf32, #tpu.memory_space<vmem>>[vector<16xi32>], vector<16xf32>,
        %gather3A_498 = tpu.vector_load_idx %arg8[%get3A_371] : memref<10000xf32, #tpu.memory_space<vmem>>[vector<16xi32>], vector<16xf32>,
        %add3A_499 = arith.constant 1 : i32
        %add3A_500 = arith.addi %mul3A_32, %add3A_499 : i32
        %add3A_501 = arith.constant 32 : i32
        %add3A_502 = arith.addi %mul3A_341, %add3A_501 : i32
        %get3A_503 = arith.index_cast %add3A_500 : i32 to index
        %get3A_504 = arith.index_cast %add3A_502 : i32 to index
        %get3A_505 = tpu.vector_load %arg16[%get3A_503, %get3A_504] {strides = array<i32>} : memref<8x1280xf32, #tpu.memory_space<vmem>>, vector<16xf32>,
        %add3A_506 = arith.addf %gather3A_498, %get3A_505 : vector<16xf32>
        %gather3A_507 = tpu.vector_load_idx %arg12[%get3A_367] : memref<10240xf32, #tpu.memory_space<vmem>>[vector<16xi32>], vector<16xf32>,
        %max3A_508 = arith.maximumf %gather3A_507, %add3A_506 : vector<16xf32>
        tpu.vector_store_idx %arg12[%get3A_367], %max3A_508 : memref<10240xf32, #tpu.memory_space<vmem>>[vector<16xi32>], vector<16xf32>,
        %gather3A_509 = tpu.vector_load_idx %arg9[%get3A_371] : memref<10000xf32, #tpu.memory_space<vmem>>[vector<16xi32>], vector<16xf32>,
        %add3A_510 = arith.constant 2 : i32
        %add3A_511 = arith.addi %mul3A_32, %add3A_510 : i32
        %add3A_512 = arith.constant 32 : i32
        %add3A_513 = arith.addi %mul3A_341, %add3A_512 : i32
        %get3A_514 = arith.index_cast %add3A_511 : i32 to index
        %get3A_515 = arith.index_cast %add3A_513 : i32 to index
        %get3A_516 = tpu.vector_load %arg16[%get3A_514, %get3A_515] {strides = array<i32>} : memref<8x1280xf32, #tpu.memory_space<vmem>>, vector<16xf32>,
        %add3A_517 = arith.addf %gather3A_509, %get3A_516 : vector<16xf32>
        %gather3A_518 = tpu.vector_load_idx %arg13[%get3A_367] : memref<10240xf32, #tpu.memory_space<vmem>>[vector<16xi32>], vector<16xf32>,
        %max3A_519 = arith.maximumf %gather3A_518, %add3A_517 : vector<16xf32>
        tpu.vector_store_idx %arg13[%get3A_367], %max3A_519 : memref<10240xf32, #tpu.memory_space<vmem>>[vector<16xi32>], vector<16xf32>,
        %gather3A_520 = tpu.vector_load_idx %arg10[%get3A_371] : memref<10000xf32, #tpu.memory_space<vmem>>[vector<16xi32>], vector<16xf32>,
        %add3A_521 = arith.constant 3 : i32
        %add3A_522 = arith.addi %mul3A_32, %add3A_521 : i32
        %add3A_523 = arith.constant 32 : i32
        %add3A_524 = arith.addi %mul3A_341, %add3A_523 : i32
        %get3A_525 = arith.index_cast %add3A_522 : i32 to index
        %get3A_526 = arith.index_cast %add3A_524 : i32 to index
        %get3A_527 = tpu.vector_load %arg16[%get3A_525, %get3A_526] {strides = array<i32>} : memref<8x1280xf32, #tpu.memory_space<vmem>>, vector<16xf32>,
        %add3A_528 = arith.addf %gather3A_520, %get3A_527 : vector<16xf32>
        %gather3A_529 = tpu.vector_load_idx %arg14[%get3A_367] : memref<10240xf32, #tpu.memory_space<vmem>>[vector<16xi32>], vector<16xf32>,
        %max3A_530 = arith.maximumf %gather3A_529, %add3A_528 : vector<16xf32>
        tpu.vector_store_idx %arg14[%get3A_367], %max3A_530 : memref<10240xf32, #tpu.memory_space<vmem>>[vector<16xi32>], vector<16xf32>,
        %gather3A_531 = tpu.vector_load_idx %arg7[%get3A_383] : memref<10000xf32, #tpu.memory_space<vmem>>[vector<16xi32>], vector<16xf32>,
        %add3A_532 = arith.constant 0 : i32
        %add3A_533 = arith.addi %mul3A_32, %add3A_532 : i32
        %add3A_534 = arith.constant 48 : i32
        %add3A_535 = arith.addi %mul3A_341, %add3A_534 : i32
        %get3A_536 = arith.index_cast %add3A_533 : i32 to index
        %get3A_537 = arith.index_cast %add3A_535 : i32 to index
        %get3A_538 = tpu.vector_load %arg16[%get3A_536, %get3A_537] {strides = array<i32>} : memref<8x1280xf32, #tpu.memory_space<vmem>>, vector<16xf32>,
        %add3A_539 = arith.addf %gather3A_531, %get3A_538 : vector<16xf32>
        %gather3A_540 = tpu.vector_load_idx %arg11[%get3A_379] : memref<10240xf32, #tpu.memory_space<vmem>>[vector<16xi32>], vector<16xf32>,
        %max3A_541 = arith.maximumf %gather3A_540, %add3A_539 : vector<16xf32>
        tpu.vector_store_idx %arg11[%get3A_379], %max3A_541 : memref<10240xf32, #tpu.memory_space<vmem>>[vector<16xi32>], vector<16xf32>,
        %gather3A_542 = tpu.vector_load_idx %arg8[%get3A_383] : memref<10000xf32, #tpu.memory_space<vmem>>[vector<16xi32>], vector<16xf32>,
        %add3A_543 = arith.constant 1 : i32
        %add3A_544 = arith.addi %mul3A_32, %add3A_543 : i32
        %add3A_545 = arith.constant 48 : i32
        %add3A_546 = arith.addi %mul3A_341, %add3A_545 : i32
        %get3A_547 = arith.index_cast %add3A_544 : i32 to index
        %get3A_548 = arith.index_cast %add3A_546 : i32 to index
        %get3A_549 = tpu.vector_load %arg16[%get3A_547, %get3A_548] {strides = array<i32>} : memref<8x1280xf32, #tpu.memory_space<vmem>>, vector<16xf32>,
        %add3A_550 = arith.addf %gather3A_542, %get3A_549 : vector<16xf32>
        %gather3A_551 = tpu.vector_load_idx %arg12[%get3A_379] : memref<10240xf32, #tpu.memory_space<vmem>>[vector<16xi32>], vector<16xf32>,
        %max3A_552 = arith.maximumf %gather3A_551, %add3A_550 : vector<16xf32>
        tpu.vector_store_idx %arg12[%get3A_379], %max3A_552 : memref<10240xf32, #tpu.memory_space<vmem>>[vector<16xi32>], vector<16xf32>,
        %gather3A_553 = tpu.vector_load_idx %arg9[%get3A_383] : memref<10000xf32, #tpu.memory_space<vmem>>[vector<16xi32>], vector<16xf32>,
        %add3A_554 = arith.constant 2 : i32
        %add3A_555 = arith.addi %mul3A_32, %add3A_554 : i32
        %add3A_556 = arith.constant 48 : i32
        %add3A_557 = arith.addi %mul3A_341, %add3A_556 : i32
        %get3A_558 = arith.index_cast %add3A_555 : i32 to index
        %get3A_559 = arith.index_cast %add3A_557 : i32 to index
        %get3A_560 = tpu.vector_load %arg16[%get3A_558, %get3A_559] {strides = array<i32>} : memref<8x1280xf32, #tpu.memory_space<vmem>>, vector<16xf32>,
        %add3A_561 = arith.addf %gather3A_553, %get3A_560 : vector<16xf32>
        %gather3A_562 = tpu.vector_load_idx %arg13[%get3A_379] : memref<10240xf32, #tpu.memory_space<vmem>>[vector<16xi32>], vector<16xf32>,
        %max3A_563 = arith.maximumf %gather3A_562, %add3A_561 : vector<16xf32>
        tpu.vector_store_idx %arg13[%get3A_379], %max3A_563 : memref<10240xf32, #tpu.memory_space<vmem>>[vector<16xi32>], vector<16xf32>,
        %gather3A_564 = tpu.vector_load_idx %arg10[%get3A_383] : memref<10000xf32, #tpu.memory_space<vmem>>[vector<16xi32>], vector<16xf32>,
        %add3A_565 = arith.constant 3 : i32
        %add3A_566 = arith.addi %mul3A_32, %add3A_565 : i32
        %add3A_567 = arith.constant 48 : i32
        %add3A_568 = arith.addi %mul3A_341, %add3A_567 : i32
        %get3A_569 = arith.index_cast %add3A_566 : i32 to index
        %get3A_570 = arith.index_cast %add3A_568 : i32 to index
        %get3A_571 = tpu.vector_load %arg16[%get3A_569, %get3A_570] {strides = array<i32>} : memref<8x1280xf32, #tpu.memory_space<vmem>>, vector<16xf32>,
        %add3A_572 = arith.addf %gather3A_564, %get3A_571 : vector<16xf32>
        %gather3A_573 = tpu.vector_load_idx %arg14[%get3A_379] : memref<10240xf32, #tpu.memory_space<vmem>>[vector<16xi32>], vector<16xf32>,
        %max3A_574 = arith.maximumf %gather3A_573, %add3A_572 : vector<16xf32>
        tpu.vector_store_idx %arg14[%get3A_379], %max3A_574 : memref<10240xf32, #tpu.memory_space<vmem>>[vector<16xi32>], vector<16xf32>,
        %not3A = arith.constant true
        %not3A_575 = arith.xori %reduce_and3A_400, %not3A : i1
        %convert_element_type3A_576 = arith.extui %not3A_575 : i1 to i32
        %cond3A_577 = arith.constant 0 : i32
        %cond3A_578 = arith.cmpi ne, %convert_element_type3A_576, %cond3A_577 : i32
        scf.if %cond3A_578 {
          %broadcast_in_dim3A_827 = arith.constant false
          %broadcast_in_dim3A_828 = vector.broadcast %broadcast_in_dim3A_827 : i1 to vector<16xi1>
          %gather3A_829 = tpu.vector_load_idx %arg11[%get3A_344] : memref<10240xf32, #tpu.memory_space<vmem>>[vector<16xi32>], vector<16xf32>,
          %lt3A_830 = arith.cmpf olt, %gather3A_829, %add3A_408 : vector<16xf32>
          %or3A = arith.ori %broadcast_in_dim3A_828, %lt3A_830 : vector<16xi1>
          %gather3A_831 = tpu.vector_load_idx %arg12[%get3A_344] : memref<10240xf32, #tpu.memory_space<vmem>>[vector<16xi32>], vector<16xf32>,
          %lt3A_832 = arith.cmpf olt, %gather3A_831, %add3A_418 : vector<16xf32>
          %or3A_833 = arith.ori %or3A, %lt3A_832 : vector<16xi1>
          %gather3A_834 = tpu.vector_load_idx %arg13[%get3A_344] : memref<10240xf32, #tpu.memory_space<vmem>>[vector<16xi32>], vector<16xf32>,
          %lt3A_835 = arith.cmpf olt, %gather3A_834, %add3A_429 : vector<16xf32>
          %or3A_836 = arith.ori %or3A_833, %lt3A_835 : vector<16xi1>
          %gather3A_837 = tpu.vector_load_idx %arg14[%get3A_344] : memref<10240xf32, #tpu.memory_space<vmem>>[vector<16xi32>], vector<16xf32>,
          %lt3A_838 = arith.cmpf olt, %gather3A_837, %add3A_440 : vector<16xf32>
          %or3A_839 = arith.ori %or3A_836, %lt3A_838 : vector<16xi1>
          %while3A = scf.while (%while3A_885 = %or3A_839) : (vector<16xi1>) -> vector<16xi1> {
            %reduce_or3A = arith.constant 1.000000e+00 : f32
            %reduce_or3A_886 = arith.constant 0.000000e+00 : f32
            %reduce_or3A_887 = vector.broadcast %reduce_or3A : f32 to vector<16xf32>
            %reduce_or3A_888 = vector.broadcast %reduce_or3A_886 : f32 to vector<16xf32>
            %reduce_or3A_889 = arith.select %while3A_885, %reduce_or3A_887, %reduce_or3A_888 : vector<16xi1>, vector<16xf32>
            %reduce_or3A_890 = arith.constant true
            %reduce_or3A_891 = vector.broadcast %reduce_or3A_890 : i1 to vector<16xi1>
            %reduce_or3A_892 = tpu.scan <max>, %reduce_or3A_889 masked %reduce_or3A_891 : vector<16xf32>, vector<16xi1> -> vector<16xf32>
            %reduce_or3A_893 = vector.extract %reduce_or3A_892[15] : f32 from vector<16xf32>
            %reduce_or3A_894 = arith.constant 0.000000e+00 : f32
            %reduce_or3A_895 = arith.cmpf ogt, %reduce_or3A_893, %reduce_or3A_894 : f32
            scf.condition(%reduce_or3A_895) %while3A_885 : vector<16xi1>
          } do {
          ^bb0(%while3A_885: vector<16xi1>):
            %gather3A_886 = tpu.vector_load_idx %arg11[%get3A_344] : memref<10240xf32, #tpu.memory_space<vmem>>[vector<16xi32>], vector<16xf32>,
            %max3A_887 = arith.maximumf %gather3A_886, %add3A_408 : vector<16xf32>
            tpu.vector_store_idx %arg11[%get3A_344], %max3A_887 masked %while3A_885 : memref<10240xf32, #tpu.memory_space<vmem>>[vector<16xi32>], vector<16xf32>, vector<16xi1>
            %gather3A_888 = tpu.vector_load_idx %arg12[%get3A_344] : memref<10240xf32, #tpu.memory_space<vmem>>[vector<16xi32>], vector<16xf32>,
            %max3A_889 = arith.maximumf %gather3A_888, %add3A_418 : vector<16xf32>
            tpu.vector_store_idx %arg12[%get3A_344], %max3A_889 masked %while3A_885 : memref<10240xf32, #tpu.memory_space<vmem>>[vector<16xi32>], vector<16xf32>, vector<16xi1>
            %gather3A_890 = tpu.vector_load_idx %arg13[%get3A_344] : memref<10240xf32, #tpu.memory_space<vmem>>[vector<16xi32>], vector<16xf32>,
            %max3A_891 = arith.maximumf %gather3A_890, %add3A_429 : vector<16xf32>
            tpu.vector_store_idx %arg13[%get3A_344], %max3A_891 masked %while3A_885 : memref<10240xf32, #tpu.memory_space<vmem>>[vector<16xi32>], vector<16xf32>, vector<16xi1>
            %gather3A_892 = tpu.vector_load_idx %arg14[%get3A_344] : memref<10240xf32, #tpu.memory_space<vmem>>[vector<16xi32>], vector<16xf32>,
            %max3A_893 = arith.maximumf %gather3A_892, %add3A_440 : vector<16xf32>
            tpu.vector_store_idx %arg14[%get3A_344], %max3A_893 masked %while3A_885 : memref<10240xf32, #tpu.memory_space<vmem>>[vector<16xi32>], vector<16xf32>, vector<16xi1>
            %broadcast_in_dim3A_894 = arith.constant false
            %broadcast_in_dim3A_895 = vector.broadcast %broadcast_in_dim3A_894 : i1 to vector<16xi1>
            %gather3A_896 = tpu.vector_load_idx %arg11[%get3A_344] : memref<10240xf32, #tpu.memory_space<vmem>>[vector<16xi32>], vector<16xf32>,
            %lt3A_897 = arith.cmpf olt, %gather3A_896, %add3A_408 : vector<16xf32>
            %or3A_898 = arith.ori %broadcast_in_dim3A_895, %lt3A_897 : vector<16xi1>
            %gather3A_899 = tpu.vector_load_idx %arg12[%get3A_344] : memref<10240xf32, #tpu.memory_space<vmem>>[vector<16xi32>], vector<16xf32>,
            %lt3A_900 = arith.cmpf olt, %gather3A_899, %add3A_418 : vector<16xf32>
            %or3A_901 = arith.ori %or3A_898, %lt3A_900 : vector<16xi1>
            %gather3A_902 = tpu.vector_load_idx %arg13[%get3A_344] : memref<10240xf32, #tpu.memory_space<vmem>>[vector<16xi32>], vector<16xf32>,
            %lt3A_903 = arith.cmpf olt, %gather3A_902, %add3A_429 : vector<16xf32>
            %or3A_904 = arith.ori %or3A_901, %lt3A_903 : vector<16xi1>
            %gather3A_905 = tpu.vector_load_idx %arg14[%get3A_344] : memref<10240xf32, #tpu.memory_space<vmem>>[vector<16xi32>], vector<16xf32>,
            %lt3A_906 = arith.cmpf olt, %gather3A_905, %add3A_440 : vector<16xf32>
            %or3A_907 = arith.ori %or3A_904, %lt3A_906 : vector<16xi1>
            scf.yield %or3A_907 : vector<16xi1>
          }
          %broadcast_in_dim3A_840 = arith.constant false
          %broadcast_in_dim3A_841 = vector.broadcast %broadcast_in_dim3A_840 : i1 to vector<16xi1>
          %gather3A_842 = tpu.vector_load_idx %arg11[%get3A_355] : memref<10240xf32, #tpu.memory_space<vmem>>[vector<16xi32>], vector<16xf32>,
          %lt3A_843 = arith.cmpf olt, %gather3A_842, %add3A_451 : vector<16xf32>
          %or3A_844 = arith.ori %broadcast_in_dim3A_841, %lt3A_843 : vector<16xi1>
          %gather3A_845 = tpu.vector_load_idx %arg12[%get3A_355] : memref<10240xf32, #tpu.memory_space<vmem>>[vector<16xi32>], vector<16xf32>,
          %lt3A_846 = arith.cmpf olt, %gather3A_845, %add3A_462 : vector<16xf32>
          %or3A_847 = arith.ori %or3A_844, %lt3A_846 : vector<16xi1>
          %gather3A_848 = tpu.vector_load_idx %arg13[%get3A_355] : memref<10240xf32, #tpu.memory_space<vmem>>[vector<16xi32>], vector<16xf32>,
          %lt3A_849 = arith.cmpf olt, %gather3A_848, %add3A_473 : vector<16xf32>
          %or3A_850 = arith.ori %or3A_847, %lt3A_849 : vector<16xi1>
          %gather3A_851 = tpu.vector_load_idx %arg14[%get3A_355] : memref<10240xf32, #tpu.memory_space<vmem>>[vector<16xi32>], vector<16xf32>,
          %lt3A_852 = arith.cmpf olt, %gather3A_851, %add3A_484 : vector<16xf32>
          %or3A_853 = arith.ori %or3A_850, %lt3A_852 : vector<16xi1>
          %while3A_854 = scf.while (%while3A_885 = %or3A_853) : (vector<16xi1>) -> vector<16xi1> {
            %reduce_or3A = arith.constant 1.000000e+00 : f32
            %reduce_or3A_886 = arith.constant 0.000000e+00 : f32
            %reduce_or3A_887 = vector.broadcast %reduce_or3A : f32 to vector<16xf32>
            %reduce_or3A_888 = vector.broadcast %reduce_or3A_886 : f32 to vector<16xf32>
            %reduce_or3A_889 = arith.select %while3A_885, %reduce_or3A_887, %reduce_or3A_888 : vector<16xi1>, vector<16xf32>
            %reduce_or3A_890 = arith.constant true
            %reduce_or3A_891 = vector.broadcast %reduce_or3A_890 : i1 to vector<16xi1>
            %reduce_or3A_892 = tpu.scan <max>, %reduce_or3A_889 masked %reduce_or3A_891 : vector<16xf32>, vector<16xi1> -> vector<16xf32>
            %reduce_or3A_893 = vector.extract %reduce_or3A_892[15] : f32 from vector<16xf32>
            %reduce_or3A_894 = arith.constant 0.000000e+00 : f32
            %reduce_or3A_895 = arith.cmpf ogt, %reduce_or3A_893, %reduce_or3A_894 : f32
            scf.condition(%reduce_or3A_895) %while3A_885 : vector<16xi1>
          } do {
          ^bb0(%while3A_885: vector<16xi1>):
            %gather3A_886 = tpu.vector_load_idx %arg11[%get3A_355] : memref<10240xf32, #tpu.memory_space<vmem>>[vector<16xi32>], vector<16xf32>,
            %max3A_887 = arith.maximumf %gather3A_886, %add3A_451 : vector<16xf32>
            tpu.vector_store_idx %arg11[%get3A_355], %max3A_887 masked %while3A_885 : memref<10240xf32, #tpu.memory_space<vmem>>[vector<16xi32>], vector<16xf32>, vector<16xi1>
            %gather3A_888 = tpu.vector_load_idx %arg12[%get3A_355] : memref<10240xf32, #tpu.memory_space<vmem>>[vector<16xi32>], vector<16xf32>,
            %max3A_889 = arith.maximumf %gather3A_888, %add3A_462 : vector<16xf32>
            tpu.vector_store_idx %arg12[%get3A_355], %max3A_889 masked %while3A_885 : memref<10240xf32, #tpu.memory_space<vmem>>[vector<16xi32>], vector<16xf32>, vector<16xi1>
            %gather3A_890 = tpu.vector_load_idx %arg13[%get3A_355] : memref<10240xf32, #tpu.memory_space<vmem>>[vector<16xi32>], vector<16xf32>,
            %max3A_891 = arith.maximumf %gather3A_890, %add3A_473 : vector<16xf32>
            tpu.vector_store_idx %arg13[%get3A_355], %max3A_891 masked %while3A_885 : memref<10240xf32, #tpu.memory_space<vmem>>[vector<16xi32>], vector<16xf32>, vector<16xi1>
            %gather3A_892 = tpu.vector_load_idx %arg14[%get3A_355] : memref<10240xf32, #tpu.memory_space<vmem>>[vector<16xi32>], vector<16xf32>,
            %max3A_893 = arith.maximumf %gather3A_892, %add3A_484 : vector<16xf32>
            tpu.vector_store_idx %arg14[%get3A_355], %max3A_893 masked %while3A_885 : memref<10240xf32, #tpu.memory_space<vmem>>[vector<16xi32>], vector<16xf32>, vector<16xi1>
            %broadcast_in_dim3A_894 = arith.constant false
            %broadcast_in_dim3A_895 = vector.broadcast %broadcast_in_dim3A_894 : i1 to vector<16xi1>
            %gather3A_896 = tpu.vector_load_idx %arg11[%get3A_355] : memref<10240xf32, #tpu.memory_space<vmem>>[vector<16xi32>], vector<16xf32>,
            %lt3A_897 = arith.cmpf olt, %gather3A_896, %add3A_451 : vector<16xf32>
            %or3A_898 = arith.ori %broadcast_in_dim3A_895, %lt3A_897 : vector<16xi1>
            %gather3A_899 = tpu.vector_load_idx %arg12[%get3A_355] : memref<10240xf32, #tpu.memory_space<vmem>>[vector<16xi32>], vector<16xf32>,
            %lt3A_900 = arith.cmpf olt, %gather3A_899, %add3A_462 : vector<16xf32>
            %or3A_901 = arith.ori %or3A_898, %lt3A_900 : vector<16xi1>
            %gather3A_902 = tpu.vector_load_idx %arg13[%get3A_355] : memref<10240xf32, #tpu.memory_space<vmem>>[vector<16xi32>], vector<16xf32>,
            %lt3A_903 = arith.cmpf olt, %gather3A_902, %add3A_473 : vector<16xf32>
            %or3A_904 = arith.ori %or3A_901, %lt3A_903 : vector<16xi1>
            %gather3A_905 = tpu.vector_load_idx %arg14[%get3A_355] : memref<10240xf32, #tpu.memory_space<vmem>>[vector<16xi32>], vector<16xf32>,
            %lt3A_906 = arith.cmpf olt, %gather3A_905, %add3A_484 : vector<16xf32>
            %or3A_907 = arith.ori %or3A_904, %lt3A_906 : vector<16xi1>
            scf.yield %or3A_907 : vector<16xi1>
          }
          %broadcast_in_dim3A_855 = arith.constant false
          %broadcast_in_dim3A_856 = vector.broadcast %broadcast_in_dim3A_855 : i1 to vector<16xi1>
          %gather3A_857 = tpu.vector_load_idx %arg11[%get3A_367] : memref<10240xf32, #tpu.memory_space<vmem>>[vector<16xi32>], vector<16xf32>,
          %lt3A_858 = arith.cmpf olt, %gather3A_857, %add3A_495 : vector<16xf32>
          %or3A_859 = arith.ori %broadcast_in_dim3A_856, %lt3A_858 : vector<16xi1>
          %gather3A_860 = tpu.vector_load_idx %arg12[%get3A_367] : memref<10240xf32, #tpu.memory_space<vmem>>[vector<16xi32>], vector<16xf32>,
          %lt3A_861 = arith.cmpf olt, %gather3A_860, %add3A_506 : vector<16xf32>
          %or3A_862 = arith.ori %or3A_859, %lt3A_861 : vector<16xi1>
          %gather3A_863 = tpu.vector_load_idx %arg13[%get3A_367] : memref<10240xf32, #tpu.memory_space<vmem>>[vector<16xi32>], vector<16xf32>,
          %lt3A_864 = arith.cmpf olt, %gather3A_863, %add3A_517 : vector<16xf32>
          %or3A_865 = arith.ori %or3A_862, %lt3A_864 : vector<16xi1>
          %gather3A_866 = tpu.vector_load_idx %arg14[%get3A_367] : memref<10240xf32, #tpu.memory_space<vmem>>[vector<16xi32>], vector<16xf32>,
          %lt3A_867 = arith.cmpf olt, %gather3A_866, %add3A_528 : vector<16xf32>
          %or3A_868 = arith.ori %or3A_865, %lt3A_867 : vector<16xi1>
          %while3A_869 = scf.while (%while3A_885 = %or3A_868) : (vector<16xi1>) -> vector<16xi1> {
            %reduce_or3A = arith.constant 1.000000e+00 : f32
            %reduce_or3A_886 = arith.constant 0.000000e+00 : f32
            %reduce_or3A_887 = vector.broadcast %reduce_or3A : f32 to vector<16xf32>
            %reduce_or3A_888 = vector.broadcast %reduce_or3A_886 : f32 to vector<16xf32>
            %reduce_or3A_889 = arith.select %while3A_885, %reduce_or3A_887, %reduce_or3A_888 : vector<16xi1>, vector<16xf32>
            %reduce_or3A_890 = arith.constant true
            %reduce_or3A_891 = vector.broadcast %reduce_or3A_890 : i1 to vector<16xi1>
            %reduce_or3A_892 = tpu.scan <max>, %reduce_or3A_889 masked %reduce_or3A_891 : vector<16xf32>, vector<16xi1> -> vector<16xf32>
            %reduce_or3A_893 = vector.extract %reduce_or3A_892[15] : f32 from vector<16xf32>
            %reduce_or3A_894 = arith.constant 0.000000e+00 : f32
            %reduce_or3A_895 = arith.cmpf ogt, %reduce_or3A_893, %reduce_or3A_894 : f32
            scf.condition(%reduce_or3A_895) %while3A_885 : vector<16xi1>
          } do {
          ^bb0(%while3A_885: vector<16xi1>):
            %gather3A_886 = tpu.vector_load_idx %arg11[%get3A_367] : memref<10240xf32, #tpu.memory_space<vmem>>[vector<16xi32>], vector<16xf32>,
            %max3A_887 = arith.maximumf %gather3A_886, %add3A_495 : vector<16xf32>
            tpu.vector_store_idx %arg11[%get3A_367], %max3A_887 masked %while3A_885 : memref<10240xf32, #tpu.memory_space<vmem>>[vector<16xi32>], vector<16xf32>, vector<16xi1>
            %gather3A_888 = tpu.vector_load_idx %arg12[%get3A_367] : memref<10240xf32, #tpu.memory_space<vmem>>[vector<16xi32>], vector<16xf32>,
            %max3A_889 = arith.maximumf %gather3A_888, %add3A_506 : vector<16xf32>
            tpu.vector_store_idx %arg12[%get3A_367], %max3A_889 masked %while3A_885 : memref<10240xf32, #tpu.memory_space<vmem>>[vector<16xi32>], vector<16xf32>, vector<16xi1>
            %gather3A_890 = tpu.vector_load_idx %arg13[%get3A_367] : memref<10240xf32, #tpu.memory_space<vmem>>[vector<16xi32>], vector<16xf32>,
            %max3A_891 = arith.maximumf %gather3A_890, %add3A_517 : vector<16xf32>
            tpu.vector_store_idx %arg13[%get3A_367], %max3A_891 masked %while3A_885 : memref<10240xf32, #tpu.memory_space<vmem>>[vector<16xi32>], vector<16xf32>, vector<16xi1>
            %gather3A_892 = tpu.vector_load_idx %arg14[%get3A_367] : memref<10240xf32, #tpu.memory_space<vmem>>[vector<16xi32>], vector<16xf32>,
            %max3A_893 = arith.maximumf %gather3A_892, %add3A_528 : vector<16xf32>
            tpu.vector_store_idx %arg14[%get3A_367], %max3A_893 masked %while3A_885 : memref<10240xf32, #tpu.memory_space<vmem>>[vector<16xi32>], vector<16xf32>, vector<16xi1>
            %broadcast_in_dim3A_894 = arith.constant false
            %broadcast_in_dim3A_895 = vector.broadcast %broadcast_in_dim3A_894 : i1 to vector<16xi1>
            %gather3A_896 = tpu.vector_load_idx %arg11[%get3A_367] : memref<10240xf32, #tpu.memory_space<vmem>>[vector<16xi32>], vector<16xf32>,
            %lt3A_897 = arith.cmpf olt, %gather3A_896, %add3A_495 : vector<16xf32>
            %or3A_898 = arith.ori %broadcast_in_dim3A_895, %lt3A_897 : vector<16xi1>
            %gather3A_899 = tpu.vector_load_idx %arg12[%get3A_367] : memref<10240xf32, #tpu.memory_space<vmem>>[vector<16xi32>], vector<16xf32>,
            %lt3A_900 = arith.cmpf olt, %gather3A_899, %add3A_506 : vector<16xf32>
            %or3A_901 = arith.ori %or3A_898, %lt3A_900 : vector<16xi1>
            %gather3A_902 = tpu.vector_load_idx %arg13[%get3A_367] : memref<10240xf32, #tpu.memory_space<vmem>>[vector<16xi32>], vector<16xf32>,
            %lt3A_903 = arith.cmpf olt, %gather3A_902, %add3A_517 : vector<16xf32>
            %or3A_904 = arith.ori %or3A_901, %lt3A_903 : vector<16xi1>
            %gather3A_905 = tpu.vector_load_idx %arg14[%get3A_367] : memref<10240xf32, #tpu.memory_space<vmem>>[vector<16xi32>], vector<16xf32>,
            %lt3A_906 = arith.cmpf olt, %gather3A_905, %add3A_528 : vector<16xf32>
            %or3A_907 = arith.ori %or3A_904, %lt3A_906 : vector<16xi1>
            scf.yield %or3A_907 : vector<16xi1>
          }
          %broadcast_in_dim3A_870 = arith.constant false
          %broadcast_in_dim3A_871 = vector.broadcast %broadcast_in_dim3A_870 : i1 to vector<16xi1>
          %gather3A_872 = tpu.vector_load_idx %arg11[%get3A_379] : memref<10240xf32, #tpu.memory_space<vmem>>[vector<16xi32>], vector<16xf32>,
          %lt3A_873 = arith.cmpf olt, %gather3A_872, %add3A_539 : vector<16xf32>
          %or3A_874 = arith.ori %broadcast_in_dim3A_871, %lt3A_873 : vector<16xi1>
          %gather3A_875 = tpu.vector_load_idx %arg12[%get3A_379] : memref<10240xf32, #tpu.memory_space<vmem>>[vector<16xi32>], vector<16xf32>,
          %lt3A_876 = arith.cmpf olt, %gather3A_875, %add3A_550 : vector<16xf32>
          %or3A_877 = arith.ori %or3A_874, %lt3A_876 : vector<16xi1>
          %gather3A_878 = tpu.vector_load_idx %arg13[%get3A_379] : memref<10240xf32, #tpu.memory_space<vmem>>[vector<16xi32>], vector<16xf32>,
          %lt3A_879 = arith.cmpf olt, %gather3A_878, %add3A_561 : vector<16xf32>
          %or3A_880 = arith.ori %or3A_877, %lt3A_879 : vector<16xi1>
          %gather3A_881 = tpu.vector_load_idx %arg14[%get3A_379] : memref<10240xf32, #tpu.memory_space<vmem>>[vector<16xi32>], vector<16xf32>,
          %lt3A_882 = arith.cmpf olt, %gather3A_881, %add3A_572 : vector<16xf32>
          %or3A_883 = arith.ori %or3A_880, %lt3A_882 : vector<16xi1>
          %while3A_884 = scf.while (%while3A_885 = %or3A_883) : (vector<16xi1>) -> vector<16xi1> {
            %reduce_or3A = arith.constant 1.000000e+00 : f32
            %reduce_or3A_886 = arith.constant 0.000000e+00 : f32
            %reduce_or3A_887 = vector.broadcast %reduce_or3A : f32 to vector<16xf32>
            %reduce_or3A_888 = vector.broadcast %reduce_or3A_886 : f32 to vector<16xf32>
            %reduce_or3A_889 = arith.select %while3A_885, %reduce_or3A_887, %reduce_or3A_888 : vector<16xi1>, vector<16xf32>
            %reduce_or3A_890 = arith.constant true
            %reduce_or3A_891 = vector.broadcast %reduce_or3A_890 : i1 to vector<16xi1>
            %reduce_or3A_892 = tpu.scan <max>, %reduce_or3A_889 masked %reduce_or3A_891 : vector<16xf32>, vector<16xi1> -> vector<16xf32>
            %reduce_or3A_893 = vector.extract %reduce_or3A_892[15] : f32 from vector<16xf32>
            %reduce_or3A_894 = arith.constant 0.000000e+00 : f32
            %reduce_or3A_895 = arith.cmpf ogt, %reduce_or3A_893, %reduce_or3A_894 : f32
            scf.condition(%reduce_or3A_895) %while3A_885 : vector<16xi1>
          } do {
          ^bb0(%while3A_885: vector<16xi1>):
            %gather3A_886 = tpu.vector_load_idx %arg11[%get3A_379] : memref<10240xf32, #tpu.memory_space<vmem>>[vector<16xi32>], vector<16xf32>,
            %max3A_887 = arith.maximumf %gather3A_886, %add3A_539 : vector<16xf32>
            tpu.vector_store_idx %arg11[%get3A_379], %max3A_887 masked %while3A_885 : memref<10240xf32, #tpu.memory_space<vmem>>[vector<16xi32>], vector<16xf32>, vector<16xi1>
            %gather3A_888 = tpu.vector_load_idx %arg12[%get3A_379] : memref<10240xf32, #tpu.memory_space<vmem>>[vector<16xi32>], vector<16xf32>,
            %max3A_889 = arith.maximumf %gather3A_888, %add3A_550 : vector<16xf32>
            tpu.vector_store_idx %arg12[%get3A_379], %max3A_889 masked %while3A_885 : memref<10240xf32, #tpu.memory_space<vmem>>[vector<16xi32>], vector<16xf32>, vector<16xi1>
            %gather3A_890 = tpu.vector_load_idx %arg13[%get3A_379] : memref<10240xf32, #tpu.memory_space<vmem>>[vector<16xi32>], vector<16xf32>,
            %max3A_891 = arith.maximumf %gather3A_890, %add3A_561 : vector<16xf32>
            tpu.vector_store_idx %arg13[%get3A_379], %max3A_891 masked %while3A_885 : memref<10240xf32, #tpu.memory_space<vmem>>[vector<16xi32>], vector<16xf32>, vector<16xi1>
            %gather3A_892 = tpu.vector_load_idx %arg14[%get3A_379] : memref<10240xf32, #tpu.memory_space<vmem>>[vector<16xi32>], vector<16xf32>,
            %max3A_893 = arith.maximumf %gather3A_892, %add3A_572 : vector<16xf32>
            tpu.vector_store_idx %arg14[%get3A_379], %max3A_893 masked %while3A_885 : memref<10240xf32, #tpu.memory_space<vmem>>[vector<16xi32>], vector<16xf32>, vector<16xi1>
            %broadcast_in_dim3A_894 = arith.constant false
            %broadcast_in_dim3A_895 = vector.broadcast %broadcast_in_dim3A_894 : i1 to vector<16xi1>
            %gather3A_896 = tpu.vector_load_idx %arg11[%get3A_379] : memref<10240xf32, #tpu.memory_space<vmem>>[vector<16xi32>], vector<16xf32>,
            %lt3A_897 = arith.cmpf olt, %gather3A_896, %add3A_539 : vector<16xf32>
            %or3A_898 = arith.ori %broadcast_in_dim3A_895, %lt3A_897 : vector<16xi1>
            %gather3A_899 = tpu.vector_load_idx %arg12[%get3A_379] : memref<10240xf32, #tpu.memory_space<vmem>>[vector<16xi32>], vector<16xf32>,
            %lt3A_900 = arith.cmpf olt, %gather3A_899, %add3A_550 : vector<16xf32>
            %or3A_901 = arith.ori %or3A_898, %lt3A_900 : vector<16xi1>
            %gather3A_902 = tpu.vector_load_idx %arg13[%get3A_379] : memref<10240xf32, #tpu.memory_space<vmem>>[vector<16xi32>], vector<16xf32>,
            %lt3A_903 = arith.cmpf olt, %gather3A_902, %add3A_561 : vector<16xf32>
            %or3A_904 = arith.ori %or3A_901, %lt3A_903 : vector<16xi1>
            %gather3A_905 = tpu.vector_load_idx %arg14[%get3A_379] : memref<10240xf32, #tpu.memory_space<vmem>>[vector<16xi32>], vector<16xf32>,
            %lt3A_906 = arith.cmpf olt, %gather3A_905, %add3A_572 : vector<16xf32>
            %or3A_907 = arith.ori %or3A_904, %lt3A_906 : vector<16xi1>
            scf.yield %or3A_907 : vector<16xi1>
          }
        } else {
        }
        %mul3A_579 = arith.constant 128 : i32
        %mul3A_580 = arith.muli %scan3A_338, %mul3A_579 : i32
        %add3A_581 = arith.constant 64 : i32
        %add3A_582 = arith.addi %mul3A_580, %add3A_581 : i32
        %add3A_583 = arith.constant 0 : i32
        %add3A_584 = arith.addi %add3A_582, %add3A_583 : i32
        %get3A_585 = arith.index_cast %add3A_584 : i32 to index
        %get3A_586 = tpu.vector_load %arg20[%get3A_585] {strides = array<i32>} : memref<1280xi32, #tpu.memory_space<vmem>>, vector<16xi32>,
        %add3A_587 = arith.constant 0 : i32
        %add3A_588 = arith.addi %add3A_582, %add3A_587 : i32
        %get3A_589 = arith.index_cast %add3A_588 : i32 to index
        %get3A_590 = tpu.vector_load %arg18[%get3A_589] {strides = array<i32>} : memref<1280xi32, #tpu.memory_space<vmem>>, vector<16xi32>,
        %broadcast_in_dim3A_591 = arith.constant true
        %broadcast_in_dim3A_592 = vector.broadcast %broadcast_in_dim3A_591 : i1 to vector<16xi1>
        %unique3A_593, %unique3A_594 = tpu.scan_count mask(%broadcast_in_dim3A_592 : vector<16xi1>) value(%get3A_586 : vector<16xi32>) : vector<16xi1>, vector<16xi32>
        %add3A_595 = arith.constant 16 : i32
        %add3A_596 = arith.addi %add3A_582, %add3A_595 : i32
        %get3A_597 = arith.index_cast %add3A_596 : i32 to index
        %get3A_598 = tpu.vector_load %arg20[%get3A_597] {strides = array<i32>} : memref<1280xi32, #tpu.memory_space<vmem>>, vector<16xi32>,
        %add3A_599 = arith.constant 16 : i32
        %add3A_600 = arith.addi %add3A_582, %add3A_599 : i32
        %get3A_601 = arith.index_cast %add3A_600 : i32 to index
        %get3A_602 = tpu.vector_load %arg18[%get3A_601] {strides = array<i32>} : memref<1280xi32, #tpu.memory_space<vmem>>, vector<16xi32>,
        %broadcast_in_dim3A_603 = arith.constant true
        %broadcast_in_dim3A_604 = vector.broadcast %broadcast_in_dim3A_603 : i1 to vector<16xi1>
        %unique3A_605, %unique3A_606 = tpu.scan_count mask(%broadcast_in_dim3A_604 : vector<16xi1>) value(%get3A_598 : vector<16xi32>) : vector<16xi1>, vector<16xi32>
        %add3A_607 = arith.constant 32 : i32
        %add3A_608 = arith.addi %add3A_582, %add3A_607 : i32
        %get3A_609 = arith.index_cast %add3A_608 : i32 to index
        %get3A_610 = tpu.vector_load %arg20[%get3A_609] {strides = array<i32>} : memref<1280xi32, #tpu.memory_space<vmem>>, vector<16xi32>,
        %add3A_611 = arith.constant 32 : i32
        %add3A_612 = arith.addi %add3A_582, %add3A_611 : i32
        %get3A_613 = arith.index_cast %add3A_612 : i32 to index
        %get3A_614 = tpu.vector_load %arg18[%get3A_613] {strides = array<i32>} : memref<1280xi32, #tpu.memory_space<vmem>>, vector<16xi32>,
        %broadcast_in_dim3A_615 = arith.constant true
        %broadcast_in_dim3A_616 = vector.broadcast %broadcast_in_dim3A_615 : i1 to vector<16xi1>
        %unique3A_617, %unique3A_618 = tpu.scan_count mask(%broadcast_in_dim3A_616 : vector<16xi1>) value(%get3A_610 : vector<16xi32>) : vector<16xi1>, vector<16xi32>
        %add3A_619 = arith.constant 48 : i32
        %add3A_620 = arith.addi %add3A_582, %add3A_619 : i32
        %get3A_621 = arith.index_cast %add3A_620 : i32 to index
        %get3A_622 = tpu.vector_load %arg20[%get3A_621] {strides = array<i32>} : memref<1280xi32, #tpu.memory_space<vmem>>, vector<16xi32>,
        %add3A_623 = arith.constant 48 : i32
        %add3A_624 = arith.addi %add3A_582, %add3A_623 : i32
        %get3A_625 = arith.index_cast %add3A_624 : i32 to index
        %get3A_626 = tpu.vector_load %arg18[%get3A_625] {strides = array<i32>} : memref<1280xi32, #tpu.memory_space<vmem>>, vector<16xi32>,
        %broadcast_in_dim3A_627 = arith.constant true
        %broadcast_in_dim3A_628 = vector.broadcast %broadcast_in_dim3A_627 : i1 to vector<16xi1>
        %unique3A_629, %unique3A_630 = tpu.scan_count mask(%broadcast_in_dim3A_628 : vector<16xi1>) value(%get3A_622 : vector<16xi32>) : vector<16xi1>, vector<16xi32>
        %and3A_631 = arith.andi %unique3A_593, %unique3A_605 : vector<16xi1>
        %and3A_632 = arith.andi %and3A_631, %unique3A_617 : vector<16xi1>
        %and3A_633 = arith.andi %and3A_632, %unique3A_629 : vector<16xi1>
        %reduce_and3A_634 = arith.constant 1.000000e+00 : f32
        %reduce_and3A_635 = arith.constant 0.000000e+00 : f32
        %reduce_and3A_636 = vector.broadcast %reduce_and3A_634 : f32 to vector<16xf32>
        %reduce_and3A_637 = vector.broadcast %reduce_and3A_635 : f32 to vector<16xf32>
        %reduce_and3A_638 = arith.select %and3A_633, %reduce_and3A_636, %reduce_and3A_637 : vector<16xi1>, vector<16xf32>
        %reduce_and3A_639 = arith.constant true
        %reduce_and3A_640 = vector.broadcast %reduce_and3A_639 : i1 to vector<16xi1>
        %reduce_and3A_641 = tpu.scan <min>, %reduce_and3A_638 masked %reduce_and3A_640 : vector<16xf32>, vector<16xi1> -> vector<16xf32>
        %reduce_and3A_642 = vector.extract %reduce_and3A_641[15] : f32 from vector<16xf32>
        %reduce_and3A_643 = arith.constant 0.000000e+00 : f32
        %reduce_and3A_644 = arith.cmpf ogt, %reduce_and3A_642, %reduce_and3A_643 : f32
        %gather3A_645 = tpu.vector_load_idx %arg7[%get3A_590] : memref<10000xf32, #tpu.memory_space<vmem>>[vector<16xi32>], vector<16xf32>,
        %add3A_646 = arith.constant 0 : i32
        %add3A_647 = arith.addi %mul3A_32, %add3A_646 : i32
        %add3A_648 = arith.constant 0 : i32
        %add3A_649 = arith.addi %add3A_582, %add3A_648 : i32
        %get3A_650 = arith.index_cast %add3A_647 : i32 to index
        %get3A_651 = arith.index_cast %add3A_649 : i32 to index
        %get3A_652 = tpu.vector_load %arg16[%get3A_650, %get3A_651] {strides = array<i32>} : memref<8x1280xf32, #tpu.memory_space<vmem>>, vector<16xf32>,
        %add3A_653 = arith.addf %gather3A_645, %get3A_652 : vector<16xf32>
        %gather3A_654 = tpu.vector_load_idx %arg11[%get3A_586] : memref<10240xf32, #tpu.memory_space<vmem>>[vector<16xi32>], vector<16xf32>,
        %max3A_655 = arith.maximumf %gather3A_654, %add3A_653 : vector<16xf32>
        tpu.vector_store_idx %arg11[%get3A_586], %max3A_655 : memref<10240xf32, #tpu.memory_space<vmem>>[vector<16xi32>], vector<16xf32>,
        %gather3A_656 = tpu.vector_load_idx %arg8[%get3A_590] : memref<10000xf32, #tpu.memory_space<vmem>>[vector<16xi32>], vector<16xf32>,
        %add3A_657 = arith.constant 1 : i32
        %add3A_658 = arith.addi %mul3A_32, %add3A_657 : i32
        %add3A_659 = arith.constant 0 : i32
        %add3A_660 = arith.addi %add3A_582, %add3A_659 : i32
        %get3A_661 = arith.index_cast %add3A_658 : i32 to index
        %get3A_662 = arith.index_cast %add3A_660 : i32 to index
        %get3A_663 = tpu.vector_load %arg16[%get3A_661, %get3A_662] {strides = array<i32>} : memref<8x1280xf32, #tpu.memory_space<vmem>>, vector<16xf32>,
        %add3A_664 = arith.addf %gather3A_656, %get3A_663 : vector<16xf32>
        %gather3A_665 = tpu.vector_load_idx %arg12[%get3A_586] : memref<10240xf32, #tpu.memory_space<vmem>>[vector<16xi32>], vector<16xf32>,
        %max3A_666 = arith.maximumf %gather3A_665, %add3A_664 : vector<16xf32>
        tpu.vector_store_idx %arg12[%get3A_586], %max3A_666 : memref<10240xf32, #tpu.memory_space<vmem>>[vector<16xi32>], vector<16xf32>,
        %gather3A_667 = tpu.vector_load_idx %arg9[%get3A_590] : memref<10000xf32, #tpu.memory_space<vmem>>[vector<16xi32>], vector<16xf32>,
        %add3A_668 = arith.constant 2 : i32
        %add3A_669 = arith.addi %mul3A_32, %add3A_668 : i32
        %add3A_670 = arith.constant 0 : i32
        %add3A_671 = arith.addi %add3A_582, %add3A_670 : i32
        %get3A_672 = arith.index_cast %add3A_669 : i32 to index
        %get3A_673 = arith.index_cast %add3A_671 : i32 to index
        %get3A_674 = tpu.vector_load %arg16[%get3A_672, %get3A_673] {strides = array<i32>} : memref<8x1280xf32, #tpu.memory_space<vmem>>, vector<16xf32>,
        %add3A_675 = arith.addf %gather3A_667, %get3A_674 : vector<16xf32>
        %gather3A_676 = tpu.vector_load_idx %arg13[%get3A_586] : memref<10240xf32, #tpu.memory_space<vmem>>[vector<16xi32>], vector<16xf32>,
        %max3A_677 = arith.maximumf %gather3A_676, %add3A_675 : vector<16xf32>
        tpu.vector_store_idx %arg13[%get3A_586], %max3A_677 : memref<10240xf32, #tpu.memory_space<vmem>>[vector<16xi32>], vector<16xf32>,
        %gather3A_678 = tpu.vector_load_idx %arg10[%get3A_590] : memref<10000xf32, #tpu.memory_space<vmem>>[vector<16xi32>], vector<16xf32>,
        %add3A_679 = arith.constant 3 : i32
        %add3A_680 = arith.addi %mul3A_32, %add3A_679 : i32
        %add3A_681 = arith.constant 0 : i32
        %add3A_682 = arith.addi %add3A_582, %add3A_681 : i32
        %get3A_683 = arith.index_cast %add3A_680 : i32 to index
        %get3A_684 = arith.index_cast %add3A_682 : i32 to index
        %get3A_685 = tpu.vector_load %arg16[%get3A_683, %get3A_684] {strides = array<i32>} : memref<8x1280xf32, #tpu.memory_space<vmem>>, vector<16xf32>,
        %add3A_686 = arith.addf %gather3A_678, %get3A_685 : vector<16xf32>
        %gather3A_687 = tpu.vector_load_idx %arg14[%get3A_586] : memref<10240xf32, #tpu.memory_space<vmem>>[vector<16xi32>], vector<16xf32>,
        %max3A_688 = arith.maximumf %gather3A_687, %add3A_686 : vector<16xf32>
        tpu.vector_store_idx %arg14[%get3A_586], %max3A_688 : memref<10240xf32, #tpu.memory_space<vmem>>[vector<16xi32>], vector<16xf32>,
        %gather3A_689 = tpu.vector_load_idx %arg7[%get3A_602] : memref<10000xf32, #tpu.memory_space<vmem>>[vector<16xi32>], vector<16xf32>,
        %add3A_690 = arith.constant 0 : i32
        %add3A_691 = arith.addi %mul3A_32, %add3A_690 : i32
        %add3A_692 = arith.constant 16 : i32
        %add3A_693 = arith.addi %add3A_582, %add3A_692 : i32
        %get3A_694 = arith.index_cast %add3A_691 : i32 to index
        %get3A_695 = arith.index_cast %add3A_693 : i32 to index
        %get3A_696 = tpu.vector_load %arg16[%get3A_694, %get3A_695] {strides = array<i32>} : memref<8x1280xf32, #tpu.memory_space<vmem>>, vector<16xf32>,
        %add3A_697 = arith.addf %gather3A_689, %get3A_696 : vector<16xf32>
        %gather3A_698 = tpu.vector_load_idx %arg11[%get3A_598] : memref<10240xf32, #tpu.memory_space<vmem>>[vector<16xi32>], vector<16xf32>,
        %max3A_699 = arith.maximumf %gather3A_698, %add3A_697 : vector<16xf32>
        tpu.vector_store_idx %arg11[%get3A_598], %max3A_699 : memref<10240xf32, #tpu.memory_space<vmem>>[vector<16xi32>], vector<16xf32>,
        %gather3A_700 = tpu.vector_load_idx %arg8[%get3A_602] : memref<10000xf32, #tpu.memory_space<vmem>>[vector<16xi32>], vector<16xf32>,
        %add3A_701 = arith.constant 1 : i32
        %add3A_702 = arith.addi %mul3A_32, %add3A_701 : i32
        %add3A_703 = arith.constant 16 : i32
        %add3A_704 = arith.addi %add3A_582, %add3A_703 : i32
        %get3A_705 = arith.index_cast %add3A_702 : i32 to index
        %get3A_706 = arith.index_cast %add3A_704 : i32 to index
        %get3A_707 = tpu.vector_load %arg16[%get3A_705, %get3A_706] {strides = array<i32>} : memref<8x1280xf32, #tpu.memory_space<vmem>>, vector<16xf32>,
        %add3A_708 = arith.addf %gather3A_700, %get3A_707 : vector<16xf32>
        %gather3A_709 = tpu.vector_load_idx %arg12[%get3A_598] : memref<10240xf32, #tpu.memory_space<vmem>>[vector<16xi32>], vector<16xf32>,
        %max3A_710 = arith.maximumf %gather3A_709, %add3A_708 : vector<16xf32>
        tpu.vector_store_idx %arg12[%get3A_598], %max3A_710 : memref<10240xf32, #tpu.memory_space<vmem>>[vector<16xi32>], vector<16xf32>,
        %gather3A_711 = tpu.vector_load_idx %arg9[%get3A_602] : memref<10000xf32, #tpu.memory_space<vmem>>[vector<16xi32>], vector<16xf32>,
        %add3A_712 = arith.constant 2 : i32
        %add3A_713 = arith.addi %mul3A_32, %add3A_712 : i32
        %add3A_714 = arith.constant 16 : i32
        %add3A_715 = arith.addi %add3A_582, %add3A_714 : i32
        %get3A_716 = arith.index_cast %add3A_713 : i32 to index
        %get3A_717 = arith.index_cast %add3A_715 : i32 to index
        %get3A_718 = tpu.vector_load %arg16[%get3A_716, %get3A_717] {strides = array<i32>} : memref<8x1280xf32, #tpu.memory_space<vmem>>, vector<16xf32>,
        %add3A_719 = arith.addf %gather3A_711, %get3A_718 : vector<16xf32>
        %gather3A_720 = tpu.vector_load_idx %arg13[%get3A_598] : memref<10240xf32, #tpu.memory_space<vmem>>[vector<16xi32>], vector<16xf32>,
        %max3A_721 = arith.maximumf %gather3A_720, %add3A_719 : vector<16xf32>
        tpu.vector_store_idx %arg13[%get3A_598], %max3A_721 : memref<10240xf32, #tpu.memory_space<vmem>>[vector<16xi32>], vector<16xf32>,
        %gather3A_722 = tpu.vector_load_idx %arg10[%get3A_602] : memref<10000xf32, #tpu.memory_space<vmem>>[vector<16xi32>], vector<16xf32>,
        %add3A_723 = arith.constant 3 : i32
        %add3A_724 = arith.addi %mul3A_32, %add3A_723 : i32
        %add3A_725 = arith.constant 16 : i32
        %add3A_726 = arith.addi %add3A_582, %add3A_725 : i32
        %get3A_727 = arith.index_cast %add3A_724 : i32 to index
        %get3A_728 = arith.index_cast %add3A_726 : i32 to index
        %get3A_729 = tpu.vector_load %arg16[%get3A_727, %get3A_728] {strides = array<i32>} : memref<8x1280xf32, #tpu.memory_space<vmem>>, vector<16xf32>,
        %add3A_730 = arith.addf %gather3A_722, %get3A_729 : vector<16xf32>
        %gather3A_731 = tpu.vector_load_idx %arg14[%get3A_598] : memref<10240xf32, #tpu.memory_space<vmem>>[vector<16xi32>], vector<16xf32>,
        %max3A_732 = arith.maximumf %gather3A_731, %add3A_730 : vector<16xf32>
        tpu.vector_store_idx %arg14[%get3A_598], %max3A_732 : memref<10240xf32, #tpu.memory_space<vmem>>[vector<16xi32>], vector<16xf32>,
        %gather3A_733 = tpu.vector_load_idx %arg7[%get3A_614] : memref<10000xf32, #tpu.memory_space<vmem>>[vector<16xi32>], vector<16xf32>,
        %add3A_734 = arith.constant 0 : i32
        %add3A_735 = arith.addi %mul3A_32, %add3A_734 : i32
        %add3A_736 = arith.constant 32 : i32
        %add3A_737 = arith.addi %add3A_582, %add3A_736 : i32
        %get3A_738 = arith.index_cast %add3A_735 : i32 to index
        %get3A_739 = arith.index_cast %add3A_737 : i32 to index
        %get3A_740 = tpu.vector_load %arg16[%get3A_738, %get3A_739] {strides = array<i32>} : memref<8x1280xf32, #tpu.memory_space<vmem>>, vector<16xf32>,
        %add3A_741 = arith.addf %gather3A_733, %get3A_740 : vector<16xf32>
        %gather3A_742 = tpu.vector_load_idx %arg11[%get3A_610] : memref<10240xf32, #tpu.memory_space<vmem>>[vector<16xi32>], vector<16xf32>,
        %max3A_743 = arith.maximumf %gather3A_742, %add3A_741 : vector<16xf32>
        tpu.vector_store_idx %arg11[%get3A_610], %max3A_743 : memref<10240xf32, #tpu.memory_space<vmem>>[vector<16xi32>], vector<16xf32>,
        %gather3A_744 = tpu.vector_load_idx %arg8[%get3A_614] : memref<10000xf32, #tpu.memory_space<vmem>>[vector<16xi32>], vector<16xf32>,
        %add3A_745 = arith.constant 1 : i32
        %add3A_746 = arith.addi %mul3A_32, %add3A_745 : i32
        %add3A_747 = arith.constant 32 : i32
        %add3A_748 = arith.addi %add3A_582, %add3A_747 : i32
        %get3A_749 = arith.index_cast %add3A_746 : i32 to index
        %get3A_750 = arith.index_cast %add3A_748 : i32 to index
        %get3A_751 = tpu.vector_load %arg16[%get3A_749, %get3A_750] {strides = array<i32>} : memref<8x1280xf32, #tpu.memory_space<vmem>>, vector<16xf32>,
        %add3A_752 = arith.addf %gather3A_744, %get3A_751 : vector<16xf32>
        %gather3A_753 = tpu.vector_load_idx %arg12[%get3A_610] : memref<10240xf32, #tpu.memory_space<vmem>>[vector<16xi32>], vector<16xf32>,
        %max3A_754 = arith.maximumf %gather3A_753, %add3A_752 : vector<16xf32>
        tpu.vector_store_idx %arg12[%get3A_610], %max3A_754 : memref<10240xf32, #tpu.memory_space<vmem>>[vector<16xi32>], vector<16xf32>,
        %gather3A_755 = tpu.vector_load_idx %arg9[%get3A_614] : memref<10000xf32, #tpu.memory_space<vmem>>[vector<16xi32>], vector<16xf32>,
        %add3A_756 = arith.constant 2 : i32
        %add3A_757 = arith.addi %mul3A_32, %add3A_756 : i32
        %add3A_758 = arith.constant 32 : i32
        %add3A_759 = arith.addi %add3A_582, %add3A_758 : i32
        %get3A_760 = arith.index_cast %add3A_757 : i32 to index
        %get3A_761 = arith.index_cast %add3A_759 : i32 to index
        %get3A_762 = tpu.vector_load %arg16[%get3A_760, %get3A_761] {strides = array<i32>} : memref<8x1280xf32, #tpu.memory_space<vmem>>, vector<16xf32>,
        %add3A_763 = arith.addf %gather3A_755, %get3A_762 : vector<16xf32>
        %gather3A_764 = tpu.vector_load_idx %arg13[%get3A_610] : memref<10240xf32, #tpu.memory_space<vmem>>[vector<16xi32>], vector<16xf32>,
        %max3A_765 = arith.maximumf %gather3A_764, %add3A_763 : vector<16xf32>
        tpu.vector_store_idx %arg13[%get3A_610], %max3A_765 : memref<10240xf32, #tpu.memory_space<vmem>>[vector<16xi32>], vector<16xf32>,
        %gather3A_766 = tpu.vector_load_idx %arg10[%get3A_614] : memref<10000xf32, #tpu.memory_space<vmem>>[vector<16xi32>], vector<16xf32>,
        %add3A_767 = arith.constant 3 : i32
        %add3A_768 = arith.addi %mul3A_32, %add3A_767 : i32
        %add3A_769 = arith.constant 32 : i32
        %add3A_770 = arith.addi %add3A_582, %add3A_769 : i32
        %get3A_771 = arith.index_cast %add3A_768 : i32 to index
        %get3A_772 = arith.index_cast %add3A_770 : i32 to index
        %get3A_773 = tpu.vector_load %arg16[%get3A_771, %get3A_772] {strides = array<i32>} : memref<8x1280xf32, #tpu.memory_space<vmem>>, vector<16xf32>,
        %add3A_774 = arith.addf %gather3A_766, %get3A_773 : vector<16xf32>
        %gather3A_775 = tpu.vector_load_idx %arg14[%get3A_610] : memref<10240xf32, #tpu.memory_space<vmem>>[vector<16xi32>], vector<16xf32>,
        %max3A_776 = arith.maximumf %gather3A_775, %add3A_774 : vector<16xf32>
        tpu.vector_store_idx %arg14[%get3A_610], %max3A_776 : memref<10240xf32, #tpu.memory_space<vmem>>[vector<16xi32>], vector<16xf32>,
        %gather3A_777 = tpu.vector_load_idx %arg7[%get3A_626] : memref<10000xf32, #tpu.memory_space<vmem>>[vector<16xi32>], vector<16xf32>,
        %add3A_778 = arith.constant 0 : i32
        %add3A_779 = arith.addi %mul3A_32, %add3A_778 : i32
        %add3A_780 = arith.constant 48 : i32
        %add3A_781 = arith.addi %add3A_582, %add3A_780 : i32
        %get3A_782 = arith.index_cast %add3A_779 : i32 to index
        %get3A_783 = arith.index_cast %add3A_781 : i32 to index
        %get3A_784 = tpu.vector_load %arg16[%get3A_782, %get3A_783] {strides = array<i32>} : memref<8x1280xf32, #tpu.memory_space<vmem>>, vector<16xf32>,
        %add3A_785 = arith.addf %gather3A_777, %get3A_784 : vector<16xf32>
        %gather3A_786 = tpu.vector_load_idx %arg11[%get3A_622] : memref<10240xf32, #tpu.memory_space<vmem>>[vector<16xi32>], vector<16xf32>,
        %max3A_787 = arith.maximumf %gather3A_786, %add3A_785 : vector<16xf32>
        tpu.vector_store_idx %arg11[%get3A_622], %max3A_787 : memref<10240xf32, #tpu.memory_space<vmem>>[vector<16xi32>], vector<16xf32>,
        %gather3A_788 = tpu.vector_load_idx %arg8[%get3A_626] : memref<10000xf32, #tpu.memory_space<vmem>>[vector<16xi32>], vector<16xf32>,
        %add3A_789 = arith.constant 1 : i32
        %add3A_790 = arith.addi %mul3A_32, %add3A_789 : i32
        %add3A_791 = arith.constant 48 : i32
        %add3A_792 = arith.addi %add3A_582, %add3A_791 : i32
        %get3A_793 = arith.index_cast %add3A_790 : i32 to index
        %get3A_794 = arith.index_cast %add3A_792 : i32 to index
        %get3A_795 = tpu.vector_load %arg16[%get3A_793, %get3A_794] {strides = array<i32>} : memref<8x1280xf32, #tpu.memory_space<vmem>>, vector<16xf32>,
        %add3A_796 = arith.addf %gather3A_788, %get3A_795 : vector<16xf32>
        %gather3A_797 = tpu.vector_load_idx %arg12[%get3A_622] : memref<10240xf32, #tpu.memory_space<vmem>>[vector<16xi32>], vector<16xf32>,
        %max3A_798 = arith.maximumf %gather3A_797, %add3A_796 : vector<16xf32>
        tpu.vector_store_idx %arg12[%get3A_622], %max3A_798 : memref<10240xf32, #tpu.memory_space<vmem>>[vector<16xi32>], vector<16xf32>,
        %gather3A_799 = tpu.vector_load_idx %arg9[%get3A_626] : memref<10000xf32, #tpu.memory_space<vmem>>[vector<16xi32>], vector<16xf32>,
        %add3A_800 = arith.constant 2 : i32
        %add3A_801 = arith.addi %mul3A_32, %add3A_800 : i32
        %add3A_802 = arith.constant 48 : i32
        %add3A_803 = arith.addi %add3A_582, %add3A_802 : i32
        %get3A_804 = arith.index_cast %add3A_801 : i32 to index
        %get3A_805 = arith.index_cast %add3A_803 : i32 to index
        %get3A_806 = tpu.vector_load %arg16[%get3A_804, %get3A_805] {strides = array<i32>} : memref<8x1280xf32, #tpu.memory_space<vmem>>, vector<16xf32>,
        %add3A_807 = arith.addf %gather3A_799, %get3A_806 : vector<16xf32>
        %gather3A_808 = tpu.vector_load_idx %arg13[%get3A_622] : memref<10240xf32, #tpu.memory_space<vmem>>[vector<16xi32>], vector<16xf32>,
        %max3A_809 = arith.maximumf %gather3A_808, %add3A_807 : vector<16xf32>
        tpu.vector_store_idx %arg13[%get3A_622], %max3A_809 : memref<10240xf32, #tpu.memory_space<vmem>>[vector<16xi32>], vector<16xf32>,
        %gather3A_810 = tpu.vector_load_idx %arg10[%get3A_626] : memref<10000xf32, #tpu.memory_space<vmem>>[vector<16xi32>], vector<16xf32>,
        %add3A_811 = arith.constant 3 : i32
        %add3A_812 = arith.addi %mul3A_32, %add3A_811 : i32
        %add3A_813 = arith.constant 48 : i32
        %add3A_814 = arith.addi %add3A_582, %add3A_813 : i32
        %get3A_815 = arith.index_cast %add3A_812 : i32 to index
        %get3A_816 = arith.index_cast %add3A_814 : i32 to index
        %get3A_817 = tpu.vector_load %arg16[%get3A_815, %get3A_816] {strides = array<i32>} : memref<8x1280xf32, #tpu.memory_space<vmem>>, vector<16xf32>,
        %add3A_818 = arith.addf %gather3A_810, %get3A_817 : vector<16xf32>
        %gather3A_819 = tpu.vector_load_idx %arg14[%get3A_622] : memref<10240xf32, #tpu.memory_space<vmem>>[vector<16xi32>], vector<16xf32>,
        %max3A_820 = arith.maximumf %gather3A_819, %add3A_818 : vector<16xf32>
        tpu.vector_store_idx %arg14[%get3A_622], %max3A_820 : memref<10240xf32, #tpu.memory_space<vmem>>[vector<16xi32>], vector<16xf32>,
        %not3A_821 = arith.constant true
        %not3A_822 = arith.xori %reduce_and3A_644, %not3A_821 : i1
        %convert_element_type3A_823 = arith.extui %not3A_822 : i1 to i32
        %cond3A_824 = arith.constant 0 : i32
        %cond3A_825 = arith.cmpi ne, %convert_element_type3A_823, %cond3A_824 : i32
        scf.if %cond3A_825 {
          %broadcast_in_dim3A_827 = arith.constant false
          %broadcast_in_dim3A_828 = vector.broadcast %broadcast_in_dim3A_827 : i1 to vector<16xi1>
          %gather3A_829 = tpu.vector_load_idx %arg11[%get3A_586] : memref<10240xf32, #tpu.memory_space<vmem>>[vector<16xi32>], vector<16xf32>,
          %lt3A_830 = arith.cmpf olt, %gather3A_829, %add3A_653 : vector<16xf32>
          %or3A = arith.ori %broadcast_in_dim3A_828, %lt3A_830 : vector<16xi1>
          %gather3A_831 = tpu.vector_load_idx %arg12[%get3A_586] : memref<10240xf32, #tpu.memory_space<vmem>>[vector<16xi32>], vector<16xf32>,
          %lt3A_832 = arith.cmpf olt, %gather3A_831, %add3A_664 : vector<16xf32>
          %or3A_833 = arith.ori %or3A, %lt3A_832 : vector<16xi1>
          %gather3A_834 = tpu.vector_load_idx %arg13[%get3A_586] : memref<10240xf32, #tpu.memory_space<vmem>>[vector<16xi32>], vector<16xf32>,
          %lt3A_835 = arith.cmpf olt, %gather3A_834, %add3A_675 : vector<16xf32>
          %or3A_836 = arith.ori %or3A_833, %lt3A_835 : vector<16xi1>
          %gather3A_837 = tpu.vector_load_idx %arg14[%get3A_586] : memref<10240xf32, #tpu.memory_space<vmem>>[vector<16xi32>], vector<16xf32>,
          %lt3A_838 = arith.cmpf olt, %gather3A_837, %add3A_686 : vector<16xf32>
          %or3A_839 = arith.ori %or3A_836, %lt3A_838 : vector<16xi1>
          %while3A = scf.while (%while3A_885 = %or3A_839) : (vector<16xi1>) -> vector<16xi1> {
            %reduce_or3A = arith.constant 1.000000e+00 : f32
            %reduce_or3A_886 = arith.constant 0.000000e+00 : f32
            %reduce_or3A_887 = vector.broadcast %reduce_or3A : f32 to vector<16xf32>
            %reduce_or3A_888 = vector.broadcast %reduce_or3A_886 : f32 to vector<16xf32>
            %reduce_or3A_889 = arith.select %while3A_885, %reduce_or3A_887, %reduce_or3A_888 : vector<16xi1>, vector<16xf32>
            %reduce_or3A_890 = arith.constant true
            %reduce_or3A_891 = vector.broadcast %reduce_or3A_890 : i1 to vector<16xi1>
            %reduce_or3A_892 = tpu.scan <max>, %reduce_or3A_889 masked %reduce_or3A_891 : vector<16xf32>, vector<16xi1> -> vector<16xf32>
            %reduce_or3A_893 = vector.extract %reduce_or3A_892[15] : f32 from vector<16xf32>
            %reduce_or3A_894 = arith.constant 0.000000e+00 : f32
            %reduce_or3A_895 = arith.cmpf ogt, %reduce_or3A_893, %reduce_or3A_894 : f32
            scf.condition(%reduce_or3A_895) %while3A_885 : vector<16xi1>
          } do {
          ^bb0(%while3A_885: vector<16xi1>):
            %gather3A_886 = tpu.vector_load_idx %arg11[%get3A_586] : memref<10240xf32, #tpu.memory_space<vmem>>[vector<16xi32>], vector<16xf32>,
            %max3A_887 = arith.maximumf %gather3A_886, %add3A_653 : vector<16xf32>
            tpu.vector_store_idx %arg11[%get3A_586], %max3A_887 masked %while3A_885 : memref<10240xf32, #tpu.memory_space<vmem>>[vector<16xi32>], vector<16xf32>, vector<16xi1>
            %gather3A_888 = tpu.vector_load_idx %arg12[%get3A_586] : memref<10240xf32, #tpu.memory_space<vmem>>[vector<16xi32>], vector<16xf32>,
            %max3A_889 = arith.maximumf %gather3A_888, %add3A_664 : vector<16xf32>
            tpu.vector_store_idx %arg12[%get3A_586], %max3A_889 masked %while3A_885 : memref<10240xf32, #tpu.memory_space<vmem>>[vector<16xi32>], vector<16xf32>, vector<16xi1>
            %gather3A_890 = tpu.vector_load_idx %arg13[%get3A_586] : memref<10240xf32, #tpu.memory_space<vmem>>[vector<16xi32>], vector<16xf32>,
            %max3A_891 = arith.maximumf %gather3A_890, %add3A_675 : vector<16xf32>
            tpu.vector_store_idx %arg13[%get3A_586], %max3A_891 masked %while3A_885 : memref<10240xf32, #tpu.memory_space<vmem>>[vector<16xi32>], vector<16xf32>, vector<16xi1>
            %gather3A_892 = tpu.vector_load_idx %arg14[%get3A_586] : memref<10240xf32, #tpu.memory_space<vmem>>[vector<16xi32>], vector<16xf32>,
            %max3A_893 = arith.maximumf %gather3A_892, %add3A_686 : vector<16xf32>
            tpu.vector_store_idx %arg14[%get3A_586], %max3A_893 masked %while3A_885 : memref<10240xf32, #tpu.memory_space<vmem>>[vector<16xi32>], vector<16xf32>, vector<16xi1>
            %broadcast_in_dim3A_894 = arith.constant false
            %broadcast_in_dim3A_895 = vector.broadcast %broadcast_in_dim3A_894 : i1 to vector<16xi1>
            %gather3A_896 = tpu.vector_load_idx %arg11[%get3A_586] : memref<10240xf32, #tpu.memory_space<vmem>>[vector<16xi32>], vector<16xf32>,
            %lt3A_897 = arith.cmpf olt, %gather3A_896, %add3A_653 : vector<16xf32>
            %or3A_898 = arith.ori %broadcast_in_dim3A_895, %lt3A_897 : vector<16xi1>
            %gather3A_899 = tpu.vector_load_idx %arg12[%get3A_586] : memref<10240xf32, #tpu.memory_space<vmem>>[vector<16xi32>], vector<16xf32>,
            %lt3A_900 = arith.cmpf olt, %gather3A_899, %add3A_664 : vector<16xf32>
            %or3A_901 = arith.ori %or3A_898, %lt3A_900 : vector<16xi1>
            %gather3A_902 = tpu.vector_load_idx %arg13[%get3A_586] : memref<10240xf32, #tpu.memory_space<vmem>>[vector<16xi32>], vector<16xf32>,
            %lt3A_903 = arith.cmpf olt, %gather3A_902, %add3A_675 : vector<16xf32>
            %or3A_904 = arith.ori %or3A_901, %lt3A_903 : vector<16xi1>
            %gather3A_905 = tpu.vector_load_idx %arg14[%get3A_586] : memref<10240xf32, #tpu.memory_space<vmem>>[vector<16xi32>], vector<16xf32>,
            %lt3A_906 = arith.cmpf olt, %gather3A_905, %add3A_686 : vector<16xf32>
            %or3A_907 = arith.ori %or3A_904, %lt3A_906 : vector<16xi1>
            scf.yield %or3A_907 : vector<16xi1>
          }
          %broadcast_in_dim3A_840 = arith.constant false
          %broadcast_in_dim3A_841 = vector.broadcast %broadcast_in_dim3A_840 : i1 to vector<16xi1>
          %gather3A_842 = tpu.vector_load_idx %arg11[%get3A_598] : memref<10240xf32, #tpu.memory_space<vmem>>[vector<16xi32>], vector<16xf32>,
          %lt3A_843 = arith.cmpf olt, %gather3A_842, %add3A_697 : vector<16xf32>
          %or3A_844 = arith.ori %broadcast_in_dim3A_841, %lt3A_843 : vector<16xi1>
          %gather3A_845 = tpu.vector_load_idx %arg12[%get3A_598] : memref<10240xf32, #tpu.memory_space<vmem>>[vector<16xi32>], vector<16xf32>,
          %lt3A_846 = arith.cmpf olt, %gather3A_845, %add3A_708 : vector<16xf32>
          %or3A_847 = arith.ori %or3A_844, %lt3A_846 : vector<16xi1>
          %gather3A_848 = tpu.vector_load_idx %arg13[%get3A_598] : memref<10240xf32, #tpu.memory_space<vmem>>[vector<16xi32>], vector<16xf32>,
          %lt3A_849 = arith.cmpf olt, %gather3A_848, %add3A_719 : vector<16xf32>
          %or3A_850 = arith.ori %or3A_847, %lt3A_849 : vector<16xi1>
          %gather3A_851 = tpu.vector_load_idx %arg14[%get3A_598] : memref<10240xf32, #tpu.memory_space<vmem>>[vector<16xi32>], vector<16xf32>,
          %lt3A_852 = arith.cmpf olt, %gather3A_851, %add3A_730 : vector<16xf32>
          %or3A_853 = arith.ori %or3A_850, %lt3A_852 : vector<16xi1>
          %while3A_854 = scf.while (%while3A_885 = %or3A_853) : (vector<16xi1>) -> vector<16xi1> {
            %reduce_or3A = arith.constant 1.000000e+00 : f32
            %reduce_or3A_886 = arith.constant 0.000000e+00 : f32
            %reduce_or3A_887 = vector.broadcast %reduce_or3A : f32 to vector<16xf32>
            %reduce_or3A_888 = vector.broadcast %reduce_or3A_886 : f32 to vector<16xf32>
            %reduce_or3A_889 = arith.select %while3A_885, %reduce_or3A_887, %reduce_or3A_888 : vector<16xi1>, vector<16xf32>
            %reduce_or3A_890 = arith.constant true
            %reduce_or3A_891 = vector.broadcast %reduce_or3A_890 : i1 to vector<16xi1>
            %reduce_or3A_892 = tpu.scan <max>, %reduce_or3A_889 masked %reduce_or3A_891 : vector<16xf32>, vector<16xi1> -> vector<16xf32>
            %reduce_or3A_893 = vector.extract %reduce_or3A_892[15] : f32 from vector<16xf32>
            %reduce_or3A_894 = arith.constant 0.000000e+00 : f32
            %reduce_or3A_895 = arith.cmpf ogt, %reduce_or3A_893, %reduce_or3A_894 : f32
            scf.condition(%reduce_or3A_895) %while3A_885 : vector<16xi1>
          } do {
          ^bb0(%while3A_885: vector<16xi1>):
            %gather3A_886 = tpu.vector_load_idx %arg11[%get3A_598] : memref<10240xf32, #tpu.memory_space<vmem>>[vector<16xi32>], vector<16xf32>,
            %max3A_887 = arith.maximumf %gather3A_886, %add3A_697 : vector<16xf32>
            tpu.vector_store_idx %arg11[%get3A_598], %max3A_887 masked %while3A_885 : memref<10240xf32, #tpu.memory_space<vmem>>[vector<16xi32>], vector<16xf32>, vector<16xi1>
            %gather3A_888 = tpu.vector_load_idx %arg12[%get3A_598] : memref<10240xf32, #tpu.memory_space<vmem>>[vector<16xi32>], vector<16xf32>,
            %max3A_889 = arith.maximumf %gather3A_888, %add3A_708 : vector<16xf32>
            tpu.vector_store_idx %arg12[%get3A_598], %max3A_889 masked %while3A_885 : memref<10240xf32, #tpu.memory_space<vmem>>[vector<16xi32>], vector<16xf32>, vector<16xi1>
            %gather3A_890 = tpu.vector_load_idx %arg13[%get3A_598] : memref<10240xf32, #tpu.memory_space<vmem>>[vector<16xi32>], vector<16xf32>,
            %max3A_891 = arith.maximumf %gather3A_890, %add3A_719 : vector<16xf32>
            tpu.vector_store_idx %arg13[%get3A_598], %max3A_891 masked %while3A_885 : memref<10240xf32, #tpu.memory_space<vmem>>[vector<16xi32>], vector<16xf32>, vector<16xi1>
            %gather3A_892 = tpu.vector_load_idx %arg14[%get3A_598] : memref<10240xf32, #tpu.memory_space<vmem>>[vector<16xi32>], vector<16xf32>,
            %max3A_893 = arith.maximumf %gather3A_892, %add3A_730 : vector<16xf32>
            tpu.vector_store_idx %arg14[%get3A_598], %max3A_893 masked %while3A_885 : memref<10240xf32, #tpu.memory_space<vmem>>[vector<16xi32>], vector<16xf32>, vector<16xi1>
            %broadcast_in_dim3A_894 = arith.constant false
            %broadcast_in_dim3A_895 = vector.broadcast %broadcast_in_dim3A_894 : i1 to vector<16xi1>
            %gather3A_896 = tpu.vector_load_idx %arg11[%get3A_598] : memref<10240xf32, #tpu.memory_space<vmem>>[vector<16xi32>], vector<16xf32>,
            %lt3A_897 = arith.cmpf olt, %gather3A_896, %add3A_697 : vector<16xf32>
            %or3A_898 = arith.ori %broadcast_in_dim3A_895, %lt3A_897 : vector<16xi1>
            %gather3A_899 = tpu.vector_load_idx %arg12[%get3A_598] : memref<10240xf32, #tpu.memory_space<vmem>>[vector<16xi32>], vector<16xf32>,
            %lt3A_900 = arith.cmpf olt, %gather3A_899, %add3A_708 : vector<16xf32>
            %or3A_901 = arith.ori %or3A_898, %lt3A_900 : vector<16xi1>
            %gather3A_902 = tpu.vector_load_idx %arg13[%get3A_598] : memref<10240xf32, #tpu.memory_space<vmem>>[vector<16xi32>], vector<16xf32>,
            %lt3A_903 = arith.cmpf olt, %gather3A_902, %add3A_719 : vector<16xf32>
            %or3A_904 = arith.ori %or3A_901, %lt3A_903 : vector<16xi1>
            %gather3A_905 = tpu.vector_load_idx %arg14[%get3A_598] : memref<10240xf32, #tpu.memory_space<vmem>>[vector<16xi32>], vector<16xf32>,
            %lt3A_906 = arith.cmpf olt, %gather3A_905, %add3A_730 : vector<16xf32>
            %or3A_907 = arith.ori %or3A_904, %lt3A_906 : vector<16xi1>
            scf.yield %or3A_907 : vector<16xi1>
          }
          %broadcast_in_dim3A_855 = arith.constant false
          %broadcast_in_dim3A_856 = vector.broadcast %broadcast_in_dim3A_855 : i1 to vector<16xi1>
          %gather3A_857 = tpu.vector_load_idx %arg11[%get3A_610] : memref<10240xf32, #tpu.memory_space<vmem>>[vector<16xi32>], vector<16xf32>,
          %lt3A_858 = arith.cmpf olt, %gather3A_857, %add3A_741 : vector<16xf32>
          %or3A_859 = arith.ori %broadcast_in_dim3A_856, %lt3A_858 : vector<16xi1>
          %gather3A_860 = tpu.vector_load_idx %arg12[%get3A_610] : memref<10240xf32, #tpu.memory_space<vmem>>[vector<16xi32>], vector<16xf32>,
          %lt3A_861 = arith.cmpf olt, %gather3A_860, %add3A_752 : vector<16xf32>
          %or3A_862 = arith.ori %or3A_859, %lt3A_861 : vector<16xi1>
          %gather3A_863 = tpu.vector_load_idx %arg13[%get3A_610] : memref<10240xf32, #tpu.memory_space<vmem>>[vector<16xi32>], vector<16xf32>,
          %lt3A_864 = arith.cmpf olt, %gather3A_863, %add3A_763 : vector<16xf32>
          %or3A_865 = arith.ori %or3A_862, %lt3A_864 : vector<16xi1>
          %gather3A_866 = tpu.vector_load_idx %arg14[%get3A_610] : memref<10240xf32, #tpu.memory_space<vmem>>[vector<16xi32>], vector<16xf32>,
          %lt3A_867 = arith.cmpf olt, %gather3A_866, %add3A_774 : vector<16xf32>
          %or3A_868 = arith.ori %or3A_865, %lt3A_867 : vector<16xi1>
          %while3A_869 = scf.while (%while3A_885 = %or3A_868) : (vector<16xi1>) -> vector<16xi1> {
            %reduce_or3A = arith.constant 1.000000e+00 : f32
            %reduce_or3A_886 = arith.constant 0.000000e+00 : f32
            %reduce_or3A_887 = vector.broadcast %reduce_or3A : f32 to vector<16xf32>
            %reduce_or3A_888 = vector.broadcast %reduce_or3A_886 : f32 to vector<16xf32>
            %reduce_or3A_889 = arith.select %while3A_885, %reduce_or3A_887, %reduce_or3A_888 : vector<16xi1>, vector<16xf32>
            %reduce_or3A_890 = arith.constant true
            %reduce_or3A_891 = vector.broadcast %reduce_or3A_890 : i1 to vector<16xi1>
            %reduce_or3A_892 = tpu.scan <max>, %reduce_or3A_889 masked %reduce_or3A_891 : vector<16xf32>, vector<16xi1> -> vector<16xf32>
            %reduce_or3A_893 = vector.extract %reduce_or3A_892[15] : f32 from vector<16xf32>
            %reduce_or3A_894 = arith.constant 0.000000e+00 : f32
            %reduce_or3A_895 = arith.cmpf ogt, %reduce_or3A_893, %reduce_or3A_894 : f32
            scf.condition(%reduce_or3A_895) %while3A_885 : vector<16xi1>
          } do {
          ^bb0(%while3A_885: vector<16xi1>):
            %gather3A_886 = tpu.vector_load_idx %arg11[%get3A_610] : memref<10240xf32, #tpu.memory_space<vmem>>[vector<16xi32>], vector<16xf32>,
            %max3A_887 = arith.maximumf %gather3A_886, %add3A_741 : vector<16xf32>
            tpu.vector_store_idx %arg11[%get3A_610], %max3A_887 masked %while3A_885 : memref<10240xf32, #tpu.memory_space<vmem>>[vector<16xi32>], vector<16xf32>, vector<16xi1>
            %gather3A_888 = tpu.vector_load_idx %arg12[%get3A_610] : memref<10240xf32, #tpu.memory_space<vmem>>[vector<16xi32>], vector<16xf32>,
            %max3A_889 = arith.maximumf %gather3A_888, %add3A_752 : vector<16xf32>
            tpu.vector_store_idx %arg12[%get3A_610], %max3A_889 masked %while3A_885 : memref<10240xf32, #tpu.memory_space<vmem>>[vector<16xi32>], vector<16xf32>, vector<16xi1>
            %gather3A_890 = tpu.vector_load_idx %arg13[%get3A_610] : memref<10240xf32, #tpu.memory_space<vmem>>[vector<16xi32>], vector<16xf32>,
            %max3A_891 = arith.maximumf %gather3A_890, %add3A_763 : vector<16xf32>
            tpu.vector_store_idx %arg13[%get3A_610], %max3A_891 masked %while3A_885 : memref<10240xf32, #tpu.memory_space<vmem>>[vector<16xi32>], vector<16xf32>, vector<16xi1>
            %gather3A_892 = tpu.vector_load_idx %arg14[%get3A_610] : memref<10240xf32, #tpu.memory_space<vmem>>[vector<16xi32>], vector<16xf32>,
            %max3A_893 = arith.maximumf %gather3A_892, %add3A_774 : vector<16xf32>
            tpu.vector_store_idx %arg14[%get3A_610], %max3A_893 masked %while3A_885 : memref<10240xf32, #tpu.memory_space<vmem>>[vector<16xi32>], vector<16xf32>, vector<16xi1>
            %broadcast_in_dim3A_894 = arith.constant false
            %broadcast_in_dim3A_895 = vector.broadcast %broadcast_in_dim3A_894 : i1 to vector<16xi1>
            %gather3A_896 = tpu.vector_load_idx %arg11[%get3A_610] : memref<10240xf32, #tpu.memory_space<vmem>>[vector<16xi32>], vector<16xf32>,
            %lt3A_897 = arith.cmpf olt, %gather3A_896, %add3A_741 : vector<16xf32>
            %or3A_898 = arith.ori %broadcast_in_dim3A_895, %lt3A_897 : vector<16xi1>
            %gather3A_899 = tpu.vector_load_idx %arg12[%get3A_610] : memref<10240xf32, #tpu.memory_space<vmem>>[vector<16xi32>], vector<16xf32>,
            %lt3A_900 = arith.cmpf olt, %gather3A_899, %add3A_752 : vector<16xf32>
            %or3A_901 = arith.ori %or3A_898, %lt3A_900 : vector<16xi1>
            %gather3A_902 = tpu.vector_load_idx %arg13[%get3A_610] : memref<10240xf32, #tpu.memory_space<vmem>>[vector<16xi32>], vector<16xf32>,
            %lt3A_903 = arith.cmpf olt, %gather3A_902, %add3A_763 : vector<16xf32>
            %or3A_904 = arith.ori %or3A_901, %lt3A_903 : vector<16xi1>
            %gather3A_905 = tpu.vector_load_idx %arg14[%get3A_610] : memref<10240xf32, #tpu.memory_space<vmem>>[vector<16xi32>], vector<16xf32>,
            %lt3A_906 = arith.cmpf olt, %gather3A_905, %add3A_774 : vector<16xf32>
            %or3A_907 = arith.ori %or3A_904, %lt3A_906 : vector<16xi1>
            scf.yield %or3A_907 : vector<16xi1>
          }
          %broadcast_in_dim3A_870 = arith.constant false
          %broadcast_in_dim3A_871 = vector.broadcast %broadcast_in_dim3A_870 : i1 to vector<16xi1>
          %gather3A_872 = tpu.vector_load_idx %arg11[%get3A_622] : memref<10240xf32, #tpu.memory_space<vmem>>[vector<16xi32>], vector<16xf32>,
          %lt3A_873 = arith.cmpf olt, %gather3A_872, %add3A_785 : vector<16xf32>
          %or3A_874 = arith.ori %broadcast_in_dim3A_871, %lt3A_873 : vector<16xi1>
          %gather3A_875 = tpu.vector_load_idx %arg12[%get3A_622] : memref<10240xf32, #tpu.memory_space<vmem>>[vector<16xi32>], vector<16xf32>,
          %lt3A_876 = arith.cmpf olt, %gather3A_875, %add3A_796 : vector<16xf32>
          %or3A_877 = arith.ori %or3A_874, %lt3A_876 : vector<16xi1>
          %gather3A_878 = tpu.vector_load_idx %arg13[%get3A_622] : memref<10240xf32, #tpu.memory_space<vmem>>[vector<16xi32>], vector<16xf32>,
          %lt3A_879 = arith.cmpf olt, %gather3A_878, %add3A_807 : vector<16xf32>
          %or3A_880 = arith.ori %or3A_877, %lt3A_879 : vector<16xi1>
          %gather3A_881 = tpu.vector_load_idx %arg14[%get3A_622] : memref<10240xf32, #tpu.memory_space<vmem>>[vector<16xi32>], vector<16xf32>,
          %lt3A_882 = arith.cmpf olt, %gather3A_881, %add3A_818 : vector<16xf32>
          %or3A_883 = arith.ori %or3A_880, %lt3A_882 : vector<16xi1>
          %while3A_884 = scf.while (%while3A_885 = %or3A_883) : (vector<16xi1>) -> vector<16xi1> {
            %reduce_or3A = arith.constant 1.000000e+00 : f32
            %reduce_or3A_886 = arith.constant 0.000000e+00 : f32
            %reduce_or3A_887 = vector.broadcast %reduce_or3A : f32 to vector<16xf32>
            %reduce_or3A_888 = vector.broadcast %reduce_or3A_886 : f32 to vector<16xf32>
            %reduce_or3A_889 = arith.select %while3A_885, %reduce_or3A_887, %reduce_or3A_888 : vector<16xi1>, vector<16xf32>
            %reduce_or3A_890 = arith.constant true
            %reduce_or3A_891 = vector.broadcast %reduce_or3A_890 : i1 to vector<16xi1>
            %reduce_or3A_892 = tpu.scan <max>, %reduce_or3A_889 masked %reduce_or3A_891 : vector<16xf32>, vector<16xi1> -> vector<16xf32>
            %reduce_or3A_893 = vector.extract %reduce_or3A_892[15] : f32 from vector<16xf32>
            %reduce_or3A_894 = arith.constant 0.000000e+00 : f32
            %reduce_or3A_895 = arith.cmpf ogt, %reduce_or3A_893, %reduce_or3A_894 : f32
            scf.condition(%reduce_or3A_895) %while3A_885 : vector<16xi1>
          } do {
          ^bb0(%while3A_885: vector<16xi1>):
            %gather3A_886 = tpu.vector_load_idx %arg11[%get3A_622] : memref<10240xf32, #tpu.memory_space<vmem>>[vector<16xi32>], vector<16xf32>,
            %max3A_887 = arith.maximumf %gather3A_886, %add3A_785 : vector<16xf32>
            tpu.vector_store_idx %arg11[%get3A_622], %max3A_887 masked %while3A_885 : memref<10240xf32, #tpu.memory_space<vmem>>[vector<16xi32>], vector<16xf32>, vector<16xi1>
            %gather3A_888 = tpu.vector_load_idx %arg12[%get3A_622] : memref<10240xf32, #tpu.memory_space<vmem>>[vector<16xi32>], vector<16xf32>,
            %max3A_889 = arith.maximumf %gather3A_888, %add3A_796 : vector<16xf32>
            tpu.vector_store_idx %arg12[%get3A_622], %max3A_889 masked %while3A_885 : memref<10240xf32, #tpu.memory_space<vmem>>[vector<16xi32>], vector<16xf32>, vector<16xi1>
            %gather3A_890 = tpu.vector_load_idx %arg13[%get3A_622] : memref<10240xf32, #tpu.memory_space<vmem>>[vector<16xi32>], vector<16xf32>,
            %max3A_891 = arith.maximumf %gather3A_890, %add3A_807 : vector<16xf32>
            tpu.vector_store_idx %arg13[%get3A_622], %max3A_891 masked %while3A_885 : memref<10240xf32, #tpu.memory_space<vmem>>[vector<16xi32>], vector<16xf32>, vector<16xi1>
            %gather3A_892 = tpu.vector_load_idx %arg14[%get3A_622] : memref<10240xf32, #tpu.memory_space<vmem>>[vector<16xi32>], vector<16xf32>,
            %max3A_893 = arith.maximumf %gather3A_892, %add3A_818 : vector<16xf32>
            tpu.vector_store_idx %arg14[%get3A_622], %max3A_893 masked %while3A_885 : memref<10240xf32, #tpu.memory_space<vmem>>[vector<16xi32>], vector<16xf32>, vector<16xi1>
            %broadcast_in_dim3A_894 = arith.constant false
            %broadcast_in_dim3A_895 = vector.broadcast %broadcast_in_dim3A_894 : i1 to vector<16xi1>
            %gather3A_896 = tpu.vector_load_idx %arg11[%get3A_622] : memref<10240xf32, #tpu.memory_space<vmem>>[vector<16xi32>], vector<16xf32>,
            %lt3A_897 = arith.cmpf olt, %gather3A_896, %add3A_785 : vector<16xf32>
            %or3A_898 = arith.ori %broadcast_in_dim3A_895, %lt3A_897 : vector<16xi1>
            %gather3A_899 = tpu.vector_load_idx %arg12[%get3A_622] : memref<10240xf32, #tpu.memory_space<vmem>>[vector<16xi32>], vector<16xf32>,
            %lt3A_900 = arith.cmpf olt, %gather3A_899, %add3A_796 : vector<16xf32>
            %or3A_901 = arith.ori %or3A_898, %lt3A_900 : vector<16xi1>
            %gather3A_902 = tpu.vector_load_idx %arg13[%get3A_622] : memref<10240xf32, #tpu.memory_space<vmem>>[vector<16xi32>], vector<16xf32>,
            %lt3A_903 = arith.cmpf olt, %gather3A_902, %add3A_807 : vector<16xf32>
            %or3A_904 = arith.ori %or3A_901, %lt3A_903 : vector<16xi1>
            %gather3A_905 = tpu.vector_load_idx %arg14[%get3A_622] : memref<10240xf32, #tpu.memory_space<vmem>>[vector<16xi32>], vector<16xf32>,
            %lt3A_906 = arith.cmpf olt, %gather3A_905, %add3A_818 : vector<16xf32>
            %or3A_907 = arith.ori %or3A_904, %lt3A_906 : vector<16xi1>
            scf.yield %or3A_907 : vector<16xi1>
          }
        } else {
        }
        %scan3A_826 = arith.constant 0 : i32
        scf.yield %scan3A_826 : i32
      }
      %scan3A_336 = arith.constant 10 : i32
      %scan3A_337 = arith.constant 0 : i32
      scf.yield %scan3A_337 : i32
    }
    %scan3A_101 = arith.constant 125 : i32
    %mul3A_102 = arith.constant 4 : i32
    %mul3A_103 = arith.muli %add3A, %mul3A_102 : i32
    %add3A_104 = arith.constant 0 : i32
    %add3A_105 = arith.addi %mul3A_103, %add3A_104 : i32
    %mul3A_106 = arith.constant 10240 : i32
    %mul3A_107 = arith.muli %add3A_105, %mul3A_106 : i32
    %dma_start3A_108 = tpu.memref_slice %arg6[%mul3A_107] : memref<1310720xf32, #tpu.memory_space<hbm>> -> memref<10240xf32, #tpu.memory_space<hbm>>
    %dma_start3A_109 = tpu.memref_slice %arg6[%mul3A_107] : memref<1310720xf32, #tpu.memory_space<hbm>> -> memref<10240xf32, #tpu.memory_space<hbm>>
    tpu.enqueue_dma source(%arg11 : memref<10240xf32, #tpu.memory_space<vmem>>) target(%dma_start3A_109 : memref<10240xf32, #tpu.memory_space<hbm>>) target_semaphore(%arg21 : memref<!tpu.dma_semaphore, #tpu.memory_space<semaphore_mem>>)
    %dma_wait3A_110 = tpu.memref_slice %arg6[%mul3A_107] : memref<1310720xf32, #tpu.memory_space<hbm>> -> memref<10240xf32, #tpu.memory_space<hbm>>
    %dma_wait3A_111 = tpu.memref_slice %arg6[%mul3A_107] : memref<1310720xf32, #tpu.memory_space<hbm>> -> memref<10240xf32, #tpu.memory_space<hbm>>
    tpu.wait_dma2 semaphore(%arg21 : memref<!tpu.dma_semaphore, #tpu.memory_space<semaphore_mem>>) src(%arg11 : memref<10240xf32, #tpu.memory_space<vmem>>) dst(%dma_wait3A_111 : memref<10240xf32, #tpu.memory_space<hbm>>)
    %mul3A_112 = arith.constant 4 : i32
    %mul3A_113 = arith.muli %add3A, %mul3A_112 : i32
    %add3A_114 = arith.constant 1 : i32
    %add3A_115 = arith.addi %mul3A_113, %add3A_114 : i32
    %mul3A_116 = arith.constant 10240 : i32
    %mul3A_117 = arith.muli %add3A_115, %mul3A_116 : i32
    %dma_start3A_118 = tpu.memref_slice %arg6[%mul3A_117] : memref<1310720xf32, #tpu.memory_space<hbm>> -> memref<10240xf32, #tpu.memory_space<hbm>>
    %dma_start3A_119 = tpu.memref_slice %arg6[%mul3A_117] : memref<1310720xf32, #tpu.memory_space<hbm>> -> memref<10240xf32, #tpu.memory_space<hbm>>
    tpu.enqueue_dma source(%arg12 : memref<10240xf32, #tpu.memory_space<vmem>>) target(%dma_start3A_119 : memref<10240xf32, #tpu.memory_space<hbm>>) target_semaphore(%arg21 : memref<!tpu.dma_semaphore, #tpu.memory_space<semaphore_mem>>)
    %dma_wait3A_120 = tpu.memref_slice %arg6[%mul3A_117] : memref<1310720xf32, #tpu.memory_space<hbm>> -> memref<10240xf32, #tpu.memory_space<hbm>>
    %dma_wait3A_121 = tpu.memref_slice %arg6[%mul3A_117] : memref<1310720xf32, #tpu.memory_space<hbm>> -> memref<10240xf32, #tpu.memory_space<hbm>>
    tpu.wait_dma2 semaphore(%arg21 : memref<!tpu.dma_semaphore, #tpu.memory_space<semaphore_mem>>) src(%arg12 : memref<10240xf32, #tpu.memory_space<vmem>>) dst(%dma_wait3A_121 : memref<10240xf32, #tpu.memory_space<hbm>>)
    %mul3A_122 = arith.constant 4 : i32
    %mul3A_123 = arith.muli %add3A, %mul3A_122 : i32
    %add3A_124 = arith.constant 2 : i32
    %add3A_125 = arith.addi %mul3A_123, %add3A_124 : i32
    %mul3A_126 = arith.constant 10240 : i32
    %mul3A_127 = arith.muli %add3A_125, %mul3A_126 : i32
    %dma_start3A_128 = tpu.memref_slice %arg6[%mul3A_127] : memref<1310720xf32, #tpu.memory_space<hbm>> -> memref<10240xf32, #tpu.memory_space<hbm>>
    %dma_start3A_129 = tpu.memref_slice %arg6[%mul3A_127] : memref<1310720xf32, #tpu.memory_space<hbm>> -> memref<10240xf32, #tpu.memory_space<hbm>>
    tpu.enqueue_dma source(%arg13 : memref<10240xf32, #tpu.memory_space<vmem>>) target(%dma_start3A_129 : memref<10240xf32, #tpu.memory_space<hbm>>) target_semaphore(%arg21 : memref<!tpu.dma_semaphore, #tpu.memory_space<semaphore_mem>>)
    %dma_wait3A_130 = tpu.memref_slice %arg6[%mul3A_127] : memref<1310720xf32, #tpu.memory_space<hbm>> -> memref<10240xf32, #tpu.memory_space<hbm>>
    %dma_wait3A_131 = tpu.memref_slice %arg6[%mul3A_127] : memref<1310720xf32, #tpu.memory_space<hbm>> -> memref<10240xf32, #tpu.memory_space<hbm>>
    tpu.wait_dma2 semaphore(%arg21 : memref<!tpu.dma_semaphore, #tpu.memory_space<semaphore_mem>>) src(%arg13 : memref<10240xf32, #tpu.memory_space<vmem>>) dst(%dma_wait3A_131 : memref<10240xf32, #tpu.memory_space<hbm>>)
    %mul3A_132 = arith.constant 4 : i32
    %mul3A_133 = arith.muli %add3A, %mul3A_132 : i32
    %add3A_134 = arith.constant 3 : i32
    %add3A_135 = arith.addi %mul3A_133, %add3A_134 : i32
    %mul3A_136 = arith.constant 10240 : i32
    %mul3A_137 = arith.muli %add3A_135, %mul3A_136 : i32
    %dma_start3A_138 = tpu.memref_slice %arg6[%mul3A_137] : memref<1310720xf32, #tpu.memory_space<hbm>> -> memref<10240xf32, #tpu.memory_space<hbm>>
    %dma_start3A_139 = tpu.memref_slice %arg6[%mul3A_137] : memref<1310720xf32, #tpu.memory_space<hbm>> -> memref<10240xf32, #tpu.memory_space<hbm>>
    tpu.enqueue_dma source(%arg14 : memref<10240xf32, #tpu.memory_space<vmem>>) target(%dma_start3A_139 : memref<10240xf32, #tpu.memory_space<hbm>>) target_semaphore(%arg21 : memref<!tpu.dma_semaphore, #tpu.memory_space<semaphore_mem>>)
    %dma_wait3A_140 = tpu.memref_slice %arg6[%mul3A_137] : memref<1310720xf32, #tpu.memory_space<hbm>> -> memref<10240xf32, #tpu.memory_space<hbm>>
    %dma_wait3A_141 = tpu.memref_slice %arg6[%mul3A_137] : memref<1310720xf32, #tpu.memory_space<hbm>> -> memref<10240xf32, #tpu.memory_space<hbm>>
    tpu.wait_dma2 semaphore(%arg21 : memref<!tpu.dma_semaphore, #tpu.memory_space<semaphore_mem>>) src(%arg14 : memref<10240xf32, #tpu.memory_space<vmem>>) dst(%dma_wait3A_141 : memref<10240xf32, #tpu.memory_space<hbm>>)
    return
  }
}

module attributes {stable_mosaic.version = 14 : i64} {
  func.func @_x_proj_body(%arg0: memref<128x128xf32, #tpu.memory_space<vmem>>, %arg1: memref<10000x128xf32, #tpu.memory_space<vmem>>, %arg2: memref<128x10000xf32, #tpu.memory_space<vmem>>) attributes {dimension_semantics = [], scalar_prefetch = 0 : i64, scratch_operands = 0 : i64, tpu.core_type = #tpu.core_type<tc>} {
    %get3A = arith.constant 0 : index
    %get3A_0 = arith.constant 0 : index
    %get3A_1 = vector.load %arg0[%get3A, %get3A_0] : memref<128x128xf32, #tpu.memory_space<vmem>>, vector<128x128xf32>
    %get3A_2 = arith.constant 0 : index
    %get3A_3 = arith.constant 0 : index
    %get3A_4 = vector.load %arg1[%get3A_2, %get3A_3] : memref<10000x128xf32, #tpu.memory_space<vmem>>, vector<10000x128xf32>
    %dot_general3A = arith.constant dense<0.000000e+00> : vector<128x10000xf32>
    %dot_general3A_5 = tpu.matmul %get3A_1, %get3A_4, %dot_general3A {dimension_numbers = #tpu.dot_dimension_numbers<[1], [1], [0], [0], [0, 0, 1, 0], [], []>, transpose_lhs_hint = false} : vector<128x128xf32>, vector<10000x128xf32>, vector<128x10000xf32> -> vector<128x10000xf32>
    %swap3A = arith.constant 0 : index
    %swap3A_6 = arith.constant 0 : index
    %swap3A_7 = vector.load %arg2[%swap3A, %swap3A_6] : memref<128x10000xf32, #tpu.memory_space<vmem>>, vector<128x10000xf32>
    tpu.vector_store %arg2[%swap3A, %swap3A_6], %dot_general3A_5 {strides = array<i32>} : memref<128x10000xf32, #tpu.memory_space<vmem>>, vector<128x10000xf32>,
    return
  }
}

module attributes {stable_mosaic.version = 14 : i64} {
  func.func @_edge_proj_body(%arg0: i32, %arg1: memref<128x128xf32, #tpu.memory_space<vmem>>, %arg2: memref<128x1xf32, #tpu.memory_space<vmem>>, %arg3: memref<2560x128xf32, #tpu.memory_space<vmem>>, %arg4: memref<1x128x2560xf32, #tpu.memory_space<vmem>>) attributes {dimension_semantics = [#tpu.dimension_semantics<arbitrary>], iteration_bounds = array<i64: 125>, scalar_prefetch = 0 : i64, scratch_operands = 0 : i64, tpu.core_type = #tpu.core_type<tc>, window_params = [{pipeline_mode = #tpu.pipeline_mode<synchronous>, transform_indices = @transform_0, window_bounds = array<i64: 128, 128>}, {pipeline_mode = #tpu.pipeline_mode<synchronous>, transform_indices = @transform_1, window_bounds = array<i64: 128, 1>}, {transform_indices = @transform_2, window_bounds = array<i64: 2560, 128>}, {transform_indices = @transform_3, window_bounds = array<i64: 1, 128, 2560>}]} {
    %get3A = arith.constant 0 : index
    %get3A_0 = arith.constant 0 : index
    %get3A_1 = vector.load %arg1[%get3A, %get3A_0] : memref<128x128xf32, #tpu.memory_space<vmem>>, vector<128x128xf32>
    %get3A_2 = arith.constant 0 : index
    %get3A_3 = arith.constant 0 : index
    %get3A_4 = vector.load %arg3[%get3A_2, %get3A_3] : memref<2560x128xf32, #tpu.memory_space<vmem>>, vector<2560x128xf32>
    %dot_general3A = arith.constant dense<0.000000e+00> : vector<128x2560xf32>
    %dot_general3A_5 = tpu.matmul %get3A_1, %get3A_4, %dot_general3A {dimension_numbers = #tpu.dot_dimension_numbers<[1], [1], [0], [0], [0, 0, 1, 0], [], []>, transpose_lhs_hint = false} : vector<128x128xf32>, vector<2560x128xf32>, vector<128x2560xf32> -> vector<128x2560xf32>
    %get3A_6 = arith.constant 0 : index
    %get3A_7 = arith.constant 0 : index
    %get3A_8 = vector.load %arg2[%get3A_6, %get3A_7] : memref<128x1xf32, #tpu.memory_space<vmem>>, vector<128x1xf32>
    %add3A = vector.broadcast %get3A_8 : vector<128x1xf32> to vector<128x2560xf32>
    %add3A_9 = arith.addf %dot_general3A_5, %add3A : vector<128x2560xf32>
    %broadcast_in_dim3A = vector.shape_cast %add3A_9 : vector<128x2560xf32> to vector<1x128x2560xf32>
    %swap3A = arith.constant 0 : index
    %swap3A_10 = arith.constant 0 : index
    %swap3A_11 = arith.constant 0 : index
    %swap3A_12 = vector.load %arg4[%swap3A, %swap3A_10, %swap3A_11] : memref<1x128x2560xf32, #tpu.memory_space<vmem>>, vector<1x128x2560xf32>
    tpu.vector_store %arg4[%swap3A, %swap3A_10, %swap3A_11], %broadcast_in_dim3A {strides = array<i32>} : memref<1x128x2560xf32, #tpu.memory_space<vmem>>, vector<1x128x2560xf32>,
    return
  }
  func.func @transform_0(%arg0: i32) -> (i32, i32) {
    %c0_i32 = arith.constant 0 : i32
    %c0_i32_0 = arith.constant 0 : i32
    %c0_i32_1 = arith.constant 0 : i32
    return %c0_i32, %c0_i32_0 : i32, i32
  }
  func.func @transform_1(%arg0: i32) -> (i32, i32) {
    %c0_i32 = arith.constant 0 : i32
    %c0_i32_0 = arith.constant 0 : i32
    %c0_i32_1 = arith.constant 0 : i32
    return %c0_i32, %c0_i32_0 : i32, i32
  }
  func.func @transform_2(%arg0: i32) -> (i32, i32) {
    %c0_i32 = arith.constant 0 : i32
    %c0_i32_0 = arith.constant 0 : i32
    return %arg0, %c0_i32 : i32, i32
  }
  func.func @transform_3(%arg0: i32) -> (i32, i32, i32) {
    %c0_i32 = arith.constant 0 : i32
    %c0_i32_0 = arith.constant 0 : i32
    %c0_i32_1 = arith.constant 0 : i32
    return %arg0, %c0_i32, %c0_i32_0 : i32, i32, i32
  }
}

module attributes {stable_mosaic.version = 14 : i64} {
  func.func @_node_body(%arg0: i32, %arg1: memref<128x512xf32, #tpu.memory_space<vmem>>, %arg2: memref<512x128xf32, #tpu.memory_space<vmem>>, %arg3: memref<512x1xi32, #tpu.memory_space<vmem>>, %arg4: memref<16x128xf32, #tpu.memory_space<vmem>>, %arg5: memref<128x512xf32, #tpu.memory_space<vmem>>, %arg6: memref<128x512xf32, #tpu.memory_space<vmem>>, %arg7: memref<128x512xf32, #tpu.memory_space<vmem>>, %arg8: memref<1x512xf32, #tpu.memory_space<vmem>>, %arg9: memref<512x128xf32, #tpu.memory_space<vmem>>, %arg10: memref<1x128xf32, #tpu.memory_space<vmem>>, %arg11: memref<128x128xf32, #tpu.memory_space<vmem>>, %arg12: memref<128x128xf32, #tpu.memory_space<vmem>>, %arg13: memref<1x128xf32, #tpu.memory_space<vmem>>, %arg14: memref<512x128xf32, #tpu.memory_space<vmem>>, %arg15: memref<16x128xf32, #tpu.memory_space<vmem>>, %arg16: memref<16x128xf32, #tpu.memory_space<vmem>>, %arg17: memref<16x128xf32, #tpu.memory_space<vmem>>) attributes {dimension_semantics = [#tpu.dimension_semantics<arbitrary>], iteration_bounds = array<i64: 20>, scalar_prefetch = 0 : i64, scratch_operands = 2 : i64, tpu.core_type = #tpu.core_type<tc>, window_params = [{transform_indices = @transform_0, window_bounds = array<i64: 128, 512>}, {transform_indices = @transform_1, window_bounds = array<i64: 512, 128>}, {transform_indices = @transform_2, window_bounds = array<i64: 512, 1>}, {pipeline_mode = #tpu.pipeline_mode<synchronous>, transform_indices = @transform_3, window_bounds = array<i64: 16, 128>}, {pipeline_mode = #tpu.pipeline_mode<synchronous>, transform_indices = @transform_4, window_bounds = array<i64: 128, 512>}, {pipeline_mode = #tpu.pipeline_mode<synchronous>, transform_indices = @transform_5, window_bounds = array<i64: 128, 512>}, {pipeline_mode = #tpu.pipeline_mode<synchronous>, transform_indices = @transform_6, window_bounds = array<i64: 128, 512>}, {pipeline_mode = #tpu.pipeline_mode<synchronous>, transform_indices = @transform_7, window_bounds = array<i64: 1, 512>}, {pipeline_mode = #tpu.pipeline_mode<synchronous>, transform_indices = @transform_8, window_bounds = array<i64: 512, 128>}, {pipeline_mode = #tpu.pipeline_mode<synchronous>, transform_indices = @transform_9, window_bounds = array<i64: 1, 128>}, {pipeline_mode = #tpu.pipeline_mode<synchronous>, transform_indices = @transform_10, window_bounds = array<i64: 128, 128>}, {pipeline_mode = #tpu.pipeline_mode<synchronous>, transform_indices = @transform_11, window_bounds = array<i64: 128, 128>}, {pipeline_mode = #tpu.pipeline_mode<synchronous>, transform_indices = @transform_12, window_bounds = array<i64: 1, 128>}, {transform_indices = @transform_13, window_bounds = array<i64: 512, 128>}, {pipeline_mode = #tpu.pipeline_mode<synchronous>, transform_indices = @transform_14, window_bounds = array<i64: 16, 128>}]} {
    %eq3A = arith.constant 0 : i32
    %eq3A_0 = arith.cmpi eq, %arg0, %eq3A : i32
    %convert_element_type3A = arith.extui %eq3A_0 : i1 to i32
    %cond3A = arith.constant 0 : i32
    %cond3A_1 = arith.cmpi ne, %convert_element_type3A, %cond3A : i32
    scf.if %cond3A_1 {
      %broadcast_in_dim3A_586 = arith.constant -1.000000e+30 : f32
      %broadcast_in_dim3A_587 = vector.broadcast %broadcast_in_dim3A_586 : f32 to vector<16x128xf32>
      %swap3A_588 = arith.constant 0 : index
      %swap3A_589 = arith.constant 0 : index
      %swap3A_590 = vector.load %arg16[%swap3A_588, %swap3A_589] : memref<16x128xf32, #tpu.memory_space<vmem>>, vector<16x128xf32>
      tpu.vector_store %arg16[%swap3A_588, %swap3A_589], %broadcast_in_dim3A_587 {strides = array<i32>} : memref<16x128xf32, #tpu.memory_space<vmem>>, vector<16x128xf32>,
      %broadcast_in_dim3A_591 = arith.constant 0.000000e+00 : f32
      %broadcast_in_dim3A_592 = vector.broadcast %broadcast_in_dim3A_591 : f32 to vector<16x128xf32>
      %swap3A_593 = arith.constant 0 : index
      %swap3A_594 = arith.constant 0 : index
      %swap3A_595 = vector.load %arg17[%swap3A_593, %swap3A_594] : memref<16x128xf32, #tpu.memory_space<vmem>>, vector<16x128xf32>
      tpu.vector_store %arg17[%swap3A_593, %swap3A_594], %broadcast_in_dim3A_592 {strides = array<i32>} : memref<16x128xf32, #tpu.memory_space<vmem>>, vector<16x128xf32>,
    } else {
    }
    %get3A = arith.constant 0 : index
    %get3A_2 = arith.constant 0 : index
    %get3A_3 = vector.load %arg1[%get3A, %get3A_2] : memref<128x512xf32, #tpu.memory_space<vmem>>, vector<128x512xf32>
    %get3A_4 = arith.constant 0 : index
    %get3A_5 = arith.constant 0 : index
    %get3A_6 = vector.load %arg5[%get3A_4, %get3A_5] : memref<128x512xf32, #tpu.memory_space<vmem>>, vector<128x512xf32>
    %dot_general3A = arith.constant dense<0.000000e+00> : vector<512x512xf32>
    %dot_general3A_7 = tpu.matmul %get3A_3, %get3A_6, %dot_general3A {dimension_numbers = #tpu.dot_dimension_numbers<[0], [0], [1], [1], [0, 1, 1, 1], [], []>, transpose_lhs_hint = false} : vector<128x512xf32>, vector<128x512xf32>, vector<512x512xf32> -> vector<512x512xf32>
    %get3A_8 = arith.constant 0 : index
    %get3A_9 = arith.constant 0 : index
    %get3A_10 = vector.load %arg2[%get3A_8, %get3A_9] : memref<512x128xf32, #tpu.memory_space<vmem>>, vector<512x128xf32>
    %get3A_11 = arith.constant 0 : index
    %get3A_12 = arith.constant 0 : index
    %get3A_13 = vector.load %arg6[%get3A_11, %get3A_12] : memref<128x512xf32, #tpu.memory_space<vmem>>, vector<128x512xf32>
    %dot_general3A_14 = arith.constant dense<0.000000e+00> : vector<512x512xf32>
    %dot_general3A_15 = tpu.matmul %get3A_10, %get3A_13, %dot_general3A_14 {dimension_numbers = #tpu.dot_dimension_numbers<[1], [0], [0], [1], [0, 0, 1, 1], [], []>, transpose_lhs_hint = false} : vector<512x128xf32>, vector<128x512xf32>, vector<512x512xf32> -> vector<512x512xf32>
    %add3A = arith.addf %dot_general3A_7, %dot_general3A_15 : vector<512x512xf32>
    %get3A_16 = arith.constant 0 : index
    %get3A_17 = arith.constant 0 : index
    %get3A_18 = vector.load %arg4[%get3A_16, %get3A_17] : memref<16x128xf32, #tpu.memory_space<vmem>>, vector<16x128xf32>
    %get3A_19 = arith.constant 0 : index
    %get3A_20 = arith.constant 0 : index
    %get3A_21 = vector.load %arg7[%get3A_19, %get3A_20] : memref<128x512xf32, #tpu.memory_space<vmem>>, vector<128x512xf32>
    %dot_general3A_22 = arith.constant dense<0.000000e+00> : vector<16x512xf32>
    %dot_general3A_23 = tpu.matmul %get3A_18, %get3A_21, %dot_general3A_22 {dimension_numbers = #tpu.dot_dimension_numbers<[1], [0], [0], [1], [0, 0, 1, 1], [], []>, transpose_lhs_hint = false} : vector<16x128xf32>, vector<128x512xf32>, vector<16x512xf32> -> vector<16x512xf32>
    %get3A_24 = arith.constant 0 : index
    %get3A_25 = arith.constant 0 : index
    %get3A_26 = vector.load %arg3[%get3A_24, %get3A_25] : memref<512x1xi32, #tpu.memory_space<vmem>>, vector<512x1xi32>
    %iota3A = tpu.iota {dimensions = array<i32: 1>} : vector<1x16xi32>
    %eq3A_27 = vector.broadcast %get3A_26 : vector<512x1xi32> to vector<512x16xi32>
    %eq3A_28 = vector.broadcast %iota3A : vector<1x16xi32> to vector<512x16xi32>
    %eq3A_29 = arith.cmpi eq, %eq3A_27, %eq3A_28 : vector<512x16xi32>
    %convert_element_type3A_30 = arith.extui %eq3A_29 : vector<512x16xi1> to vector<512x16xi32>
    %convert_element_type3A_31 = arith.sitofp %convert_element_type3A_30 : vector<512x16xi32> to vector<512x16xf32>
    %dot_general3A_32 = arith.constant dense<0.000000e+00> : vector<512x512xf32>
    %dot_general3A_33 = tpu.matmul %convert_element_type3A_31, %dot_general3A_23, %dot_general3A_32 {dimension_numbers = #tpu.dot_dimension_numbers<[1], [0], [0], [1], [0, 0, 1, 1], [], []>, transpose_lhs_hint = false} : vector<512x16xf32>, vector<16x512xf32>, vector<512x512xf32> -> vector<512x512xf32>
    %add3A_34 = arith.addf %add3A, %dot_general3A_33 : vector<512x512xf32>
    %get3A_35 = arith.constant 0 : index
    %get3A_36 = arith.constant 0 : index
    %get3A_37 = vector.load %arg8[%get3A_35, %get3A_36] : memref<1x512xf32, #tpu.memory_space<vmem>>, vector<1x512xf32>
    %add3A_38 = vector.broadcast %get3A_37 : vector<1x512xf32> to vector<512x512xf32>
    %add3A_39 = arith.addf %add3A_34, %add3A_38 : vector<512x512xf32>
    %max3A = arith.constant 0.000000e+00 : f32
    %max3A_40 = vector.broadcast %max3A : f32 to vector<512x512xf32>
    %max3A_41 = arith.maximumf %add3A_39, %max3A_40 : vector<512x512xf32>
    %get3A_42 = arith.constant 0 : index
    %get3A_43 = arith.constant 0 : index
    %get3A_44 = vector.load %arg9[%get3A_42, %get3A_43] : memref<512x128xf32, #tpu.memory_space<vmem>>, vector<512x128xf32>
    %dot_general3A_45 = arith.constant dense<0.000000e+00> : vector<512x128xf32>
    %dot_general3A_46 = tpu.matmul %max3A_41, %get3A_44, %dot_general3A_45 {dimension_numbers = #tpu.dot_dimension_numbers<[1], [0], [0], [1], [0, 0, 1, 1], [], []>, transpose_lhs_hint = false} : vector<512x512xf32>, vector<512x128xf32>, vector<512x128xf32> -> vector<512x128xf32>
    %get3A_47 = arith.constant 0 : index
    %get3A_48 = arith.constant 0 : index
    %get3A_49 = vector.load %arg10[%get3A_47, %get3A_48] : memref<1x128xf32, #tpu.memory_space<vmem>>, vector<1x128xf32>
    %add3A_50 = vector.broadcast %get3A_49 : vector<1x128xf32> to vector<512x128xf32>
    %add3A_51 = arith.addf %dot_general3A_46, %add3A_50 : vector<512x128xf32>
    %get3A_52 = arith.constant 0 : index
    %get3A_53 = arith.constant 0 : index
    %get3A_54 = vector.load %arg2[%get3A_52, %get3A_53] : memref<512x128xf32, #tpu.memory_space<vmem>>, vector<512x128xf32>
    %add3A_55 = arith.addf %get3A_54, %add3A_51 : vector<512x128xf32>
    %swap3A = arith.constant 0 : index
    %swap3A_56 = arith.constant 0 : index
    %swap3A_57 = vector.load %arg14[%swap3A, %swap3A_56] : memref<512x128xf32, #tpu.memory_space<vmem>>, vector<512x128xf32>
    tpu.vector_store %arg14[%swap3A, %swap3A_56], %add3A_55 {strides = array<i32>} : memref<512x128xf32, #tpu.memory_space<vmem>>, vector<512x128xf32>,
    %eq3A_58 = arith.constant 0 : i32
    %eq3A_59 = vector.broadcast %eq3A_58 : i32 to vector<512x1xi32>
    %eq3A_60 = arith.cmpi eq, %get3A_26, %eq3A_59 : vector<512x1xi32>
    %jit3A = arith.constant -1.000000e+30 : f32
    %broadcast_in_dim3A = vector.shape_cast %eq3A_60 : vector<512x1xi1> to vector<512x1xi1>
    %broadcast_in_dim3A_61 = vector.broadcast %broadcast_in_dim3A : vector<512x1xi1> to vector<512x128xi1>
    %broadcast_in_dim3A_62 = vector.broadcast %jit3A : f32 to vector<512x128xf32>
    %select_n3A = arith.select %broadcast_in_dim3A_61, %add3A_55, %broadcast_in_dim3A_62 : vector<512x128xi1>, vector<512x128xf32>
    %get3A_63 = arith.constant 0 : index
    %get3A_64 = arith.constant 0 : index
    %get3A_65 = vector.load %arg16[%get3A_63, %get3A_64] : memref<16x128xf32, #tpu.memory_space<vmem>>, vector<1x128xf32>
    %reduce_max3A = arith.constant dense<0xFF800000> : vector<128xf32>
    %reduce_max3A_66 = vector.multi_reduction <maximumf>, %select_n3A, %reduce_max3A [0] : vector<512x128xf32> to vector<128xf32>
    %broadcast_in_dim3A_67 = vector.shape_cast %reduce_max3A_66 : vector<128xf32> to vector<1x128xf32>
    %max3A_68 = arith.maximumf %get3A_65, %broadcast_in_dim3A_67 : vector<1x128xf32>
    %swap3A_69 = arith.constant 0 : index
    %swap3A_70 = arith.constant 0 : index
    %swap3A_71 = vector.load %arg16[%swap3A_69, %swap3A_70] : memref<16x128xf32, #tpu.memory_space<vmem>>, vector<1x128xf32>
    tpu.vector_store %arg16[%swap3A_69, %swap3A_70], %max3A_68 {strides = array<i32>} : memref<16x128xf32, #tpu.memory_space<vmem>>, vector<1x128xf32>,
    %get3A_72 = arith.constant 0 : index
    %get3A_73 = arith.constant 0 : index
    %get3A_74 = vector.load %arg17[%get3A_72, %get3A_73] : memref<16x128xf32, #tpu.memory_space<vmem>>, vector<1x128xf32>
    %convert_element_type3A_75 = arith.extui %eq3A_60 : vector<512x1xi1> to vector<512x1xi32>
    %convert_element_type3A_76 = arith.sitofp %convert_element_type3A_75 : vector<512x1xi32> to vector<512x1xf32>
    %reduce_sum3A = vector.shape_cast %convert_element_type3A_76 : vector<512x1xf32> to vector<1x512x1xf32>
    %reduce_sum3A_77 = arith.constant dense<0.000000e+00> : vector<1xf32>
    %reduce_sum3A_78 = vector.multi_reduction <add>, %reduce_sum3A, %reduce_sum3A_77 [1, 2] : vector<1x512x1xf32> to vector<1xf32>
    %reduce_sum3A_79 = vector.shape_cast %reduce_sum3A_78 : vector<1xf32> to vector<1x1x1xf32>
    %reduce_sum3A_80 = vector.extract %reduce_sum3A_79[0, 0, 0] : f32 from vector<1x1x1xf32>
    %add3A_81 = vector.broadcast %reduce_sum3A_80 : f32 to vector<1x128xf32>
    %add3A_82 = arith.addf %get3A_74, %add3A_81 : vector<1x128xf32>
    %swap3A_83 = arith.constant 0 : index
    %swap3A_84 = arith.constant 0 : index
    %swap3A_85 = vector.load %arg17[%swap3A_83, %swap3A_84] : memref<16x128xf32, #tpu.memory_space<vmem>>, vector<1x128xf32>
    tpu.vector_store %arg17[%swap3A_83, %swap3A_84], %add3A_82 {strides = array<i32>} : memref<16x128xf32, #tpu.memory_space<vmem>>, vector<1x128xf32>,
    %eq3A_86 = arith.constant 1 : i32
    %eq3A_87 = vector.broadcast %eq3A_86 : i32 to vector<512x1xi32>
    %eq3A_88 = arith.cmpi eq, %get3A_26, %eq3A_87 : vector<512x1xi32>
    %jit3A_89 = arith.constant -1.000000e+30 : f32
    %broadcast_in_dim3A_90 = vector.shape_cast %eq3A_88 : vector<512x1xi1> to vector<512x1xi1>
    %broadcast_in_dim3A_91 = vector.broadcast %broadcast_in_dim3A_90 : vector<512x1xi1> to vector<512x128xi1>
    %broadcast_in_dim3A_92 = vector.broadcast %jit3A_89 : f32 to vector<512x128xf32>
    %select_n3A_93 = arith.select %broadcast_in_dim3A_91, %add3A_55, %broadcast_in_dim3A_92 : vector<512x128xi1>, vector<512x128xf32>
    %get3A_94 = arith.constant 1 : index
    %get3A_95 = arith.constant 0 : index
    %get3A_96 = vector.load %arg16[%get3A_94, %get3A_95] : memref<16x128xf32, #tpu.memory_space<vmem>>, vector<1x128xf32>
    %reduce_max3A_97 = arith.constant dense<0xFF800000> : vector<128xf32>
    %reduce_max3A_98 = vector.multi_reduction <maximumf>, %select_n3A_93, %reduce_max3A_97 [0] : vector<512x128xf32> to vector<128xf32>
    %broadcast_in_dim3A_99 = vector.shape_cast %reduce_max3A_98 : vector<128xf32> to vector<1x128xf32>
    %max3A_100 = arith.maximumf %get3A_96, %broadcast_in_dim3A_99 : vector<1x128xf32>
    %swap3A_101 = arith.constant 1 : index
    %swap3A_102 = arith.constant 0 : index
    %swap3A_103 = vector.load %arg16[%swap3A_101, %swap3A_102] : memref<16x128xf32, #tpu.memory_space<vmem>>, vector<1x128xf32>
    tpu.vector_store %arg16[%swap3A_101, %swap3A_102], %max3A_100 {strides = array<i32>} : memref<16x128xf32, #tpu.memory_space<vmem>>, vector<1x128xf32>,
    %get3A_104 = arith.constant 1 : index
    %get3A_105 = arith.constant 0 : index
    %get3A_106 = vector.load %arg17[%get3A_104, %get3A_105] : memref<16x128xf32, #tpu.memory_space<vmem>>, vector<1x128xf32>
    %convert_element_type3A_107 = arith.extui %eq3A_88 : vector<512x1xi1> to vector<512x1xi32>
    %convert_element_type3A_108 = arith.sitofp %convert_element_type3A_107 : vector<512x1xi32> to vector<512x1xf32>
    %reduce_sum3A_109 = vector.shape_cast %convert_element_type3A_108 : vector<512x1xf32> to vector<1x512x1xf32>
    %reduce_sum3A_110 = arith.constant dense<0.000000e+00> : vector<1xf32>
    %reduce_sum3A_111 = vector.multi_reduction <add>, %reduce_sum3A_109, %reduce_sum3A_110 [1, 2] : vector<1x512x1xf32> to vector<1xf32>
    %reduce_sum3A_112 = vector.shape_cast %reduce_sum3A_111 : vector<1xf32> to vector<1x1x1xf32>
    %reduce_sum3A_113 = vector.extract %reduce_sum3A_112[0, 0, 0] : f32 from vector<1x1x1xf32>
    %add3A_114 = vector.broadcast %reduce_sum3A_113 : f32 to vector<1x128xf32>
    %add3A_115 = arith.addf %get3A_106, %add3A_114 : vector<1x128xf32>
    %swap3A_116 = arith.constant 1 : index
    %swap3A_117 = arith.constant 0 : index
    %swap3A_118 = vector.load %arg17[%swap3A_116, %swap3A_117] : memref<16x128xf32, #tpu.memory_space<vmem>>, vector<1x128xf32>
    tpu.vector_store %arg17[%swap3A_116, %swap3A_117], %add3A_115 {strides = array<i32>} : memref<16x128xf32, #tpu.memory_space<vmem>>, vector<1x128xf32>,
    %eq3A_119 = arith.constant 2 : i32
    %eq3A_120 = vector.broadcast %eq3A_119 : i32 to vector<512x1xi32>
    %eq3A_121 = arith.cmpi eq, %get3A_26, %eq3A_120 : vector<512x1xi32>
    %jit3A_122 = arith.constant -1.000000e+30 : f32
    %broadcast_in_dim3A_123 = vector.shape_cast %eq3A_121 : vector<512x1xi1> to vector<512x1xi1>
    %broadcast_in_dim3A_124 = vector.broadcast %broadcast_in_dim3A_123 : vector<512x1xi1> to vector<512x128xi1>
    %broadcast_in_dim3A_125 = vector.broadcast %jit3A_122 : f32 to vector<512x128xf32>
    %select_n3A_126 = arith.select %broadcast_in_dim3A_124, %add3A_55, %broadcast_in_dim3A_125 : vector<512x128xi1>, vector<512x128xf32>
    %get3A_127 = arith.constant 2 : index
    %get3A_128 = arith.constant 0 : index
    %get3A_129 = vector.load %arg16[%get3A_127, %get3A_128] : memref<16x128xf32, #tpu.memory_space<vmem>>, vector<1x128xf32>
    %reduce_max3A_130 = arith.constant dense<0xFF800000> : vector<128xf32>
    %reduce_max3A_131 = vector.multi_reduction <maximumf>, %select_n3A_126, %reduce_max3A_130 [0] : vector<512x128xf32> to vector<128xf32>
    %broadcast_in_dim3A_132 = vector.shape_cast %reduce_max3A_131 : vector<128xf32> to vector<1x128xf32>
    %max3A_133 = arith.maximumf %get3A_129, %broadcast_in_dim3A_132 : vector<1x128xf32>
    %swap3A_134 = arith.constant 2 : index
    %swap3A_135 = arith.constant 0 : index
    %swap3A_136 = vector.load %arg16[%swap3A_134, %swap3A_135] : memref<16x128xf32, #tpu.memory_space<vmem>>, vector<1x128xf32>
    tpu.vector_store %arg16[%swap3A_134, %swap3A_135], %max3A_133 {strides = array<i32>} : memref<16x128xf32, #tpu.memory_space<vmem>>, vector<1x128xf32>,
    %get3A_137 = arith.constant 2 : index
    %get3A_138 = arith.constant 0 : index
    %get3A_139 = vector.load %arg17[%get3A_137, %get3A_138] : memref<16x128xf32, #tpu.memory_space<vmem>>, vector<1x128xf32>
    %convert_element_type3A_140 = arith.extui %eq3A_121 : vector<512x1xi1> to vector<512x1xi32>
    %convert_element_type3A_141 = arith.sitofp %convert_element_type3A_140 : vector<512x1xi32> to vector<512x1xf32>
    %reduce_sum3A_142 = vector.shape_cast %convert_element_type3A_141 : vector<512x1xf32> to vector<1x512x1xf32>
    %reduce_sum3A_143 = arith.constant dense<0.000000e+00> : vector<1xf32>
    %reduce_sum3A_144 = vector.multi_reduction <add>, %reduce_sum3A_142, %reduce_sum3A_143 [1, 2] : vector<1x512x1xf32> to vector<1xf32>
    %reduce_sum3A_145 = vector.shape_cast %reduce_sum3A_144 : vector<1xf32> to vector<1x1x1xf32>
    %reduce_sum3A_146 = vector.extract %reduce_sum3A_145[0, 0, 0] : f32 from vector<1x1x1xf32>
    %add3A_147 = vector.broadcast %reduce_sum3A_146 : f32 to vector<1x128xf32>
    %add3A_148 = arith.addf %get3A_139, %add3A_147 : vector<1x128xf32>
    %swap3A_149 = arith.constant 2 : index
    %swap3A_150 = arith.constant 0 : index
    %swap3A_151 = vector.load %arg17[%swap3A_149, %swap3A_150] : memref<16x128xf32, #tpu.memory_space<vmem>>, vector<1x128xf32>
    tpu.vector_store %arg17[%swap3A_149, %swap3A_150], %add3A_148 {strides = array<i32>} : memref<16x128xf32, #tpu.memory_space<vmem>>, vector<1x128xf32>,
    %eq3A_152 = arith.constant 3 : i32
    %eq3A_153 = vector.broadcast %eq3A_152 : i32 to vector<512x1xi32>
    %eq3A_154 = arith.cmpi eq, %get3A_26, %eq3A_153 : vector<512x1xi32>
    %jit3A_155 = arith.constant -1.000000e+30 : f32
    %broadcast_in_dim3A_156 = vector.shape_cast %eq3A_154 : vector<512x1xi1> to vector<512x1xi1>
    %broadcast_in_dim3A_157 = vector.broadcast %broadcast_in_dim3A_156 : vector<512x1xi1> to vector<512x128xi1>
    %broadcast_in_dim3A_158 = vector.broadcast %jit3A_155 : f32 to vector<512x128xf32>
    %select_n3A_159 = arith.select %broadcast_in_dim3A_157, %add3A_55, %broadcast_in_dim3A_158 : vector<512x128xi1>, vector<512x128xf32>
    %get3A_160 = arith.constant 3 : index
    %get3A_161 = arith.constant 0 : index
    %get3A_162 = vector.load %arg16[%get3A_160, %get3A_161] : memref<16x128xf32, #tpu.memory_space<vmem>>, vector<1x128xf32>
    %reduce_max3A_163 = arith.constant dense<0xFF800000> : vector<128xf32>
    %reduce_max3A_164 = vector.multi_reduction <maximumf>, %select_n3A_159, %reduce_max3A_163 [0] : vector<512x128xf32> to vector<128xf32>
    %broadcast_in_dim3A_165 = vector.shape_cast %reduce_max3A_164 : vector<128xf32> to vector<1x128xf32>
    %max3A_166 = arith.maximumf %get3A_162, %broadcast_in_dim3A_165 : vector<1x128xf32>
    %swap3A_167 = arith.constant 3 : index
    %swap3A_168 = arith.constant 0 : index
    %swap3A_169 = vector.load %arg16[%swap3A_167, %swap3A_168] : memref<16x128xf32, #tpu.memory_space<vmem>>, vector<1x128xf32>
    tpu.vector_store %arg16[%swap3A_167, %swap3A_168], %max3A_166 {strides = array<i32>} : memref<16x128xf32, #tpu.memory_space<vmem>>, vector<1x128xf32>,
    %get3A_170 = arith.constant 3 : index
    %get3A_171 = arith.constant 0 : index
    %get3A_172 = vector.load %arg17[%get3A_170, %get3A_171] : memref<16x128xf32, #tpu.memory_space<vmem>>, vector<1x128xf32>
    %convert_element_type3A_173 = arith.extui %eq3A_154 : vector<512x1xi1> to vector<512x1xi32>
    %convert_element_type3A_174 = arith.sitofp %convert_element_type3A_173 : vector<512x1xi32> to vector<512x1xf32>
    %reduce_sum3A_175 = vector.shape_cast %convert_element_type3A_174 : vector<512x1xf32> to vector<1x512x1xf32>
    %reduce_sum3A_176 = arith.constant dense<0.000000e+00> : vector<1xf32>
    %reduce_sum3A_177 = vector.multi_reduction <add>, %reduce_sum3A_175, %reduce_sum3A_176 [1, 2] : vector<1x512x1xf32> to vector<1xf32>
    %reduce_sum3A_178 = vector.shape_cast %reduce_sum3A_177 : vector<1xf32> to vector<1x1x1xf32>
    %reduce_sum3A_179 = vector.extract %reduce_sum3A_178[0, 0, 0] : f32 from vector<1x1x1xf32>
    %add3A_180 = vector.broadcast %reduce_sum3A_179 : f32 to vector<1x128xf32>
    %add3A_181 = arith.addf %get3A_172, %add3A_180 : vector<1x128xf32>
    %swap3A_182 = arith.constant 3 : index
    %swap3A_183 = arith.constant 0 : index
    %swap3A_184 = vector.load %arg17[%swap3A_182, %swap3A_183] : memref<16x128xf32, #tpu.memory_space<vmem>>, vector<1x128xf32>
    tpu.vector_store %arg17[%swap3A_182, %swap3A_183], %add3A_181 {strides = array<i32>} : memref<16x128xf32, #tpu.memory_space<vmem>>, vector<1x128xf32>,
    %eq3A_185 = arith.constant 4 : i32
    %eq3A_186 = vector.broadcast %eq3A_185 : i32 to vector<512x1xi32>
    %eq3A_187 = arith.cmpi eq, %get3A_26, %eq3A_186 : vector<512x1xi32>
    %jit3A_188 = arith.constant -1.000000e+30 : f32
    %broadcast_in_dim3A_189 = vector.shape_cast %eq3A_187 : vector<512x1xi1> to vector<512x1xi1>
    %broadcast_in_dim3A_190 = vector.broadcast %broadcast_in_dim3A_189 : vector<512x1xi1> to vector<512x128xi1>
    %broadcast_in_dim3A_191 = vector.broadcast %jit3A_188 : f32 to vector<512x128xf32>
    %select_n3A_192 = arith.select %broadcast_in_dim3A_190, %add3A_55, %broadcast_in_dim3A_191 : vector<512x128xi1>, vector<512x128xf32>
    %get3A_193 = arith.constant 4 : index
    %get3A_194 = arith.constant 0 : index
    %get3A_195 = vector.load %arg16[%get3A_193, %get3A_194] : memref<16x128xf32, #tpu.memory_space<vmem>>, vector<1x128xf32>
    %reduce_max3A_196 = arith.constant dense<0xFF800000> : vector<128xf32>
    %reduce_max3A_197 = vector.multi_reduction <maximumf>, %select_n3A_192, %reduce_max3A_196 [0] : vector<512x128xf32> to vector<128xf32>
    %broadcast_in_dim3A_198 = vector.shape_cast %reduce_max3A_197 : vector<128xf32> to vector<1x128xf32>
    %max3A_199 = arith.maximumf %get3A_195, %broadcast_in_dim3A_198 : vector<1x128xf32>
    %swap3A_200 = arith.constant 4 : index
    %swap3A_201 = arith.constant 0 : index
    %swap3A_202 = vector.load %arg16[%swap3A_200, %swap3A_201] : memref<16x128xf32, #tpu.memory_space<vmem>>, vector<1x128xf32>
    tpu.vector_store %arg16[%swap3A_200, %swap3A_201], %max3A_199 {strides = array<i32>} : memref<16x128xf32, #tpu.memory_space<vmem>>, vector<1x128xf32>,
    %get3A_203 = arith.constant 4 : index
    %get3A_204 = arith.constant 0 : index
    %get3A_205 = vector.load %arg17[%get3A_203, %get3A_204] : memref<16x128xf32, #tpu.memory_space<vmem>>, vector<1x128xf32>
    %convert_element_type3A_206 = arith.extui %eq3A_187 : vector<512x1xi1> to vector<512x1xi32>
    %convert_element_type3A_207 = arith.sitofp %convert_element_type3A_206 : vector<512x1xi32> to vector<512x1xf32>
    %reduce_sum3A_208 = vector.shape_cast %convert_element_type3A_207 : vector<512x1xf32> to vector<1x512x1xf32>
    %reduce_sum3A_209 = arith.constant dense<0.000000e+00> : vector<1xf32>
    %reduce_sum3A_210 = vector.multi_reduction <add>, %reduce_sum3A_208, %reduce_sum3A_209 [1, 2] : vector<1x512x1xf32> to vector<1xf32>
    %reduce_sum3A_211 = vector.shape_cast %reduce_sum3A_210 : vector<1xf32> to vector<1x1x1xf32>
    %reduce_sum3A_212 = vector.extract %reduce_sum3A_211[0, 0, 0] : f32 from vector<1x1x1xf32>
    %add3A_213 = vector.broadcast %reduce_sum3A_212 : f32 to vector<1x128xf32>
    %add3A_214 = arith.addf %get3A_205, %add3A_213 : vector<1x128xf32>
    %swap3A_215 = arith.constant 4 : index
    %swap3A_216 = arith.constant 0 : index
    %swap3A_217 = vector.load %arg17[%swap3A_215, %swap3A_216] : memref<16x128xf32, #tpu.memory_space<vmem>>, vector<1x128xf32>
    tpu.vector_store %arg17[%swap3A_215, %swap3A_216], %add3A_214 {strides = array<i32>} : memref<16x128xf32, #tpu.memory_space<vmem>>, vector<1x128xf32>,
    %eq3A_218 = arith.constant 5 : i32
    %eq3A_219 = vector.broadcast %eq3A_218 : i32 to vector<512x1xi32>
    %eq3A_220 = arith.cmpi eq, %get3A_26, %eq3A_219 : vector<512x1xi32>
    %jit3A_221 = arith.constant -1.000000e+30 : f32
    %broadcast_in_dim3A_222 = vector.shape_cast %eq3A_220 : vector<512x1xi1> to vector<512x1xi1>
    %broadcast_in_dim3A_223 = vector.broadcast %broadcast_in_dim3A_222 : vector<512x1xi1> to vector<512x128xi1>
    %broadcast_in_dim3A_224 = vector.broadcast %jit3A_221 : f32 to vector<512x128xf32>
    %select_n3A_225 = arith.select %broadcast_in_dim3A_223, %add3A_55, %broadcast_in_dim3A_224 : vector<512x128xi1>, vector<512x128xf32>
    %get3A_226 = arith.constant 5 : index
    %get3A_227 = arith.constant 0 : index
    %get3A_228 = vector.load %arg16[%get3A_226, %get3A_227] : memref<16x128xf32, #tpu.memory_space<vmem>>, vector<1x128xf32>
    %reduce_max3A_229 = arith.constant dense<0xFF800000> : vector<128xf32>
    %reduce_max3A_230 = vector.multi_reduction <maximumf>, %select_n3A_225, %reduce_max3A_229 [0] : vector<512x128xf32> to vector<128xf32>
    %broadcast_in_dim3A_231 = vector.shape_cast %reduce_max3A_230 : vector<128xf32> to vector<1x128xf32>
    %max3A_232 = arith.maximumf %get3A_228, %broadcast_in_dim3A_231 : vector<1x128xf32>
    %swap3A_233 = arith.constant 5 : index
    %swap3A_234 = arith.constant 0 : index
    %swap3A_235 = vector.load %arg16[%swap3A_233, %swap3A_234] : memref<16x128xf32, #tpu.memory_space<vmem>>, vector<1x128xf32>
    tpu.vector_store %arg16[%swap3A_233, %swap3A_234], %max3A_232 {strides = array<i32>} : memref<16x128xf32, #tpu.memory_space<vmem>>, vector<1x128xf32>,
    %get3A_236 = arith.constant 5 : index
    %get3A_237 = arith.constant 0 : index
    %get3A_238 = vector.load %arg17[%get3A_236, %get3A_237] : memref<16x128xf32, #tpu.memory_space<vmem>>, vector<1x128xf32>
    %convert_element_type3A_239 = arith.extui %eq3A_220 : vector<512x1xi1> to vector<512x1xi32>
    %convert_element_type3A_240 = arith.sitofp %convert_element_type3A_239 : vector<512x1xi32> to vector<512x1xf32>
    %reduce_sum3A_241 = vector.shape_cast %convert_element_type3A_240 : vector<512x1xf32> to vector<1x512x1xf32>
    %reduce_sum3A_242 = arith.constant dense<0.000000e+00> : vector<1xf32>
    %reduce_sum3A_243 = vector.multi_reduction <add>, %reduce_sum3A_241, %reduce_sum3A_242 [1, 2] : vector<1x512x1xf32> to vector<1xf32>
    %reduce_sum3A_244 = vector.shape_cast %reduce_sum3A_243 : vector<1xf32> to vector<1x1x1xf32>
    %reduce_sum3A_245 = vector.extract %reduce_sum3A_244[0, 0, 0] : f32 from vector<1x1x1xf32>
    %add3A_246 = vector.broadcast %reduce_sum3A_245 : f32 to vector<1x128xf32>
    %add3A_247 = arith.addf %get3A_238, %add3A_246 : vector<1x128xf32>
    %swap3A_248 = arith.constant 5 : index
    %swap3A_249 = arith.constant 0 : index
    %swap3A_250 = vector.load %arg17[%swap3A_248, %swap3A_249] : memref<16x128xf32, #tpu.memory_space<vmem>>, vector<1x128xf32>
    tpu.vector_store %arg17[%swap3A_248, %swap3A_249], %add3A_247 {strides = array<i32>} : memref<16x128xf32, #tpu.memory_space<vmem>>, vector<1x128xf32>,
    %eq3A_251 = arith.constant 6 : i32
    %eq3A_252 = vector.broadcast %eq3A_251 : i32 to vector<512x1xi32>
    %eq3A_253 = arith.cmpi eq, %get3A_26, %eq3A_252 : vector<512x1xi32>
    %jit3A_254 = arith.constant -1.000000e+30 : f32
    %broadcast_in_dim3A_255 = vector.shape_cast %eq3A_253 : vector<512x1xi1> to vector<512x1xi1>
    %broadcast_in_dim3A_256 = vector.broadcast %broadcast_in_dim3A_255 : vector<512x1xi1> to vector<512x128xi1>
    %broadcast_in_dim3A_257 = vector.broadcast %jit3A_254 : f32 to vector<512x128xf32>
    %select_n3A_258 = arith.select %broadcast_in_dim3A_256, %add3A_55, %broadcast_in_dim3A_257 : vector<512x128xi1>, vector<512x128xf32>
    %get3A_259 = arith.constant 6 : index
    %get3A_260 = arith.constant 0 : index
    %get3A_261 = vector.load %arg16[%get3A_259, %get3A_260] : memref<16x128xf32, #tpu.memory_space<vmem>>, vector<1x128xf32>
    %reduce_max3A_262 = arith.constant dense<0xFF800000> : vector<128xf32>
    %reduce_max3A_263 = vector.multi_reduction <maximumf>, %select_n3A_258, %reduce_max3A_262 [0] : vector<512x128xf32> to vector<128xf32>
    %broadcast_in_dim3A_264 = vector.shape_cast %reduce_max3A_263 : vector<128xf32> to vector<1x128xf32>
    %max3A_265 = arith.maximumf %get3A_261, %broadcast_in_dim3A_264 : vector<1x128xf32>
    %swap3A_266 = arith.constant 6 : index
    %swap3A_267 = arith.constant 0 : index
    %swap3A_268 = vector.load %arg16[%swap3A_266, %swap3A_267] : memref<16x128xf32, #tpu.memory_space<vmem>>, vector<1x128xf32>
    tpu.vector_store %arg16[%swap3A_266, %swap3A_267], %max3A_265 {strides = array<i32>} : memref<16x128xf32, #tpu.memory_space<vmem>>, vector<1x128xf32>,
    %get3A_269 = arith.constant 6 : index
    %get3A_270 = arith.constant 0 : index
    %get3A_271 = vector.load %arg17[%get3A_269, %get3A_270] : memref<16x128xf32, #tpu.memory_space<vmem>>, vector<1x128xf32>
    %convert_element_type3A_272 = arith.extui %eq3A_253 : vector<512x1xi1> to vector<512x1xi32>
    %convert_element_type3A_273 = arith.sitofp %convert_element_type3A_272 : vector<512x1xi32> to vector<512x1xf32>
    %reduce_sum3A_274 = vector.shape_cast %convert_element_type3A_273 : vector<512x1xf32> to vector<1x512x1xf32>
    %reduce_sum3A_275 = arith.constant dense<0.000000e+00> : vector<1xf32>
    %reduce_sum3A_276 = vector.multi_reduction <add>, %reduce_sum3A_274, %reduce_sum3A_275 [1, 2] : vector<1x512x1xf32> to vector<1xf32>
    %reduce_sum3A_277 = vector.shape_cast %reduce_sum3A_276 : vector<1xf32> to vector<1x1x1xf32>
    %reduce_sum3A_278 = vector.extract %reduce_sum3A_277[0, 0, 0] : f32 from vector<1x1x1xf32>
    %add3A_279 = vector.broadcast %reduce_sum3A_278 : f32 to vector<1x128xf32>
    %add3A_280 = arith.addf %get3A_271, %add3A_279 : vector<1x128xf32>
    %swap3A_281 = arith.constant 6 : index
    %swap3A_282 = arith.constant 0 : index
    %swap3A_283 = vector.load %arg17[%swap3A_281, %swap3A_282] : memref<16x128xf32, #tpu.memory_space<vmem>>, vector<1x128xf32>
    tpu.vector_store %arg17[%swap3A_281, %swap3A_282], %add3A_280 {strides = array<i32>} : memref<16x128xf32, #tpu.memory_space<vmem>>, vector<1x128xf32>,
    %eq3A_284 = arith.constant 7 : i32
    %eq3A_285 = vector.broadcast %eq3A_284 : i32 to vector<512x1xi32>
    %eq3A_286 = arith.cmpi eq, %get3A_26, %eq3A_285 : vector<512x1xi32>
    %jit3A_287 = arith.constant -1.000000e+30 : f32
    %broadcast_in_dim3A_288 = vector.shape_cast %eq3A_286 : vector<512x1xi1> to vector<512x1xi1>
    %broadcast_in_dim3A_289 = vector.broadcast %broadcast_in_dim3A_288 : vector<512x1xi1> to vector<512x128xi1>
    %broadcast_in_dim3A_290 = vector.broadcast %jit3A_287 : f32 to vector<512x128xf32>
    %select_n3A_291 = arith.select %broadcast_in_dim3A_289, %add3A_55, %broadcast_in_dim3A_290 : vector<512x128xi1>, vector<512x128xf32>
    %get3A_292 = arith.constant 7 : index
    %get3A_293 = arith.constant 0 : index
    %get3A_294 = vector.load %arg16[%get3A_292, %get3A_293] : memref<16x128xf32, #tpu.memory_space<vmem>>, vector<1x128xf32>
    %reduce_max3A_295 = arith.constant dense<0xFF800000> : vector<128xf32>
    %reduce_max3A_296 = vector.multi_reduction <maximumf>, %select_n3A_291, %reduce_max3A_295 [0] : vector<512x128xf32> to vector<128xf32>
    %broadcast_in_dim3A_297 = vector.shape_cast %reduce_max3A_296 : vector<128xf32> to vector<1x128xf32>
    %max3A_298 = arith.maximumf %get3A_294, %broadcast_in_dim3A_297 : vector<1x128xf32>
    %swap3A_299 = arith.constant 7 : index
    %swap3A_300 = arith.constant 0 : index
    %swap3A_301 = vector.load %arg16[%swap3A_299, %swap3A_300] : memref<16x128xf32, #tpu.memory_space<vmem>>, vector<1x128xf32>
    tpu.vector_store %arg16[%swap3A_299, %swap3A_300], %max3A_298 {strides = array<i32>} : memref<16x128xf32, #tpu.memory_space<vmem>>, vector<1x128xf32>,
    %get3A_302 = arith.constant 7 : index
    %get3A_303 = arith.constant 0 : index
    %get3A_304 = vector.load %arg17[%get3A_302, %get3A_303] : memref<16x128xf32, #tpu.memory_space<vmem>>, vector<1x128xf32>
    %convert_element_type3A_305 = arith.extui %eq3A_286 : vector<512x1xi1> to vector<512x1xi32>
    %convert_element_type3A_306 = arith.sitofp %convert_element_type3A_305 : vector<512x1xi32> to vector<512x1xf32>
    %reduce_sum3A_307 = vector.shape_cast %convert_element_type3A_306 : vector<512x1xf32> to vector<1x512x1xf32>
    %reduce_sum3A_308 = arith.constant dense<0.000000e+00> : vector<1xf32>
    %reduce_sum3A_309 = vector.multi_reduction <add>, %reduce_sum3A_307, %reduce_sum3A_308 [1, 2] : vector<1x512x1xf32> to vector<1xf32>
    %reduce_sum3A_310 = vector.shape_cast %reduce_sum3A_309 : vector<1xf32> to vector<1x1x1xf32>
    %reduce_sum3A_311 = vector.extract %reduce_sum3A_310[0, 0, 0] : f32 from vector<1x1x1xf32>
    %add3A_312 = vector.broadcast %reduce_sum3A_311 : f32 to vector<1x128xf32>
    %add3A_313 = arith.addf %get3A_304, %add3A_312 : vector<1x128xf32>
    %swap3A_314 = arith.constant 7 : index
    %swap3A_315 = arith.constant 0 : index
    %swap3A_316 = vector.load %arg17[%swap3A_314, %swap3A_315] : memref<16x128xf32, #tpu.memory_space<vmem>>, vector<1x128xf32>
    tpu.vector_store %arg17[%swap3A_314, %swap3A_315], %add3A_313 {strides = array<i32>} : memref<16x128xf32, #tpu.memory_space<vmem>>, vector<1x128xf32>,
    %eq3A_317 = arith.constant 8 : i32
    %eq3A_318 = vector.broadcast %eq3A_317 : i32 to vector<512x1xi32>
    %eq3A_319 = arith.cmpi eq, %get3A_26, %eq3A_318 : vector<512x1xi32>
    %jit3A_320 = arith.constant -1.000000e+30 : f32
    %broadcast_in_dim3A_321 = vector.shape_cast %eq3A_319 : vector<512x1xi1> to vector<512x1xi1>
    %broadcast_in_dim3A_322 = vector.broadcast %broadcast_in_dim3A_321 : vector<512x1xi1> to vector<512x128xi1>
    %broadcast_in_dim3A_323 = vector.broadcast %jit3A_320 : f32 to vector<512x128xf32>
    %select_n3A_324 = arith.select %broadcast_in_dim3A_322, %add3A_55, %broadcast_in_dim3A_323 : vector<512x128xi1>, vector<512x128xf32>
    %get3A_325 = arith.constant 8 : index
    %get3A_326 = arith.constant 0 : index
    %get3A_327 = vector.load %arg16[%get3A_325, %get3A_326] : memref<16x128xf32, #tpu.memory_space<vmem>>, vector<1x128xf32>
    %reduce_max3A_328 = arith.constant dense<0xFF800000> : vector<128xf32>
    %reduce_max3A_329 = vector.multi_reduction <maximumf>, %select_n3A_324, %reduce_max3A_328 [0] : vector<512x128xf32> to vector<128xf32>
    %broadcast_in_dim3A_330 = vector.shape_cast %reduce_max3A_329 : vector<128xf32> to vector<1x128xf32>
    %max3A_331 = arith.maximumf %get3A_327, %broadcast_in_dim3A_330 : vector<1x128xf32>
    %swap3A_332 = arith.constant 8 : index
    %swap3A_333 = arith.constant 0 : index
    %swap3A_334 = vector.load %arg16[%swap3A_332, %swap3A_333] : memref<16x128xf32, #tpu.memory_space<vmem>>, vector<1x128xf32>
    tpu.vector_store %arg16[%swap3A_332, %swap3A_333], %max3A_331 {strides = array<i32>} : memref<16x128xf32, #tpu.memory_space<vmem>>, vector<1x128xf32>,
    %get3A_335 = arith.constant 8 : index
    %get3A_336 = arith.constant 0 : index
    %get3A_337 = vector.load %arg17[%get3A_335, %get3A_336] : memref<16x128xf32, #tpu.memory_space<vmem>>, vector<1x128xf32>
    %convert_element_type3A_338 = arith.extui %eq3A_319 : vector<512x1xi1> to vector<512x1xi32>
    %convert_element_type3A_339 = arith.sitofp %convert_element_type3A_338 : vector<512x1xi32> to vector<512x1xf32>
    %reduce_sum3A_340 = vector.shape_cast %convert_element_type3A_339 : vector<512x1xf32> to vector<1x512x1xf32>
    %reduce_sum3A_341 = arith.constant dense<0.000000e+00> : vector<1xf32>
    %reduce_sum3A_342 = vector.multi_reduction <add>, %reduce_sum3A_340, %reduce_sum3A_341 [1, 2] : vector<1x512x1xf32> to vector<1xf32>
    %reduce_sum3A_343 = vector.shape_cast %reduce_sum3A_342 : vector<1xf32> to vector<1x1x1xf32>
    %reduce_sum3A_344 = vector.extract %reduce_sum3A_343[0, 0, 0] : f32 from vector<1x1x1xf32>
    %add3A_345 = vector.broadcast %reduce_sum3A_344 : f32 to vector<1x128xf32>
    %add3A_346 = arith.addf %get3A_337, %add3A_345 : vector<1x128xf32>
    %swap3A_347 = arith.constant 8 : index
    %swap3A_348 = arith.constant 0 : index
    %swap3A_349 = vector.load %arg17[%swap3A_347, %swap3A_348] : memref<16x128xf32, #tpu.memory_space<vmem>>, vector<1x128xf32>
    tpu.vector_store %arg17[%swap3A_347, %swap3A_348], %add3A_346 {strides = array<i32>} : memref<16x128xf32, #tpu.memory_space<vmem>>, vector<1x128xf32>,
    %eq3A_350 = arith.constant 9 : i32
    %eq3A_351 = vector.broadcast %eq3A_350 : i32 to vector<512x1xi32>
    %eq3A_352 = arith.cmpi eq, %get3A_26, %eq3A_351 : vector<512x1xi32>
    %jit3A_353 = arith.constant -1.000000e+30 : f32
    %broadcast_in_dim3A_354 = vector.shape_cast %eq3A_352 : vector<512x1xi1> to vector<512x1xi1>
    %broadcast_in_dim3A_355 = vector.broadcast %broadcast_in_dim3A_354 : vector<512x1xi1> to vector<512x128xi1>
    %broadcast_in_dim3A_356 = vector.broadcast %jit3A_353 : f32 to vector<512x128xf32>
    %select_n3A_357 = arith.select %broadcast_in_dim3A_355, %add3A_55, %broadcast_in_dim3A_356 : vector<512x128xi1>, vector<512x128xf32>
    %get3A_358 = arith.constant 9 : index
    %get3A_359 = arith.constant 0 : index
    %get3A_360 = vector.load %arg16[%get3A_358, %get3A_359] : memref<16x128xf32, #tpu.memory_space<vmem>>, vector<1x128xf32>
    %reduce_max3A_361 = arith.constant dense<0xFF800000> : vector<128xf32>
    %reduce_max3A_362 = vector.multi_reduction <maximumf>, %select_n3A_357, %reduce_max3A_361 [0] : vector<512x128xf32> to vector<128xf32>
    %broadcast_in_dim3A_363 = vector.shape_cast %reduce_max3A_362 : vector<128xf32> to vector<1x128xf32>
    %max3A_364 = arith.maximumf %get3A_360, %broadcast_in_dim3A_363 : vector<1x128xf32>
    %swap3A_365 = arith.constant 9 : index
    %swap3A_366 = arith.constant 0 : index
    %swap3A_367 = vector.load %arg16[%swap3A_365, %swap3A_366] : memref<16x128xf32, #tpu.memory_space<vmem>>, vector<1x128xf32>
    tpu.vector_store %arg16[%swap3A_365, %swap3A_366], %max3A_364 {strides = array<i32>} : memref<16x128xf32, #tpu.memory_space<vmem>>, vector<1x128xf32>,
    %get3A_368 = arith.constant 9 : index
    %get3A_369 = arith.constant 0 : index
    %get3A_370 = vector.load %arg17[%get3A_368, %get3A_369] : memref<16x128xf32, #tpu.memory_space<vmem>>, vector<1x128xf32>
    %convert_element_type3A_371 = arith.extui %eq3A_352 : vector<512x1xi1> to vector<512x1xi32>
    %convert_element_type3A_372 = arith.sitofp %convert_element_type3A_371 : vector<512x1xi32> to vector<512x1xf32>
    %reduce_sum3A_373 = vector.shape_cast %convert_element_type3A_372 : vector<512x1xf32> to vector<1x512x1xf32>
    %reduce_sum3A_374 = arith.constant dense<0.000000e+00> : vector<1xf32>
    %reduce_sum3A_375 = vector.multi_reduction <add>, %reduce_sum3A_373, %reduce_sum3A_374 [1, 2] : vector<1x512x1xf32> to vector<1xf32>
    %reduce_sum3A_376 = vector.shape_cast %reduce_sum3A_375 : vector<1xf32> to vector<1x1x1xf32>
    %reduce_sum3A_377 = vector.extract %reduce_sum3A_376[0, 0, 0] : f32 from vector<1x1x1xf32>
    %add3A_378 = vector.broadcast %reduce_sum3A_377 : f32 to vector<1x128xf32>
    %add3A_379 = arith.addf %get3A_370, %add3A_378 : vector<1x128xf32>
    %swap3A_380 = arith.constant 9 : index
    %swap3A_381 = arith.constant 0 : index
    %swap3A_382 = vector.load %arg17[%swap3A_380, %swap3A_381] : memref<16x128xf32, #tpu.memory_space<vmem>>, vector<1x128xf32>
    tpu.vector_store %arg17[%swap3A_380, %swap3A_381], %add3A_379 {strides = array<i32>} : memref<16x128xf32, #tpu.memory_space<vmem>>, vector<1x128xf32>,
    %eq3A_383 = arith.constant 10 : i32
    %eq3A_384 = vector.broadcast %eq3A_383 : i32 to vector<512x1xi32>
    %eq3A_385 = arith.cmpi eq, %get3A_26, %eq3A_384 : vector<512x1xi32>
    %jit3A_386 = arith.constant -1.000000e+30 : f32
    %broadcast_in_dim3A_387 = vector.shape_cast %eq3A_385 : vector<512x1xi1> to vector<512x1xi1>
    %broadcast_in_dim3A_388 = vector.broadcast %broadcast_in_dim3A_387 : vector<512x1xi1> to vector<512x128xi1>
    %broadcast_in_dim3A_389 = vector.broadcast %jit3A_386 : f32 to vector<512x128xf32>
    %select_n3A_390 = arith.select %broadcast_in_dim3A_388, %add3A_55, %broadcast_in_dim3A_389 : vector<512x128xi1>, vector<512x128xf32>
    %get3A_391 = arith.constant 10 : index
    %get3A_392 = arith.constant 0 : index
    %get3A_393 = vector.load %arg16[%get3A_391, %get3A_392] : memref<16x128xf32, #tpu.memory_space<vmem>>, vector<1x128xf32>
    %reduce_max3A_394 = arith.constant dense<0xFF800000> : vector<128xf32>
    %reduce_max3A_395 = vector.multi_reduction <maximumf>, %select_n3A_390, %reduce_max3A_394 [0] : vector<512x128xf32> to vector<128xf32>
    %broadcast_in_dim3A_396 = vector.shape_cast %reduce_max3A_395 : vector<128xf32> to vector<1x128xf32>
    %max3A_397 = arith.maximumf %get3A_393, %broadcast_in_dim3A_396 : vector<1x128xf32>
    %swap3A_398 = arith.constant 10 : index
    %swap3A_399 = arith.constant 0 : index
    %swap3A_400 = vector.load %arg16[%swap3A_398, %swap3A_399] : memref<16x128xf32, #tpu.memory_space<vmem>>, vector<1x128xf32>
    tpu.vector_store %arg16[%swap3A_398, %swap3A_399], %max3A_397 {strides = array<i32>} : memref<16x128xf32, #tpu.memory_space<vmem>>, vector<1x128xf32>,
    %get3A_401 = arith.constant 10 : index
    %get3A_402 = arith.constant 0 : index
    %get3A_403 = vector.load %arg17[%get3A_401, %get3A_402] : memref<16x128xf32, #tpu.memory_space<vmem>>, vector<1x128xf32>
    %convert_element_type3A_404 = arith.extui %eq3A_385 : vector<512x1xi1> to vector<512x1xi32>
    %convert_element_type3A_405 = arith.sitofp %convert_element_type3A_404 : vector<512x1xi32> to vector<512x1xf32>
    %reduce_sum3A_406 = vector.shape_cast %convert_element_type3A_405 : vector<512x1xf32> to vector<1x512x1xf32>
    %reduce_sum3A_407 = arith.constant dense<0.000000e+00> : vector<1xf32>
    %reduce_sum3A_408 = vector.multi_reduction <add>, %reduce_sum3A_406, %reduce_sum3A_407 [1, 2] : vector<1x512x1xf32> to vector<1xf32>
    %reduce_sum3A_409 = vector.shape_cast %reduce_sum3A_408 : vector<1xf32> to vector<1x1x1xf32>
    %reduce_sum3A_410 = vector.extract %reduce_sum3A_409[0, 0, 0] : f32 from vector<1x1x1xf32>
    %add3A_411 = vector.broadcast %reduce_sum3A_410 : f32 to vector<1x128xf32>
    %add3A_412 = arith.addf %get3A_403, %add3A_411 : vector<1x128xf32>
    %swap3A_413 = arith.constant 10 : index
    %swap3A_414 = arith.constant 0 : index
    %swap3A_415 = vector.load %arg17[%swap3A_413, %swap3A_414] : memref<16x128xf32, #tpu.memory_space<vmem>>, vector<1x128xf32>
    tpu.vector_store %arg17[%swap3A_413, %swap3A_414], %add3A_412 {strides = array<i32>} : memref<16x128xf32, #tpu.memory_space<vmem>>, vector<1x128xf32>,
    %eq3A_416 = arith.constant 11 : i32
    %eq3A_417 = vector.broadcast %eq3A_416 : i32 to vector<512x1xi32>
    %eq3A_418 = arith.cmpi eq, %get3A_26, %eq3A_417 : vector<512x1xi32>
    %jit3A_419 = arith.constant -1.000000e+30 : f32
    %broadcast_in_dim3A_420 = vector.shape_cast %eq3A_418 : vector<512x1xi1> to vector<512x1xi1>
    %broadcast_in_dim3A_421 = vector.broadcast %broadcast_in_dim3A_420 : vector<512x1xi1> to vector<512x128xi1>
    %broadcast_in_dim3A_422 = vector.broadcast %jit3A_419 : f32 to vector<512x128xf32>
    %select_n3A_423 = arith.select %broadcast_in_dim3A_421, %add3A_55, %broadcast_in_dim3A_422 : vector<512x128xi1>, vector<512x128xf32>
    %get3A_424 = arith.constant 11 : index
    %get3A_425 = arith.constant 0 : index
    %get3A_426 = vector.load %arg16[%get3A_424, %get3A_425] : memref<16x128xf32, #tpu.memory_space<vmem>>, vector<1x128xf32>
    %reduce_max3A_427 = arith.constant dense<0xFF800000> : vector<128xf32>
    %reduce_max3A_428 = vector.multi_reduction <maximumf>, %select_n3A_423, %reduce_max3A_427 [0] : vector<512x128xf32> to vector<128xf32>
    %broadcast_in_dim3A_429 = vector.shape_cast %reduce_max3A_428 : vector<128xf32> to vector<1x128xf32>
    %max3A_430 = arith.maximumf %get3A_426, %broadcast_in_dim3A_429 : vector<1x128xf32>
    %swap3A_431 = arith.constant 11 : index
    %swap3A_432 = arith.constant 0 : index
    %swap3A_433 = vector.load %arg16[%swap3A_431, %swap3A_432] : memref<16x128xf32, #tpu.memory_space<vmem>>, vector<1x128xf32>
    tpu.vector_store %arg16[%swap3A_431, %swap3A_432], %max3A_430 {strides = array<i32>} : memref<16x128xf32, #tpu.memory_space<vmem>>, vector<1x128xf32>,
    %get3A_434 = arith.constant 11 : index
    %get3A_435 = arith.constant 0 : index
    %get3A_436 = vector.load %arg17[%get3A_434, %get3A_435] : memref<16x128xf32, #tpu.memory_space<vmem>>, vector<1x128xf32>
    %convert_element_type3A_437 = arith.extui %eq3A_418 : vector<512x1xi1> to vector<512x1xi32>
    %convert_element_type3A_438 = arith.sitofp %convert_element_type3A_437 : vector<512x1xi32> to vector<512x1xf32>
    %reduce_sum3A_439 = vector.shape_cast %convert_element_type3A_438 : vector<512x1xf32> to vector<1x512x1xf32>
    %reduce_sum3A_440 = arith.constant dense<0.000000e+00> : vector<1xf32>
    %reduce_sum3A_441 = vector.multi_reduction <add>, %reduce_sum3A_439, %reduce_sum3A_440 [1, 2] : vector<1x512x1xf32> to vector<1xf32>
    %reduce_sum3A_442 = vector.shape_cast %reduce_sum3A_441 : vector<1xf32> to vector<1x1x1xf32>
    %reduce_sum3A_443 = vector.extract %reduce_sum3A_442[0, 0, 0] : f32 from vector<1x1x1xf32>
    %add3A_444 = vector.broadcast %reduce_sum3A_443 : f32 to vector<1x128xf32>
    %add3A_445 = arith.addf %get3A_436, %add3A_444 : vector<1x128xf32>
    %swap3A_446 = arith.constant 11 : index
    %swap3A_447 = arith.constant 0 : index
    %swap3A_448 = vector.load %arg17[%swap3A_446, %swap3A_447] : memref<16x128xf32, #tpu.memory_space<vmem>>, vector<1x128xf32>
    tpu.vector_store %arg17[%swap3A_446, %swap3A_447], %add3A_445 {strides = array<i32>} : memref<16x128xf32, #tpu.memory_space<vmem>>, vector<1x128xf32>,
    %eq3A_449 = arith.constant 12 : i32
    %eq3A_450 = vector.broadcast %eq3A_449 : i32 to vector<512x1xi32>
    %eq3A_451 = arith.cmpi eq, %get3A_26, %eq3A_450 : vector<512x1xi32>
    %jit3A_452 = arith.constant -1.000000e+30 : f32
    %broadcast_in_dim3A_453 = vector.shape_cast %eq3A_451 : vector<512x1xi1> to vector<512x1xi1>
    %broadcast_in_dim3A_454 = vector.broadcast %broadcast_in_dim3A_453 : vector<512x1xi1> to vector<512x128xi1>
    %broadcast_in_dim3A_455 = vector.broadcast %jit3A_452 : f32 to vector<512x128xf32>
    %select_n3A_456 = arith.select %broadcast_in_dim3A_454, %add3A_55, %broadcast_in_dim3A_455 : vector<512x128xi1>, vector<512x128xf32>
    %get3A_457 = arith.constant 12 : index
    %get3A_458 = arith.constant 0 : index
    %get3A_459 = vector.load %arg16[%get3A_457, %get3A_458] : memref<16x128xf32, #tpu.memory_space<vmem>>, vector<1x128xf32>
    %reduce_max3A_460 = arith.constant dense<0xFF800000> : vector<128xf32>
    %reduce_max3A_461 = vector.multi_reduction <maximumf>, %select_n3A_456, %reduce_max3A_460 [0] : vector<512x128xf32> to vector<128xf32>
    %broadcast_in_dim3A_462 = vector.shape_cast %reduce_max3A_461 : vector<128xf32> to vector<1x128xf32>
    %max3A_463 = arith.maximumf %get3A_459, %broadcast_in_dim3A_462 : vector<1x128xf32>
    %swap3A_464 = arith.constant 12 : index
    %swap3A_465 = arith.constant 0 : index
    %swap3A_466 = vector.load %arg16[%swap3A_464, %swap3A_465] : memref<16x128xf32, #tpu.memory_space<vmem>>, vector<1x128xf32>
    tpu.vector_store %arg16[%swap3A_464, %swap3A_465], %max3A_463 {strides = array<i32>} : memref<16x128xf32, #tpu.memory_space<vmem>>, vector<1x128xf32>,
    %get3A_467 = arith.constant 12 : index
    %get3A_468 = arith.constant 0 : index
    %get3A_469 = vector.load %arg17[%get3A_467, %get3A_468] : memref<16x128xf32, #tpu.memory_space<vmem>>, vector<1x128xf32>
    %convert_element_type3A_470 = arith.extui %eq3A_451 : vector<512x1xi1> to vector<512x1xi32>
    %convert_element_type3A_471 = arith.sitofp %convert_element_type3A_470 : vector<512x1xi32> to vector<512x1xf32>
    %reduce_sum3A_472 = vector.shape_cast %convert_element_type3A_471 : vector<512x1xf32> to vector<1x512x1xf32>
    %reduce_sum3A_473 = arith.constant dense<0.000000e+00> : vector<1xf32>
    %reduce_sum3A_474 = vector.multi_reduction <add>, %reduce_sum3A_472, %reduce_sum3A_473 [1, 2] : vector<1x512x1xf32> to vector<1xf32>
    %reduce_sum3A_475 = vector.shape_cast %reduce_sum3A_474 : vector<1xf32> to vector<1x1x1xf32>
    %reduce_sum3A_476 = vector.extract %reduce_sum3A_475[0, 0, 0] : f32 from vector<1x1x1xf32>
    %add3A_477 = vector.broadcast %reduce_sum3A_476 : f32 to vector<1x128xf32>
    %add3A_478 = arith.addf %get3A_469, %add3A_477 : vector<1x128xf32>
    %swap3A_479 = arith.constant 12 : index
    %swap3A_480 = arith.constant 0 : index
    %swap3A_481 = vector.load %arg17[%swap3A_479, %swap3A_480] : memref<16x128xf32, #tpu.memory_space<vmem>>, vector<1x128xf32>
    tpu.vector_store %arg17[%swap3A_479, %swap3A_480], %add3A_478 {strides = array<i32>} : memref<16x128xf32, #tpu.memory_space<vmem>>, vector<1x128xf32>,
    %eq3A_482 = arith.constant 13 : i32
    %eq3A_483 = vector.broadcast %eq3A_482 : i32 to vector<512x1xi32>
    %eq3A_484 = arith.cmpi eq, %get3A_26, %eq3A_483 : vector<512x1xi32>
    %jit3A_485 = arith.constant -1.000000e+30 : f32
    %broadcast_in_dim3A_486 = vector.shape_cast %eq3A_484 : vector<512x1xi1> to vector<512x1xi1>
    %broadcast_in_dim3A_487 = vector.broadcast %broadcast_in_dim3A_486 : vector<512x1xi1> to vector<512x128xi1>
    %broadcast_in_dim3A_488 = vector.broadcast %jit3A_485 : f32 to vector<512x128xf32>
    %select_n3A_489 = arith.select %broadcast_in_dim3A_487, %add3A_55, %broadcast_in_dim3A_488 : vector<512x128xi1>, vector<512x128xf32>
    %get3A_490 = arith.constant 13 : index
    %get3A_491 = arith.constant 0 : index
    %get3A_492 = vector.load %arg16[%get3A_490, %get3A_491] : memref<16x128xf32, #tpu.memory_space<vmem>>, vector<1x128xf32>
    %reduce_max3A_493 = arith.constant dense<0xFF800000> : vector<128xf32>
    %reduce_max3A_494 = vector.multi_reduction <maximumf>, %select_n3A_489, %reduce_max3A_493 [0] : vector<512x128xf32> to vector<128xf32>
    %broadcast_in_dim3A_495 = vector.shape_cast %reduce_max3A_494 : vector<128xf32> to vector<1x128xf32>
    %max3A_496 = arith.maximumf %get3A_492, %broadcast_in_dim3A_495 : vector<1x128xf32>
    %swap3A_497 = arith.constant 13 : index
    %swap3A_498 = arith.constant 0 : index
    %swap3A_499 = vector.load %arg16[%swap3A_497, %swap3A_498] : memref<16x128xf32, #tpu.memory_space<vmem>>, vector<1x128xf32>
    tpu.vector_store %arg16[%swap3A_497, %swap3A_498], %max3A_496 {strides = array<i32>} : memref<16x128xf32, #tpu.memory_space<vmem>>, vector<1x128xf32>,
    %get3A_500 = arith.constant 13 : index
    %get3A_501 = arith.constant 0 : index
    %get3A_502 = vector.load %arg17[%get3A_500, %get3A_501] : memref<16x128xf32, #tpu.memory_space<vmem>>, vector<1x128xf32>
    %convert_element_type3A_503 = arith.extui %eq3A_484 : vector<512x1xi1> to vector<512x1xi32>
    %convert_element_type3A_504 = arith.sitofp %convert_element_type3A_503 : vector<512x1xi32> to vector<512x1xf32>
    %reduce_sum3A_505 = vector.shape_cast %convert_element_type3A_504 : vector<512x1xf32> to vector<1x512x1xf32>
    %reduce_sum3A_506 = arith.constant dense<0.000000e+00> : vector<1xf32>
    %reduce_sum3A_507 = vector.multi_reduction <add>, %reduce_sum3A_505, %reduce_sum3A_506 [1, 2] : vector<1x512x1xf32> to vector<1xf32>
    %reduce_sum3A_508 = vector.shape_cast %reduce_sum3A_507 : vector<1xf32> to vector<1x1x1xf32>
    %reduce_sum3A_509 = vector.extract %reduce_sum3A_508[0, 0, 0] : f32 from vector<1x1x1xf32>
    %add3A_510 = vector.broadcast %reduce_sum3A_509 : f32 to vector<1x128xf32>
    %add3A_511 = arith.addf %get3A_502, %add3A_510 : vector<1x128xf32>
    %swap3A_512 = arith.constant 13 : index
    %swap3A_513 = arith.constant 0 : index
    %swap3A_514 = vector.load %arg17[%swap3A_512, %swap3A_513] : memref<16x128xf32, #tpu.memory_space<vmem>>, vector<1x128xf32>
    tpu.vector_store %arg17[%swap3A_512, %swap3A_513], %add3A_511 {strides = array<i32>} : memref<16x128xf32, #tpu.memory_space<vmem>>, vector<1x128xf32>,
    %eq3A_515 = arith.constant 14 : i32
    %eq3A_516 = vector.broadcast %eq3A_515 : i32 to vector<512x1xi32>
    %eq3A_517 = arith.cmpi eq, %get3A_26, %eq3A_516 : vector<512x1xi32>
    %jit3A_518 = arith.constant -1.000000e+30 : f32
    %broadcast_in_dim3A_519 = vector.shape_cast %eq3A_517 : vector<512x1xi1> to vector<512x1xi1>
    %broadcast_in_dim3A_520 = vector.broadcast %broadcast_in_dim3A_519 : vector<512x1xi1> to vector<512x128xi1>
    %broadcast_in_dim3A_521 = vector.broadcast %jit3A_518 : f32 to vector<512x128xf32>
    %select_n3A_522 = arith.select %broadcast_in_dim3A_520, %add3A_55, %broadcast_in_dim3A_521 : vector<512x128xi1>, vector<512x128xf32>
    %get3A_523 = arith.constant 14 : index
    %get3A_524 = arith.constant 0 : index
    %get3A_525 = vector.load %arg16[%get3A_523, %get3A_524] : memref<16x128xf32, #tpu.memory_space<vmem>>, vector<1x128xf32>
    %reduce_max3A_526 = arith.constant dense<0xFF800000> : vector<128xf32>
    %reduce_max3A_527 = vector.multi_reduction <maximumf>, %select_n3A_522, %reduce_max3A_526 [0] : vector<512x128xf32> to vector<128xf32>
    %broadcast_in_dim3A_528 = vector.shape_cast %reduce_max3A_527 : vector<128xf32> to vector<1x128xf32>
    %max3A_529 = arith.maximumf %get3A_525, %broadcast_in_dim3A_528 : vector<1x128xf32>
    %swap3A_530 = arith.constant 14 : index
    %swap3A_531 = arith.constant 0 : index
    %swap3A_532 = vector.load %arg16[%swap3A_530, %swap3A_531] : memref<16x128xf32, #tpu.memory_space<vmem>>, vector<1x128xf32>
    tpu.vector_store %arg16[%swap3A_530, %swap3A_531], %max3A_529 {strides = array<i32>} : memref<16x128xf32, #tpu.memory_space<vmem>>, vector<1x128xf32>,
    %get3A_533 = arith.constant 14 : index
    %get3A_534 = arith.constant 0 : index
    %get3A_535 = vector.load %arg17[%get3A_533, %get3A_534] : memref<16x128xf32, #tpu.memory_space<vmem>>, vector<1x128xf32>
    %convert_element_type3A_536 = arith.extui %eq3A_517 : vector<512x1xi1> to vector<512x1xi32>
    %convert_element_type3A_537 = arith.sitofp %convert_element_type3A_536 : vector<512x1xi32> to vector<512x1xf32>
    %reduce_sum3A_538 = vector.shape_cast %convert_element_type3A_537 : vector<512x1xf32> to vector<1x512x1xf32>
    %reduce_sum3A_539 = arith.constant dense<0.000000e+00> : vector<1xf32>
    %reduce_sum3A_540 = vector.multi_reduction <add>, %reduce_sum3A_538, %reduce_sum3A_539 [1, 2] : vector<1x512x1xf32> to vector<1xf32>
    %reduce_sum3A_541 = vector.shape_cast %reduce_sum3A_540 : vector<1xf32> to vector<1x1x1xf32>
    %reduce_sum3A_542 = vector.extract %reduce_sum3A_541[0, 0, 0] : f32 from vector<1x1x1xf32>
    %add3A_543 = vector.broadcast %reduce_sum3A_542 : f32 to vector<1x128xf32>
    %add3A_544 = arith.addf %get3A_535, %add3A_543 : vector<1x128xf32>
    %swap3A_545 = arith.constant 14 : index
    %swap3A_546 = arith.constant 0 : index
    %swap3A_547 = vector.load %arg17[%swap3A_545, %swap3A_546] : memref<16x128xf32, #tpu.memory_space<vmem>>, vector<1x128xf32>
    tpu.vector_store %arg17[%swap3A_545, %swap3A_546], %add3A_544 {strides = array<i32>} : memref<16x128xf32, #tpu.memory_space<vmem>>, vector<1x128xf32>,
    %eq3A_548 = arith.constant 15 : i32
    %eq3A_549 = vector.broadcast %eq3A_548 : i32 to vector<512x1xi32>
    %eq3A_550 = arith.cmpi eq, %get3A_26, %eq3A_549 : vector<512x1xi32>
    %jit3A_551 = arith.constant -1.000000e+30 : f32
    %broadcast_in_dim3A_552 = vector.shape_cast %eq3A_550 : vector<512x1xi1> to vector<512x1xi1>
    %broadcast_in_dim3A_553 = vector.broadcast %broadcast_in_dim3A_552 : vector<512x1xi1> to vector<512x128xi1>
    %broadcast_in_dim3A_554 = vector.broadcast %jit3A_551 : f32 to vector<512x128xf32>
    %select_n3A_555 = arith.select %broadcast_in_dim3A_553, %add3A_55, %broadcast_in_dim3A_554 : vector<512x128xi1>, vector<512x128xf32>
    %get3A_556 = arith.constant 15 : index
    %get3A_557 = arith.constant 0 : index
    %get3A_558 = vector.load %arg16[%get3A_556, %get3A_557] : memref<16x128xf32, #tpu.memory_space<vmem>>, vector<1x128xf32>
    %reduce_max3A_559 = arith.constant dense<0xFF800000> : vector<128xf32>
    %reduce_max3A_560 = vector.multi_reduction <maximumf>, %select_n3A_555, %reduce_max3A_559 [0] : vector<512x128xf32> to vector<128xf32>
    %broadcast_in_dim3A_561 = vector.shape_cast %reduce_max3A_560 : vector<128xf32> to vector<1x128xf32>
    %max3A_562 = arith.maximumf %get3A_558, %broadcast_in_dim3A_561 : vector<1x128xf32>
    %swap3A_563 = arith.constant 15 : index
    %swap3A_564 = arith.constant 0 : index
    %swap3A_565 = vector.load %arg16[%swap3A_563, %swap3A_564] : memref<16x128xf32, #tpu.memory_space<vmem>>, vector<1x128xf32>
    tpu.vector_store %arg16[%swap3A_563, %swap3A_564], %max3A_562 {strides = array<i32>} : memref<16x128xf32, #tpu.memory_space<vmem>>, vector<1x128xf32>,
    %get3A_566 = arith.constant 15 : index
    %get3A_567 = arith.constant 0 : index
    %get3A_568 = vector.load %arg17[%get3A_566, %get3A_567] : memref<16x128xf32, #tpu.memory_space<vmem>>, vector<1x128xf32>
    %convert_element_type3A_569 = arith.extui %eq3A_550 : vector<512x1xi1> to vector<512x1xi32>
    %convert_element_type3A_570 = arith.sitofp %convert_element_type3A_569 : vector<512x1xi32> to vector<512x1xf32>
    %reduce_sum3A_571 = vector.shape_cast %convert_element_type3A_570 : vector<512x1xf32> to vector<1x512x1xf32>
    %reduce_sum3A_572 = arith.constant dense<0.000000e+00> : vector<1xf32>
    %reduce_sum3A_573 = vector.multi_reduction <add>, %reduce_sum3A_571, %reduce_sum3A_572 [1, 2] : vector<1x512x1xf32> to vector<1xf32>
    %reduce_sum3A_574 = vector.shape_cast %reduce_sum3A_573 : vector<1xf32> to vector<1x1x1xf32>
    %reduce_sum3A_575 = vector.extract %reduce_sum3A_574[0, 0, 0] : f32 from vector<1x1x1xf32>
    %add3A_576 = vector.broadcast %reduce_sum3A_575 : f32 to vector<1x128xf32>
    %add3A_577 = arith.addf %get3A_568, %add3A_576 : vector<1x128xf32>
    %swap3A_578 = arith.constant 15 : index
    %swap3A_579 = arith.constant 0 : index
    %swap3A_580 = vector.load %arg17[%swap3A_578, %swap3A_579] : memref<16x128xf32, #tpu.memory_space<vmem>>, vector<1x128xf32>
    tpu.vector_store %arg17[%swap3A_578, %swap3A_579], %add3A_577 {strides = array<i32>} : memref<16x128xf32, #tpu.memory_space<vmem>>, vector<1x128xf32>,
    %eq3A_581 = arith.constant 19 : i32
    %eq3A_582 = arith.cmpi eq, %arg0, %eq3A_581 : i32
    %convert_element_type3A_583 = arith.extui %eq3A_582 : i1 to i32
    %cond3A_584 = arith.constant 0 : i32
    %cond3A_585 = arith.cmpi ne, %convert_element_type3A_583, %cond3A_584 : i32
    scf.if %cond3A_585 {
      %get3A_586 = arith.constant 0 : index
      %get3A_587 = arith.constant 0 : index
      %get3A_588 = vector.load %arg17[%get3A_586, %get3A_587] : memref<16x128xf32, #tpu.memory_space<vmem>>, vector<16x128xf32>
      %gt3A = arith.constant 0.000000e+00 : f32
      %gt3A_589 = vector.broadcast %gt3A : f32 to vector<16x128xf32>
      %gt3A_590 = arith.cmpf ogt, %get3A_588, %gt3A_589 : vector<16x128xf32>
      %get3A_591 = arith.constant 0 : index
      %get3A_592 = arith.constant 0 : index
      %get3A_593 = vector.load %arg16[%get3A_591, %get3A_592] : memref<16x128xf32, #tpu.memory_space<vmem>>, vector<16x128xf32>
      %jit3A_594 = arith.constant 0.000000e+00 : f32
      %broadcast_in_dim3A_595 = vector.broadcast %jit3A_594 : f32 to vector<16x128xf32>
      %select_n3A_596 = arith.select %gt3A_590, %get3A_593, %broadcast_in_dim3A_595 : vector<16x128xi1>, vector<16x128xf32>
      %get3A_597 = arith.constant 0 : index
      %get3A_598 = arith.constant 0 : index
      %get3A_599 = vector.load %arg11[%get3A_597, %get3A_598] : memref<128x128xf32, #tpu.memory_space<vmem>>, vector<128x128xf32>
      %dot_general3A_600 = arith.constant dense<0.000000e+00> : vector<16x128xf32>
      %dot_general3A_601 = tpu.matmul %select_n3A_596, %get3A_599, %dot_general3A_600 {dimension_numbers = #tpu.dot_dimension_numbers<[1], [0], [0], [1], [0, 0, 1, 1], [], []>, transpose_lhs_hint = false} : vector<16x128xf32>, vector<128x128xf32>, vector<16x128xf32> -> vector<16x128xf32>
      %get3A_602 = arith.constant 0 : index
      %get3A_603 = arith.constant 0 : index
      %get3A_604 = vector.load %arg4[%get3A_602, %get3A_603] : memref<16x128xf32, #tpu.memory_space<vmem>>, vector<16x128xf32>
      %get3A_605 = arith.constant 0 : index
      %get3A_606 = arith.constant 0 : index
      %get3A_607 = vector.load %arg12[%get3A_605, %get3A_606] : memref<128x128xf32, #tpu.memory_space<vmem>>, vector<128x128xf32>
      %dot_general3A_608 = arith.constant dense<0.000000e+00> : vector<16x128xf32>
      %dot_general3A_609 = tpu.matmul %get3A_604, %get3A_607, %dot_general3A_608 {dimension_numbers = #tpu.dot_dimension_numbers<[1], [0], [0], [1], [0, 0, 1, 1], [], []>, transpose_lhs_hint = false} : vector<16x128xf32>, vector<128x128xf32>, vector<16x128xf32> -> vector<16x128xf32>
      %add3A_610 = arith.addf %dot_general3A_601, %dot_general3A_609 : vector<16x128xf32>
      %get3A_611 = arith.constant 0 : index
      %get3A_612 = arith.constant 0 : index
      %get3A_613 = vector.load %arg13[%get3A_611, %get3A_612] : memref<1x128xf32, #tpu.memory_space<vmem>>, vector<1x128xf32>
      %add3A_614 = vector.broadcast %get3A_613 : vector<1x128xf32> to vector<16x128xf32>
      %add3A_615 = arith.addf %add3A_610, %add3A_614 : vector<16x128xf32>
      %max3A_616 = arith.constant 0.000000e+00 : f32
      %max3A_617 = vector.broadcast %max3A_616 : f32 to vector<16x128xf32>
      %max3A_618 = arith.maximumf %add3A_615, %max3A_617 : vector<16x128xf32>
      %get3A_619 = arith.constant 0 : index
      %get3A_620 = arith.constant 0 : index
      %get3A_621 = vector.load %arg4[%get3A_619, %get3A_620] : memref<16x128xf32, #tpu.memory_space<vmem>>, vector<16x128xf32>
      %add3A_622 = arith.addf %get3A_621, %max3A_618 : vector<16x128xf32>
      %swap3A_623 = arith.constant 0 : index
      %swap3A_624 = arith.constant 0 : index
      %swap3A_625 = vector.load %arg15[%swap3A_623, %swap3A_624] : memref<16x128xf32, #tpu.memory_space<vmem>>, vector<16x128xf32>
      tpu.vector_store %arg15[%swap3A_623, %swap3A_624], %add3A_622 {strides = array<i32>} : memref<16x128xf32, #tpu.memory_space<vmem>>, vector<16x128xf32>,
    } else {
    }
    return
  }
  func.func @transform_0(%arg0: i32) -> (i32, i32) {
    %c0_i32 = arith.constant 0 : i32
    %c0_i32_0 = arith.constant 0 : i32
    return %c0_i32, %arg0 : i32, i32
  }
  func.func @transform_1(%arg0: i32) -> (i32, i32) {
    %c0_i32 = arith.constant 0 : i32
    %c0_i32_0 = arith.constant 0 : i32
    return %arg0, %c0_i32 : i32, i32
  }
  func.func @transform_2(%arg0: i32) -> (i32, i32) {
    %c0_i32 = arith.constant 0 : i32
    %c0_i32_0 = arith.constant 0 : i32
    return %arg0, %c0_i32 : i32, i32
  }
  func.func @transform_3(%arg0: i32) -> (i32, i32) {
    %c0_i32 = arith.constant 0 : i32
    %c0_i32_0 = arith.constant 0 : i32
    %c0_i32_1 = arith.constant 0 : i32
    return %c0_i32, %c0_i32_0 : i32, i32
  }
  func.func @transform_4(%arg0: i32) -> (i32, i32) {
    %c0_i32 = arith.constant 0 : i32
    %c0_i32_0 = arith.constant 0 : i32
    %c0_i32_1 = arith.constant 0 : i32
    return %c0_i32, %c0_i32_0 : i32, i32
  }
  func.func @transform_5(%arg0: i32) -> (i32, i32) {
    %c0_i32 = arith.constant 0 : i32
    %c0_i32_0 = arith.constant 0 : i32
    %c0_i32_1 = arith.constant 0 : i32
    return %c0_i32, %c0_i32_0 : i32, i32
  }
  func.func @transform_6(%arg0: i32) -> (i32, i32) {
    %c0_i32 = arith.constant 0 : i32
    %c0_i32_0 = arith.constant 0 : i32
    %c0_i32_1 = arith.constant 0 : i32
    return %c0_i32, %c0_i32_0 : i32, i32
  }
  func.func @transform_7(%arg0: i32) -> (i32, i32) {
    %c0_i32 = arith.constant 0 : i32
    %c0_i32_0 = arith.constant 0 : i32
    %c0_i32_1 = arith.constant 0 : i32
    return %c0_i32, %c0_i32_0 : i32, i32
  }
  func.func @transform_8(%arg0: i32) -> (i32, i32) {
    %c0_i32 = arith.constant 0 : i32
    %c0_i32_0 = arith.constant 0 : i32
    %c0_i32_1 = arith.constant 0 : i32
    return %c0_i32, %c0_i32_0 : i32, i32
  }
  func.func @transform_9(%arg0: i32) -> (i32, i32) {
    %c0_i32 = arith.constant 0 : i32
    %c0_i32_0 = arith.constant 0 : i32
    %c0_i32_1 = arith.constant 0 : i32
    return %c0_i32, %c0_i32_0 : i32, i32
  }
  func.func @transform_10(%arg0: i32) -> (i32, i32) {
    %c0_i32 = arith.constant 0 : i32
    %c0_i32_0 = arith.constant 0 : i32
    %c0_i32_1 = arith.constant 0 : i32
    return %c0_i32, %c0_i32_0 : i32, i32
  }
  func.func @transform_11(%arg0: i32) -> (i32, i32) {
    %c0_i32 = arith.constant 0 : i32
    %c0_i32_0 = arith.constant 0 : i32
    %c0_i32_1 = arith.constant 0 : i32
    return %c0_i32, %c0_i32_0 : i32, i32
  }
  func.func @transform_12(%arg0: i32) -> (i32, i32) {
    %c0_i32 = arith.constant 0 : i32
    %c0_i32_0 = arith.constant 0 : i32
    %c0_i32_1 = arith.constant 0 : i32
    return %c0_i32, %c0_i32_0 : i32, i32
  }
  func.func @transform_13(%arg0: i32) -> (i32, i32) {
    %c0_i32 = arith.constant 0 : i32
    %c0_i32_0 = arith.constant 0 : i32
    return %arg0, %c0_i32 : i32, i32
  }
  func.func @transform_14(%arg0: i32) -> (i32, i32) {
    %c0_i32 = arith.constant 0 : i32
    %c0_i32_0 = arith.constant 0 : i32
    %c0_i32_1 = arith.constant 0 : i32
    return %c0_i32, %c0_i32_0 : i32, i32
  }
}

</mosaic_0001>

<sc_bundles>
// kernel: kernel.6.cloned.1.call-start
scs
__scs_entry_jumppad:
0x0: {  	(pc) =	sbr.rel $0x88, $3  }
0x1: {  	(tag) =	ssettag $0x0;
	lr =	simm.s32 $0x1  }
0x2: {  	[smem:$0x3F94] =	sst lr;
	_ =	strace $0xD0000000  }
0x3: {  	_ = 	snop  }
0x4: {  	_ = 	snop  }
0x5: {  	_ = 	snop  }
0x6: {  	_ = 	snop  }
0x7: {  	_ = 	snop  }
__scs_overlays_trampoline_lowered:
0x8: {  	[smem:$0x3FA3] =	sst s0  }
0x9: {  	[smem:$0x3FA4] =	sst s1  }
0xa: {  	[smem:$0x3FA5] =	sst s2  }
0xb: {  	[smem:$0x3FA6] =	sst s3  }
0xc: {  	[smem:$0x3FA7] =	sst s4  }
0xd: {  	[smem:$0x3FA8] =	sst s5  }
0xe: {  	[smem:$0x3FA9] =	sst s6  }
0xf: {  	[smem:$0x3FAA] =	sst s7  }
0x10: {  	[smem:$0x3FAB] =	sst s8  }
0x11: {  	[smem:$0x3FAC] =	sst s9;
	s0 =	simm.s32 @!p0 $0x0  }
0x12: {  	s1 =	sld [smem:$0x3F92];
	s0 =	simm.s32 @p0 $0x1  }
0x13: {  	[smem:$0x3FAD] =	sst s0;
	s0 =	simm.s32 @!p1 $0x0  }
0x14: {  	s2 =	sld [smem:$0x3F91];
	s0 =	simm.s32 @p1 $0x1  }
0x15: {  	[smem:$0x3FAE] =	sst s0;
	s0 =	simm.s32 @!p2 $0x0  }
0x16: {  	s3 =	sld [smem:$0x3FDB];
	s0 =	simm.s32 @p2 $0x1  }
0x17: {  	s4 =	simm.s32 $0x1BF5;
	[smem:$0x3FB0] =	sst s0  }
0x18: {  	s0 =	sld [smem:$0x3F93];
	_ =	swait.ge [sflag:s4], $0x0  }
0x19: {  	s7 =	sld [smem:$0x3F94]  }
0x1a: {  	s8 =	sadd.s32 $0xFFFFE003, lr  }
0x1b: {  	s9 =	sadd.s32 $0xFFFFFEF7, lr;
	s5 =	simm.s32 $0xFFFFFFFF;
	p2 =	slt.u32 s8, $0xFFFFF086  }
0x1c: {  	p1 =	slt.u32 s9, $0xF7A;
	s5 =	simm.s32 @!p2 $0x0  }
0x1d: {  	s5 =	simm.s32 @p1 $0x1;
	p0 =	seq.s32 s7, s2  }
0x1e: {  	s7 =	smul.u32 @!p0 $0xF7A, s2;
	p2 =	seq.s32 @!p0 s5, $0x0  }
0x1f: {  	s9 =	smul.u32 $0xF7A, s1;
	s8 =	simm.s32 @!p0 $0x1BF5;
	p2 =	por !p2, p0  }
0x20: {  	[sflag:s8] =	ssyncset.s32 @!p0 $0xFFFFF086;
	s6 =	sadd.s32 @!p0 s3, s7;
	s7 =	simm.s32 @!p0 $0x108  }
0x21: {  	s3 =	sadd.s32 s3, s9;
	s6 =	sadd.s32 @!p0 $0x88, s6;
	s7 =	simm.s32 @p2 $0x1082  }
0x22: {  	[simem:s7], [sflag:s8] =	dma.local @!p0 [hbm:s6], $0xF7A  }
0x23: {  	s9 =	sor.u32 $0xD0000000, s2;
	s6 =	simm.s32 $0x108;
	_ =	swait.ge @!p0 [sflag:s8], $0x0  }
0x24: {  	s3 =	sadd.s32 $0x88, s3;
	s6 =	simm.s32 @!p1 $0x1082;
	[sflag:s4] =	ssyncset.s32 $0xFFFFF086  }
0x25: {  	[simem:s6], [sflag:s4] =	dma.local [hbm:s3], $0xF7A  }
0x26: {  	[smem:$0x3F94] =	sst s1;
	(tag) =	ssettag s2;
	_ =	strace s9  }
0x27: {  	s1 =	sld [smem:$0x3FA4]  }
0x28: {  	s2 =	sld [smem:$0x3FA5]  }
0x29: {  	s4 =	sld [smem:$0x3FA7]  }
0x2a: {  	p0 =	seq.s32 s5, $0x0;
	s5 =	sld [smem:$0x3FA8]  }
0x2b: {  	s6 =	sld [smem:$0x3FA9]  }
0x2c: {  	s7 =	sld [smem:$0x3FAA]  }
0x2d: {  	s3 =	simm.s32 $0x108;
	s8 =	sld [smem:$0x3FAB]  }
0x2e: {  	s3 =	simm.s32 @!p0 $0x1082;
	s9 =	sld [smem:$0x3FAC]  }
0x2f: {  	lr =	sadd.s32 s0, s3;
	s0 =	sld [smem:$0x3FA3]  }
0x30: {  	s3 =	sld [smem:$0x3FA6]  }
0x31: {  	[smem:$0x3FAF] =	sst s10  }
0x32: {  	s10 =	sld [smem:$0x3FAD];
	_ =	sdelay $0x3  }
0x33: {  	p0 =	seq.s32 s10, $0x1;
	s10 =	sld [smem:$0x3FAF];
	_ =	sdelay $0x3  }
0x34: {  	[smem:$0x3FAF] =	sst s10  }
0x35: {  	s10 =	sld [smem:$0x3FAE];
	_ =	sdelay $0x3  }
0x36: {  	p1 =	seq.s32 s10, $0x1;
	s10 =	sld [smem:$0x3FAF];
	_ =	sdelay $0x3  }
0x37: {  	[smem:$0x3FAF] =	sst s10  }
0x38: {  	s10 =	sld [smem:$0x3FB0]  }
0x39: {  	_ = 	snop;
	(pc) =	sbr.ind lr, $3  }
0x3a: {  	_ = 	snop  }
0x3b: {  	_ = 	snop  }
0x3c: {  	p2 =	seq.s32 s10, $0x1;
	s10 =	sld [smem:$0x3FAF]  }
0x3d: {  	_ =	shalt  }
0x3e: {  	_ =	shalt  }
0x3f: {  	_ =	shalt  }
0x40: {  	_ =	shalt  }
0x41: {  	_ =	shalt  }
0x42: {  	_ =	shalt  }
0x43: {  	_ =	shalt  }
0x44: {  	_ =	shalt  }
0x45: {  	_ =	shalt  }
0x46: {  	_ =	shalt  }
0x47: {  	_ =	shalt  }
0x48: {  	_ =	shalt  }
0x49: {  	_ =	shalt  }
0x4a: {  	_ =	shalt  }
0x4b: {  	_ =	shalt  }
0x4c: {  	_ =	shalt  }
0x4d: {  	_ =	shalt  }
0x4e: {  	_ =	shalt  }
0x4f: {  	_ =	shalt  }
0x50: {  	_ =	shalt  }
0x51: {  	_ =	shalt  }
0x52: {  	_ =	shalt  }
0x53: {  	_ =	shalt  }
0x54: {  	_ =	shalt  }
0x55: {  	_ =	shalt  }
0x56: {  	_ =	shalt  }
0x57: {  	_ =	shalt  }
0x58: {  	_ =	shalt  }
0x59: {  	_ =	shalt  }
0x5a: {  	_ =	shalt  }
0x5b: {  	_ =	shalt  }
0x5c: {  	_ =	shalt  }
0x5d: {  	_ =	shalt  }
0x5e: {  	_ =	shalt  }
0x5f: {  	_ =	shalt  }
0x60: {  	_ =	shalt  }
0x61: {  	_ =	shalt  }
0x62: {  	_ =	shalt  }
0x63: {  	_ =	shalt  }
0x64: {  	_ =	shalt  }
0x65: {  	_ =	shalt  }
0x66: {  	_ =	shalt  }
0x67: {  	_ =	shalt  }
0x68: {  	_ =	shalt  }
0x69: {  	_ =	shalt  }
0x6a: {  	_ =	shalt  }
0x6b: {  	_ =	shalt  }
0x6c: {  	_ =	shalt  }
0x6d: {  	_ =	shalt  }
0x6e: {  	_ =	shalt  }
0x6f: {  	_ =	shalt  }
0x70: {  	_ =	shalt  }
0x71: {  	_ =	shalt  }
0x72: {  	_ =	shalt  }
0x73: {  	_ =	shalt  }
0x74: {  	_ =	shalt  }
0x75: {  	_ =	shalt  }
0x76: {  	_ =	shalt  }
0x77: {  	_ =	shalt  }
0x78: {  	_ =	shalt  }
0x79: {  	_ =	shalt  }
0x7a: {  	_ =	shalt  }
0x7b: {  	_ =	shalt  }
0x7c: {  	_ =	shalt  }
0x7d: {  	_ =	shalt  }
0x7e: {  	_ =	shalt  }
0x7f: {  	_ =	shalt  }
0x80: {  	_ =	shalt  }
0x81: {  	_ =	shalt  }
0x82: {  	_ =	shalt  }
0x83: {  	_ =	shalt  }
0x84: {  	_ =	shalt  }
0x85: {  	_ =	shalt  }
0x86: {  	_ =	shalt  }
0x87: {  	_ =	shalt  }
.Lfunc_end0:
.L_simem_size_0:
called_computation_lowered:
.L_overlay_start_0:
0x88: {  	s2 =	sld [smem:$0x3FD9]  }
0x89: {  	s3 =	sld [smem:$0x3FFE];
	_ =	sdelay $0x1  }
0x8a: {  	s1 =	srdreg.scid  }
0x8b: {  	s0 =	sand.u32 $0x1, s1  }
0x8c: {  	s14 =	sshll.u32 s0, $0xA;
	s2 =	sadd.s32 s3, s2  }
0x8d: {  	s2 =	sadd.s32 s2, s14  }
0x8e: {  	[smem:$0x3FBB] =	sst s2  }
0x8f: {  	_ = 	snop  }
0x90: {  	s2 =	sld [smem:$0x3FD0];
	_ =	sdelay $0x2  }
0x91: {  	s15 =	simm.s32 $0xA;
	s4 =	simm.s32 $0x10  }
0x92: {  	[smem:s4], [sflag:s15] =	dma.local [hbm:s2], $0x1  }
0x93: {  	_ =	swait.eq [sflag:s15], $0x1  }
0x94: {  	[sflag:s15] =	ssyncset.done $0x0  }
0x95: {  	[sflag:s15] =	ssyncadd.s32 $0xFFFFFFFF  }
0x96: {  	s16 =	sld [smem:$0x10];
	(tm) =	ssettm $0x1  }
0x97: {  	s17 =	sld [smem:$0x3FFB];
	_ =	sdelay $0x3  }
0x98: {  	_ =	strace s17  }
0x99: {  	s3 =	sld [smem:$0x3FFC];
	_ =	sdelay $0x3  }
0x9a: {  	_ =	strace s3  }
0x9b: {  	s3 =	sld [smem:$0x3FFD];
	_ =	sdelay $0x3  }
0x9c: {  	_ =	strace s3  }
0x9d: {  	_ =	strace $0x8FFFFFFF  }
0x9e: {  	s18 =	sld [smem:$0x3FDB];
	_ =	sdelay $0x1  }
0x9f: {  	s19 =	simm.s32 $_scs_section_size  }
0xa0: {  	s5 =	simm.s32 $_size__tile_overlayer_lowered;
	s6 =	simm.s32 $_tile_overlayer_lowered  }
0xa1: {  	s22 =	simm.s32 $0x1BFF;
	s21 =	sshll.u32 s6, $0x1;
	s3 =	sadd.s32 s19, s18  }
0xa2: {  	s7 =	simm.s32 $0x0;
	s20 =	sshll.u32 s5, $0x1;
	s5 =	sadd.s32 s21, s3  }
0xa3: {  	[timem:s7], [sflag:s22] =	dma.local [hbm:s5], s20  }
0xa4: {  	_ =	swait.ge [sflag:s22], s20  }
0xa5: {  	s4 =	ssub.s32 $0x0, s20;
	[sflag:s22] =	ssyncset.done $0x0  }
0xa6: {  	[sflag:s22] =	ssyncadd.s32 s4;
	_ =	sdelay $0x1  }
0xa7: {  	s23 =	simm.s32 $0x1B8B  }
0xa8: {  	_ =	swait.ge [sflag:s23], $0x1  }
0xa9: {  	[sflag:s23] =	ssyncset.done $0x0  }
0xaa: {  	s25 =	simm.s32 $0x1B8E;
	s24 =	sld [smem:$0x3FFE];
	[sflag:s23] =	ssyncadd.s32 $0xFFFFFFFF  }
0xab: {  	s26 =	simm.s32 $execute0_lowered;
	[smem:$0x3FD2] =	sst s25  }
0xac: {  	s5 =	sshll.u32 s26, $0x1;
	_ =	strace $0x80000046;
	[dreg:$0x1] =	wrdreg $0xFFFFFFFF  }
0xad: {  	s28 =	simm.s32 $_size_execute0_lowered;
	s3 =	sadd.s32 s3, s5;
	[dreg:$0x0] =	wrdreg $0x0  }
0xae: {  	s5 =	sshll.u32 s28, $0x1;
	[dreg:$0x2] =	wrdreg s3  }
0xaf: {  	[dreg:$0x3] =	wrdreg s5  }
0xb0: {  	[dreg:$0x4] =	wrdreg $0xC0  }
0xb1: {  	_ =	task [dreg:s7], $0x5FFFF  }
0xb2: {  	[dreg:$0x1] =	wrdreg $0xFFFFFFFF  }
0xb3: {  	[dreg:$0x0] =	wrdreg $0x60  }
0xb4: {  	[dreg:$0x2] =	wrdreg s24  }
0xb5: {  	[dreg:$0x3] =	wrdreg s16  }
0xb6: {  	[dreg:$0x4] =	wrdreg $0x9  }
0xb7: {  	_ =	task.clear_ibuf [dreg:s7], $0x5FFFF;
	_ =	strace $0x90000046  }
0xb8: {  	s29 =	simm.s32 $0x9;
	_ =	strace $0x80000048  }
0xb9: {  	_ =	swait.ge [sflag:s29], $0x1  }
0xba: {  	[sflag:s29] =	ssyncadd.s32 $0xFFFFFFFF  }
0xbb: {  	_ =	strace $0x90000048  }
0xbc: {  	_ =	sfence  }
0xbd: {  	s30 =	sld [smem:$0x0];
	_ =	sdelay $0x2  }
0xbe: {  	s31 =	sshll.u32 s1, $0xD;
	s1 =	sshrl.u32 s1, $0x2  }
0xbf: {  	s3 =	sand.u32 $0x4000, s31;
	s1 =	sadd.s32 s1, s30  }
0xc0: {  	s0 =	sor.u32 s3, s0;
	s1 =	sshll.u32 s1, $0x11  }
0xc1: {  	s0 =	sor.u32 s1, s0  }
0xc2: {  	s0 =	sadd.s32 $0x8F2B, s0  }
0xc3: {  	[sflag:s0] =	ssyncadd.remote.s32 $0x1  }
0xc4: {  	_ =	sfence.sel $0xFFFF  }
0xc5: {  	[dreg:$0x0] =	wrdreg $0xFFFFFFFF;
	(pc) =	sbr.abs _section_cstart, $3  }
0xc6: {  	[dreg:$0x1] =	wrdreg $0xFFFFFFFF  }
0xc7: {  	_ =	task.clear_ibuf [dreg:s7], $0x2FFFF;
	_ =	strace $0x9FFFFFFF  }
0xc8: {  	(tm) =	ssettm $0x7FFFFFFF  }
0xc9: {  	_ =	shalt  }
tec
execute0_lowered:
.L_overlay_start_1:
0x0: {  	(tag) =	ssettag $0x1  }
0x1: {  	s0 =	rddreg [dreg:$0x0]  }
0x2: {  	s1 =	srdreg.scid;
	s16 =	stileid.u32  }
0x3: {  	s8 =	rddreg [dreg:$0x1];
	s2 =	simm.s32 $0x0;
	s6 =	simm.s32 $0x1  }
0x4: {  	s28 =	simm.s32 $0x16600;
	s29 =	simm.s32 $0x19300;
	s30 =	simm.s32 $0x19D00  }
0x5: {  	s31 =	simm.s32 $0x9E00;
	s1 =	sand.u32 $0x1, s1;
	s3 =	sshll.u32 s16, $0x1  }
0x6: {  	[smem:$0x7FF] =	sst s2;
	s4 =	sadd.s32 $0xB800, s0;
	s9 =	sor.u32 s1, s3  }
0x7: {  	p1 =	seq.s32 s1, $0x1;
	_ =	strace $0x80000047;
	s3 =	sadd.s32 $0x15600, s0  }
0x8: {  	s7 =	ssub.s32 $0x2, s1;
	p0 =	seq.s32 s9, $0x0;
	s10 =	smul.u32 $0x1388, s9  }
0x9: {  	s5 =	sshll.u32 s9, $0x2;
	s15 =	sshllo.u32 s9, $0x2;
	s9 =	smul.u32 $0x1400, s9  }
0xa: {  	s1 =	sshll.u32 s1, $0x9;
	s17 =	sshrl.u32 s7, $0x1;
	s19 =	smul.u32 $0x4E2, s15  }
0xb: {  	p0 =	por !p0, !p1;
	s11 =	sor.u32 $0x1, s5;
	s25 =	smul.u32 $0x500, s15  }
0xc: {  	s13 =	sor.u32 $0x2, s5;
	s5 =	sadd.s32 $0x1A00, s0;
	s12 =	smul.u32 $0x4E2, s11  }
0xd: {  	s0 =	sadd.s32 $0x4F7600, s0;
	s18 =	ssub.s32 s7, s17;
	s14 =	smul.u32 $0x4E2, s13  }
0xe: {  	s7 =	simm.s32 $0x1;
	p0 =	por !p0, !p0;
	s20 =	smul.u32 $0x500, s11  }
0xf: {  	s10 =	sadd.s32 s8, s10;
	s23 =	smul.u32 $0x500, s13;
	s26 =	sadd.s32 s0, s9  }
0x10: {  	s18 =	smax.u32 s18, $0x1;
	s6 =	simm.s32 @!p0 $0x0;
	[dreg:$0x3] =	wrdreg s10  }
0x11: {  	[dreg:$0x8] =	wrdreg s26;
	s17 =	sadd.s32 s0, s25;
	s25 =	simm.s32 $0x2  }
0x12: {  	s26 =	simm.s32 $0x0;
	s6 =	ssub.s32 s16, s6;
	s21 =	sadd.s32 s8, s12  }
0x13: {  	s22 =	sadd.s32 s8, s14;
	s8 =	sadd.s32 s8, s19;
	s15 =	sadd.s32 s0, s20  }
0x14: {  	s16 =	sadd.s32 s0, s23;
	s19 =	sadd.s32 $0x13E00, s1;
	s6 =	smul.u32 $0x5000, s6  }
.Ltmp0:
0x15: {  	s20 =	sadd.s32 $0x16600, s1;
	[dreg:$0x4] =	wrdreg s21;
	(pc) =	sbr.rel .LBB2_1-.Ltmp0, $4  }
0x16: {  	s23 =	simm.s32 $0x7680;
	s1 =	simm.s32 $0xC600;
	[dreg:$0x5] =	wrdreg s22  }
0x17: {  	s0 =	simm.s32 $0xEE00;
	[dreg:$0x6] =	wrdreg s8;
	s24 =	sshrl.u32 s6, $0x3  }
0x18: {  	s21 =	simm.s32 $0x2780;
	s22 =	simm.s32 $0x4F00;
	s8 =	sadd.s32 s3, s24  }
0x19: {  	v0 =	vimm.f32 $0.0e+00;
	v1 =	vmov s19;
	v2 =	vmov s20;
	s13 =	sadd.s32 $0x2800, s6;
	s24 =	simm.s32 $0x11600;
	[dreg:$0x7] =	wrdreg s8  }
.LBB2_45:
0x1a: {  	s8 =	rddreg [dreg:$0x8]  }
0x1b: {  	[hbm4b:s8+s2] =	stream.linear.scatter [tilespmem:s31], [sflag:$0x1], $0x2800, $0x38;
	[tilespmem:$0x1A200] =	vst v63  }
0x1c: {  	_ =	swait.ge [sflag:s7], $0x2800  }
0x1d: {  	[sflag:s7] =	ssyncset.done $0x0  }
0x1e: {  	[sflag:s7] =	ssyncadd.s32 $0xFFFFD800  }
0x1f: {  	[hbm4b:s15+s2] =	stream.linear.scatter [tilespmem:s1], [sflag:$0x1], $0x2800, $0x38;
	[tilespmem:$0x1A200] =	vst v63  }
0x20: {  	_ =	swait.ge [sflag:s7], $0x2800  }
0x21: {  	[sflag:s7] =	ssyncset.done $0x0  }
0x22: {  	[sflag:s7] =	ssyncadd.s32 $0xFFFFD800  }
0x23: {  	[hbm4b:s16+s2] =	stream.linear.scatter [tilespmem:s0], [sflag:$0x1], $0x2800, $0x38;
	[tilespmem:$0x1A200] =	vst v63  }
0x24: {  	s26 =	sadd.s32 $0x1, s26;
	_ =	swait.ge [sflag:s7], $0x2800  }
0x25: {  	p0 =	sne.s32 s26, s18;
	[sflag:s7] =	ssyncset.done $0x0  }
.Ltmp1:
0x26: {  	[sflag:s7] =	ssyncadd.s32 $0xFFFFD800;
	(pc) =	sbr.rel @!p0 .LBB2_46-.Ltmp1, $4  }
0x27: {  	[hbm4b:s17+s2] =	stream.linear.scatter [tilespmem:s24], [sflag:$0x1], $0x2800, $0x38;
	[tilespmem:$0x1A200] =	vst v63  }
0x28: {  	_ =	swait.ge [sflag:s7], $0x2800  }
0x29: {  	[sflag:s7] =	ssyncset.done $0x0  }
0x2a: {  	[sflag:s7] =	ssyncadd.s32 $0xFFFFD800  }
.LBB2_1:
0x2b: {  	s8 =	rddreg [dreg:$0x3]  }
0x2c: {  	[tilespmem:s2], [sflag:$0x1] =	stream.linear.gather [hbm4b:s8+s2], $0x2710, $0x38;
	[tilespmem:$0x1A200] =	vst v63  }
0x2d: {  	_ =	swait.ge [sflag:s7], $0x2710  }
0x2e: {  	[sflag:s7] =	ssyncset.done $0x0  }
0x2f: {  	s11 =	rddreg [dreg:$0x4];
	[sflag:s7] =	ssyncadd.s32 $0xFFFFD8F0  }
0x30: {  	[tilespmem:s21], [sflag:$0x1] =	stream.linear.gather [hbm4b:s11+s2], $0x2710, $0x38;
	[tilespmem:$0x1A200] =	vst v63  }
0x31: {  	_ =	swait.ge [sflag:s7], $0x2710  }
0x32: {  	[sflag:s7] =	ssyncset.done $0x0  }
0x33: {  	s12 =	rddreg [dreg:$0x5];
	[sflag:s7] =	ssyncadd.s32 $0xFFFFD8F0  }
0x34: {  	[tilespmem:s22], [sflag:$0x1] =	stream.linear.gather [hbm4b:s12+s2], $0x2710, $0x38;
	[tilespmem:$0x1A200] =	vst v63  }
0x35: {  	_ =	swait.ge [sflag:s7], $0x2710  }
0x36: {  	[sflag:s7] =	ssyncset.done $0x0  }
0x37: {  	s14 =	rddreg [dreg:$0x6];
	[sflag:s7] =	ssyncadd.s32 $0xFFFFD8F0  }
0x38: {  	[tilespmem:s23], [sflag:$0x1] =	stream.linear.gather [hbm4b:s14+s2], $0x2710, $0x38;
	[tilespmem:$0x1A200] =	vst v63  }
0x39: {  	_ =	swait.ge [sflag:s7], $0x2710  }
0x3a: {  	[sflag:s7] =	ssyncset.done $0x0  }
0x3b: {  	s9 =	simm.s32 $0x40;
	s8 =	simm.s32 $0x0;
	[sflag:s7] =	ssyncadd.s32 $0xFFFFD8F0  }
.LBB2_2:
0x3c: {  	p0 =	sne.s32 s9, $0x9FC0;
	[tilespmem:s8+$0x11600] =	vst v0;
	s10 =	smov.u32 s9;
	s9 =	sadd.s32 $0x40, s9  }
.Ltmp2:
0x3d: {  	[tilespmem:s8+$0xEE00] =	vst v0;
	(pc) =	sbr.rel @p0 .LBB2_2-.Ltmp2, $3  }
0x3e: {  	[tilespmem:s8+$0x9E00] =	vst v0  }
0x3f: {  	[tilespmem:s8+$0xC600] =	vst v0;
	_ =	sdelay $0x1  }
0x40: {  	s8 =	sshra.s32 s10, $0x2  }
0x41: {  	[tilespmem:s8+$0x11600] =	vst v0  }
0x42: {  	[tilespmem:s8+$0xEE00] =	vst v0  }
0x43: {  	[tilespmem:s8+$0x9E00] =	vst v0  }
0x44: {  	[tilespmem:s8+$0xC600] =	vst v0;
	s8 =	simm.s32 $0x0;
	s9 =	rddreg [dreg:$0x7];
	s10 =	simm.s32 $0x13E00  }
0x45: {  	[tilespmem:s10], [sflag:$0x1] =	stream.linear.gather [hbm4b:s9+s8], $0x2800, $0x38;
	[tilespmem:$0x1A200] =	vst v63  }
.Ltmp3:
0x46: {  	_ = 	snop;
	(pc) =	sbr.rel .LBB2_4-.Ltmp3, $4  }
0x47: {  	s12 =	simm.s32 $0x18E00  }
0x48: {  	[tilespmem:s12], [sflag:$0x1] =	stream.linear.gather [hbm4b:s4+s8], $0x500, $0x38;
	[tilespmem:$0x1A200] =	vst v63  }
0x49: {  	s14 =	simm.s32 $0x19800;
	s9 =	simm.s32 $0x0  }
0x4a: {  	[tilespmem:s14], [sflag:$0x1] =	stream.linear.gather [hbm4b:s5+s8], $0x500, $0x38;
	[tilespmem:$0x1A200] =	vst v63  }
.LBB2_44:
0x4b: {  	s9 =	sadd.s32 $0x1, s9  }
0x4c: {  	p0 =	sne.s32 s9, $0x7D  }
.Ltmp4:
0x4d: {  	_ = 	snop;
	(pc) =	sbr.rel @!p0 .LBB2_45-.Ltmp4, $1  }
0x4e: {  	_ =	sdelay $0x3  }
.LBB2_4:
0x4f: {  	_ =	swait.ge [sflag:s7], $0x2800  }
0x50: {  	[sflag:s7] =	ssyncset.done $0x0  }
0x51: {  	[sflag:s7] =	ssyncadd.s32 $0xFFFFD800  }
0x52: {  	_ =	swait.ge [sflag:s7], $0x500  }
0x53: {  	s10 =	smul.u32 $0x50000, s9;
	[sflag:s7] =	ssyncset.done $0x0  }
0x54: {  	[sflag:s7] =	ssyncadd.s32 $0xFFFFFB00  }
0x55: {  	s11 =	smul.u32 $0xA00, s9;
	s10 =	sadd.s32 s10, s13;
	_ =	swait.ge [sflag:s7], $0x500  }
0x56: {  	s10 =	sshrl.u32 s10, $0x3;
	[sflag:s7] =	ssyncset.done $0x0  }
0x57: {  	s12 =	sshrl.u32 s11, $0x3;
	s10 =	sadd.s32 s3, s10;
	[sflag:s7] =	ssyncadd.s32 $0xFFFFFB00  }
0x58: {  	[tilespmem:s28], [sflag:$0x2] =	stream.linear.gather [hbm4b:s10+s8], $0x2800, $0x38;
	[tilespmem:$0x1A200] =	vst v63  }
0x59: {  	s10 =	sadd.s32 $0xA0, s12  }
.Ltmp5:
0x5a: {  	s14 =	sadd.s32 s4, s10;
	(pc) =	sbr.rel .LBB2_5-.Ltmp5, $4  }
0x5b: {  	[tilespmem:s29], [sflag:$0x2] =	stream.linear.gather [hbm4b:s14+s8], $0x500, $0x38;
	[tilespmem:$0x1A200] =	vst v63  }
0x5c: {  	s10 =	sadd.s32 s5, s10  }
0x5d: {  	[tilespmem:s30], [sflag:$0x2] =	stream.linear.gather [hbm4b:s10+s8], $0x500, $0x38;
	[tilespmem:$0x1A200] =	vst v63  }
0x5e: {  	s10 =	simm.s32 $0x0  }
.LBB2_23:
0x5f: {  	s10 =	sadd.s32 $0x1, s10  }
0x60: {  	p0 =	sne.s32 s10, $0xA  }
.Ltmp6:
0x61: {  	_ = 	snop;
	(pc) =	sbr.rel @!p0 .LBB2_24-.Ltmp6, $1  }
0x62: {  	_ =	sdelay $0x3  }
.LBB2_5:
0x63: {  	s11 =	sshll.u32 s10, $0x7  }
0x64: {  	v5 =	vld [tilespmem:s11+$0x18E00];
	_ =	sdelay $0x1  }
0x65: {  	v17 =	vld [tilespmem:s11+$0x19800];
	_ =	sdelay $0x2  }
0x66: {  	s12 =	sshll.u32 s10, $0xA  }
0x67: {  	s12 =	sand.u32 $0x3FFFFC00, s12  }
0x68: {  	v6 =	vld.idx.msk [tilespmem:v1+s12+$0x0 ss:$0x1], $0xffff  }
0x69: {  	v3 =	vld.idx.msk [tilespmem:v5+s2+$0x0], $0xffff;
	_ =	sdelay $0x1  }
0x6a: {  	v8 =	vld.idx.msk [tilespmem:v17+s31+$0x0], $0xffff  }
0x6b: {  	v7 =	vld [tilespmem:s11+$0x19810]  }
0x6c: {  	v9 =	vld [tilespmem:s11+$0x18E10]  }
0x6d: {  	v4 =	vld [tilespmem:s11+$0x19820];
	v19 =	vadd.f32 v6, v3  }
0x6e: {  	v10 =	vld [tilespmem:s11+$0x18E20]  }
0x6f: {  	v23 =	vld [tilespmem:s11+$0x18E30];
	v6 =	vmax.f32 v8, v19  }
0x70: {  	v3 =	vld [tilespmem:s11+$0x19830];
	[tilespmem:v17+s31+$0x0] =	vst.idx.msk $0xffff, v6  }
0x71: {  	v6 =	vld.idx.msk [tilespmem:v5+s21+$0x0], $0xffff  }
0x72: {  	v8 =	vld.idx.msk [tilespmem:v1+s12+$0x80 ss:$0x1], $0xffff;
	_ =	sdelay $0x1  }
0x73: {  	v11 =	vld.idx.msk [tilespmem:v17+s1+$0x0], $0xffff;
	_ =	sdelay $0x2  }
0x74: {  	v20 =	vadd.f32 v8, v6;
	_ =	sdelay $0x1  }
0x75: {  	v6 =	vmax.f32 v11, v20  }
0x76: {  	[tilespmem:v17+s1+$0x0] =	vst.idx.msk $0xffff, v6  }
0x77: {  	v6 =	vld.idx.msk [tilespmem:v5+s22+$0x0], $0xffff  }
0x78: {  	v8 =	vld.idx.msk [tilespmem:v1+s12+$0x100 ss:$0x1], $0xffff;
	_ =	sdelay $0x1  }
0x79: {  	v11 =	vld.idx.msk [tilespmem:v17+s0+$0x0], $0xffff;
	_ =	sdelay $0x2  }
0x7a: {  	v21 =	vadd.f32 v8, v6;
	_ =	sdelay $0x1  }
0x7b: {  	v6 =	vmax.f32 v11, v21  }
0x7c: {  	[tilespmem:v17+s0+$0x0] =	vst.idx.msk $0xffff, v6  }
0x7d: {  	v5 =	vld.idx.msk [tilespmem:v5+s23+$0x0], $0xffff  }
0x7e: {  	v6 =	vld.idx.msk [tilespmem:v1+s12+$0x180 ss:$0x1], $0xffff;
	_ =	sdelay $0x1  }
0x7f: {  	v8 =	vld.idx.msk [tilespmem:v17+s24+$0x0], $0xffff;
	_ =	sdelay $0x2  }
0x80: {  	v22 =	vadd.f32 v6, v5;
	_ =	sdelay $0x1  }
0x81: {  	v5 =	vmax.f32 v8, v22  }
0x82: {  	[tilespmem:v17+s24+$0x0] =	vst.idx.msk $0xffff, v5  }
0x83: {  	v5 =	vld.idx.msk [tilespmem:v9+s2+$0x0], $0xffff  }
0x84: {  	v6 =	vld.idx.msk [tilespmem:v1+s12+$0x10 ss:$0x1], $0xffff;
	_ =	sdelay $0x1  }
0x85: {  	v8 =	vld.idx.msk [tilespmem:v7+s31+$0x0], $0xffff;
	_ =	sdelay $0x2  }
0x86: {  	v14 =	vadd.f32 v6, v5;
	_ =	sdelay $0x1  }
0x87: {  	v5 =	vmax.f32 v8, v14  }
0x88: {  	[tilespmem:v7+s31+$0x0] =	vst.idx.msk $0xffff, v5  }
0x89: {  	v5 =	vld.idx.msk [tilespmem:v9+s21+$0x0], $0xffff  }
0x8a: {  	v6 =	vld.idx.msk [tilespmem:v1+s12+$0x90 ss:$0x1], $0xffff;
	_ =	sdelay $0x1  }
0x8b: {  	v8 =	vld.idx.msk [tilespmem:v7+s1+$0x0], $0xffff;
	_ =	sdelay $0x2  }
0x8c: {  	v15 =	vadd.f32 v6, v5;
	_ =	sdelay $0x1  }
0x8d: {  	v5 =	vmax.f32 v8, v15  }
0x8e: {  	[tilespmem:v7+s1+$0x0] =	vst.idx.msk $0xffff, v5  }
0x8f: {  	v5 =	vld.idx.msk [tilespmem:v9+s22+$0x0], $0xffff  }
0x90: {  	v6 =	vld.idx.msk [tilespmem:v1+s12+$0x110 ss:$0x1], $0xffff;
	_ =	sdelay $0x1  }
0x91: {  	v8 =	vld.idx.msk [tilespmem:v7+s0+$0x0], $0xffff;
	_ =	sdelay $0x2  }
0x92: {  	v16 =	vadd.f32 v6, v5;
	_ =	sdelay $0x1  }
0x93: {  	v5 =	vmax.f32 v8, v16  }
0x94: {  	[tilespmem:v7+s0+$0x0] =	vst.idx.msk $0xffff, v5  }
0x95: {  	v5 =	vld.idx.msk [tilespmem:v9+s23+$0x0], $0xffff  }
0x96: {  	v6 =	vld.idx.msk [tilespmem:v1+s12+$0x190 ss:$0x1], $0xffff;
	_ =	sdelay $0x1  }
0x97: {  	v8 =	vld.idx.msk [tilespmem:v7+s24+$0x0], $0xffff;
	_ =	sdelay $0x2  }
0x98: {  	v18 =	vadd.f32 v6, v5;
	_ =	sdelay $0x1  }
0x99: {  	v5 =	vmax.f32 v8, v18  }
0x9a: {  	[tilespmem:v7+s24+$0x0] =	vst.idx.msk $0xffff, v5  }
0x9b: {  	v5 =	vld.idx.msk [tilespmem:v10+s2+$0x0], $0xffff  }
0x9c: {  	v6 =	vld.idx.msk [tilespmem:v1+s12+$0x20 ss:$0x1], $0xffff;
	_ =	sdelay $0x1  }
0x9d: {  	v8 =	vld.idx.msk [tilespmem:v4+s31+$0x0], $0xffff;
	_ =	sdelay $0x2  }
0x9e: {  	v9 =	vadd.f32 v6, v5;
	_ =	sdelay $0x1  }
0x9f: {  	v5 =	vmax.f32 v8, v9  }
0xa0: {  	[tilespmem:v4+s31+$0x0] =	vst.idx.msk $0xffff, v5  }
0xa1: {  	v5 =	vld.idx.msk [tilespmem:v10+s21+$0x0], $0xffff  }
0xa2: {  	v6 =	vld.idx.msk [tilespmem:v1+s12+$0xA0 ss:$0x1], $0xffff;
	_ =	sdelay $0x1  }
0xa3: {  	v8 =	vld.idx.msk [tilespmem:v4+s1+$0x0], $0xffff;
	_ =	sdelay $0x2  }
0xa4: {  	v11 =	vadd.f32 v6, v5;
	_ =	sdelay $0x1  }
0xa5: {  	v5 =	vmax.f32 v8, v11  }
0xa6: {  	[tilespmem:v4+s1+$0x0] =	vst.idx.msk $0xffff, v5  }
0xa7: {  	v5 =	vld.idx.msk [tilespmem:v10+s22+$0x0], $0xffff  }
0xa8: {  	v6 =	vld.idx.msk [tilespmem:v1+s12+$0x120 ss:$0x1], $0xffff;
	_ =	sdelay $0x1  }
0xa9: {  	v8 =	vld.idx.msk [tilespmem:v4+s0+$0x0], $0xffff;
	_ =	sdelay $0x2  }
0xaa: {  	v12 =	vadd.f32 v6, v5;
	_ =	sdelay $0x1  }
0xab: {  	v5 =	vmax.f32 v8, v12  }
0xac: {  	[tilespmem:v4+s0+$0x0] =	vst.idx.msk $0xffff, v5  }
0xad: {  	v5 =	vld.idx.msk [tilespmem:v10+s23+$0x0], $0xffff  }
0xae: {  	v6 =	vld.idx.msk [tilespmem:v1+s12+$0x1A0 ss:$0x1], $0xffff;
	_ =	sdelay $0x1  }
0xaf: {  	(xrf1) =	vunique.msk.u32 $0xffff, v17;
	v8 =	vld.idx.msk [tilespmem:v4+s24+$0x0], $0xffff;
	_ =	sdelay $0x2  }
0xb0: {  	v13 =	vadd.f32 v6, v5  }
0xb1: {  	(xrf1) =	vunique.msk.u32 $0xffff, v7  }
0xb2: {  	(xrf1) =	vunique.msk.u32 $0xffff, v4;
	v5 =	vmax.f32 v8, v13  }
0xb3: {  	(xrf1) =	vunique.msk.u32 $0xffff, v3;
	[tilespmem:v4+s24+$0x0] =	vst.idx.msk $0xffff, v5  }
0xb4: {  	v5 =	vld.idx.msk [tilespmem:v23+s2+$0x0], $0xffff  }
0xb5: {  	v6 =	vld.idx.msk [tilespmem:v1+s12+$0x30 ss:$0x1], $0xffff;
	_ =	sdelay $0x1  }
0xb6: {  	v8 =	vld.idx.msk [tilespmem:v3+s31+$0x0], $0xffff;
	_ =	sdelay $0x2  }
0xb7: {  	v5 =	vadd.f32 v6, v5  }
0xb8: {  	_, v6, vm0 =	vpop (xrf1)  }
0xb9: {  	v6 =	vmax.f32 v8, v5;
	_ =	sdelay $0x2  }
0xba: {  	_, v8, vm1 =	vpop (xrf1)  }
0xbb: {  	[tilespmem:v3+s31+$0x0] =	vst.idx.msk $0xffff, v6;
	_, v6, vm2 =	vpop (xrf1)  }
0xbc: {  	v6 =	vld.idx.msk [tilespmem:v23+s21+$0x0], $0xffff;
	_, v8, vm15 =	vpop (xrf1)  }
0xbd: {  	vm0 =	vmand vm0, vm1;
	v8 =	vld.idx.msk [tilespmem:v1+s12+$0xB0 ss:$0x1], $0xffff  }
0xbe: {  	vm0 =	vmand vm0, vm2  }
0xbf: {  	v24 =	vld.idx.msk [tilespmem:v3+s1+$0x0], $0xffff;
	vm0 =	vmand vm0, vm15  }
0xc0: {  	v10 =	vsel vm0, $0x3F800000, v0  }
0xc1: {  	(xrf0) =	vmin.scan.msk.f32 $0xffff, v10  }
0xc2: {  	v6 =	vadd.f32 v8, v6;
	_ =	sdelay $0x1  }
0xc3: {  	v8 =	vmax.f32 v24, v6;
	_ =	sdelay $0x2  }
0xc4: {  	[tilespmem:v3+s1+$0x0] =	vst.idx.msk $0xffff, v8;
	v8, _, _ =	vpop (xrf0)  }
0xc5: {  	(v2sf) =	vpush v8, $0xF;
	_ =	sdelay $0x1  }
0xc6: {  	v10 =	vld.idx.msk [tilespmem:v23+s22+$0x0], $0xffff  }
0xc7: {  	v8 =	vld.idx.msk [tilespmem:v1+s12+$0x130 ss:$0x1], $0xffff;
	_ =	sdelay $0x1  }
0xc8: {  	v62 =	vld.idx.msk [tilespmem:v3+s0+$0x0], $0xffff;
	_ =	sdelay $0x2  }
0xc9: {  	v8 =	vadd.f32 v8, v10;
	_ =	sdelay $0x1  }
0xca: {  	v10 =	vmax.f32 v62, v8  }
0xcb: {  	[tilespmem:v3+s0+$0x0] =	vst.idx.msk $0xffff, v10  }
0xcc: {  	v10 =	vld.idx.msk [tilespmem:v23+s23+$0x0], $0xffff  }
0xcd: {  	v23 =	vld.idx.msk [tilespmem:v1+s12+$0x1B0 ss:$0x1], $0xffff;
	_ =	sdelay $0x1  }
0xce: {  	v63 =	vld.idx.msk [tilespmem:v3+s24+$0x0], $0xffff;
	s14 =	spop (v2sf)  }
0xcf: {  	p0 =	sgt.f32 s14, $0.0e+00  }
.Ltmp7:
0xd0: {  	_ = 	snop;
	(pc) =	sbr.rel @p0 .LBB2_14-.Ltmp7, $3  }
0xd1: {  	v10 =	vadd.f32 v23, v10;
	_ =	sdelay $0x1  }
0xd2: {  	v23 =	vmax.f32 v63, v10  }
0xd3: {  	s12 =	sadd.s32 s12, s19;
	[tilespmem:v3+s24+$0x0] =	vst.idx.msk $0xffff, v23  }
0xd4: {  	_ =	sdelay $0x3  }
0xd5: {  	v23 =	vld.idx.msk [tilespmem:v17+s31+$0x0], $0xffff  }
0xd6: {  	v24 =	vld.idx.msk [tilespmem:v17+s1+$0x0], $0xffff  }
0xd7: {  	v25 =	vld.idx.msk [tilespmem:v17+s0+$0x0], $0xffff  }
0xd8: {  	v26 =	vld.idx.msk [tilespmem:v17+s24+$0x0], $0xffff;
	_ =	sdelay $0x2  }
0xd9: {  	vm0 =	vlt.f32 v23, v19;
	vm1 =	vlt.f32 v24, v20  }
0xda: {  	vm0 =	vmor vm0, vm1;
	vm1 =	vlt.f32 v25, v21  }
0xdb: {  	vm0 =	vmor vm0, vm1;
	vm1 =	vlt.f32 v26, v22  }
0xdc: {  	vm0 =	vmor vm0, vm1  }
0xdd: {  	v23 =	vsel vm0, $0x3F800000, v0  }
0xde: {  	(xrf0) =	vmax.scan.msk.f32 $0xffff, v23;
	_ =	sdelay $0x5  }
0xdf: {  	v23, _, _ =	vpop (xrf0)  }
0xe0: {  	(v2sf) =	vpush v23, $0xF;
	_ =	sdelay $0xe  }
0xe1: {  	s14 =	spop (v2sf)  }
0xe2: {  	p0 =	sgt.f32 s14, $0.0e+00  }
.Ltmp8:
0xe3: {  	_ = 	snop;
	(pc) =	sbr.rel @!p0 .LBB2_8-.Ltmp8, $1  }
0xe4: {  	_ =	sdelay $0x3  }
.LBB2_7:
0xe5: {  	v23 =	vld.idx.msk [tilespmem:v17+s31+$0x0], $0xffff;
	_ =	sdelay $0x4  }
0xe6: {  	v23 =	vmax.f32 v23, v19  }
0xe7: {  	[tilespmem:v17+s31+$0x0] =	vst.idx.msk vm0, v23  }
0xe8: {  	v23 =	vld.idx.msk [tilespmem:v17+s1+$0x0], $0xffff;
	_ =	sdelay $0x4  }
0xe9: {  	v23 =	vmax.f32 v23, v20  }
0xea: {  	[tilespmem:v17+s1+$0x0] =	vst.idx.msk vm0, v23  }
0xeb: {  	v23 =	vld.idx.msk [tilespmem:v17+s0+$0x0], $0xffff;
	_ =	sdelay $0x4  }
0xec: {  	v23 =	vmax.f32 v23, v21  }
0xed: {  	[tilespmem:v17+s0+$0x0] =	vst.idx.msk vm0, v23  }
0xee: {  	v23 =	vld.idx.msk [tilespmem:v17+s24+$0x0], $0xffff;
	_ =	sdelay $0x4  }
0xef: {  	v23 =	vmax.f32 v23, v22  }
0xf0: {  	[tilespmem:v17+s24+$0x0] =	vst.idx.msk vm0, v23  }
0xf1: {  	v23 =	vld.idx.msk [tilespmem:v17+s31+$0x0], $0xffff  }
0xf2: {  	v24 =	vld.idx.msk [tilespmem:v17+s1+$0x0], $0xffff  }
0xf3: {  	v25 =	vld.idx.msk [tilespmem:v17+s0+$0x0], $0xffff  }
0xf4: {  	v26 =	vld.idx.msk [tilespmem:v17+s24+$0x0], $0xffff;
	_ =	sdelay $0x2  }
0xf5: {  	vm0 =	vlt.f32 v23, v19;
	vm1 =	vlt.f32 v24, v20  }
0xf6: {  	vm0 =	vmor vm0, vm1;
	vm1 =	vlt.f32 v25, v21  }
0xf7: {  	vm0 =	vmor vm0, vm1;
	vm1 =	vlt.f32 v26, v22  }
0xf8: {  	vm0 =	vmor vm0, vm1  }
0xf9: {  	v23 =	vsel vm0, $0x3F800000, v0  }
0xfa: {  	(xrf0) =	vmax.scan.msk.f32 $0xffff, v23;
	_ =	sdelay $0x5  }
0xfb: {  	v23, _, _ =	vpop (xrf0)  }
0xfc: {  	(v2sf) =	vpush v23, $0xF;
	_ =	sdelay $0xe  }
0xfd: {  	s14 =	spop (v2sf)  }
0xfe: {  	p0 =	sgt.f32 s14, $0.0e+00  }
.Ltmp9:
0xff: {  	_ = 	snop;
	(pc) =	sbr.rel @p0 .LBB2_7-.Ltmp9, $1  }
0x100: {  	_ =	sdelay $0x3  }
.LBB2_8:
0x101: {  	_ =	sdelay $0x3  }
0x102: {  	v17 =	vld.idx.msk [tilespmem:v7+s31+$0x0], $0xffff  }
0x103: {  	v19 =	vld.idx.msk [tilespmem:v7+s1+$0x0], $0xffff  }
0x104: {  	v20 =	vld.idx.msk [tilespmem:v7+s0+$0x0], $0xffff  }
0x105: {  	v21 =	vld.idx.msk [tilespmem:v7+s24+$0x0], $0xffff;
	_ =	sdelay $0x2  }
0x106: {  	vm0 =	vlt.f32 v17, v14;
	vm1 =	vlt.f32 v19, v15  }
0x107: {  	vm0 =	vmor vm0, vm1;
	vm1 =	vlt.f32 v20, v16  }
0x108: {  	vm0 =	vmor vm0, vm1;
	vm1 =	vlt.f32 v21, v18  }
0x109: {  	vm0 =	vmor vm0, vm1  }
0x10a: {  	v17 =	vsel vm0, $0x3F800000, v0  }
0x10b: {  	(xrf0) =	vmax.scan.msk.f32 $0xffff, v17;
	_ =	sdelay $0x5  }
0x10c: {  	v17, _, _ =	vpop (xrf0)  }
0x10d: {  	(v2sf) =	vpush v17, $0xF;
	_ =	sdelay $0xe  }
0x10e: {  	s14 =	spop (v2sf)  }
0x10f: {  	p0 =	sgt.f32 s14, $0.0e+00  }
.Ltmp10:
0x110: {  	_ = 	snop;
	(pc) =	sbr.rel @!p0 .LBB2_10-.Ltmp10, $1  }
0x111: {  	_ =	sdelay $0x3  }
.LBB2_9:
0x112: {  	v17 =	vld.idx.msk [tilespmem:v7+s31+$0x0], $0xffff;
	_ =	sdelay $0x4  }
0x113: {  	v17 =	vmax.f32 v17, v14  }
0x114: {  	[tilespmem:v7+s31+$0x0] =	vst.idx.msk vm0, v17  }
0x115: {  	v17 =	vld.idx.msk [tilespmem:v7+s1+$0x0], $0xffff;
	_ =	sdelay $0x4  }
0x116: {  	v17 =	vmax.f32 v17, v15  }
0x117: {  	[tilespmem:v7+s1+$0x0] =	vst.idx.msk vm0, v17  }
0x118: {  	v17 =	vld.idx.msk [tilespmem:v7+s0+$0x0], $0xffff;
	_ =	sdelay $0x4  }
0x119: {  	v17 =	vmax.f32 v17, v16  }
0x11a: {  	[tilespmem:v7+s0+$0x0] =	vst.idx.msk vm0, v17  }
0x11b: {  	v17 =	vld.idx.msk [tilespmem:v7+s24+$0x0], $0xffff;
	_ =	sdelay $0x4  }
0x11c: {  	v17 =	vmax.f32 v17, v18  }
0x11d: {  	[tilespmem:v7+s24+$0x0] =	vst.idx.msk vm0, v17  }
0x11e: {  	v17 =	vld.idx.msk [tilespmem:v7+s31+$0x0], $0xffff  }
0x11f: {  	v19 =	vld.idx.msk [tilespmem:v7+s1+$0x0], $0xffff  }
0x120: {  	v20 =	vld.idx.msk [tilespmem:v7+s0+$0x0], $0xffff  }
0x121: {  	v21 =	vld.idx.msk [tilespmem:v7+s24+$0x0], $0xffff;
	_ =	sdelay $0x2  }
0x122: {  	vm0 =	vlt.f32 v17, v14;
	vm1 =	vlt.f32 v19, v15  }
0x123: {  	vm0 =	vmor vm0, vm1;
	vm1 =	vlt.f32 v20, v16  }
0x124: {  	vm0 =	vmor vm0, vm1;
	vm1 =	vlt.f32 v21, v18  }
0x125: {  	vm0 =	vmor vm0, vm1  }
0x126: {  	v17 =	vsel vm0, $0x3F800000, v0  }
0x127: {  	(xrf0) =	vmax.scan.msk.f32 $0xffff, v17;
	_ =	sdelay $0x5  }
0x128: {  	v17, _, _ =	vpop (xrf0)  }
0x129: {  	(v2sf) =	vpush v17, $0xF;
	_ =	sdelay $0xe  }
0x12a: {  	s14 =	spop (v2sf)  }
0x12b: {  	p0 =	sgt.f32 s14, $0.0e+00  }
.Ltmp11:
0x12c: {  	_ = 	snop;
	(pc) =	sbr.rel @p0 .LBB2_9-.Ltmp11, $1  }
0x12d: {  	_ =	sdelay $0x3  }
.LBB2_10:
0x12e: {  	_ =	sdelay $0x3  }
0x12f: {  	v7 =	vld.idx.msk [tilespmem:v4+s31+$0x0], $0xffff  }
0x130: {  	v14 =	vld.idx.msk [tilespmem:v4+s1+$0x0], $0xffff  }
0x131: {  	v15 =	vld.idx.msk [tilespmem:v4+s0+$0x0], $0xffff  }
0x132: {  	v16 =	vld.idx.msk [tilespmem:v4+s24+$0x0], $0xffff;
	_ =	sdelay $0x2  }
0x133: {  	vm0 =	vlt.f32 v7, v9;
	vm1 =	vlt.f32 v14, v11  }
0x134: {  	vm0 =	vmor vm0, vm1;
	vm1 =	vlt.f32 v15, v12  }
0x135: {  	vm0 =	vmor vm0, vm1;
	vm1 =	vlt.f32 v16, v13  }
0x136: {  	vm0 =	vmor vm0, vm1  }
0x137: {  	v7 =	vsel vm0, $0x3F800000, v0  }
0x138: {  	(xrf0) =	vmax.scan.msk.f32 $0xffff, v7;
	_ =	sdelay $0x5  }
0x139: {  	v7, _, _ =	vpop (xrf0)  }
0x13a: {  	(v2sf) =	vpush v7, $0xF;
	_ =	sdelay $0xe  }
0x13b: {  	s14 =	spop (v2sf)  }
0x13c: {  	p0 =	sgt.f32 s14, $0.0e+00  }
.Ltmp12:
0x13d: {  	_ = 	snop;
	(pc) =	sbr.rel @!p0 .LBB2_12-.Ltmp12, $1  }
0x13e: {  	_ =	sdelay $0x3  }
.LBB2_11:
0x13f: {  	v7 =	vld.idx.msk [tilespmem:v4+s31+$0x0], $0xffff;
	_ =	sdelay $0x4  }
0x140: {  	v7 =	vmax.f32 v7, v9  }
0x141: {  	[tilespmem:v4+s31+$0x0] =	vst.idx.msk vm0, v7  }
0x142: {  	v7 =	vld.idx.msk [tilespmem:v4+s1+$0x0], $0xffff;
	_ =	sdelay $0x4  }
0x143: {  	v7 =	vmax.f32 v7, v11  }
0x144: {  	[tilespmem:v4+s1+$0x0] =	vst.idx.msk vm0, v7  }
0x145: {  	v7 =	vld.idx.msk [tilespmem:v4+s0+$0x0], $0xffff;
	_ =	sdelay $0x4  }
0x146: {  	v7 =	vmax.f32 v7, v12  }
0x147: {  	[tilespmem:v4+s0+$0x0] =	vst.idx.msk vm0, v7  }
0x148: {  	v7 =	vld.idx.msk [tilespmem:v4+s24+$0x0], $0xffff;
	_ =	sdelay $0x4  }
0x149: {  	v7 =	vmax.f32 v7, v13  }
0x14a: {  	[tilespmem:v4+s24+$0x0] =	vst.idx.msk vm0, v7  }
0x14b: {  	v7 =	vld.idx.msk [tilespmem:v4+s31+$0x0], $0xffff  }
0x14c: {  	v14 =	vld.idx.msk [tilespmem:v4+s1+$0x0], $0xffff  }
0x14d: {  	v15 =	vld.idx.msk [tilespmem:v4+s0+$0x0], $0xffff  }
0x14e: {  	v16 =	vld.idx.msk [tilespmem:v4+s24+$0x0], $0xffff;
	_ =	sdelay $0x2  }
0x14f: {  	vm0 =	vlt.f32 v7, v9;
	vm1 =	vlt.f32 v14, v11  }
0x150: {  	vm0 =	vmor vm0, vm1;
	vm1 =	vlt.f32 v15, v12  }
0x151: {  	vm0 =	vmor vm0, vm1;
	vm1 =	vlt.f32 v16, v13  }
0x152: {  	vm0 =	vmor vm0, vm1  }
0x153: {  	v7 =	vsel vm0, $0x3F800000, v0  }
0x154: {  	(xrf0) =	vmax.scan.msk.f32 $0xffff, v7;
	_ =	sdelay $0x5  }
0x155: {  	v7, _, _ =	vpop (xrf0)  }
0x156: {  	(v2sf) =	vpush v7, $0xF;
	_ =	sdelay $0xe  }
0x157: {  	s14 =	spop (v2sf)  }
0x158: {  	p0 =	sgt.f32 s14, $0.0e+00  }
.Ltmp13:
0x159: {  	_ = 	snop;
	(pc) =	sbr.rel @p0 .LBB2_11-.Ltmp13, $1  }
0x15a: {  	_ =	sdelay $0x3  }
.LBB2_12:
0x15b: {  	_ =	sdelay $0x3  }
0x15c: {  	v4 =	vld.idx.msk [tilespmem:v3+s31+$0x0], $0xffff  }
0x15d: {  	v7 =	vld.idx.msk [tilespmem:v3+s1+$0x0], $0xffff  }
0x15e: {  	v9 =	vld.idx.msk [tilespmem:v3+s0+$0x0], $0xffff  }
0x15f: {  	v11 =	vld.idx.msk [tilespmem:v3+s24+$0x0], $0xffff;
	_ =	sdelay $0x2  }
0x160: {  	vm0 =	vlt.f32 v4, v5;
	vm1 =	vlt.f32 v7, v6  }
0x161: {  	vm0 =	vmor vm0, vm1;
	vm1 =	vlt.f32 v9, v8  }
0x162: {  	vm0 =	vmor vm0, vm1;
	vm1 =	vlt.f32 v11, v10  }
0x163: {  	vm0 =	vmor vm0, vm1  }
0x164: {  	v4 =	vsel vm0, $0x3F800000, v0  }
0x165: {  	(xrf0) =	vmax.scan.msk.f32 $0xffff, v4;
	_ =	sdelay $0x5  }
0x166: {  	v4, _, _ =	vpop (xrf0)  }
0x167: {  	(v2sf) =	vpush v4, $0xF;
	_ =	sdelay $0xe  }
0x168: {  	s14 =	spop (v2sf)  }
0x169: {  	p0 =	sgt.f32 s14, $0.0e+00  }
.Ltmp14:
0x16a: {  	_ = 	snop;
	(pc) =	sbr.rel @!p0 .LBB2_14-.Ltmp14, $1  }
0x16b: {  	_ =	sdelay $0x3  }
.LBB2_13:
0x16c: {  	v4 =	vld.idx.msk [tilespmem:v3+s31+$0x0], $0xffff;
	_ =	sdelay $0x4  }
0x16d: {  	v4 =	vmax.f32 v4, v5  }
0x16e: {  	[tilespmem:v3+s31+$0x0] =	vst.idx.msk vm0, v4  }
0x16f: {  	v4 =	vld.idx.msk [tilespmem:v3+s1+$0x0], $0xffff;
	_ =	sdelay $0x4  }
0x170: {  	v4 =	vmax.f32 v4, v6  }
0x171: {  	[tilespmem:v3+s1+$0x0] =	vst.idx.msk vm0, v4  }
0x172: {  	v4 =	vld.idx.msk [tilespmem:v3+s0+$0x0], $0xffff;
	_ =	sdelay $0x4  }
0x173: {  	v4 =	vmax.f32 v4, v8  }
0x174: {  	[tilespmem:v3+s0+$0x0] =	vst.idx.msk vm0, v4  }
0x175: {  	v4 =	vld.idx.msk [tilespmem:v3+s24+$0x0], $0xffff;
	_ =	sdelay $0x4  }
0x176: {  	v4 =	vmax.f32 v4, v10  }
0x177: {  	[tilespmem:v3+s24+$0x0] =	vst.idx.msk vm0, v4  }
0x178: {  	v4 =	vld.idx.msk [tilespmem:v3+s31+$0x0], $0xffff  }
0x179: {  	v7 =	vld.idx.msk [tilespmem:v3+s1+$0x0], $0xffff  }
0x17a: {  	v9 =	vld.idx.msk [tilespmem:v3+s0+$0x0], $0xffff  }
0x17b: {  	v11 =	vld.idx.msk [tilespmem:v3+s24+$0x0], $0xffff;
	_ =	sdelay $0x2  }
0x17c: {  	vm0 =	vlt.f32 v4, v5;
	vm1 =	vlt.f32 v7, v6  }
0x17d: {  	vm0 =	vmor vm0, vm1;
	vm1 =	vlt.f32 v9, v8  }
0x17e: {  	vm0 =	vmor vm0, vm1;
	vm1 =	vlt.f32 v11, v10  }
0x17f: {  	vm0 =	vmor vm0, vm1  }
0x180: {  	v4 =	vsel vm0, $0x3F800000, v0  }
0x181: {  	(xrf0) =	vmax.scan.msk.f32 $0xffff, v4;
	_ =	sdelay $0x5  }
0x182: {  	v4, _, _ =	vpop (xrf0)  }
0x183: {  	(v2sf) =	vpush v4, $0xF;
	_ =	sdelay $0xe  }
0x184: {  	s14 =	spop (v2sf)  }
0x185: {  	p0 =	sgt.f32 s14, $0.0e+00  }
.Ltmp15:
0x186: {  	_ = 	snop;
	(pc) =	sbr.rel @p0 .LBB2_13-.Ltmp15, $1  }
0x187: {  	_ =	sdelay $0x3  }
.LBB2_14:
0x188: {  	v5 =	vld [tilespmem:s11+$0x18E40];
	_ =	sdelay $0x1  }
0x189: {  	v17 =	vld [tilespmem:s11+$0x19840];
	_ =	sdelay $0x4  }
0x18a: {  	v6 =	vld [tilespmem:s12+$0x40]  }
0x18b: {  	v3 =	vld.idx.msk [tilespmem:v5+s2+$0x0], $0xffff;
	_ =	sdelay $0x1  }
0x18c: {  	v8 =	vld.idx.msk [tilespmem:v17+s31+$0x0], $0xffff  }
0x18d: {  	v7 =	vld [tilespmem:s11+$0x19850]  }
0x18e: {  	v9 =	vld [tilespmem:s11+$0x18E50]  }
0x18f: {  	v4 =	vld [tilespmem:s11+$0x19860];
	v19 =	vadd.f32 v6, v3  }
0x190: {  	v10 =	vld [tilespmem:s11+$0x18E60]  }
0x191: {  	v23 =	vld [tilespmem:s11+$0x18E70];
	v6 =	vmax.f32 v8, v19  }
0x192: {  	v3 =	vld [tilespmem:s11+$0x19870];
	[tilespmem:v17+s31+$0x0] =	vst.idx.msk $0xffff, v6  }
0x193: {  	v6 =	vld.idx.msk [tilespmem:v5+s21+$0x0], $0xffff  }
0x194: {  	v8 =	vld [tilespmem:s12+$0xC0];
	_ =	sdelay $0x1  }
0x195: {  	v11 =	vld.idx.msk [tilespmem:v17+s1+$0x0], $0xffff;
	_ =	sdelay $0x2  }
0x196: {  	v20 =	vadd.f32 v8, v6;
	_ =	sdelay $0x1  }
0x197: {  	v6 =	vmax.f32 v11, v20  }
0x198: {  	[tilespmem:v17+s1+$0x0] =	vst.idx.msk $0xffff, v6  }
0x199: {  	v6 =	vld.idx.msk [tilespmem:v5+s22+$0x0], $0xffff  }
0x19a: {  	v8 =	vld [tilespmem:s12+$0x140];
	_ =	sdelay $0x1  }
0x19b: {  	v11 =	vld.idx.msk [tilespmem:v17+s0+$0x0], $0xffff;
	_ =	sdelay $0x2  }
0x19c: {  	v21 =	vadd.f32 v8, v6;
	_ =	sdelay $0x1  }
0x19d: {  	v6 =	vmax.f32 v11, v21  }
0x19e: {  	[tilespmem:v17+s0+$0x0] =	vst.idx.msk $0xffff, v6  }
0x19f: {  	v5 =	vld.idx.msk [tilespmem:v5+s23+$0x0], $0xffff  }
0x1a0: {  	v6 =	vld [tilespmem:s12+$0x1C0];
	_ =	sdelay $0x1  }
0x1a1: {  	v8 =	vld.idx.msk [tilespmem:v17+s24+$0x0], $0xffff;
	_ =	sdelay $0x2  }
0x1a2: {  	v22 =	vadd.f32 v6, v5;
	_ =	sdelay $0x1  }
0x1a3: {  	v5 =	vmax.f32 v8, v22  }
0x1a4: {  	[tilespmem:v17+s24+$0x0] =	vst.idx.msk $0xffff, v5  }
0x1a5: {  	v5 =	vld.idx.msk [tilespmem:v9+s2+$0x0], $0xffff  }
0x1a6: {  	v6 =	vld [tilespmem:s12+$0x50];
	_ =	sdelay $0x1  }
0x1a7: {  	v8 =	vld.idx.msk [tilespmem:v7+s31+$0x0], $0xffff;
	_ =	sdelay $0x2  }
0x1a8: {  	v14 =	vadd.f32 v6, v5;
	_ =	sdelay $0x1  }
0x1a9: {  	v5 =	vmax.f32 v8, v14  }
0x1aa: {  	[tilespmem:v7+s31+$0x0] =	vst.idx.msk $0xffff, v5  }
0x1ab: {  	v5 =	vld.idx.msk [tilespmem:v9+s21+$0x0], $0xffff  }
0x1ac: {  	v6 =	vld [tilespmem:s12+$0xD0];
	_ =	sdelay $0x1  }
0x1ad: {  	v8 =	vld.idx.msk [tilespmem:v7+s1+$0x0], $0xffff;
	_ =	sdelay $0x2  }
0x1ae: {  	v15 =	vadd.f32 v6, v5;
	_ =	sdelay $0x1  }
0x1af: {  	v5 =	vmax.f32 v8, v15  }
0x1b0: {  	[tilespmem:v7+s1+$0x0] =	vst.idx.msk $0xffff, v5  }
0x1b1: {  	v5 =	vld.idx.msk [tilespmem:v9+s22+$0x0], $0xffff  }
0x1b2: {  	v6 =	vld [tilespmem:s12+$0x150];
	_ =	sdelay $0x1  }
0x1b3: {  	v8 =	vld.idx.msk [tilespmem:v7+s0+$0x0], $0xffff;
	_ =	sdelay $0x2  }
0x1b4: {  	v16 =	vadd.f32 v6, v5;
	_ =	sdelay $0x1  }
0x1b5: {  	v5 =	vmax.f32 v8, v16  }
0x1b6: {  	[tilespmem:v7+s0+$0x0] =	vst.idx.msk $0xffff, v5  }
0x1b7: {  	v5 =	vld.idx.msk [tilespmem:v9+s23+$0x0], $0xffff  }
0x1b8: {  	v6 =	vld [tilespmem:s12+$0x1D0];
	_ =	sdelay $0x1  }
0x1b9: {  	v8 =	vld.idx.msk [tilespmem:v7+s24+$0x0], $0xffff;
	_ =	sdelay $0x2  }
0x1ba: {  	v18 =	vadd.f32 v6, v5;
	_ =	sdelay $0x1  }
0x1bb: {  	v5 =	vmax.f32 v8, v18  }
0x1bc: {  	[tilespmem:v7+s24+$0x0] =	vst.idx.msk $0xffff, v5  }
0x1bd: {  	v5 =	vld.idx.msk [tilespmem:v10+s2+$0x0], $0xffff  }
0x1be: {  	v6 =	vld [tilespmem:s12+$0x60];
	_ =	sdelay $0x1  }
0x1bf: {  	v8 =	vld.idx.msk [tilespmem:v4+s31+$0x0], $0xffff;
	_ =	sdelay $0x2  }
0x1c0: {  	v9 =	vadd.f32 v6, v5;
	_ =	sdelay $0x1  }
0x1c1: {  	v5 =	vmax.f32 v8, v9  }
0x1c2: {  	[tilespmem:v4+s31+$0x0] =	vst.idx.msk $0xffff, v5  }
0x1c3: {  	v5 =	vld.idx.msk [tilespmem:v10+s21+$0x0], $0xffff  }
0x1c4: {  	v6 =	vld [tilespmem:s12+$0xE0];
	_ =	sdelay $0x1  }
0x1c5: {  	v8 =	vld.idx.msk [tilespmem:v4+s1+$0x0], $0xffff;
	_ =	sdelay $0x2  }
0x1c6: {  	v11 =	vadd.f32 v6, v5;
	_ =	sdelay $0x1  }
0x1c7: {  	v5 =	vmax.f32 v8, v11  }
0x1c8: {  	[tilespmem:v4+s1+$0x0] =	vst.idx.msk $0xffff, v5  }
0x1c9: {  	v5 =	vld.idx.msk [tilespmem:v10+s22+$0x0], $0xffff  }
0x1ca: {  	v6 =	vld [tilespmem:s12+$0x160];
	_ =	sdelay $0x1  }
0x1cb: {  	v8 =	vld.idx.msk [tilespmem:v4+s0+$0x0], $0xffff;
	_ =	sdelay $0x2  }
0x1cc: {  	v12 =	vadd.f32 v6, v5;
	_ =	sdelay $0x1  }
0x1cd: {  	v5 =	vmax.f32 v8, v12  }
0x1ce: {  	[tilespmem:v4+s0+$0x0] =	vst.idx.msk $0xffff, v5  }
0x1cf: {  	v5 =	vld.idx.msk [tilespmem:v10+s23+$0x0], $0xffff  }
0x1d0: {  	v6 =	vld [tilespmem:s12+$0x1E0];
	_ =	sdelay $0x1  }
0x1d1: {  	(xrf1) =	vunique.msk.u32 $0xffff, v17;
	v8 =	vld.idx.msk [tilespmem:v4+s24+$0x0], $0xffff;
	_ =	sdelay $0x2  }
0x1d2: {  	v13 =	vadd.f32 v6, v5  }
0x1d3: {  	(xrf1) =	vunique.msk.u32 $0xffff, v7  }
0x1d4: {  	(xrf1) =	vunique.msk.u32 $0xffff, v4;
	v5 =	vmax.f32 v8, v13  }
0x1d5: {  	(xrf1) =	vunique.msk.u32 $0xffff, v3;
	[tilespmem:v4+s24+$0x0] =	vst.idx.msk $0xffff, v5  }
0x1d6: {  	v5 =	vld.idx.msk [tilespmem:v23+s2+$0x0], $0xffff  }
0x1d7: {  	v6 =	vld [tilespmem:s12+$0x70];
	_ =	sdelay $0x1  }
0x1d8: {  	v8 =	vld.idx.msk [tilespmem:v3+s31+$0x0], $0xffff;
	_ =	sdelay $0x2  }
0x1d9: {  	v5 =	vadd.f32 v6, v5  }
0x1da: {  	_, v6, vm0 =	vpop (xrf1)  }
0x1db: {  	v6 =	vmax.f32 v8, v5;
	_ =	sdelay $0x2  }
0x1dc: {  	_, v8, vm1 =	vpop (xrf1)  }
0x1dd: {  	[tilespmem:v3+s31+$0x0] =	vst.idx.msk $0xffff, v6;
	_, v6, vm2 =	vpop (xrf1)  }
0x1de: {  	v6 =	vld.idx.msk [tilespmem:v23+s21+$0x0], $0xffff;
	_, v8, vm15 =	vpop (xrf1)  }
0x1df: {  	vm0 =	vmand vm0, vm1;
	v8 =	vld [tilespmem:s12+$0xF0]  }
0x1e0: {  	vm0 =	vmand vm0, vm2  }
0x1e1: {  	v24 =	vld.idx.msk [tilespmem:v3+s1+$0x0], $0xffff;
	vm0 =	vmand vm0, vm15  }
0x1e2: {  	v10 =	vsel vm0, $0x3F800000, v0  }
0x1e3: {  	(xrf0) =	vmin.scan.msk.f32 $0xffff, v10  }
0x1e4: {  	v6 =	vadd.f32 v8, v6;
	_ =	sdelay $0x1  }
0x1e5: {  	v8 =	vmax.f32 v24, v6;
	_ =	sdelay $0x2  }
0x1e6: {  	[tilespmem:v3+s1+$0x0] =	vst.idx.msk $0xffff, v8;
	v8, _, _ =	vpop (xrf0)  }
0x1e7: {  	(v2sf) =	vpush v8, $0xF;
	_ =	sdelay $0x1  }
0x1e8: {  	v10 =	vld.idx.msk [tilespmem:v23+s22+$0x0], $0xffff  }
0x1e9: {  	v8 =	vld [tilespmem:s12+$0x170];
	_ =	sdelay $0x1  }
0x1ea: {  	v62 =	vld.idx.msk [tilespmem:v3+s0+$0x0], $0xffff;
	_ =	sdelay $0x2  }
0x1eb: {  	v8 =	vadd.f32 v8, v10;
	_ =	sdelay $0x1  }
0x1ec: {  	v10 =	vmax.f32 v62, v8  }
0x1ed: {  	[tilespmem:v3+s0+$0x0] =	vst.idx.msk $0xffff, v10  }
0x1ee: {  	v10 =	vld.idx.msk [tilespmem:v23+s23+$0x0], $0xffff  }
0x1ef: {  	v23 =	vld [tilespmem:s12+$0x1F0];
	_ =	sdelay $0x1  }
0x1f0: {  	v63 =	vld.idx.msk [tilespmem:v3+s24+$0x0], $0xffff;
	s14 =	spop (v2sf)  }
0x1f1: {  	p0 =	sgt.f32 s14, $0.0e+00  }
.Ltmp16:
0x1f2: {  	_ = 	snop;
	(pc) =	sbr.rel @p0 .LBB2_23-.Ltmp16, $3  }
0x1f3: {  	v10 =	vadd.f32 v23, v10;
	_ =	sdelay $0x1  }
0x1f4: {  	v23 =	vmax.f32 v63, v10  }
0x1f5: {  	[tilespmem:v3+s24+$0x0] =	vst.idx.msk $0xffff, v23  }
0x1f6: {  	_ =	sdelay $0x3  }
0x1f7: {  	v23 =	vld.idx.msk [tilespmem:v17+s31+$0x0], $0xffff  }
0x1f8: {  	v24 =	vld.idx.msk [tilespmem:v17+s1+$0x0], $0xffff  }
0x1f9: {  	v25 =	vld.idx.msk [tilespmem:v17+s0+$0x0], $0xffff  }
0x1fa: {  	v26 =	vld.idx.msk [tilespmem:v17+s24+$0x0], $0xffff;
	_ =	sdelay $0x2  }
0x1fb: {  	vm0 =	vlt.f32 v23, v19;
	vm1 =	vlt.f32 v24, v20  }
0x1fc: {  	vm0 =	vmor vm0, vm1;
	vm1 =	vlt.f32 v25, v21  }
0x1fd: {  	vm0 =	vmor vm0, vm1;
	vm1 =	vlt.f32 v26, v22  }
0x1fe: {  	vm0 =	vmor vm0, vm1  }
0x1ff: {  	v23 =	vsel vm0, $0x3F800000, v0  }
0x200: {  	(xrf0) =	vmax.scan.msk.f32 $0xffff, v23;
	_ =	sdelay $0x5  }
0x201: {  	v23, _, _ =	vpop (xrf0)  }
0x202: {  	(v2sf) =	vpush v23, $0xF;
	_ =	sdelay $0xe  }
0x203: {  	s11 =	spop (v2sf)  }
0x204: {  	p0 =	sgt.f32 s11, $0.0e+00  }
.Ltmp17:
0x205: {  	_ = 	snop;
	(pc) =	sbr.rel @!p0 .LBB2_17-.Ltmp17, $1  }
0x206: {  	_ =	sdelay $0x3  }
.LBB2_16:
0x207: {  	v23 =	vld.idx.msk [tilespmem:v17+s31+$0x0], $0xffff;
	_ =	sdelay $0x4  }
0x208: {  	v23 =	vmax.f32 v23, v19  }
0x209: {  	[tilespmem:v17+s31+$0x0] =	vst.idx.msk vm0, v23  }
0x20a: {  	v23 =	vld.idx.msk [tilespmem:v17+s1+$0x0], $0xffff;
	_ =	sdelay $0x4  }
0x20b: {  	v23 =	vmax.f32 v23, v20  }
0x20c: {  	[tilespmem:v17+s1+$0x0] =	vst.idx.msk vm0, v23  }
0x20d: {  	v23 =	vld.idx.msk [tilespmem:v17+s0+$0x0], $0xffff;
	_ =	sdelay $0x4  }
0x20e: {  	v23 =	vmax.f32 v23, v21  }
0x20f: {  	[tilespmem:v17+s0+$0x0] =	vst.idx.msk vm0, v23  }
0x210: {  	v23 =	vld.idx.msk [tilespmem:v17+s24+$0x0], $0xffff;
	_ =	sdelay $0x4  }
0x211: {  	v23 =	vmax.f32 v23, v22  }
0x212: {  	[tilespmem:v17+s24+$0x0] =	vst.idx.msk vm0, v23  }
0x213: {  	v23 =	vld.idx.msk [tilespmem:v17+s31+$0x0], $0xffff  }
0x214: {  	v24 =	vld.idx.msk [tilespmem:v17+s1+$0x0], $0xffff  }
0x215: {  	v25 =	vld.idx.msk [tilespmem:v17+s0+$0x0], $0xffff  }
0x216: {  	v26 =	vld.idx.msk [tilespmem:v17+s24+$0x0], $0xffff;
	_ =	sdelay $0x2  }
0x217: {  	vm0 =	vlt.f32 v23, v19;
	vm1 =	vlt.f32 v24, v20  }
0x218: {  	vm0 =	vmor vm0, vm1;
	vm1 =	vlt.f32 v25, v21  }
0x219: {  	vm0 =	vmor vm0, vm1;
	vm1 =	vlt.f32 v26, v22  }
0x21a: {  	vm0 =	vmor vm0, vm1  }
0x21b: {  	v23 =	vsel vm0, $0x3F800000, v0  }
0x21c: {  	(xrf0) =	vmax.scan.msk.f32 $0xffff, v23;
	_ =	sdelay $0x5  }
0x21d: {  	v23, _, _ =	vpop (xrf0)  }
0x21e: {  	(v2sf) =	vpush v23, $0xF;
	_ =	sdelay $0xe  }
0x21f: {  	s11 =	spop (v2sf)  }
0x220: {  	p0 =	sgt.f32 s11, $0.0e+00  }
.Ltmp18:
0x221: {  	_ = 	snop;
	(pc) =	sbr.rel @p0 .LBB2_16-.Ltmp18, $1  }
0x222: {  	_ =	sdelay $0x3  }
.LBB2_17:
0x223: {  	_ =	sdelay $0x3  }
0x224: {  	v17 =	vld.idx.msk [tilespmem:v7+s31+$0x0], $0xffff  }
0x225: {  	v19 =	vld.idx.msk [tilespmem:v7+s1+$0x0], $0xffff  }
0x226: {  	v20 =	vld.idx.msk [tilespmem:v7+s0+$0x0], $0xffff  }
0x227: {  	v21 =	vld.idx.msk [tilespmem:v7+s24+$0x0], $0xffff;
	_ =	sdelay $0x2  }
0x228: {  	vm0 =	vlt.f32 v17, v14;
	vm1 =	vlt.f32 v19, v15  }
0x229: {  	vm0 =	vmor vm0, vm1;
	vm1 =	vlt.f32 v20, v16  }
0x22a: {  	vm0 =	vmor vm0, vm1;
	vm1 =	vlt.f32 v21, v18  }
0x22b: {  	vm0 =	vmor vm0, vm1  }
0x22c: {  	v17 =	vsel vm0, $0x3F800000, v0  }
0x22d: {  	(xrf0) =	vmax.scan.msk.f32 $0xffff, v17;
	_ =	sdelay $0x5  }
0x22e: {  	v17, _, _ =	vpop (xrf0)  }
0x22f: {  	(v2sf) =	vpush v17, $0xF;
	_ =	sdelay $0xe  }
0x230: {  	s11 =	spop (v2sf)  }
0x231: {  	p0 =	sgt.f32 s11, $0.0e+00  }
.Ltmp19:
0x232: {  	_ = 	snop;
	(pc) =	sbr.rel @!p0 .LBB2_19-.Ltmp19, $1  }
0x233: {  	_ =	sdelay $0x3  }
.LBB2_18:
0x234: {  	v17 =	vld.idx.msk [tilespmem:v7+s31+$0x0], $0xffff;
	_ =	sdelay $0x4  }
0x235: {  	v17 =	vmax.f32 v17, v14  }
0x236: {  	[tilespmem:v7+s31+$0x0] =	vst.idx.msk vm0, v17  }
0x237: {  	v17 =	vld.idx.msk [tilespmem:v7+s1+$0x0], $0xffff;
	_ =	sdelay $0x4  }
0x238: {  	v17 =	vmax.f32 v17, v15  }
0x239: {  	[tilespmem:v7+s1+$0x0] =	vst.idx.msk vm0, v17  }
0x23a: {  	v17 =	vld.idx.msk [tilespmem:v7+s0+$0x0], $0xffff;
	_ =	sdelay $0x4  }
0x23b: {  	v17 =	vmax.f32 v17, v16  }
0x23c: {  	[tilespmem:v7+s0+$0x0] =	vst.idx.msk vm0, v17  }
0x23d: {  	v17 =	vld.idx.msk [tilespmem:v7+s24+$0x0], $0xffff;
	_ =	sdelay $0x4  }
0x23e: {  	v17 =	vmax.f32 v17, v18  }
0x23f: {  	[tilespmem:v7+s24+$0x0] =	vst.idx.msk vm0, v17  }
0x240: {  	v17 =	vld.idx.msk [tilespmem:v7+s31+$0x0], $0xffff  }
0x241: {  	v19 =	vld.idx.msk [tilespmem:v7+s1+$0x0], $0xffff  }
0x242: {  	v20 =	vld.idx.msk [tilespmem:v7+s0+$0x0], $0xffff  }
0x243: {  	v21 =	vld.idx.msk [tilespmem:v7+s24+$0x0], $0xffff;
	_ =	sdelay $0x2  }
0x244: {  	vm0 =	vlt.f32 v17, v14;
	vm1 =	vlt.f32 v19, v15  }
0x245: {  	vm0 =	vmor vm0, vm1;
	vm1 =	vlt.f32 v20, v16  }
0x246: {  	vm0 =	vmor vm0, vm1;
	vm1 =	vlt.f32 v21, v18  }
0x247: {  	vm0 =	vmor vm0, vm1  }
0x248: {  	v17 =	vsel vm0, $0x3F800000, v0  }
0x249: {  	(xrf0) =	vmax.scan.msk.f32 $0xffff, v17;
	_ =	sdelay $0x5  }
0x24a: {  	v17, _, _ =	vpop (xrf0)  }
0x24b: {  	(v2sf) =	vpush v17, $0xF;
	_ =	sdelay $0xe  }
0x24c: {  	s11 =	spop (v2sf)  }
0x24d: {  	p0 =	sgt.f32 s11, $0.0e+00  }
.Ltmp20:
0x24e: {  	_ = 	snop;
	(pc) =	sbr.rel @p0 .LBB2_18-.Ltmp20, $1  }
0x24f: {  	_ =	sdelay $0x3  }
.LBB2_19:
0x250: {  	_ =	sdelay $0x3  }
0x251: {  	v7 =	vld.idx.msk [tilespmem:v4+s31+$0x0], $0xffff  }
0x252: {  	v14 =	vld.idx.msk [tilespmem:v4+s1+$0x0], $0xffff  }
0x253: {  	v15 =	vld.idx.msk [tilespmem:v4+s0+$0x0], $0xffff  }
0x254: {  	v16 =	vld.idx.msk [tilespmem:v4+s24+$0x0], $0xffff;
	_ =	sdelay $0x2  }
0x255: {  	vm0 =	vlt.f32 v7, v9;
	vm1 =	vlt.f32 v14, v11  }
0x256: {  	vm0 =	vmor vm0, vm1;
	vm1 =	vlt.f32 v15, v12  }
0x257: {  	vm0 =	vmor vm0, vm1;
	vm1 =	vlt.f32 v16, v13  }
0x258: {  	vm0 =	vmor vm0, vm1  }
0x259: {  	v7 =	vsel vm0, $0x3F800000, v0  }
0x25a: {  	(xrf0) =	vmax.scan.msk.f32 $0xffff, v7;
	_ =	sdelay $0x5  }
0x25b: {  	v7, _, _ =	vpop (xrf0)  }
0x25c: {  	(v2sf) =	vpush v7, $0xF;
	_ =	sdelay $0xe  }
0x25d: {  	s11 =	spop (v2sf)  }
0x25e: {  	p0 =	sgt.f32 s11, $0.0e+00  }
.Ltmp21:
0x25f: {  	_ = 	snop;
	(pc) =	sbr.rel @!p0 .LBB2_21-.Ltmp21, $1  }
0x260: {  	_ =	sdelay $0x3  }
.LBB2_20:
0x261: {  	v7 =	vld.idx.msk [tilespmem:v4+s31+$0x0], $0xffff;
	_ =	sdelay $0x4  }
0x262: {  	v7 =	vmax.f32 v7, v9  }
0x263: {  	[tilespmem:v4+s31+$0x0] =	vst.idx.msk vm0, v7  }
0x264: {  	v7 =	vld.idx.msk [tilespmem:v4+s1+$0x0], $0xffff;
	_ =	sdelay $0x4  }
0x265: {  	v7 =	vmax.f32 v7, v11  }
0x266: {  	[tilespmem:v4+s1+$0x0] =	vst.idx.msk vm0, v7  }
0x267: {  	v7 =	vld.idx.msk [tilespmem:v4+s0+$0x0], $0xffff;
	_ =	sdelay $0x4  }
0x268: {  	v7 =	vmax.f32 v7, v12  }
0x269: {  	[tilespmem:v4+s0+$0x0] =	vst.idx.msk vm0, v7  }
0x26a: {  	v7 =	vld.idx.msk [tilespmem:v4+s24+$0x0], $0xffff;
	_ =	sdelay $0x4  }
0x26b: {  	v7 =	vmax.f32 v7, v13  }
0x26c: {  	[tilespmem:v4+s24+$0x0] =	vst.idx.msk vm0, v7  }
0x26d: {  	v7 =	vld.idx.msk [tilespmem:v4+s31+$0x0], $0xffff  }
0x26e: {  	v14 =	vld.idx.msk [tilespmem:v4+s1+$0x0], $0xffff  }
0x26f: {  	v15 =	vld.idx.msk [tilespmem:v4+s0+$0x0], $0xffff  }
0x270: {  	v16 =	vld.idx.msk [tilespmem:v4+s24+$0x0], $0xffff;
	_ =	sdelay $0x2  }
0x271: {  	vm0 =	vlt.f32 v7, v9;
	vm1 =	vlt.f32 v14, v11  }
0x272: {  	vm0 =	vmor vm0, vm1;
	vm1 =	vlt.f32 v15, v12  }
0x273: {  	vm0 =	vmor vm0, vm1;
	vm1 =	vlt.f32 v16, v13  }
0x274: {  	vm0 =	vmor vm0, vm1  }
0x275: {  	v7 =	vsel vm0, $0x3F800000, v0  }
0x276: {  	(xrf0) =	vmax.scan.msk.f32 $0xffff, v7;
	_ =	sdelay $0x5  }
0x277: {  	v7, _, _ =	vpop (xrf0)  }
0x278: {  	(v2sf) =	vpush v7, $0xF;
	_ =	sdelay $0xe  }
0x279: {  	s11 =	spop (v2sf)  }
0x27a: {  	p0 =	sgt.f32 s11, $0.0e+00  }
.Ltmp22:
0x27b: {  	_ = 	snop;
	(pc) =	sbr.rel @p0 .LBB2_20-.Ltmp22, $1  }
0x27c: {  	_ =	sdelay $0x3  }
.LBB2_21:
0x27d: {  	_ =	sdelay $0x3  }
0x27e: {  	v4 =	vld.idx.msk [tilespmem:v3+s31+$0x0], $0xffff  }
0x27f: {  	v7 =	vld.idx.msk [tilespmem:v3+s1+$0x0], $0xffff  }
0x280: {  	v9 =	vld.idx.msk [tilespmem:v3+s0+$0x0], $0xffff  }
0x281: {  	v11 =	vld.idx.msk [tilespmem:v3+s24+$0x0], $0xffff;
	_ =	sdelay $0x2  }
0x282: {  	vm0 =	vlt.f32 v4, v5;
	vm1 =	vlt.f32 v7, v6  }
0x283: {  	vm0 =	vmor vm0, vm1;
	vm1 =	vlt.f32 v9, v8  }
0x284: {  	vm0 =	vmor vm0, vm1;
	vm1 =	vlt.f32 v11, v10  }
0x285: {  	vm0 =	vmor vm0, vm1  }
0x286: {  	v4 =	vsel vm0, $0x3F800000, v0  }
0x287: {  	(xrf0) =	vmax.scan.msk.f32 $0xffff, v4;
	_ =	sdelay $0x5  }
0x288: {  	v4, _, _ =	vpop (xrf0)  }
0x289: {  	(v2sf) =	vpush v4, $0xF;
	_ =	sdelay $0xe  }
0x28a: {  	s11 =	spop (v2sf)  }
0x28b: {  	p0 =	sgt.f32 s11, $0.0e+00  }
.Ltmp23:
0x28c: {  	_ = 	snop;
	(pc) =	sbr.rel @!p0 .LBB2_23-.Ltmp23, $1  }
0x28d: {  	_ =	sdelay $0x3  }
.LBB2_22:
0x28e: {  	v4 =	vld.idx.msk [tilespmem:v3+s31+$0x0], $0xffff;
	_ =	sdelay $0x4  }
0x28f: {  	v4 =	vmax.f32 v4, v5  }
0x290: {  	[tilespmem:v3+s31+$0x0] =	vst.idx.msk vm0, v4  }
0x291: {  	v4 =	vld.idx.msk [tilespmem:v3+s1+$0x0], $0xffff;
	_ =	sdelay $0x4  }
0x292: {  	v4 =	vmax.f32 v4, v6  }
0x293: {  	[tilespmem:v3+s1+$0x0] =	vst.idx.msk vm0, v4  }
0x294: {  	v4 =	vld.idx.msk [tilespmem:v3+s0+$0x0], $0xffff;
	_ =	sdelay $0x4  }
0x295: {  	v4 =	vmax.f32 v4, v8  }
0x296: {  	[tilespmem:v3+s0+$0x0] =	vst.idx.msk vm0, v4  }
0x297: {  	v4 =	vld.idx.msk [tilespmem:v3+s24+$0x0], $0xffff;
	_ =	sdelay $0x4  }
0x298: {  	v4 =	vmax.f32 v4, v10  }
0x299: {  	[tilespmem:v3+s24+$0x0] =	vst.idx.msk vm0, v4  }
0x29a: {  	v4 =	vld.idx.msk [tilespmem:v3+s31+$0x0], $0xffff  }
0x29b: {  	v7 =	vld.idx.msk [tilespmem:v3+s1+$0x0], $0xffff  }
0x29c: {  	v9 =	vld.idx.msk [tilespmem:v3+s0+$0x0], $0xffff  }
0x29d: {  	v11 =	vld.idx.msk [tilespmem:v3+s24+$0x0], $0xffff;
	_ =	sdelay $0x2  }
0x29e: {  	vm0 =	vlt.f32 v4, v5;
	vm1 =	vlt.f32 v7, v6  }
0x29f: {  	vm0 =	vmor vm0, vm1;
	vm1 =	vlt.f32 v9, v8  }
0x2a0: {  	vm0 =	vmor vm0, vm1;
	vm1 =	vlt.f32 v11, v10  }
0x2a1: {  	vm0 =	vmor vm0, vm1  }
0x2a2: {  	v4 =	vsel vm0, $0x3F800000, v0  }
0x2a3: {  	(xrf0) =	vmax.scan.msk.f32 $0xffff, v4;
	_ =	sdelay $0x5  }
0x2a4: {  	v4, _, _ =	vpop (xrf0)  }
0x2a5: {  	(v2sf) =	vpush v4, $0xF;
	_ =	sdelay $0xe  }
0x2a6: {  	s11 =	spop (v2sf)  }
0x2a7: {  	p0 =	sgt.f32 s11, $0.0e+00  }
.Ltmp24:
0x2a8: {  	_ = 	snop;
	(pc) =	sbr.rel @p0 .LBB2_22-.Ltmp24, $1  }
0x2a9: {  	_ =	sdelay $0x3  }
.Ltmp25:
0x2aa: {  	_ = 	snop;
	(pc) =	sbr.rel .LBB2_23-.Ltmp25, $1  }
0x2ab: {  	_ =	sdelay $0x3  }
.LBB2_24:
0x2ac: {  	_ =	swait.ge [sflag:s25], $0x2800;
	p0 =	seq.s32 s9, $0x7C  }
0x2ad: {  	[sflag:s25] =	ssyncset.done $0x0;
	s10 =	sshll.u32 @!p0 s9, $0x1  }
0x2ae: {  	[sflag:s25] =	ssyncadd.s32 $0xFFFFD800;
	s10 =	sadd.s32 @!p0 $0x2, s10  }
0x2af: {  	_ =	swait.ge [sflag:s25], $0x500;
	s11 =	sshrl.u32 @!p0 s10, $0x1  }
0x2b0: {  	[sflag:s25] =	ssyncset.done $0x0;
	s11 =	smul.u32 @!p0 $0x50000, s11  }
0x2b1: {  	[sflag:s25] =	ssyncadd.s32 $0xFFFFFB00  }
0x2b2: {  	s12 =	simm.s32 @!p0 $0x0;
	_ =	swait.ge [sflag:s25], $0x500;
	s11 =	sadd.s32 @!p0 s6, s11  }
0x2b3: {  	s14 =	simm.s32 @!p0 $0x13E00;
	[sflag:s25] =	ssyncset.done $0x0;
	s11 =	sshrl.u32 @!p0 s11, $0x3  }
0x2b4: {  	s10 =	smul.u32 @!p0 $0xA0, s10;
	[sflag:s25] =	ssyncadd.s32 $0xFFFFFB00;
	s11 =	sadd.s32 @!p0 s3, s11  }
0x2b5: {  	[tilespmem:s14], [sflag:$0x1] =	stream.linear.gather @!p0 [hbm4b:s11+s12], $0x2800, $0x38;
	[tilespmem:$0x1A200] =	vst v63  }
.Ltmp26:
0x2b6: {  	s11 =	sadd.s32 @!p0 s4, s10;
	s14 =	simm.s32 @!p0 $0x18E00;
	(pc) =	sbr.rel .LBB2_25-.Ltmp26, $4  }
0x2b7: {  	[tilespmem:s14], [sflag:$0x1] =	stream.linear.gather @!p0 [hbm4b:s11+s12], $0x500, $0x38;
	[tilespmem:$0x1A200] =	vst v63  }
0x2b8: {  	s10 =	sadd.s32 @!p0 s5, s10;
	s11 =	simm.s32 @!p0 $0x19800  }
0x2b9: {  	[tilespmem:s11], [sflag:$0x1] =	stream.linear.gather @!p0 [hbm4b:s10+s12], $0x500, $0x38;
	[tilespmem:$0x1A200] =	vst v63  }
0x2ba: {  	s10 =	simm.s32 $0x0  }
.LBB2_43:
0x2bb: {  	s10 =	sadd.s32 $0x1, s10  }
0x2bc: {  	p0 =	sne.s32 s10, $0xA  }
.Ltmp27:
0x2bd: {  	_ = 	snop;
	(pc) =	sbr.rel @!p0 .LBB2_44-.Ltmp27, $1  }
0x2be: {  	_ =	sdelay $0x3  }
.LBB2_25:
0x2bf: {  	s11 =	sshll.u32 s10, $0x7  }
0x2c0: {  	v5 =	vld [tilespmem:s11+$0x19300];
	_ =	sdelay $0x1  }
0x2c1: {  	v17 =	vld [tilespmem:s11+$0x19D00];
	_ =	sdelay $0x2  }
0x2c2: {  	s12 =	sshll.u32 s10, $0xA  }
0x2c3: {  	s12 =	sand.u32 $0x3FFFFC00, s12  }
0x2c4: {  	v6 =	vld.idx.msk [tilespmem:v2+s12+$0x0 ss:$0x1], $0xffff  }
0x2c5: {  	v3 =	vld.idx.msk [tilespmem:v5+s2+$0x0], $0xffff;
	_ =	sdelay $0x1  }
0x2c6: {  	v8 =	vld.idx.msk [tilespmem:v17+s31+$0x0], $0xffff  }
0x2c7: {  	v7 =	vld [tilespmem:s11+$0x19D10]  }
0x2c8: {  	v9 =	vld [tilespmem:s11+$0x19310]  }
0x2c9: {  	v4 =	vld [tilespmem:s11+$0x19D20];
	v19 =	vadd.f32 v6, v3  }
0x2ca: {  	v10 =	vld [tilespmem:s11+$0x19320]  }
0x2cb: {  	v23 =	vld [tilespmem:s11+$0x19330];
	v6 =	vmax.f32 v8, v19  }
0x2cc: {  	v3 =	vld [tilespmem:s11+$0x19D30];
	[tilespmem:v17+s31+$0x0] =	vst.idx.msk $0xffff, v6  }
0x2cd: {  	v6 =	vld.idx.msk [tilespmem:v5+s21+$0x0], $0xffff  }
0x2ce: {  	v8 =	vld.idx.msk [tilespmem:v2+s12+$0x80 ss:$0x1], $0xffff;
	_ =	sdelay $0x1  }
0x2cf: {  	v11 =	vld.idx.msk [tilespmem:v17+s1+$0x0], $0xffff;
	_ =	sdelay $0x2  }
0x2d0: {  	v20 =	vadd.f32 v8, v6;
	_ =	sdelay $0x1  }
0x2d1: {  	v6 =	vmax.f32 v11, v20  }
0x2d2: {  	[tilespmem:v17+s1+$0x0] =	vst.idx.msk $0xffff, v6  }
0x2d3: {  	v6 =	vld.idx.msk [tilespmem:v5+s22+$0x0], $0xffff  }
0x2d4: {  	v8 =	vld.idx.msk [tilespmem:v2+s12+$0x100 ss:$0x1], $0xffff;
	_ =	sdelay $0x1  }
0x2d5: {  	v11 =	vld.idx.msk [tilespmem:v17+s0+$0x0], $0xffff;
	_ =	sdelay $0x2  }
0x2d6: {  	v21 =	vadd.f32 v8, v6;
	_ =	sdelay $0x1  }
0x2d7: {  	v6 =	vmax.f32 v11, v21  }
0x2d8: {  	[tilespmem:v17+s0+$0x0] =	vst.idx.msk $0xffff, v6  }
0x2d9: {  	v5 =	vld.idx.msk [tilespmem:v5+s23+$0x0], $0xffff  }
0x2da: {  	v6 =	vld.idx.msk [tilespmem:v2+s12+$0x180 ss:$0x1], $0xffff;
	_ =	sdelay $0x1  }
0x2db: {  	v8 =	vld.idx.msk [tilespmem:v17+s24+$0x0], $0xffff;
	_ =	sdelay $0x2  }
0x2dc: {  	v22 =	vadd.f32 v6, v5;
	_ =	sdelay $0x1  }
0x2dd: {  	v5 =	vmax.f32 v8, v22  }
0x2de: {  	[tilespmem:v17+s24+$0x0] =	vst.idx.msk $0xffff, v5  }
0x2df: {  	v5 =	vld.idx.msk [tilespmem:v9+s2+$0x0], $0xffff  }
0x2e0: {  	v6 =	vld.idx.msk [tilespmem:v2+s12+$0x10 ss:$0x1], $0xffff;
	_ =	sdelay $0x1  }
0x2e1: {  	v8 =	vld.idx.msk [tilespmem:v7+s31+$0x0], $0xffff;
	_ =	sdelay $0x2  }
0x2e2: {  	v14 =	vadd.f32 v6, v5;
	_ =	sdelay $0x1  }
0x2e3: {  	v5 =	vmax.f32 v8, v14  }
0x2e4: {  	[tilespmem:v7+s31+$0x0] =	vst.idx.msk $0xffff, v5  }
0x2e5: {  	v5 =	vld.idx.msk [tilespmem:v9+s21+$0x0], $0xffff  }
0x2e6: {  	v6 =	vld.idx.msk [tilespmem:v2+s12+$0x90 ss:$0x1], $0xffff;
	_ =	sdelay $0x1  }
0x2e7: {  	v8 =	vld.idx.msk [tilespmem:v7+s1+$0x0], $0xffff;
	_ =	sdelay $0x2  }
0x2e8: {  	v15 =	vadd.f32 v6, v5;
	_ =	sdelay $0x1  }
0x2e9: {  	v5 =	vmax.f32 v8, v15  }
0x2ea: {  	[tilespmem:v7+s1+$0x0] =	vst.idx.msk $0xffff, v5  }
0x2eb: {  	v5 =	vld.idx.msk [tilespmem:v9+s22+$0x0], $0xffff  }
0x2ec: {  	v6 =	vld.idx.msk [tilespmem:v2+s12+$0x110 ss:$0x1], $0xffff;
	_ =	sdelay $0x1  }
0x2ed: {  	v8 =	vld.idx.msk [tilespmem:v7+s0+$0x0], $0xffff;
	_ =	sdelay $0x2  }
0x2ee: {  	v16 =	vadd.f32 v6, v5;
	_ =	sdelay $0x1  }
0x2ef: {  	v5 =	vmax.f32 v8, v16  }
0x2f0: {  	[tilespmem:v7+s0+$0x0] =	vst.idx.msk $0xffff, v5  }
0x2f1: {  	v5 =	vld.idx.msk [tilespmem:v9+s23+$0x0], $0xffff  }
0x2f2: {  	v6 =	vld.idx.msk [tilespmem:v2+s12+$0x190 ss:$0x1], $0xffff;
	_ =	sdelay $0x1  }
0x2f3: {  	v8 =	vld.idx.msk [tilespmem:v7+s24+$0x0], $0xffff;
	_ =	sdelay $0x2  }
0x2f4: {  	v18 =	vadd.f32 v6, v5;
	_ =	sdelay $0x1  }
0x2f5: {  	v5 =	vmax.f32 v8, v18  }
0x2f6: {  	[tilespmem:v7+s24+$0x0] =	vst.idx.msk $0xffff, v5  }
0x2f7: {  	v5 =	vld.idx.msk [tilespmem:v10+s2+$0x0], $0xffff  }
0x2f8: {  	v6 =	vld.idx.msk [tilespmem:v2+s12+$0x20 ss:$0x1], $0xffff;
	_ =	sdelay $0x1  }
0x2f9: {  	v8 =	vld.idx.msk [tilespmem:v4+s31+$0x0], $0xffff;
	_ =	sdelay $0x2  }
0x2fa: {  	v9 =	vadd.f32 v6, v5;
	_ =	sdelay $0x1  }
0x2fb: {  	v5 =	vmax.f32 v8, v9  }
0x2fc: {  	[tilespmem:v4+s31+$0x0] =	vst.idx.msk $0xffff, v5  }
0x2fd: {  	v5 =	vld.idx.msk [tilespmem:v10+s21+$0x0], $0xffff  }
0x2fe: {  	v6 =	vld.idx.msk [tilespmem:v2+s12+$0xA0 ss:$0x1], $0xffff;
	_ =	sdelay $0x1  }
0x2ff: {  	v8 =	vld.idx.msk [tilespmem:v4+s1+$0x0], $0xffff;
	_ =	sdelay $0x2  }
0x300: {  	v11 =	vadd.f32 v6, v5;
	_ =	sdelay $0x1  }
0x301: {  	v5 =	vmax.f32 v8, v11  }
0x302: {  	[tilespmem:v4+s1+$0x0] =	vst.idx.msk $0xffff, v5  }
0x303: {  	v5 =	vld.idx.msk [tilespmem:v10+s22+$0x0], $0xffff  }
0x304: {  	v6 =	vld.idx.msk [tilespmem:v2+s12+$0x120 ss:$0x1], $0xffff;
	_ =	sdelay $0x1  }
0x305: {  	v8 =	vld.idx.msk [tilespmem:v4+s0+$0x0], $0xffff;
	_ =	sdelay $0x2  }
0x306: {  	v12 =	vadd.f32 v6, v5;
	_ =	sdelay $0x1  }
0x307: {  	v5 =	vmax.f32 v8, v12  }
0x308: {  	[tilespmem:v4+s0+$0x0] =	vst.idx.msk $0xffff, v5  }
0x309: {  	v5 =	vld.idx.msk [tilespmem:v10+s23+$0x0], $0xffff  }
0x30a: {  	v6 =	vld.idx.msk [tilespmem:v2+s12+$0x1A0 ss:$0x1], $0xffff;
	_ =	sdelay $0x1  }
0x30b: {  	(xrf1) =	vunique.msk.u32 $0xffff, v17;
	v8 =	vld.idx.msk [tilespmem:v4+s24+$0x0], $0xffff;
	_ =	sdelay $0x2  }
0x30c: {  	v13 =	vadd.f32 v6, v5  }
0x30d: {  	(xrf1) =	vunique.msk.u32 $0xffff, v7  }
0x30e: {  	(xrf1) =	vunique.msk.u32 $0xffff, v4;
	v5 =	vmax.f32 v8, v13  }
0x30f: {  	(xrf1) =	vunique.msk.u32 $0xffff, v3;
	[tilespmem:v4+s24+$0x0] =	vst.idx.msk $0xffff, v5  }
0x310: {  	v5 =	vld.idx.msk [tilespmem:v23+s2+$0x0], $0xffff  }
0x311: {  	v6 =	vld.idx.msk [tilespmem:v2+s12+$0x30 ss:$0x1], $0xffff;
	_ =	sdelay $0x1  }
0x312: {  	v8 =	vld.idx.msk [tilespmem:v3+s31+$0x0], $0xffff;
	_ =	sdelay $0x2  }
0x313: {  	v5 =	vadd.f32 v6, v5  }
0x314: {  	_, v6, vm0 =	vpop (xrf1)  }
0x315: {  	v6 =	vmax.f32 v8, v5;
	_ =	sdelay $0x2  }
0x316: {  	_, v8, vm1 =	vpop (xrf1)  }
0x317: {  	[tilespmem:v3+s31+$0x0] =	vst.idx.msk $0xffff, v6;
	_, v6, vm2 =	vpop (xrf1)  }
0x318: {  	v6 =	vld.idx.msk [tilespmem:v23+s21+$0x0], $0xffff;
	_, v8, vm15 =	vpop (xrf1)  }
0x319: {  	vm0 =	vmand vm0, vm1;
	v8 =	vld.idx.msk [tilespmem:v2+s12+$0xB0 ss:$0x1], $0xffff  }
0x31a: {  	vm0 =	vmand vm0, vm2  }
0x31b: {  	v24 =	vld.idx.msk [tilespmem:v3+s1+$0x0], $0xffff;
	vm0 =	vmand vm0, vm15  }
0x31c: {  	v10 =	vsel vm0, $0x3F800000, v0  }
0x31d: {  	(xrf0) =	vmin.scan.msk.f32 $0xffff, v10  }
0x31e: {  	v6 =	vadd.f32 v8, v6;
	_ =	sdelay $0x1  }
0x31f: {  	v8 =	vmax.f32 v24, v6;
	_ =	sdelay $0x2  }
0x320: {  	[tilespmem:v3+s1+$0x0] =	vst.idx.msk $0xffff, v8;
	v8, _, _ =	vpop (xrf0)  }
0x321: {  	(v2sf) =	vpush v8, $0xF;
	_ =	sdelay $0x1  }
0x322: {  	v10 =	vld.idx.msk [tilespmem:v23+s22+$0x0], $0xffff  }
0x323: {  	v8 =	vld.idx.msk [tilespmem:v2+s12+$0x130 ss:$0x1], $0xffff;
	_ =	sdelay $0x1  }
0x324: {  	v62 =	vld.idx.msk [tilespmem:v3+s0+$0x0], $0xffff;
	_ =	sdelay $0x2  }
0x325: {  	v8 =	vadd.f32 v8, v10;
	_ =	sdelay $0x1  }
0x326: {  	v10 =	vmax.f32 v62, v8  }
0x327: {  	[tilespmem:v3+s0+$0x0] =	vst.idx.msk $0xffff, v10  }
0x328: {  	v10 =	vld.idx.msk [tilespmem:v23+s23+$0x0], $0xffff  }
0x329: {  	v23 =	vld.idx.msk [tilespmem:v2+s12+$0x1B0 ss:$0x1], $0xffff;
	_ =	sdelay $0x1  }
0x32a: {  	v63 =	vld.idx.msk [tilespmem:v3+s24+$0x0], $0xffff;
	s14 =	spop (v2sf)  }
0x32b: {  	p0 =	sgt.f32 s14, $0.0e+00  }
.Ltmp28:
0x32c: {  	_ = 	snop;
	(pc) =	sbr.rel @p0 .LBB2_34-.Ltmp28, $3  }
0x32d: {  	v10 =	vadd.f32 v23, v10;
	_ =	sdelay $0x1  }
0x32e: {  	v23 =	vmax.f32 v63, v10  }
0x32f: {  	s12 =	sadd.s32 s12, s20;
	[tilespmem:v3+s24+$0x0] =	vst.idx.msk $0xffff, v23  }
0x330: {  	_ =	sdelay $0x3  }
0x331: {  	v23 =	vld.idx.msk [tilespmem:v17+s31+$0x0], $0xffff  }
0x332: {  	v24 =	vld.idx.msk [tilespmem:v17+s1+$0x0], $0xffff  }
0x333: {  	v25 =	vld.idx.msk [tilespmem:v17+s0+$0x0], $0xffff  }
0x334: {  	v26 =	vld.idx.msk [tilespmem:v17+s24+$0x0], $0xffff;
	_ =	sdelay $0x2  }
0x335: {  	vm0 =	vlt.f32 v23, v19;
	vm1 =	vlt.f32 v24, v20  }
0x336: {  	vm0 =	vmor vm0, vm1;
	vm1 =	vlt.f32 v25, v21  }
0x337: {  	vm0 =	vmor vm0, vm1;
	vm1 =	vlt.f32 v26, v22  }
0x338: {  	vm0 =	vmor vm0, vm1  }
0x339: {  	v23 =	vsel vm0, $0x3F800000, v0  }
0x33a: {  	(xrf0) =	vmax.scan.msk.f32 $0xffff, v23;
	_ =	sdelay $0x5  }
0x33b: {  	v23, _, _ =	vpop (xrf0)  }
0x33c: {  	(v2sf) =	vpush v23, $0xF;
	_ =	sdelay $0xe  }
0x33d: {  	s14 =	spop (v2sf)  }
0x33e: {  	p0 =	sgt.f32 s14, $0.0e+00  }
.Ltmp29:
0x33f: {  	_ = 	snop;
	(pc) =	sbr.rel @!p0 .LBB2_28-.Ltmp29, $1  }
0x340: {  	_ =	sdelay $0x3  }
.LBB2_27:
0x341: {  	v23 =	vld.idx.msk [tilespmem:v17+s31+$0x0], $0xffff;
	_ =	sdelay $0x4  }
0x342: {  	v23 =	vmax.f32 v23, v19  }
0x343: {  	[tilespmem:v17+s31+$0x0] =	vst.idx.msk vm0, v23  }
0x344: {  	v23 =	vld.idx.msk [tilespmem:v17+s1+$0x0], $0xffff;
	_ =	sdelay $0x4  }
0x345: {  	v23 =	vmax.f32 v23, v20  }
0x346: {  	[tilespmem:v17+s1+$0x0] =	vst.idx.msk vm0, v23  }
0x347: {  	v23 =	vld.idx.msk [tilespmem:v17+s0+$0x0], $0xffff;
	_ =	sdelay $0x4  }
0x348: {  	v23 =	vmax.f32 v23, v21  }
0x349: {  	[tilespmem:v17+s0+$0x0] =	vst.idx.msk vm0, v23  }
0x34a: {  	v23 =	vld.idx.msk [tilespmem:v17+s24+$0x0], $0xffff;
	_ =	sdelay $0x4  }
0x34b: {  	v23 =	vmax.f32 v23, v22  }
0x34c: {  	[tilespmem:v17+s24+$0x0] =	vst.idx.msk vm0, v23  }
0x34d: {  	v23 =	vld.idx.msk [tilespmem:v17+s31+$0x0], $0xffff  }
0x34e: {  	v24 =	vld.idx.msk [tilespmem:v17+s1+$0x0], $0xffff  }
0x34f: {  	v25 =	vld.idx.msk [tilespmem:v17+s0+$0x0], $0xffff  }
0x350: {  	v26 =	vld.idx.msk [tilespmem:v17+s24+$0x0], $0xffff;
	_ =	sdelay $0x2  }
0x351: {  	vm0 =	vlt.f32 v23, v19;
	vm1 =	vlt.f32 v24, v20  }
0x352: {  	vm0 =	vmor vm0, vm1;
	vm1 =	vlt.f32 v25, v21  }
0x353: {  	vm0 =	vmor vm0, vm1;
	vm1 =	vlt.f32 v26, v22  }
0x354: {  	vm0 =	vmor vm0, vm1  }
0x355: {  	v23 =	vsel vm0, $0x3F800000, v0  }
0x356: {  	(xrf0) =	vmax.scan.msk.f32 $0xffff, v23;
	_ =	sdelay $0x5  }
0x357: {  	v23, _, _ =	vpop (xrf0)  }
0x358: {  	(v2sf) =	vpush v23, $0xF;
	_ =	sdelay $0xe  }
0x359: {  	s14 =	spop (v2sf)  }
0x35a: {  	p0 =	sgt.f32 s14, $0.0e+00  }
.Ltmp30:
0x35b: {  	_ = 	snop;
	(pc) =	sbr.rel @p0 .LBB2_27-.Ltmp30, $1  }
0x35c: {  	_ =	sdelay $0x3  }
.LBB2_28:
0x35d: {  	_ =	sdelay $0x3  }
0x35e: {  	v17 =	vld.idx.msk [tilespmem:v7+s31+$0x0], $0xffff  }
0x35f: {  	v19 =	vld.idx.msk [tilespmem:v7+s1+$0x0], $0xffff  }
0x360: {  	v20 =	vld.idx.msk [tilespmem:v7+s0+$0x0], $0xffff  }
0x361: {  	v21 =	vld.idx.msk [tilespmem:v7+s24+$0x0], $0xffff;
	_ =	sdelay $0x2  }
0x362: {  	vm0 =	vlt.f32 v17, v14;
	vm1 =	vlt.f32 v19, v15  }
0x363: {  	vm0 =	vmor vm0, vm1;
	vm1 =	vlt.f32 v20, v16  }
0x364: {  	vm0 =	vmor vm0, vm1;
	vm1 =	vlt.f32 v21, v18  }
0x365: {  	vm0 =	vmor vm0, vm1  }
0x366: {  	v17 =	vsel vm0, $0x3F800000, v0  }
0x367: {  	(xrf0) =	vmax.scan.msk.f32 $0xffff, v17;
	_ =	sdelay $0x5  }
0x368: {  	v17, _, _ =	vpop (xrf0)  }
0x369: {  	(v2sf) =	vpush v17, $0xF;
	_ =	sdelay $0xe  }
0x36a: {  	s14 =	spop (v2sf)  }
0x36b: {  	p0 =	sgt.f32 s14, $0.0e+00  }
.Ltmp31:
0x36c: {  	_ = 	snop;
	(pc) =	sbr.rel @!p0 .LBB2_30-.Ltmp31, $1  }
0x36d: {  	_ =	sdelay $0x3  }
.LBB2_29:
0x36e: {  	v17 =	vld.idx.msk [tilespmem:v7+s31+$0x0], $0xffff;
	_ =	sdelay $0x4  }
0x36f: {  	v17 =	vmax.f32 v17, v14  }
0x370: {  	[tilespmem:v7+s31+$0x0] =	vst.idx.msk vm0, v17  }
0x371: {  	v17 =	vld.idx.msk [tilespmem:v7+s1+$0x0], $0xffff;
	_ =	sdelay $0x4  }
0x372: {  	v17 =	vmax.f32 v17, v15  }
0x373: {  	[tilespmem:v7+s1+$0x0] =	vst.idx.msk vm0, v17  }
0x374: {  	v17 =	vld.idx.msk [tilespmem:v7+s0+$0x0], $0xffff;
	_ =	sdelay $0x4  }
0x375: {  	v17 =	vmax.f32 v17, v16  }
0x376: {  	[tilespmem:v7+s0+$0x0] =	vst.idx.msk vm0, v17  }
0x377: {  	v17 =	vld.idx.msk [tilespmem:v7+s24+$0x0], $0xffff;
	_ =	sdelay $0x4  }
0x378: {  	v17 =	vmax.f32 v17, v18  }
0x379: {  	[tilespmem:v7+s24+$0x0] =	vst.idx.msk vm0, v17  }
0x37a: {  	v17 =	vld.idx.msk [tilespmem:v7+s31+$0x0], $0xffff  }
0x37b: {  	v19 =	vld.idx.msk [tilespmem:v7+s1+$0x0], $0xffff  }
0x37c: {  	v20 =	vld.idx.msk [tilespmem:v7+s0+$0x0], $0xffff  }
0x37d: {  	v21 =	vld.idx.msk [tilespmem:v7+s24+$0x0], $0xffff;
	_ =	sdelay $0x2  }
0x37e: {  	vm0 =	vlt.f32 v17, v14;
	vm1 =	vlt.f32 v19, v15  }
0x37f: {  	vm0 =	vmor vm0, vm1;
	vm1 =	vlt.f32 v20, v16  }
0x380: {  	vm0 =	vmor vm0, vm1;
	vm1 =	vlt.f32 v21, v18  }
0x381: {  	vm0 =	vmor vm0, vm1  }
0x382: {  	v17 =	vsel vm0, $0x3F800000, v0  }
0x383: {  	(xrf0) =	vmax.scan.msk.f32 $0xffff, v17;
	_ =	sdelay $0x5  }
0x384: {  	v17, _, _ =	vpop (xrf0)  }
0x385: {  	(v2sf) =	vpush v17, $0xF;
	_ =	sdelay $0xe  }
0x386: {  	s14 =	spop (v2sf)  }
0x387: {  	p0 =	sgt.f32 s14, $0.0e+00  }
.Ltmp32:
0x388: {  	_ = 	snop;
	(pc) =	sbr.rel @p0 .LBB2_29-.Ltmp32, $1  }
0x389: {  	_ =	sdelay $0x3  }
.LBB2_30:
0x38a: {  	_ =	sdelay $0x3  }
0x38b: {  	v7 =	vld.idx.msk [tilespmem:v4+s31+$0x0], $0xffff  }
0x38c: {  	v14 =	vld.idx.msk [tilespmem:v4+s1+$0x0], $0xffff  }
0x38d: {  	v15 =	vld.idx.msk [tilespmem:v4+s0+$0x0], $0xffff  }
0x38e: {  	v16 =	vld.idx.msk [tilespmem:v4+s24+$0x0], $0xffff;
	_ =	sdelay $0x2  }
0x38f: {  	vm0 =	vlt.f32 v7, v9;
	vm1 =	vlt.f32 v14, v11  }
0x390: {  	vm0 =	vmor vm0, vm1;
	vm1 =	vlt.f32 v15, v12  }
0x391: {  	vm0 =	vmor vm0, vm1;
	vm1 =	vlt.f32 v16, v13  }
0x392: {  	vm0 =	vmor vm0, vm1  }
0x393: {  	v7 =	vsel vm0, $0x3F800000, v0  }
0x394: {  	(xrf0) =	vmax.scan.msk.f32 $0xffff, v7;
	_ =	sdelay $0x5  }
0x395: {  	v7, _, _ =	vpop (xrf0)  }
0x396: {  	(v2sf) =	vpush v7, $0xF;
	_ =	sdelay $0xe  }
0x397: {  	s14 =	spop (v2sf)  }
0x398: {  	p0 =	sgt.f32 s14, $0.0e+00  }
.Ltmp33:
0x399: {  	_ = 	snop;
	(pc) =	sbr.rel @!p0 .LBB2_32-.Ltmp33, $1  }
0x39a: {  	_ =	sdelay $0x3  }
.LBB2_31:
0x39b: {  	v7 =	vld.idx.msk [tilespmem:v4+s31+$0x0], $0xffff;
	_ =	sdelay $0x4  }
0x39c: {  	v7 =	vmax.f32 v7, v9  }
0x39d: {  	[tilespmem:v4+s31+$0x0] =	vst.idx.msk vm0, v7  }
0x39e: {  	v7 =	vld.idx.msk [tilespmem:v4+s1+$0x0], $0xffff;
	_ =	sdelay $0x4  }
0x39f: {  	v7 =	vmax.f32 v7, v11  }
0x3a0: {  	[tilespmem:v4+s1+$0x0] =	vst.idx.msk vm0, v7  }
0x3a1: {  	v7 =	vld.idx.msk [tilespmem:v4+s0+$0x0], $0xffff;
	_ =	sdelay $0x4  }
0x3a2: {  	v7 =	vmax.f32 v7, v12  }
0x3a3: {  	[tilespmem:v4+s0+$0x0] =	vst.idx.msk vm0, v7  }
0x3a4: {  	v7 =	vld.idx.msk [tilespmem:v4+s24+$0x0], $0xffff;
	_ =	sdelay $0x4  }
0x3a5: {  	v7 =	vmax.f32 v7, v13  }
0x3a6: {  	[tilespmem:v4+s24+$0x0] =	vst.idx.msk vm0, v7  }
0x3a7: {  	v7 =	vld.idx.msk [tilespmem:v4+s31+$0x0], $0xffff  }
0x3a8: {  	v14 =	vld.idx.msk [tilespmem:v4+s1+$0x0], $0xffff  }
0x3a9: {  	v15 =	vld.idx.msk [tilespmem:v4+s0+$0x0], $0xffff  }
0x3aa: {  	v16 =	vld.idx.msk [tilespmem:v4+s24+$0x0], $0xffff;
	_ =	sdelay $0x2  }
0x3ab: {  	vm0 =	vlt.f32 v7, v9;
	vm1 =	vlt.f32 v14, v11  }
0x3ac: {  	vm0 =	vmor vm0, vm1;
	vm1 =	vlt.f32 v15, v12  }
0x3ad: {  	vm0 =	vmor vm0, vm1;
	vm1 =	vlt.f32 v16, v13  }
0x3ae: {  	vm0 =	vmor vm0, vm1  }
0x3af: {  	v7 =	vsel vm0, $0x3F800000, v0  }
0x3b0: {  	(xrf0) =	vmax.scan.msk.f32 $0xffff, v7;
	_ =	sdelay $0x5  }
0x3b1: {  	v7, _, _ =	vpop (xrf0)  }
0x3b2: {  	(v2sf) =	vpush v7, $0xF;
	_ =	sdelay $0xe  }
0x3b3: {  	s14 =	spop (v2sf)  }
0x3b4: {  	p0 =	sgt.f32 s14, $0.0e+00  }
.Ltmp34:
0x3b5: {  	_ = 	snop;
	(pc) =	sbr.rel @p0 .LBB2_31-.Ltmp34, $1  }
0x3b6: {  	_ =	sdelay $0x3  }
.LBB2_32:
0x3b7: {  	_ =	sdelay $0x3  }
0x3b8: {  	v4 =	vld.idx.msk [tilespmem:v3+s31+$0x0], $0xffff  }
0x3b9: {  	v7 =	vld.idx.msk [tilespmem:v3+s1+$0x0], $0xffff  }
0x3ba: {  	v9 =	vld.idx.msk [tilespmem:v3+s0+$0x0], $0xffff  }
0x3bb: {  	v11 =	vld.idx.msk [tilespmem:v3+s24+$0x0], $0xffff;
	_ =	sdelay $0x2  }
0x3bc: {  	vm0 =	vlt.f32 v4, v5;
	vm1 =	vlt.f32 v7, v6  }
0x3bd: {  	vm0 =	vmor vm0, vm1;
	vm1 =	vlt.f32 v9, v8  }
0x3be: {  	vm0 =	vmor vm0, vm1;
	vm1 =	vlt.f32 v11, v10  }
0x3bf: {  	vm0 =	vmor vm0, vm1  }
0x3c0: {  	v4 =	vsel vm0, $0x3F800000, v0  }
0x3c1: {  	(xrf0) =	vmax.scan.msk.f32 $0xffff, v4;
	_ =	sdelay $0x5  }
0x3c2: {  	v4, _, _ =	vpop (xrf0)  }
0x3c3: {  	(v2sf) =	vpush v4, $0xF;
	_ =	sdelay $0xe  }
0x3c4: {  	s14 =	spop (v2sf)  }
0x3c5: {  	p0 =	sgt.f32 s14, $0.0e+00  }
.Ltmp35:
0x3c6: {  	_ = 	snop;
	(pc) =	sbr.rel @!p0 .LBB2_34-.Ltmp35, $1  }
0x3c7: {  	_ =	sdelay $0x3  }
.LBB2_33:
0x3c8: {  	v4 =	vld.idx.msk [tilespmem:v3+s31+$0x0], $0xffff;
	_ =	sdelay $0x4  }
0x3c9: {  	v4 =	vmax.f32 v4, v5  }
0x3ca: {  	[tilespmem:v3+s31+$0x0] =	vst.idx.msk vm0, v4  }
0x3cb: {  	v4 =	vld.idx.msk [tilespmem:v3+s1+$0x0], $0xffff;
	_ =	sdelay $0x4  }
0x3cc: {  	v4 =	vmax.f32 v4, v6  }
0x3cd: {  	[tilespmem:v3+s1+$0x0] =	vst.idx.msk vm0, v4  }
0x3ce: {  	v4 =	vld.idx.msk [tilespmem:v3+s0+$0x0], $0xffff;
	_ =	sdelay $0x4  }
0x3cf: {  	v4 =	vmax.f32 v4, v8  }
0x3d0: {  	[tilespmem:v3+s0+$0x0] =	vst.idx.msk vm0, v4  }
0x3d1: {  	v4 =	vld.idx.msk [tilespmem:v3+s24+$0x0], $0xffff;
	_ =	sdelay $0x4  }
0x3d2: {  	v4 =	vmax.f32 v4, v10  }
0x3d3: {  	[tilespmem:v3+s24+$0x0] =	vst.idx.msk vm0, v4  }
0x3d4: {  	v4 =	vld.idx.msk [tilespmem:v3+s31+$0x0], $0xffff  }
0x3d5: {  	v7 =	vld.idx.msk [tilespmem:v3+s1+$0x0], $0xffff  }
0x3d6: {  	v9 =	vld.idx.msk [tilespmem:v3+s0+$0x0], $0xffff  }
0x3d7: {  	v11 =	vld.idx.msk [tilespmem:v3+s24+$0x0], $0xffff;
	_ =	sdelay $0x2  }
0x3d8: {  	vm0 =	vlt.f32 v4, v5;
	vm1 =	vlt.f32 v7, v6  }
0x3d9: {  	vm0 =	vmor vm0, vm1;
	vm1 =	vlt.f32 v9, v8  }
0x3da: {  	vm0 =	vmor vm0, vm1;
	vm1 =	vlt.f32 v11, v10  }
0x3db: {  	vm0 =	vmor vm0, vm1  }
0x3dc: {  	v4 =	vsel vm0, $0x3F800000, v0  }
0x3dd: {  	(xrf0) =	vmax.scan.msk.f32 $0xffff, v4;
	_ =	sdelay $0x5  }
0x3de: {  	v4, _, _ =	vpop (xrf0)  }
0x3df: {  	(v2sf) =	vpush v4, $0xF;
	_ =	sdelay $0xe  }
0x3e0: {  	s14 =	spop (v2sf)  }
0x3e1: {  	p0 =	sgt.f32 s14, $0.0e+00  }
.Ltmp36:
0x3e2: {  	_ = 	snop;
	(pc) =	sbr.rel @p0 .LBB2_33-.Ltmp36, $1  }
0x3e3: {  	_ =	sdelay $0x3  }
.LBB2_34:
0x3e4: {  	v5 =	vld [tilespmem:s11+$0x19340];
	_ =	sdelay $0x1  }
0x3e5: {  	v17 =	vld [tilespmem:s11+$0x19D40];
	_ =	sdelay $0x4  }
0x3e6: {  	v6 =	vld [tilespmem:s12+$0x40]  }
0x3e7: {  	v3 =	vld.idx.msk [tilespmem:v5+s2+$0x0], $0xffff;
	_ =	sdelay $0x1  }
0x3e8: {  	v8 =	vld.idx.msk [tilespmem:v17+s31+$0x0], $0xffff  }
0x3e9: {  	v7 =	vld [tilespmem:s11+$0x19D50]  }
0x3ea: {  	v9 =	vld [tilespmem:s11+$0x19350]  }
0x3eb: {  	v4 =	vld [tilespmem:s11+$0x19D60];
	v19 =	vadd.f32 v6, v3  }
0x3ec: {  	v10 =	vld [tilespmem:s11+$0x19360]  }
0x3ed: {  	v23 =	vld [tilespmem:s11+$0x19370];
	v6 =	vmax.f32 v8, v19  }
0x3ee: {  	v3 =	vld [tilespmem:s11+$0x19D70];
	[tilespmem:v17+s31+$0x0] =	vst.idx.msk $0xffff, v6  }
0x3ef: {  	v6 =	vld.idx.msk [tilespmem:v5+s21+$0x0], $0xffff  }
0x3f0: {  	v8 =	vld [tilespmem:s12+$0xC0];
	_ =	sdelay $0x1  }
0x3f1: {  	v11 =	vld.idx.msk [tilespmem:v17+s1+$0x0], $0xffff;
	_ =	sdelay $0x2  }
0x3f2: {  	v20 =	vadd.f32 v8, v6;
	_ =	sdelay $0x1  }
0x3f3: {  	v6 =	vmax.f32 v11, v20  }
0x3f4: {  	[tilespmem:v17+s1+$0x0] =	vst.idx.msk $0xffff, v6  }
0x3f5: {  	v6 =	vld.idx.msk [tilespmem:v5+s22+$0x0], $0xffff  }
0x3f6: {  	v8 =	vld [tilespmem:s12+$0x140];
	_ =	sdelay $0x1  }
0x3f7: {  	v11 =	vld.idx.msk [tilespmem:v17+s0+$0x0], $0xffff;
	_ =	sdelay $0x2  }
0x3f8: {  	v21 =	vadd.f32 v8, v6;
	_ =	sdelay $0x1  }
0x3f9: {  	v6 =	vmax.f32 v11, v21  }
0x3fa: {  	[tilespmem:v17+s0+$0x0] =	vst.idx.msk $0xffff, v6  }
0x3fb: {  	v5 =	vld.idx.msk [tilespmem:v5+s23+$0x0], $0xffff  }
0x3fc: {  	v6 =	vld [tilespmem:s12+$0x1C0];
	_ =	sdelay $0x1  }
0x3fd: {  	v8 =	vld.idx.msk [tilespmem:v17+s24+$0x0], $0xffff;
	_ =	sdelay $0x2  }
0x3fe: {  	v22 =	vadd.f32 v6, v5;
	_ =	sdelay $0x1  }
0x3ff: {  	v5 =	vmax.f32 v8, v22  }
0x400: {  	[tilespmem:v17+s24+$0x0] =	vst.idx.msk $0xffff, v5  }
0x401: {  	v5 =	vld.idx.msk [tilespmem:v9+s2+$0x0], $0xffff  }
0x402: {  	v6 =	vld [tilespmem:s12+$0x50];
	_ =	sdelay $0x1  }
0x403: {  	v8 =	vld.idx.msk [tilespmem:v7+s31+$0x0], $0xffff;
	_ =	sdelay $0x2  }
0x404: {  	v14 =	vadd.f32 v6, v5;
	_ =	sdelay $0x1  }
0x405: {  	v5 =	vmax.f32 v8, v14  }
0x406: {  	[tilespmem:v7+s31+$0x0] =	vst.idx.msk $0xffff, v5  }
0x407: {  	v5 =	vld.idx.msk [tilespmem:v9+s21+$0x0], $0xffff  }
0x408: {  	v6 =	vld [tilespmem:s12+$0xD0];
	_ =	sdelay $0x1  }
0x409: {  	v8 =	vld.idx.msk [tilespmem:v7+s1+$0x0], $0xffff;
	_ =	sdelay $0x2  }
0x40a: {  	v15 =	vadd.f32 v6, v5;
	_ =	sdelay $0x1  }
0x40b: {  	v5 =	vmax.f32 v8, v15  }
0x40c: {  	[tilespmem:v7+s1+$0x0] =	vst.idx.msk $0xffff, v5  }
0x40d: {  	v5 =	vld.idx.msk [tilespmem:v9+s22+$0x0], $0xffff  }
0x40e: {  	v6 =	vld [tilespmem:s12+$0x150];
	_ =	sdelay $0x1  }
0x40f: {  	v8 =	vld.idx.msk [tilespmem:v7+s0+$0x0], $0xffff;
	_ =	sdelay $0x2  }
0x410: {  	v16 =	vadd.f32 v6, v5;
	_ =	sdelay $0x1  }
0x411: {  	v5 =	vmax.f32 v8, v16  }
0x412: {  	[tilespmem:v7+s0+$0x0] =	vst.idx.msk $0xffff, v5  }
0x413: {  	v5 =	vld.idx.msk [tilespmem:v9+s23+$0x0], $0xffff  }
0x414: {  	v6 =	vld [tilespmem:s12+$0x1D0];
	_ =	sdelay $0x1  }
0x415: {  	v8 =	vld.idx.msk [tilespmem:v7+s24+$0x0], $0xffff;
	_ =	sdelay $0x2  }
0x416: {  	v18 =	vadd.f32 v6, v5;
	_ =	sdelay $0x1  }
0x417: {  	v5 =	vmax.f32 v8, v18  }
0x418: {  	[tilespmem:v7+s24+$0x0] =	vst.idx.msk $0xffff, v5  }
0x419: {  	v5 =	vld.idx.msk [tilespmem:v10+s2+$0x0], $0xffff  }
0x41a: {  	v6 =	vld [tilespmem:s12+$0x60];
	_ =	sdelay $0x1  }
0x41b: {  	v8 =	vld.idx.msk [tilespmem:v4+s31+$0x0], $0xffff;
	_ =	sdelay $0x2  }
0x41c: {  	v9 =	vadd.f32 v6, v5;
	_ =	sdelay $0x1  }
0x41d: {  	v5 =	vmax.f32 v8, v9  }
0x41e: {  	[tilespmem:v4+s31+$0x0] =	vst.idx.msk $0xffff, v5  }
0x41f: {  	v5 =	vld.idx.msk [tilespmem:v10+s21+$0x0], $0xffff  }
0x420: {  	v6 =	vld [tilespmem:s12+$0xE0];
	_ =	sdelay $0x1  }
0x421: {  	v8 =	vld.idx.msk [tilespmem:v4+s1+$0x0], $0xffff;
	_ =	sdelay $0x2  }
0x422: {  	v11 =	vadd.f32 v6, v5;
	_ =	sdelay $0x1  }
0x423: {  	v5 =	vmax.f32 v8, v11  }
0x424: {  	[tilespmem:v4+s1+$0x0] =	vst.idx.msk $0xffff, v5  }
0x425: {  	v5 =	vld.idx.msk [tilespmem:v10+s22+$0x0], $0xffff  }
0x426: {  	v6 =	vld [tilespmem:s12+$0x160];
	_ =	sdelay $0x1  }
0x427: {  	v8 =	vld.idx.msk [tilespmem:v4+s0+$0x0], $0xffff;
	_ =	sdelay $0x2  }
0x428: {  	v12 =	vadd.f32 v6, v5;
	_ =	sdelay $0x1  }
0x429: {  	v5 =	vmax.f32 v8, v12  }
0x42a: {  	[tilespmem:v4+s0+$0x0] =	vst.idx.msk $0xffff, v5  }
0x42b: {  	v5 =	vld.idx.msk [tilespmem:v10+s23+$0x0], $0xffff  }
0x42c: {  	v6 =	vld [tilespmem:s12+$0x1E0];
	_ =	sdelay $0x1  }
0x42d: {  	(xrf1) =	vunique.msk.u32 $0xffff, v17;
	v8 =	vld.idx.msk [tilespmem:v4+s24+$0x0], $0xffff;
	_ =	sdelay $0x2  }
0x42e: {  	v13 =	vadd.f32 v6, v5  }
0x42f: {  	(xrf1) =	vunique.msk.u32 $0xffff, v7  }
0x430: {  	(xrf1) =	vunique.msk.u32 $0xffff, v4;
	v5 =	vmax.f32 v8, v13  }
0x431: {  	(xrf1) =	vunique.msk.u32 $0xffff, v3;
	[tilespmem:v4+s24+$0x0] =	vst.idx.msk $0xffff, v5  }
0x432: {  	v5 =	vld.idx.msk [tilespmem:v23+s2+$0x0], $0xffff  }
0x433: {  	v6 =	vld [tilespmem:s12+$0x70];
	_ =	sdelay $0x1  }
0x434: {  	v8 =	vld.idx.msk [tilespmem:v3+s31+$0x0], $0xffff;
	_ =	sdelay $0x2  }
0x435: {  	v5 =	vadd.f32 v6, v5  }
0x436: {  	_, v6, vm0 =	vpop (xrf1)  }
0x437: {  	v6 =	vmax.f32 v8, v5;
	_ =	sdelay $0x2  }
0x438: {  	_, v8, vm1 =	vpop (xrf1)  }
0x439: {  	[tilespmem:v3+s31+$0x0] =	vst.idx.msk $0xffff, v6;
	_, v6, vm2 =	vpop (xrf1)  }
0x43a: {  	v6 =	vld.idx.msk [tilespmem:v23+s21+$0x0], $0xffff;
	_, v8, vm15 =	vpop (xrf1)  }
0x43b: {  	vm0 =	vmand vm0, vm1;
	v8 =	vld [tilespmem:s12+$0xF0]  }
0x43c: {  	vm0 =	vmand vm0, vm2  }
0x43d: {  	v24 =	vld.idx.msk [tilespmem:v3+s1+$0x0], $0xffff;
	vm0 =	vmand vm0, vm15  }
0x43e: {  	v10 =	vsel vm0, $0x3F800000, v0  }
0x43f: {  	(xrf0) =	vmin.scan.msk.f32 $0xffff, v10  }
0x440: {  	v6 =	vadd.f32 v8, v6;
	_ =	sdelay $0x1  }
0x441: {  	v8 =	vmax.f32 v24, v6;
	_ =	sdelay $0x2  }
0x442: {  	[tilespmem:v3+s1+$0x0] =	vst.idx.msk $0xffff, v8;
	v8, _, _ =	vpop (xrf0)  }
0x443: {  	(v2sf) =	vpush v8, $0xF;
	_ =	sdelay $0x1  }
0x444: {  	v10 =	vld.idx.msk [tilespmem:v23+s22+$0x0], $0xffff  }
0x445: {  	v8 =	vld [tilespmem:s12+$0x170];
	_ =	sdelay $0x1  }
0x446: {  	v62 =	vld.idx.msk [tilespmem:v3+s0+$0x0], $0xffff;
	_ =	sdelay $0x2  }
0x447: {  	v8 =	vadd.f32 v8, v10;
	_ =	sdelay $0x1  }
0x448: {  	v10 =	vmax.f32 v62, v8  }
0x449: {  	[tilespmem:v3+s0+$0x0] =	vst.idx.msk $0xffff, v10  }
0x44a: {  	v10 =	vld.idx.msk [tilespmem:v23+s23+$0x0], $0xffff  }
0x44b: {  	v23 =	vld [tilespmem:s12+$0x1F0];
	_ =	sdelay $0x1  }
0x44c: {  	v63 =	vld.idx.msk [tilespmem:v3+s24+$0x0], $0xffff;
	s14 =	spop (v2sf)  }
0x44d: {  	p0 =	sgt.f32 s14, $0.0e+00  }
.Ltmp37:
0x44e: {  	_ = 	snop;
	(pc) =	sbr.rel @p0 .LBB2_43-.Ltmp37, $3  }
0x44f: {  	v10 =	vadd.f32 v23, v10;
	_ =	sdelay $0x1  }
0x450: {  	v23 =	vmax.f32 v63, v10  }
0x451: {  	[tilespmem:v3+s24+$0x0] =	vst.idx.msk $0xffff, v23  }
0x452: {  	_ =	sdelay $0x3  }
0x453: {  	v23 =	vld.idx.msk [tilespmem:v17+s31+$0x0], $0xffff  }
0x454: {  	v24 =	vld.idx.msk [tilespmem:v17+s1+$0x0], $0xffff  }
0x455: {  	v25 =	vld.idx.msk [tilespmem:v17+s0+$0x0], $0xffff  }
0x456: {  	v26 =	vld.idx.msk [tilespmem:v17+s24+$0x0], $0xffff;
	_ =	sdelay $0x2  }
0x457: {  	vm0 =	vlt.f32 v23, v19;
	vm1 =	vlt.f32 v24, v20  }
0x458: {  	vm0 =	vmor vm0, vm1;
	vm1 =	vlt.f32 v25, v21  }
0x459: {  	vm0 =	vmor vm0, vm1;
	vm1 =	vlt.f32 v26, v22  }
0x45a: {  	vm0 =	vmor vm0, vm1  }
0x45b: {  	v23 =	vsel vm0, $0x3F800000, v0  }
0x45c: {  	(xrf0) =	vmax.scan.msk.f32 $0xffff, v23;
	_ =	sdelay $0x5  }
0x45d: {  	v23, _, _ =	vpop (xrf0)  }
0x45e: {  	(v2sf) =	vpush v23, $0xF;
	_ =	sdelay $0xe  }
0x45f: {  	s11 =	spop (v2sf)  }
0x460: {  	p0 =	sgt.f32 s11, $0.0e+00  }
.Ltmp38:
0x461: {  	_ = 	snop;
	(pc) =	sbr.rel @!p0 .LBB2_37-.Ltmp38, $1  }
0x462: {  	_ =	sdelay $0x3  }
.LBB2_36:
0x463: {  	v23 =	vld.idx.msk [tilespmem:v17+s31+$0x0], $0xffff;
	_ =	sdelay $0x4  }
0x464: {  	v23 =	vmax.f32 v23, v19  }
0x465: {  	[tilespmem:v17+s31+$0x0] =	vst.idx.msk vm0, v23  }
0x466: {  	v23 =	vld.idx.msk [tilespmem:v17+s1+$0x0], $0xffff;
	_ =	sdelay $0x4  }
0x467: {  	v23 =	vmax.f32 v23, v20  }
0x468: {  	[tilespmem:v17+s1+$0x0] =	vst.idx.msk vm0, v23  }
0x469: {  	v23 =	vld.idx.msk [tilespmem:v17+s0+$0x0], $0xffff;
	_ =	sdelay $0x4  }
0x46a: {  	v23 =	vmax.f32 v23, v21  }
0x46b: {  	[tilespmem:v17+s0+$0x0] =	vst.idx.msk vm0, v23  }
0x46c: {  	v23 =	vld.idx.msk [tilespmem:v17+s24+$0x0], $0xffff;
	_ =	sdelay $0x4  }
0x46d: {  	v23 =	vmax.f32 v23, v22  }
0x46e: {  	[tilespmem:v17+s24+$0x0] =	vst.idx.msk vm0, v23  }
0x46f: {  	v23 =	vld.idx.msk [tilespmem:v17+s31+$0x0], $0xffff  }
0x470: {  	v24 =	vld.idx.msk [tilespmem:v17+s1+$0x0], $0xffff  }
0x471: {  	v25 =	vld.idx.msk [tilespmem:v17+s0+$0x0], $0xffff  }
0x472: {  	v26 =	vld.idx.msk [tilespmem:v17+s24+$0x0], $0xffff;
	_ =	sdelay $0x2  }
0x473: {  	vm0 =	vlt.f32 v23, v19;
	vm1 =	vlt.f32 v24, v20  }
0x474: {  	vm0 =	vmor vm0, vm1;
	vm1 =	vlt.f32 v25, v21  }
0x475: {  	vm0 =	vmor vm0, vm1;
	vm1 =	vlt.f32 v26, v22  }
0x476: {  	vm0 =	vmor vm0, vm1  }
0x477: {  	v23 =	vsel vm0, $0x3F800000, v0  }
0x478: {  	(xrf0) =	vmax.scan.msk.f32 $0xffff, v23;
	_ =	sdelay $0x5  }
0x479: {  	v23, _, _ =	vpop (xrf0)  }
0x47a: {  	(v2sf) =	vpush v23, $0xF;
	_ =	sdelay $0xe  }
0x47b: {  	s11 =	spop (v2sf)  }
0x47c: {  	p0 =	sgt.f32 s11, $0.0e+00  }
.Ltmp39:
0x47d: {  	_ = 	snop;
	(pc) =	sbr.rel @p0 .LBB2_36-.Ltmp39, $1  }
0x47e: {  	_ =	sdelay $0x3  }
.LBB2_37:
0x47f: {  	_ =	sdelay $0x3  }
0x480: {  	v17 =	vld.idx.msk [tilespmem:v7+s31+$0x0], $0xffff  }
0x481: {  	v19 =	vld.idx.msk [tilespmem:v7+s1+$0x0], $0xffff  }
0x482: {  	v20 =	vld.idx.msk [tilespmem:v7+s0+$0x0], $0xffff  }
0x483: {  	v21 =	vld.idx.msk [tilespmem:v7+s24+$0x0], $0xffff;
	_ =	sdelay $0x2  }
0x484: {  	vm0 =	vlt.f32 v17, v14;
	vm1 =	vlt.f32 v19, v15  }
0x485: {  	vm0 =	vmor vm0, vm1;
	vm1 =	vlt.f32 v20, v16  }
0x486: {  	vm0 =	vmor vm0, vm1;
	vm1 =	vlt.f32 v21, v18  }
0x487: {  	vm0 =	vmor vm0, vm1  }
0x488: {  	v17 =	vsel vm0, $0x3F800000, v0  }
0x489: {  	(xrf0) =	vmax.scan.msk.f32 $0xffff, v17;
	_ =	sdelay $0x5  }
0x48a: {  	v17, _, _ =	vpop (xrf0)  }
0x48b: {  	(v2sf) =	vpush v17, $0xF;
	_ =	sdelay $0xe  }
0x48c: {  	s11 =	spop (v2sf)  }
0x48d: {  	p0 =	sgt.f32 s11, $0.0e+00  }
.Ltmp40:
0x48e: {  	_ = 	snop;
	(pc) =	sbr.rel @!p0 .LBB2_39-.Ltmp40, $1  }
0x48f: {  	_ =	sdelay $0x3  }
.LBB2_38:
0x490: {  	v17 =	vld.idx.msk [tilespmem:v7+s31+$0x0], $0xffff;
	_ =	sdelay $0x4  }
0x491: {  	v17 =	vmax.f32 v17, v14  }
0x492: {  	[tilespmem:v7+s31+$0x0] =	vst.idx.msk vm0, v17  }
0x493: {  	v17 =	vld.idx.msk [tilespmem:v7+s1+$0x0], $0xffff;
	_ =	sdelay $0x4  }
0x494: {  	v17 =	vmax.f32 v17, v15  }
0x495: {  	[tilespmem:v7+s1+$0x0] =	vst.idx.msk vm0, v17  }
0x496: {  	v17 =	vld.idx.msk [tilespmem:v7+s0+$0x0], $0xffff;
	_ =	sdelay $0x4  }
0x497: {  	v17 =	vmax.f32 v17, v16  }
0x498: {  	[tilespmem:v7+s0+$0x0] =	vst.idx.msk vm0, v17  }
0x499: {  	v17 =	vld.idx.msk [tilespmem:v7+s24+$0x0], $0xffff;
	_ =	sdelay $0x4  }
0x49a: {  	v17 =	vmax.f32 v17, v18  }
0x49b: {  	[tilespmem:v7+s24+$0x0] =	vst.idx.msk vm0, v17  }
0x49c: {  	v17 =	vld.idx.msk [tilespmem:v7+s31+$0x0], $0xffff  }
0x49d: {  	v19 =	vld.idx.msk [tilespmem:v7+s1+$0x0], $0xffff  }
0x49e: {  	v20 =	vld.idx.msk [tilespmem:v7+s0+$0x0], $0xffff  }
0x49f: {  	v21 =	vld.idx.msk [tilespmem:v7+s24+$0x0], $0xffff;
	_ =	sdelay $0x2  }
0x4a0: {  	vm0 =	vlt.f32 v17, v14;
	vm1 =	vlt.f32 v19, v15  }
0x4a1: {  	vm0 =	vmor vm0, vm1;
	vm1 =	vlt.f32 v20, v16  }
0x4a2: {  	vm0 =	vmor vm0, vm1;
	vm1 =	vlt.f32 v21, v18  }
0x4a3: {  	vm0 =	vmor vm0, vm1  }
0x4a4: {  	v17 =	vsel vm0, $0x3F800000, v0  }
0x4a5: {  	(xrf0) =	vmax.scan.msk.f32 $0xffff, v17;
	_ =	sdelay $0x5  }
0x4a6: {  	v17, _, _ =	vpop (xrf0)  }
0x4a7: {  	(v2sf) =	vpush v17, $0xF;
	_ =	sdelay $0xe  }
0x4a8: {  	s11 =	spop (v2sf)  }
0x4a9: {  	p0 =	sgt.f32 s11, $0.0e+00  }
.Ltmp41:
0x4aa: {  	_ = 	snop;
	(pc) =	sbr.rel @p0 .LBB2_38-.Ltmp41, $1  }
0x4ab: {  	_ =	sdelay $0x3  }
.LBB2_39:
0x4ac: {  	_ =	sdelay $0x3  }
0x4ad: {  	v7 =	vld.idx.msk [tilespmem:v4+s31+$0x0], $0xffff  }
0x4ae: {  	v14 =	vld.idx.msk [tilespmem:v4+s1+$0x0], $0xffff  }
0x4af: {  	v15 =	vld.idx.msk [tilespmem:v4+s0+$0x0], $0xffff  }
0x4b0: {  	v16 =	vld.idx.msk [tilespmem:v4+s24+$0x0], $0xffff;
	_ =	sdelay $0x2  }
0x4b1: {  	vm0 =	vlt.f32 v7, v9;
	vm1 =	vlt.f32 v14, v11  }
0x4b2: {  	vm0 =	vmor vm0, vm1;
	vm1 =	vlt.f32 v15, v12  }
0x4b3: {  	vm0 =	vmor vm0, vm1;
	vm1 =	vlt.f32 v16, v13  }
0x4b4: {  	vm0 =	vmor vm0, vm1  }
0x4b5: {  	v7 =	vsel vm0, $0x3F800000, v0  }
0x4b6: {  	(xrf0) =	vmax.scan.msk.f32 $0xffff, v7;
	_ =	sdelay $0x5  }
0x4b7: {  	v7, _, _ =	vpop (xrf0)  }
0x4b8: {  	(v2sf) =	vpush v7, $0xF;
	_ =	sdelay $0xe  }
0x4b9: {  	s11 =	spop (v2sf)  }
0x4ba: {  	p0 =	sgt.f32 s11, $0.0e+00  }
.Ltmp42:
0x4bb: {  	_ = 	snop;
	(pc) =	sbr.rel @!p0 .LBB2_41-.Ltmp42, $1  }
0x4bc: {  	_ =	sdelay $0x3  }
.LBB2_40:
0x4bd: {  	v7 =	vld.idx.msk [tilespmem:v4+s31+$0x0], $0xffff;
	_ =	sdelay $0x4  }
0x4be: {  	v7 =	vmax.f32 v7, v9  }
0x4bf: {  	[tilespmem:v4+s31+$0x0] =	vst.idx.msk vm0, v7  }
0x4c0: {  	v7 =	vld.idx.msk [tilespmem:v4+s1+$0x0], $0xffff;
	_ =	sdelay $0x4  }
0x4c1: {  	v7 =	vmax.f32 v7, v11  }
0x4c2: {  	[tilespmem:v4+s1+$0x0] =	vst.idx.msk vm0, v7  }
0x4c3: {  	v7 =	vld.idx.msk [tilespmem:v4+s0+$0x0], $0xffff;
	_ =	sdelay $0x4  }
0x4c4: {  	v7 =	vmax.f32 v7, v12  }
0x4c5: {  	[tilespmem:v4+s0+$0x0] =	vst.idx.msk vm0, v7  }
0x4c6: {  	v7 =	vld.idx.msk [tilespmem:v4+s24+$0x0], $0xffff;
	_ =	sdelay $0x4  }
0x4c7: {  	v7 =	vmax.f32 v7, v13  }
0x4c8: {  	[tilespmem:v4+s24+$0x0] =	vst.idx.msk vm0, v7  }
0x4c9: {  	v7 =	vld.idx.msk [tilespmem:v4+s31+$0x0], $0xffff  }
0x4ca: {  	v14 =	vld.idx.msk [tilespmem:v4+s1+$0x0], $0xffff  }
0x4cb: {  	v15 =	vld.idx.msk [tilespmem:v4+s0+$0x0], $0xffff  }
0x4cc: {  	v16 =	vld.idx.msk [tilespmem:v4+s24+$0x0], $0xffff;
	_ =	sdelay $0x2  }
0x4cd: {  	vm0 =	vlt.f32 v7, v9;
	vm1 =	vlt.f32 v14, v11  }
0x4ce: {  	vm0 =	vmor vm0, vm1;
	vm1 =	vlt.f32 v15, v12  }
0x4cf: {  	vm0 =	vmor vm0, vm1;
	vm1 =	vlt.f32 v16, v13  }
0x4d0: {  	vm0 =	vmor vm0, vm1  }
0x4d1: {  	v7 =	vsel vm0, $0x3F800000, v0  }
0x4d2: {  	(xrf0) =	vmax.scan.msk.f32 $0xffff, v7;
	_ =	sdelay $0x5  }
0x4d3: {  	v7, _, _ =	vpop (xrf0)  }
0x4d4: {  	(v2sf) =	vpush v7, $0xF;
	_ =	sdelay $0xe  }
0x4d5: {  	s11 =	spop (v2sf)  }
0x4d6: {  	p0 =	sgt.f32 s11, $0.0e+00  }
.Ltmp43:
0x4d7: {  	_ = 	snop;
	(pc) =	sbr.rel @p0 .LBB2_40-.Ltmp43, $1  }
0x4d8: {  	_ =	sdelay $0x3  }
.LBB2_41:
0x4d9: {  	_ =	sdelay $0x3  }
0x4da: {  	v4 =	vld.idx.msk [tilespmem:v3+s31+$0x0], $0xffff  }
0x4db: {  	v7 =	vld.idx.msk [tilespmem:v3+s1+$0x0], $0xffff  }
0x4dc: {  	v9 =	vld.idx.msk [tilespmem:v3+s0+$0x0], $0xffff  }
0x4dd: {  	v11 =	vld.idx.msk [tilespmem:v3+s24+$0x0], $0xffff;
	_ =	sdelay $0x2  }
0x4de: {  	vm0 =	vlt.f32 v4, v5;
	vm1 =	vlt.f32 v7, v6  }
0x4df: {  	vm0 =	vmor vm0, vm1;
	vm1 =	vlt.f32 v9, v8  }
0x4e0: {  	vm0 =	vmor vm0, vm1;
	vm1 =	vlt.f32 v11, v10  }
0x4e1: {  	vm0 =	vmor vm0, vm1  }
0x4e2: {  	v4 =	vsel vm0, $0x3F800000, v0  }
0x4e3: {  	(xrf0) =	vmax.scan.msk.f32 $0xffff, v4;
	_ =	sdelay $0x5  }
0x4e4: {  	v4, _, _ =	vpop (xrf0)  }
0x4e5: {  	(v2sf) =	vpush v4, $0xF;
	_ =	sdelay $0xe  }
0x4e6: {  	s11 =	spop (v2sf)  }
0x4e7: {  	p0 =	sgt.f32 s11, $0.0e+00  }
.Ltmp44:
0x4e8: {  	_ = 	snop;
	(pc) =	sbr.rel @!p0 .LBB2_43-.Ltmp44, $1  }
0x4e9: {  	_ =	sdelay $0x3  }
.LBB2_42:
0x4ea: {  	v4 =	vld.idx.msk [tilespmem:v3+s31+$0x0], $0xffff;
	_ =	sdelay $0x4  }
0x4eb: {  	v4 =	vmax.f32 v4, v5  }
0x4ec: {  	[tilespmem:v3+s31+$0x0] =	vst.idx.msk vm0, v4  }
0x4ed: {  	v4 =	vld.idx.msk [tilespmem:v3+s1+$0x0], $0xffff;
	_ =	sdelay $0x4  }
0x4ee: {  	v4 =	vmax.f32 v4, v6  }
0x4ef: {  	[tilespmem:v3+s1+$0x0] =	vst.idx.msk vm0, v4  }
0x4f0: {  	v4 =	vld.idx.msk [tilespmem:v3+s0+$0x0], $0xffff;
	_ =	sdelay $0x4  }
0x4f1: {  	v4 =	vmax.f32 v4, v8  }
0x4f2: {  	[tilespmem:v3+s0+$0x0] =	vst.idx.msk vm0, v4  }
0x4f3: {  	v4 =	vld.idx.msk [tilespmem:v3+s24+$0x0], $0xffff;
	_ =	sdelay $0x4  }
0x4f4: {  	v4 =	vmax.f32 v4, v10  }
0x4f5: {  	[tilespmem:v3+s24+$0x0] =	vst.idx.msk vm0, v4  }
0x4f6: {  	v4 =	vld.idx.msk [tilespmem:v3+s31+$0x0], $0xffff  }
0x4f7: {  	v7 =	vld.idx.msk [tilespmem:v3+s1+$0x0], $0xffff  }
0x4f8: {  	v9 =	vld.idx.msk [tilespmem:v3+s0+$0x0], $0xffff  }
0x4f9: {  	v11 =	vld.idx.msk [tilespmem:v3+s24+$0x0], $0xffff;
	_ =	sdelay $0x2  }
0x4fa: {  	vm0 =	vlt.f32 v4, v5;
	vm1 =	vlt.f32 v7, v6  }
0x4fb: {  	vm0 =	vmor vm0, vm1;
	vm1 =	vlt.f32 v9, v8  }
0x4fc: {  	vm0 =	vmor vm0, vm1;
	vm1 =	vlt.f32 v11, v10  }
0x4fd: {  	vm0 =	vmor vm0, vm1  }
0x4fe: {  	v4 =	vsel vm0, $0x3F800000, v0  }
0x4ff: {  	(xrf0) =	vmax.scan.msk.f32 $0xffff, v4;
	_ =	sdelay $0x5  }
0x500: {  	v4, _, _ =	vpop (xrf0)  }
0x501: {  	(v2sf) =	vpush v4, $0xF;
	_ =	sdelay $0xe  }
0x502: {  	s11 =	spop (v2sf)  }
0x503: {  	p0 =	sgt.f32 s11, $0.0e+00  }
.Ltmp45:
0x504: {  	_ = 	snop;
	(pc) =	sbr.rel @p0 .LBB2_42-.Ltmp45, $1  }
0x505: {  	_ =	sdelay $0x3  }
.Ltmp46:
0x506: {  	_ = 	snop;
	(pc) =	sbr.rel .LBB2_43-.Ltmp46, $1  }
0x507: {  	_ =	sdelay $0x3  }
.LBB2_46:
0x508: {  	_ =	sfence.sel $0x180000  }
0x509: {  	[bflag:$0x0] =	sbarrier.arrive $0xFFFF  }
0x50a: {  	_ =	strace $0x90000047  }
0x50b: {  	s0 =	stileid.u32;
	[bflag:$0x2] =	sbarrier.arrive $0xFFFF  }
0x50c: {  	p0 =	sne.s32 s0, $0x0;
	s0 =	rddreg [dreg:$0x2]  }
0x50d: {  	s0 =	sadd.s32 @!p0 $0x100000, s0  }
0x50e: {  	[sflag:s0] =	ssyncadd.tile.s32 @!p0 $0x1;
	_ =	shalt  }
.Lfunc_end2:
_tile_overlayer_lowered:
.L_overlay_start_2:
0x50f: {  	(tag) =	ssettag $0x2  }
0x510: {  	s0 =	rddreg [dreg:$0x0];
	s2 =	stileid.u32  }
0x511: {  	s1 =	rddreg [dreg:$0x1];
	p0 =	sne.s32 s2, $0x0  }
0x512: {  	s3 =	rddreg [dreg:$0x2];
	[bflag:$0x3] =	sbarrier.arrive $0xFFFF;
	s2 =	simm.s32 @!p0 $0x1C03  }
0x513: {  	[timem:s3], [sflag:s2] =	dma.local @!p0 [hbm:s0], s1  }
0x514: {  	s0 =	simm.s32 @!p0 $0x3  }
0x515: {  	_ =	swait.ge @!p0 [sflag:s0], s1  }
0x516: {  	s1 =	ssub.s32 @!p0 $0x0, s1;
	[sflag:s0] =	ssyncset.done @!p0 $0x0  }
0x517: {  	[sflag:s0] =	ssyncadd.s32 @!p0 s1  }
0x518: {  	[bflag:$0x3] =	sbarrier.arrive $0xFFFF  }
0x519: {  	_ =	shalt  }

</sc_bundles>
